<compile_context>
chip_gen: v7x
topology: tpu7x:2x2x1
jax: 0.10.2.dev20260603
libtpu: 0.0.44.dev20260713+nightly
codegen_flags: <defaults>
</compile_context>

<pallas_src>
import functools

import jax
import jax.numpy as jnp
from jax import lax
from jax.experimental import pallas as pl
from jax.experimental.pallas import tpu as pltpu
from jax.experimental.pallas import tpu_sc as plsc

NC = 2
NS = 16
NW = NC * NS
EB = 128


def _mesh():
    return plsc.VectorSubcoreMesh(
        core_axis_name="c", subcore_axis_name="s", num_cores=NC, num_subcores=NS
    )


def _wid():
    return lax.axis_index("s") * NC + lax.axis_index("c")


def _degree_sc(dstb, nacc):
    nblk = dstb.shape[0]
    K = 8
    bpt = nblk // NW
    iters = bpt // K
    zeros = jnp.zeros((nacc,), jnp.float32)

    @functools.partial(
        pl.kernel,
        out_type=jax.ShapeDtypeStruct((NC, nacc), jnp.float32),
        mesh=_mesh(),
        scratch_types=[
            pltpu.VMEM((K, EB), jnp.int32),
            pltpu.VMEM((EB,), jnp.float32),
            pltpu.VMEM_SHARED((nacc,), jnp.float32),
            pltpu.SemaphoreType.DMA,
        ],
    )
    def deg_kernel(dstb_hbm, zero_hbm, out_hbm, didx, ones_v, acc_sh, ssem):
        c = lax.axis_index("c")
        sid = lax.axis_index("s")
        wid = _wid()
        for g in range(EB // 16):
            ones_v[pl.ds(g * 16, 16)] = jnp.ones((16,), jnp.float32)

        @pl.when(sid == 0)
        def _():
            pltpu.sync_copy(zero_hbm, acc_sh)

        plsc.subcore_barrier()

        def body(g, _):
            blk = wid * bpt + g * K
            pltpu.sync_copy(dstb_hbm.at[pl.ds(blk, K)], didx)
            prev = None
            for k in range(K):
                if prev is not None:
                    prev.wait()
                prev = pltpu.async_copy(ones_v, acc_sh.at[didx.at[k]],
                                        ssem, add=True)
            prev.wait()
            return ()

        lax.fori_loop(0, iters, body, ())
        plsc.subcore_barrier()

        @pl.when(sid == 0)
        def _():
            pltpu.sync_copy(acc_sh, out_hbm.at[c])

    return deg_kernel(dstb, zeros)


def _segsum_sc(u, srcb, dstb, nacc, rows_per_tile):
    K = 2
    GB = 4
    nblk = srcb.shape[0]
    H = u.shape[1]
    bpt = nblk // NW
    iters = bpt // (K * GB)
    zeros = jnp.zeros((rows_per_tile, H), jnp.float32)

    @functools.partial(
        pl.kernel,
        out_type=jax.ShapeDtypeStruct((NC, nacc, H), jnp.float32),
        mesh=_mesh(),
        scratch_types=[
            pltpu.VMEM((K * GB, EB), jnp.int32),
            pltpu.VMEM((K * GB, EB), jnp.int32),
            pltpu.VMEM((K, EB, H), jnp.float32),
            pltpu.VMEM_SHARED((nacc, H), jnp.float32),
            pltpu.SemaphoreType.DMA,
            pltpu.SemaphoreType.DMA,
        ],
    )
    def seg_kernel(u_hbm, srcb_hbm, dstb_hbm, zero_hbm, out_hbm,
                   sidx, didx, rows, acc_sh, gsem, ssem):
        c = lax.axis_index("c")
        sid = lax.axis_index("s")
        wid = _wid()
        base = sid * rows_per_tile
        pltpu.sync_copy(zero_hbm, acc_sh.at[pl.ds(base, rows_per_tile)])
        plsc.subcore_barrier()

        def body(g, _):
            blk = wid * bpt + g * (K * GB)
            pltpu.sync_copy(srcb_hbm.at[pl.ds(blk, K * GB)], sidx)
            pltpu.sync_copy(dstb_hbm.at[pl.ds(blk, K * GB)], didx)
            for j in range(GB):
                gd = [pltpu.async_copy(u_hbm.at[sidx.at[j * K + k]],
                                       rows.at[k], gsem) for k in range(K)]
                prev = None
                for k in range(K):
                    gd[k].wait()
                    if prev is not None:
                        prev.wait()
                    prev = pltpu.async_copy(rows.at[k],
                                            acc_sh.at[didx.at[j * K + k]],
                                            ssem, add=True)
                prev.wait()
            return ()

        lax.fori_loop(0, iters, body, ())
        plsc.subcore_barrier()
        pltpu.sync_copy(acc_sh.at[pl.ds(base, rows_per_tile)],
                        out_hbm.at[c, pl.ds(base, rows_per_tile)])

    return seg_kernel(u, srcb, dstb, zeros)


def _pairs_sc(h2, dm, ib, jb):
    nblk = ib.shape[0]
    H = h2.shape[1]
    G = H // 16
    bpt = nblk // NW
    iters = bpt // 2

    @functools.partial(
        pl.kernel,
        out_type=jax.ShapeDtypeStruct((nblk, EB, 16), jnp.float32),
        mesh=_mesh(),
        scratch_types=[
            pltpu.VMEM((2, EB), jnp.int32),
            pltpu.VMEM((2, EB), jnp.int32),
            pltpu.VMEM((2, EB, H), jnp.float32),
            pltpu.VMEM((2, EB, H), jnp.float32),
            pltpu.VMEM((2, EB, 16), jnp.float32),
            pltpu.VMEM((H,), jnp.float32),
            pltpu.SemaphoreType.DMA,
            pltpu.SemaphoreType.DMA,
            pltpu.SemaphoreType.DMA,
        ],
    )
    def pair_kernel(h2i_hbm, h2j_hbm, dm_hbm, ib_hbm, jb_hbm, out_hbm,
                    iidx, jidx, va, vb, part, dm_v, gsa, gsb, osem):
        wid = _wid()
        pltpu.sync_copy(dm_hbm, dm_v)
        dmv = [dm_v[pl.ds(g * 16, 16)] for g in range(G)]

        def compute(k):
            def pbody(p, _):
                acc = dmv[0] * va[k, p, pl.ds(0, 16)] * vb[k, p, pl.ds(0, 16)]
                for g in range(1, G):
                    acc += (dmv[g] * va[k, p, pl.ds(g * 16, 16)]
                            * vb[k, p, pl.ds(g * 16, 16)])
                part[k, p, :] = acc
                return ()

            lax.fori_loop(0, EB, pbody, ())

        def body(g, _):
            blk = wid * bpt + g * 2
            pltpu.sync_copy(ib_hbm.at[pl.ds(blk, 2)], iidx)
            pltpu.sync_copy(jb_hbm.at[pl.ds(blk, 2)], jidx)
            ga = [pltpu.async_copy(h2i_hbm.at[iidx.at[k]], va.at[k], gsa)
                  for k in range(2)]
            gb = [pltpu.async_copy(h2j_hbm.at[jidx.at[k]], vb.at[k], gsb)
                  for k in range(2)]
            od = []
            for k in range(2):
                ga[k].wait()
                gb[k].wait()
                compute(k)
                od.append(pltpu.async_copy(part.at[k], out_hbm.at[blk + k],
                                           osem))
            for k in range(2):
                od[k].wait()
            return ()

        lax.fori_loop(0, iters, body, ())

    return pair_kernel(h2, h2, dm, ib, jb)


def _dense1_tc(x, deg2, WinT, b_in2, W1T):
    N, D = x.shape
    H = WinT.shape[1]
    BR = 1000
    grid = (N // BR,)

    def body(x_ref, deg_ref, winT_ref, b_ref, w1T_ref, out_ref):
        dinv = lax.rsqrt(deg_ref[:, 0] + deg_ref[:, 1] + 1.0)
        h0 = jnp.dot(x_ref[...], winT_ref[...], preferred_element_type=jnp.float32)
        h0 = jnp.maximum(h0 + b_ref[...], 0.0)
        u1 = jnp.dot(h0, w1T_ref[...], preferred_element_type=jnp.float32)
        out_ref[...] = u1 * dinv[:, None]

    return pl.pallas_call(
        body,
        grid=grid,
        in_specs=[
            pl.BlockSpec((BR, D), lambda i: (i, 0)),
            pl.BlockSpec((BR, 2), lambda i: (i, 0)),
            pl.BlockSpec((D, H), lambda i: (0, 0)),
            pl.BlockSpec((1, H), lambda i: (0, 0)),
            pl.BlockSpec((H, H), lambda i: (0, 0)),
        ],
        out_specs=pl.BlockSpec((BR, H), lambda i: (i, 0)),
        out_shape=jax.ShapeDtypeStruct((N, H), jnp.float32),
    )(x, deg2, WinT, b_in2, W1T)


def _dense2_tc(acc, u1, deg2, b12, W2T):
    N, H = u1.shape
    BR = 1000
    grid = (N // BR,)

    def body(acc_ref, u_ref, deg_ref, b_ref, w2T_ref, out_ref):
        dinv = lax.rsqrt(deg_ref[:, 0] + deg_ref[:, 1] + 1.0)
        s = acc_ref[0] + acc_ref[1] + u_ref[...]
        h1 = jnp.maximum(s * dinv[:, None] + b_ref[...], 0.0)
        u2 = jnp.dot(h1, w2T_ref[...], preferred_element_type=jnp.float32)
        out_ref[...] = u2 * dinv[:, None]

    return pl.pallas_call(
        body,
        grid=grid,
        in_specs=[
            pl.BlockSpec((2, BR, H), lambda i: (0, i, 0)),
            pl.BlockSpec((BR, H), lambda i: (i, 0)),
            pl.BlockSpec((BR, 2), lambda i: (i, 0)),
            pl.BlockSpec((1, H), lambda i: (0, 0)),
            pl.BlockSpec((H, H), lambda i: (0, 0)),
        ],
        out_specs=pl.BlockSpec((BR, H), lambda i: (i, 0)),
        out_shape=jax.ShapeDtypeStruct((N, H), jnp.float32),
    )(acc, u1, deg2, b12, W2T)


def _dense3_tc(acc, u2, deg2, b22):
    N, H = u2.shape
    BR = 1000
    grid = (N // BR,)

    def body(acc_ref, u_ref, deg_ref, b_ref, h2_ref):
        dinv = lax.rsqrt(deg_ref[:, 0] + deg_ref[:, 1] + 1.0)
        s = acc_ref[0] + acc_ref[1] + u_ref[...]
        h2_ref[...] = s * dinv[:, None] + b_ref[...]

    return pl.pallas_call(
        body,
        grid=grid,
        in_specs=[
            pl.BlockSpec((2, BR, H), lambda i: (0, i, 0)),
            pl.BlockSpec((BR, H), lambda i: (i, 0)),
            pl.BlockSpec((BR, 2), lambda i: (i, 0)),
            pl.BlockSpec((1, H), lambda i: (0, 0)),
        ],
        out_specs=pl.BlockSpec((BR, H), lambda i: (i, 0)),
        out_shape=jax.ShapeDtypeStruct((N, H), jnp.float32),
    )(acc, u2, deg2, b22)


def _reduce_tc(part):
    nblk, eb, L = part.shape
    BR = 16
    grid = (nblk // BR,)

    def body(p_ref, out_ref):
        out_ref[...] = jnp.sum(p_ref[...], axis=-1)

    return pl.pallas_call(
        body,
        grid=grid,
        in_specs=[pl.BlockSpec((BR, eb, L), lambda i: (i, 0, 0))],
        out_specs=pl.BlockSpec((BR, eb), lambda i: (i, 0)),
        out_shape=jax.ShapeDtypeStruct((nblk, eb), jnp.float32),
    )(part)


def kernel(x, edge_index, node_i, node_j, W_in, b_in, distmult, W1, b1, W2, b2):
    N, D = x.shape
    H = W_in.shape[0]
    E = edge_index.shape[1]
    P = node_i.shape[0]

    rows_per_tile = (-(-N // NS) + 7) // 8 * 8
    nacc = rows_per_tile * NS

    nblk_e = -(-(-(-E // EB)) // (8 * NW)) * 8 * NW
    epad = nblk_e * EB - E
    src = jnp.concatenate(
        [edge_index[0], jnp.arange(epad, dtype=jnp.int32) % N])
    dst = jnp.concatenate([
        edge_index[1],
        N + (jnp.arange(epad, dtype=jnp.int32) % (nacc - N)),
    ])
    eperm = jnp.arange(nblk_e, dtype=jnp.int32).reshape(-1, NW).T.reshape(-1)
    srcb = src.reshape(-1, EB)[eperm]
    dstb = dst.reshape(-1, EB)[eperm]

    deg2 = _degree_sc(dstb, nacc)[:, :N].T

    WinT = W_in.T
    W1T = W1.T
    W2T = W2.T
    b_in2 = b_in.reshape(1, H)
    b12 = b1.reshape(1, H)
    b22 = b2.reshape(1, H)

    u1 = _dense1_tc(x, deg2, WinT, b_in2, W1T)
    acc1 = _segsum_sc(u1, srcb, dstb, nacc, rows_per_tile)[:, :N, :]

    u2 = _dense2_tc(acc1, u1, deg2, b12, W2T)
    acc2 = _segsum_sc(u2, srcb, dstb, nacc, rows_per_tile)[:, :N, :]

    h2 = _dense3_tc(acc2, u2, deg2, b22)

    nblk_p = -(-(-(-P // EB)) // (2 * NW)) * 2 * NW
    ppad = nblk_p * EB - P
    jpad = jnp.arange(ppad, dtype=jnp.int32) % N
    pperm = jnp.arange(nblk_p, dtype=jnp.int32).reshape(-1, NW).T.reshape(-1)
    ib = jnp.concatenate([node_i, jpad]).reshape(-1, EB)[pperm]
    jb = jnp.concatenate([node_j, jpad]).reshape(-1, EB)[pperm]

    part = _pairs_sc(h2, distmult.reshape(-1), ib, jb)
    inv = jnp.arange(nblk_p, dtype=jnp.int32).reshape(NW, -1).T.reshape(-1)
    scores = _reduce_tc(part)[inv].reshape(-1)[:P]
    return scores

# --- scband reference (transcript-rebuilt; emitter-appended) ---
"""Pipeline reference for scband-gcnconv-node-pair-scorer-6923487281292 (READ-ONLY COPY).

The authoritative reference and input builder live on the scoring server;
editing this copy changes nothing except your own understanding.
"""

import jax, jax.numpy as jnp
import numpy as np

N = 10000
E = 320000
D = 128
H = 128
P = 100000


def setup_inputs(seed: int = 0) -> dict:
    key = jax.random.key(seed)
    ks = jax.random.split(key, 12)
    x = jax.random.normal(ks[0], (N, D), dtype=jnp.float32)
    edge_index = jax.random.randint(ks[1], (2, E), 0, N, dtype=jnp.int32)
    node_i = jax.random.randint(ks[2], (P,), 0, N, dtype=jnp.int32)
    node_j = jax.random.randint(ks[3], (P,), 0, N, dtype=jnp.int32)
    # map_input Linear(input_dim, hidden_dim): torch weight shape [H, D], bias [H]
    W_in = jax.random.normal(ks[4], (H, D), dtype=jnp.float32) * (1.0 / np.sqrt(D))
    b_in = jax.random.normal(ks[5], (H,), dtype=jnp.float32) * 0.01
    # distmult parameter [1, H] ~ torch.rand
    distmult = jax.random.uniform(ks[6], (1, H), dtype=jnp.float32)
    # GCNConv layer 1 (followed by ReLU) and final GCNConv layer 2
    W1 = jax.random.normal(ks[7], (H, H), dtype=jnp.float32) * (1.0 / np.sqrt(H))
    b1 = jax.random.normal(ks[8], (H,), dtype=jnp.float32) * 0.01
    W2 = jax.random.normal(ks[9], (H, H), dtype=jnp.float32) * (1.0 / np.sqrt(H))
    b2 = jax.random.normal(ks[10], (H,), dtype=jnp.float32) * 0.01
    return {"x": x, "edge_index": edge_index, "node_i": node_i, "node_j": node_j,
            "W_in": W_in, "b_in": b_in, "distmult": distmult,
            "W1": W1, "b1": b1, "W2": W2, "b2": b2}


def gcn_conv(x, src, dst, W, b):
    # GCNConv with add_self_loops=True, normalize=True (PyG defaults)
    n = x.shape[0]
    loop = jnp.arange(n, dtype=src.dtype)
    s = jnp.concatenate([src, loop])
    d = jnp.concatenate([dst, loop])
    ew = jnp.ones(s.shape[0], dtype=x.dtype)
    deg = jnp.zeros((n,), dtype=x.dtype).at[d].add(ew)
    deg_inv_sqrt = jnp.where(deg > 0, deg ** -0.5, 0.0)
    norm = deg_inv_sqrt[s] * ew * deg_inv_sqrt[d]
    h = x @ W.T
    msg = h[s] * norm[:, None]
    out = jnp.zeros((n, h.shape[1]), dtype=x.dtype).at[d].add(msg)
    return out + b


def reference(x, edge_index, node_i, node_j, W_in, b_in, distmult, W1, b1, W2, b2):
    src = edge_index[0]
    dst = edge_index[1]
    # map_input: Linear + ReLU
    h = jax.nn.relu(x @ W_in.T + b_in)
    # GCNSequential: GCNConv -> ReLU -> GCNConv
    h = gcn_conv(h, src, dst, W1, b1)
    h = jax.nn.relu(h)
    h = gcn_conv(h, src, dst, W2, b2)
    # DistMult scoring over node pairs
    x_i = h[node_i]
    x_j = h[node_j]
    scores = jnp.sum(distmult * x_i * x_j, axis=1)
    return scores

if __name__ == "__main__":
    import jax
    _d = setup_inputs()
    print(jax.jit(kernel)(*tuple(_d.values())))

</pallas_src>

<mosaic_0001>
#map = affine_map<(d0, d1) -> (0, 0)>
#map1 = affine_map<(d0, d1) -> (0)>
module attributes {stable_mosaic.version = 14 : i64} {
  func.func @deg_kernel(%arg0: i32, %arg1: i32, %arg2: memref<2560x128xi32, #tpu.memory_space<hbm>>, %arg3: memref<10112xf32, #tpu.memory_space<hbm>>, %arg4: memref<2x10112xf32, #tpu.memory_space<hbm>>, %arg5: memref<8x128xi32, #tpu.memory_space<vmem>>, %arg6: memref<128xf32, #tpu.memory_space<vmem>>, %arg7: memref<10112xf32, #tpu.memory_space<vmem_shared>>, %arg8: memref<!tpu.dma_semaphore, #tpu.memory_space<semaphore_mem>>) attributes {dimension_semantics = [#tpu.dimension_semantics<core_parallel>, #tpu.dimension_semantics<subcore_parallel>], iteration_bounds = array<i64: 2, 16>, scalar_prefetch = 0 : i64, scratch_operands = 4 : i64, tpu.core_type = #tpu.core_type<sc_vector_subcore>, window_params = [{transform_indices = #map}, {transform_indices = #map1}, {transform_indices = #map}]} {
    %mul3A = arith.constant 2 : i32
    %mul3A_0 = arith.muli %arg1, %mul3A : i32
    %add3A = arith.addi %mul3A_0, %arg0 : i32
    %broadcast_in_dim3A = arith.constant 1.000000e+00 : f32
    %broadcast_in_dim3A_1 = vector.broadcast %broadcast_in_dim3A : f32 to vector<16xf32>
    %swap3A = arith.constant 0 : index
    %swap3A_2 = tpu.vector_load %arg6[%swap3A] {strides = array<i32>} : memref<128xf32, #tpu.memory_space<vmem>>, vector<16xf32>,
    %swap3A_3 = vector.shape_cast %swap3A_2 : vector<16xf32> to vector<16xf32>
    %swap3A_4 = vector.shape_cast %broadcast_in_dim3A_1 : vector<16xf32> to vector<16xf32>
    tpu.vector_store %arg6[%swap3A], %swap3A_4 {strides = array<i32>} : memref<128xf32, #tpu.memory_space<vmem>>, vector<16xf32>,
    %broadcast_in_dim3A_5 = arith.constant 1.000000e+00 : f32
    %broadcast_in_dim3A_6 = vector.broadcast %broadcast_in_dim3A_5 : f32 to vector<16xf32>
    %swap3A_7 = arith.constant 16 : index
    %swap3A_8 = tpu.vector_load %arg6[%swap3A_7] {strides = array<i32>} : memref<128xf32, #tpu.memory_space<vmem>>, vector<16xf32>,
    %swap3A_9 = vector.shape_cast %swap3A_8 : vector<16xf32> to vector<16xf32>
    %swap3A_10 = vector.shape_cast %broadcast_in_dim3A_6 : vector<16xf32> to vector<16xf32>
    tpu.vector_store %arg6[%swap3A_7], %swap3A_10 {strides = array<i32>} : memref<128xf32, #tpu.memory_space<vmem>>, vector<16xf32>,
    %broadcast_in_dim3A_11 = arith.constant 1.000000e+00 : f32
    %broadcast_in_dim3A_12 = vector.broadcast %broadcast_in_dim3A_11 : f32 to vector<16xf32>
    %swap3A_13 = arith.constant 32 : index
    %swap3A_14 = tpu.vector_load %arg6[%swap3A_13] {strides = array<i32>} : memref<128xf32, #tpu.memory_space<vmem>>, vector<16xf32>,
    %swap3A_15 = vector.shape_cast %swap3A_14 : vector<16xf32> to vector<16xf32>
    %swap3A_16 = vector.shape_cast %broadcast_in_dim3A_12 : vector<16xf32> to vector<16xf32>
    tpu.vector_store %arg6[%swap3A_13], %swap3A_16 {strides = array<i32>} : memref<128xf32, #tpu.memory_space<vmem>>, vector<16xf32>,
    %broadcast_in_dim3A_17 = arith.constant 1.000000e+00 : f32
    %broadcast_in_dim3A_18 = vector.broadcast %broadcast_in_dim3A_17 : f32 to vector<16xf32>
    %swap3A_19 = arith.constant 48 : index
    %swap3A_20 = tpu.vector_load %arg6[%swap3A_19] {strides = array<i32>} : memref<128xf32, #tpu.memory_space<vmem>>, vector<16xf32>,
    %swap3A_21 = vector.shape_cast %swap3A_20 : vector<16xf32> to vector<16xf32>
    %swap3A_22 = vector.shape_cast %broadcast_in_dim3A_18 : vector<16xf32> to vector<16xf32>
    tpu.vector_store %arg6[%swap3A_19], %swap3A_22 {strides = array<i32>} : memref<128xf32, #tpu.memory_space<vmem>>, vector<16xf32>,
    %broadcast_in_dim3A_23 = arith.constant 1.000000e+00 : f32
    %broadcast_in_dim3A_24 = vector.broadcast %broadcast_in_dim3A_23 : f32 to vector<16xf32>
    %swap3A_25 = arith.constant 64 : index
    %swap3A_26 = tpu.vector_load %arg6[%swap3A_25] {strides = array<i32>} : memref<128xf32, #tpu.memory_space<vmem>>, vector<16xf32>,
    %swap3A_27 = vector.shape_cast %swap3A_26 : vector<16xf32> to vector<16xf32>
    %swap3A_28 = vector.shape_cast %broadcast_in_dim3A_24 : vector<16xf32> to vector<16xf32>
    tpu.vector_store %arg6[%swap3A_25], %swap3A_28 {strides = array<i32>} : memref<128xf32, #tpu.memory_space<vmem>>, vector<16xf32>,
    %broadcast_in_dim3A_29 = arith.constant 1.000000e+00 : f32
    %broadcast_in_dim3A_30 = vector.broadcast %broadcast_in_dim3A_29 : f32 to vector<16xf32>
    %swap3A_31 = arith.constant 80 : index
    %swap3A_32 = tpu.vector_load %arg6[%swap3A_31] {strides = array<i32>} : memref<128xf32, #tpu.memory_space<vmem>>, vector<16xf32>,
    %swap3A_33 = vector.shape_cast %swap3A_32 : vector<16xf32> to vector<16xf32>
    %swap3A_34 = vector.shape_cast %broadcast_in_dim3A_30 : vector<16xf32> to vector<16xf32>
    tpu.vector_store %arg6[%swap3A_31], %swap3A_34 {strides = array<i32>} : memref<128xf32, #tpu.memory_space<vmem>>, vector<16xf32>,
    %broadcast_in_dim3A_35 = arith.constant 1.000000e+00 : f32
    %broadcast_in_dim3A_36 = vector.broadcast %broadcast_in_dim3A_35 : f32 to vector<16xf32>
    %swap3A_37 = arith.constant 96 : index
    %swap3A_38 = tpu.vector_load %arg6[%swap3A_37] {strides = array<i32>} : memref<128xf32, #tpu.memory_space<vmem>>, vector<16xf32>,
    %swap3A_39 = vector.shape_cast %swap3A_38 : vector<16xf32> to vector<16xf32>
    %swap3A_40 = vector.shape_cast %broadcast_in_dim3A_36 : vector<16xf32> to vector<16xf32>
    tpu.vector_store %arg6[%swap3A_37], %swap3A_40 {strides = array<i32>} : memref<128xf32, #tpu.memory_space<vmem>>, vector<16xf32>,
    %broadcast_in_dim3A_41 = arith.constant 1.000000e+00 : f32
    %broadcast_in_dim3A_42 = vector.broadcast %broadcast_in_dim3A_41 : f32 to vector<16xf32>
    %swap3A_43 = arith.constant 112 : index
    %swap3A_44 = tpu.vector_load %arg6[%swap3A_43] {strides = array<i32>} : memref<128xf32, #tpu.memory_space<vmem>>, vector<16xf32>,
    %swap3A_45 = vector.shape_cast %swap3A_44 : vector<16xf32> to vector<16xf32>
    %swap3A_46 = vector.shape_cast %broadcast_in_dim3A_42 : vector<16xf32> to vector<16xf32>
    tpu.vector_store %arg6[%swap3A_43], %swap3A_46 {strides = array<i32>} : memref<128xf32, #tpu.memory_space<vmem>>, vector<16xf32>,
    %eq3A = arith.constant 0 : i32
    %eq3A_47 = arith.cmpi eq, %arg1, %eq3A : i32
    %convert_element_type3A = arith.extui %eq3A_47 : i1 to i32
    %cond3A = arith.constant 0 : i32
    %cond3A_48 = arith.cmpi ne, %convert_element_type3A, %cond3A : i32
    scf.if %cond3A_48 {
      "tpu.region"() ({
        %run_scoped3A = tpu.sem_alloc : memref<!tpu.dma_semaphore, #tpu.memory_space<semaphore_mem>>
        tpu.enqueue_dma source(%arg3 : memref<10112xf32, #tpu.memory_space<hbm>>) target(%arg7 : memref<10112xf32, #tpu.memory_space<vmem_shared>>) target_semaphore(%run_scoped3A : memref<!tpu.dma_semaphore, #tpu.memory_space<semaphore_mem>>)
        tpu.wait_dma2 semaphore(%run_scoped3A : memref<!tpu.dma_semaphore, #tpu.memory_space<semaphore_mem>>) src(%arg3 : memref<10112xf32, #tpu.memory_space<hbm>>) dst(%arg7 : memref<10112xf32, #tpu.memory_space<vmem_shared>>)
        tpu.yield
      }) : () -> ()
    } else {
    }
    %barrier3A = arith.constant 0 : index
    tpu.barrier barrier_id(%barrier3A)
    %scan3A = arith.constant 0 : i32
    %scan3A_49 = arith.constant 10 : i32
    %scan3A_50 = arith.addi %scan3A, %scan3A_49 : i32
    %scan3A_51 = arith.constant 1 : i32
    scf.for %scan3A_59 = %scan3A to %scan3A_50 step %scan3A_51  : i32 {
      %mul3A_60 = arith.constant 80 : i32
      %mul3A_61 = arith.muli %add3A, %mul3A_60 : i32
      %mul3A_62 = arith.constant 8 : i32
      %mul3A_63 = arith.muli %scan3A_59, %mul3A_62 : i32
      %add3A_64 = arith.addi %mul3A_61, %mul3A_63 : i32
      "tpu.region"() ({
        %run_scoped3A = tpu.sem_alloc : memref<!tpu.dma_semaphore, #tpu.memory_space<semaphore_mem>>
        %dma_start3A_159 = arith.constant 0 : i32
        %dma_start3A_160 = tpu.memref_slice %arg2[%add3A_64, %dma_start3A_159] : memref<2560x128xi32, #tpu.memory_space<hbm>> -> memref<8x128xi32, #tpu.memory_space<hbm>>
        %dma_start3A_161 = arith.constant 0 : i32
        %dma_start3A_162 = tpu.memref_slice %arg2[%add3A_64, %dma_start3A_161] : memref<2560x128xi32, #tpu.memory_space<hbm>> -> memref<8x128xi32, #tpu.memory_space<hbm>>
        tpu.enqueue_dma source(%dma_start3A_162 : memref<8x128xi32, #tpu.memory_space<hbm>>) target(%arg5 : memref<8x128xi32, #tpu.memory_space<vmem>>) target_semaphore(%run_scoped3A : memref<!tpu.dma_semaphore, #tpu.memory_space<semaphore_mem>>)
        %dma_wait3A_163 = arith.constant 0 : i32
        %dma_wait3A_164 = tpu.memref_slice %arg2[%add3A_64, %dma_wait3A_163] : memref<2560x128xi32, #tpu.memory_space<hbm>> -> memref<8x128xi32, #tpu.memory_space<hbm>>
        %dma_wait3A_165 = arith.constant 0 : i32
        %dma_wait3A_166 = tpu.memref_slice %arg2[%add3A_64, %dma_wait3A_165] : memref<2560x128xi32, #tpu.memory_space<hbm>> -> memref<8x128xi32, #tpu.memory_space<hbm>>
        tpu.wait_dma2 semaphore(%run_scoped3A : memref<!tpu.dma_semaphore, #tpu.memory_space<semaphore_mem>>) src(%dma_wait3A_166 : memref<8x128xi32, #tpu.memory_space<hbm>>) dst(%arg5 : memref<8x128xi32, #tpu.memory_space<vmem>>)
        tpu.yield
      }) : () -> ()
      %dma_start3A = arith.constant 0 : i32
      %dma_start3A_65 = arith.constant 0 : i32
      %dma_start3A_66 = tpu.memref_slice %arg5[%dma_start3A, %dma_start3A_65] : memref<8x128xi32, #tpu.memory_space<vmem>> -> memref<1x128xi32, #tpu.memory_space<vmem>>
      %dma_start3A_67 = tpu.memref_squeeze %dma_start3A_66 : memref<1x128xi32, #tpu.memory_space<vmem>> -> memref<128xi32, #tpu.memory_space<vmem>>
      %dma_start3A_68 = arith.constant 0 : i32
      %dma_start3A_69 = tpu.memref_slice %arg7[%dma_start3A_68] : memref<10112xf32, #tpu.memory_space<vmem_shared>> -> memref<10112xf32, #tpu.memory_space<vmem_shared>>
      tpu.enqueue_indirect_dma source(%arg6 : memref<128xf32, #tpu.memory_space<vmem>>) target(%dma_start3A_69 : memref<10112xf32, #tpu.memory_space<vmem_shared>>) offsets(%dma_start3A_67 : memref<128xi32, #tpu.memory_space<vmem>>) semaphore(%arg8 : memref<!tpu.dma_semaphore, #tpu.memory_space<semaphore_mem>>) {add = true}
      %dma_wait3A = arith.constant 0 : i32
      %dma_wait3A_70 = arith.constant 0 : i32
      %dma_wait3A_71 = tpu.memref_slice %arg5[%dma_wait3A, %dma_wait3A_70] : memref<8x128xi32, #tpu.memory_space<vmem>> -> memref<1x128xi32, #tpu.memory_space<vmem>>
      %dma_wait3A_72 = tpu.memref_squeeze %dma_wait3A_71 : memref<1x128xi32, #tpu.memory_space<vmem>> -> memref<128xi32, #tpu.memory_space<vmem>>
      %dma_wait3A_73 = arith.constant 0 : i32
      %dma_wait3A_74 = tpu.memref_slice %arg7[%dma_wait3A_73] : memref<10112xf32, #tpu.memory_space<vmem_shared>> -> memref<10112xf32, #tpu.memory_space<vmem_shared>>
      tpu.wait_indirect_dma semaphore(%arg8 : memref<!tpu.dma_semaphore, #tpu.memory_space<semaphore_mem>>) src(%arg6 : memref<128xf32, #tpu.memory_space<vmem>>) dst(%dma_wait3A_74 : memref<10112xf32, #tpu.memory_space<vmem_shared>>)
      %dma_start3A_75 = arith.constant 1 : i32
      %dma_start3A_76 = arith.constant 0 : i32
      %dma_start3A_77 = tpu.memref_slice %arg5[%dma_start3A_75, %dma_start3A_76] : memref<8x128xi32, #tpu.memory_space<vmem>> -> memref<1x128xi32, #tpu.memory_space<vmem>>
      %dma_start3A_78 = tpu.memref_squeeze %dma_start3A_77 : memref<1x128xi32, #tpu.memory_space<vmem>> -> memref<128xi32, #tpu.memory_space<vmem>>
      %dma_start3A_79 = arith.constant 0 : i32
      %dma_start3A_80 = tpu.memref_slice %arg7[%dma_start3A_79] : memref<10112xf32, #tpu.memory_space<vmem_shared>> -> memref<10112xf32, #tpu.memory_space<vmem_shared>>
      tpu.enqueue_indirect_dma source(%arg6 : memref<128xf32, #tpu.memory_space<vmem>>) target(%dma_start3A_80 : memref<10112xf32, #tpu.memory_space<vmem_shared>>) offsets(%dma_start3A_78 : memref<128xi32, #tpu.memory_space<vmem>>) semaphore(%arg8 : memref<!tpu.dma_semaphore, #tpu.memory_space<semaphore_mem>>) {add = true}
      %dma_wait3A_81 = arith.constant 1 : i32
      %dma_wait3A_82 = arith.constant 0 : i32
      %dma_wait3A_83 = tpu.memref_slice %arg5[%dma_wait3A_81, %dma_wait3A_82] : memref<8x128xi32, #tpu.memory_space<vmem>> -> memref<1x128xi32, #tpu.memory_space<vmem>>
      %dma_wait3A_84 = tpu.memref_squeeze %dma_wait3A_83 : memref<1x128xi32, #tpu.memory_space<vmem>> -> memref<128xi32, #tpu.memory_space<vmem>>
      %dma_wait3A_85 = arith.constant 0 : i32
      %dma_wait3A_86 = tpu.memref_slice %arg7[%dma_wait3A_85] : memref<10112xf32, #tpu.memory_space<vmem_shared>> -> memref<10112xf32, #tpu.memory_space<vmem_shared>>
      tpu.wait_indirect_dma semaphore(%arg8 : memref<!tpu.dma_semaphore, #tpu.memory_space<semaphore_mem>>) src(%arg6 : memref<128xf32, #tpu.memory_space<vmem>>) dst(%dma_wait3A_86 : memref<10112xf32, #tpu.memory_space<vmem_shared>>)
      %dma_start3A_87 = arith.constant 2 : i32
      %dma_start3A_88 = arith.constant 0 : i32
      %dma_start3A_89 = tpu.memref_slice %arg5[%dma_start3A_87, %dma_start3A_88] : memref<8x128xi32, #tpu.memory_space<vmem>> -> memref<1x128xi32, #tpu.memory_space<vmem>>
      %dma_start3A_90 = tpu.memref_squeeze %dma_start3A_89 : memref<1x128xi32, #tpu.memory_space<vmem>> -> memref<128xi32, #tpu.memory_space<vmem>>
      %dma_start3A_91 = arith.constant 0 : i32
      %dma_start3A_92 = tpu.memref_slice %arg7[%dma_start3A_91] : memref<10112xf32, #tpu.memory_space<vmem_shared>> -> memref<10112xf32, #tpu.memory_space<vmem_shared>>
      tpu.enqueue_indirect_dma source(%arg6 : memref<128xf32, #tpu.memory_space<vmem>>) target(%dma_start3A_92 : memref<10112xf32, #tpu.memory_space<vmem_shared>>) offsets(%dma_start3A_90 : memref<128xi32, #tpu.memory_space<vmem>>) semaphore(%arg8 : memref<!tpu.dma_semaphore, #tpu.memory_space<semaphore_mem>>) {add = true}
      %dma_wait3A_93 = arith.constant 2 : i32
      %dma_wait3A_94 = arith.constant 0 : i32
      %dma_wait3A_95 = tpu.memref_slice %arg5[%dma_wait3A_93, %dma_wait3A_94] : memref<8x128xi32, #tpu.memory_space<vmem>> -> memref<1x128xi32, #tpu.memory_space<vmem>>
      %dma_wait3A_96 = tpu.memref_squeeze %dma_wait3A_95 : memref<1x128xi32, #tpu.memory_space<vmem>> -> memref<128xi32, #tpu.memory_space<vmem>>
      %dma_wait3A_97 = arith.constant 0 : i32
      %dma_wait3A_98 = tpu.memref_slice %arg7[%dma_wait3A_97] : memref<10112xf32, #tpu.memory_space<vmem_shared>> -> memref<10112xf32, #tpu.memory_space<vmem_shared>>
      tpu.wait_indirect_dma semaphore(%arg8 : memref<!tpu.dma_semaphore, #tpu.memory_space<semaphore_mem>>) src(%arg6 : memref<128xf32, #tpu.memory_space<vmem>>) dst(%dma_wait3A_98 : memref<10112xf32, #tpu.memory_space<vmem_shared>>)
      %dma_start3A_99 = arith.constant 3 : i32
      %dma_start3A_100 = arith.constant 0 : i32
      %dma_start3A_101 = tpu.memref_slice %arg5[%dma_start3A_99, %dma_start3A_100] : memref<8x128xi32, #tpu.memory_space<vmem>> -> memref<1x128xi32, #tpu.memory_space<vmem>>
      %dma_start3A_102 = tpu.memref_squeeze %dma_start3A_101 : memref<1x128xi32, #tpu.memory_space<vmem>> -> memref<128xi32, #tpu.memory_space<vmem>>
      %dma_start3A_103 = arith.constant 0 : i32
      %dma_start3A_104 = tpu.memref_slice %arg7[%dma_start3A_103] : memref<10112xf32, #tpu.memory_space<vmem_shared>> -> memref<10112xf32, #tpu.memory_space<vmem_shared>>
      tpu.enqueue_indirect_dma source(%arg6 : memref<128xf32, #tpu.memory_space<vmem>>) target(%dma_start3A_104 : memref<10112xf32, #tpu.memory_space<vmem_shared>>) offsets(%dma_start3A_102 : memref<128xi32, #tpu.memory_space<vmem>>) semaphore(%arg8 : memref<!tpu.dma_semaphore, #tpu.memory_space<semaphore_mem>>) {add = true}
      %dma_wait3A_105 = arith.constant 3 : i32
      %dma_wait3A_106 = arith.constant 0 : i32
      %dma_wait3A_107 = tpu.memref_slice %arg5[%dma_wait3A_105, %dma_wait3A_106] : memref<8x128xi32, #tpu.memory_space<vmem>> -> memref<1x128xi32, #tpu.memory_space<vmem>>
      %dma_wait3A_108 = tpu.memref_squeeze %dma_wait3A_107 : memref<1x128xi32, #tpu.memory_space<vmem>> -> memref<128xi32, #tpu.memory_space<vmem>>
      %dma_wait3A_109 = arith.constant 0 : i32
      %dma_wait3A_110 = tpu.memref_slice %arg7[%dma_wait3A_109] : memref<10112xf32, #tpu.memory_space<vmem_shared>> -> memref<10112xf32, #tpu.memory_space<vmem_shared>>
      tpu.wait_indirect_dma semaphore(%arg8 : memref<!tpu.dma_semaphore, #tpu.memory_space<semaphore_mem>>) src(%arg6 : memref<128xf32, #tpu.memory_space<vmem>>) dst(%dma_wait3A_110 : memref<10112xf32, #tpu.memory_space<vmem_shared>>)
      %dma_start3A_111 = arith.constant 4 : i32
      %dma_start3A_112 = arith.constant 0 : i32
      %dma_start3A_113 = tpu.memref_slice %arg5[%dma_start3A_111, %dma_start3A_112] : memref<8x128xi32, #tpu.memory_space<vmem>> -> memref<1x128xi32, #tpu.memory_space<vmem>>
      %dma_start3A_114 = tpu.memref_squeeze %dma_start3A_113 : memref<1x128xi32, #tpu.memory_space<vmem>> -> memref<128xi32, #tpu.memory_space<vmem>>
      %dma_start3A_115 = arith.constant 0 : i32
      %dma_start3A_116 = tpu.memref_slice %arg7[%dma_start3A_115] : memref<10112xf32, #tpu.memory_space<vmem_shared>> -> memref<10112xf32, #tpu.memory_space<vmem_shared>>
      tpu.enqueue_indirect_dma source(%arg6 : memref<128xf32, #tpu.memory_space<vmem>>) target(%dma_start3A_116 : memref<10112xf32, #tpu.memory_space<vmem_shared>>) offsets(%dma_start3A_114 : memref<128xi32, #tpu.memory_space<vmem>>) semaphore(%arg8 : memref<!tpu.dma_semaphore, #tpu.memory_space<semaphore_mem>>) {add = true}
      %dma_wait3A_117 = arith.constant 4 : i32
      %dma_wait3A_118 = arith.constant 0 : i32
      %dma_wait3A_119 = tpu.memref_slice %arg5[%dma_wait3A_117, %dma_wait3A_118] : memref<8x128xi32, #tpu.memory_space<vmem>> -> memref<1x128xi32, #tpu.memory_space<vmem>>
      %dma_wait3A_120 = tpu.memref_squeeze %dma_wait3A_119 : memref<1x128xi32, #tpu.memory_space<vmem>> -> memref<128xi32, #tpu.memory_space<vmem>>
      %dma_wait3A_121 = arith.constant 0 : i32
      %dma_wait3A_122 = tpu.memref_slice %arg7[%dma_wait3A_121] : memref<10112xf32, #tpu.memory_space<vmem_shared>> -> memref<10112xf32, #tpu.memory_space<vmem_shared>>
      tpu.wait_indirect_dma semaphore(%arg8 : memref<!tpu.dma_semaphore, #tpu.memory_space<semaphore_mem>>) src(%arg6 : memref<128xf32, #tpu.memory_space<vmem>>) dst(%dma_wait3A_122 : memref<10112xf32, #tpu.memory_space<vmem_shared>>)
      %dma_start3A_123 = arith.constant 5 : i32
      %dma_start3A_124 = arith.constant 0 : i32
      %dma_start3A_125 = tpu.memref_slice %arg5[%dma_start3A_123, %dma_start3A_124] : memref<8x128xi32, #tpu.memory_space<vmem>> -> memref<1x128xi32, #tpu.memory_space<vmem>>
      %dma_start3A_126 = tpu.memref_squeeze %dma_start3A_125 : memref<1x128xi32, #tpu.memory_space<vmem>> -> memref<128xi32, #tpu.memory_space<vmem>>
      %dma_start3A_127 = arith.constant 0 : i32
      %dma_start3A_128 = tpu.memref_slice %arg7[%dma_start3A_127] : memref<10112xf32, #tpu.memory_space<vmem_shared>> -> memref<10112xf32, #tpu.memory_space<vmem_shared>>
      tpu.enqueue_indirect_dma source(%arg6 : memref<128xf32, #tpu.memory_space<vmem>>) target(%dma_start3A_128 : memref<10112xf32, #tpu.memory_space<vmem_shared>>) offsets(%dma_start3A_126 : memref<128xi32, #tpu.memory_space<vmem>>) semaphore(%arg8 : memref<!tpu.dma_semaphore, #tpu.memory_space<semaphore_mem>>) {add = true}
      %dma_wait3A_129 = arith.constant 5 : i32
      %dma_wait3A_130 = arith.constant 0 : i32
      %dma_wait3A_131 = tpu.memref_slice %arg5[%dma_wait3A_129, %dma_wait3A_130] : memref<8x128xi32, #tpu.memory_space<vmem>> -> memref<1x128xi32, #tpu.memory_space<vmem>>
      %dma_wait3A_132 = tpu.memref_squeeze %dma_wait3A_131 : memref<1x128xi32, #tpu.memory_space<vmem>> -> memref<128xi32, #tpu.memory_space<vmem>>
      %dma_wait3A_133 = arith.constant 0 : i32
      %dma_wait3A_134 = tpu.memref_slice %arg7[%dma_wait3A_133] : memref<10112xf32, #tpu.memory_space<vmem_shared>> -> memref<10112xf32, #tpu.memory_space<vmem_shared>>
      tpu.wait_indirect_dma semaphore(%arg8 : memref<!tpu.dma_semaphore, #tpu.memory_space<semaphore_mem>>) src(%arg6 : memref<128xf32, #tpu.memory_space<vmem>>) dst(%dma_wait3A_134 : memref<10112xf32, #tpu.memory_space<vmem_shared>>)
      %dma_start3A_135 = arith.constant 6 : i32
      %dma_start3A_136 = arith.constant 0 : i32
      %dma_start3A_137 = tpu.memref_slice %arg5[%dma_start3A_135, %dma_start3A_136] : memref<8x128xi32, #tpu.memory_space<vmem>> -> memref<1x128xi32, #tpu.memory_space<vmem>>
      %dma_start3A_138 = tpu.memref_squeeze %dma_start3A_137 : memref<1x128xi32, #tpu.memory_space<vmem>> -> memref<128xi32, #tpu.memory_space<vmem>>
      %dma_start3A_139 = arith.constant 0 : i32
      %dma_start3A_140 = tpu.memref_slice %arg7[%dma_start3A_139] : memref<10112xf32, #tpu.memory_space<vmem_shared>> -> memref<10112xf32, #tpu.memory_space<vmem_shared>>
      tpu.enqueue_indirect_dma source(%arg6 : memref<128xf32, #tpu.memory_space<vmem>>) target(%dma_start3A_140 : memref<10112xf32, #tpu.memory_space<vmem_shared>>) offsets(%dma_start3A_138 : memref<128xi32, #tpu.memory_space<vmem>>) semaphore(%arg8 : memref<!tpu.dma_semaphore, #tpu.memory_space<semaphore_mem>>) {add = true}
      %dma_wait3A_141 = arith.constant 6 : i32
      %dma_wait3A_142 = arith.constant 0 : i32
      %dma_wait3A_143 = tpu.memref_slice %arg5[%dma_wait3A_141, %dma_wait3A_142] : memref<8x128xi32, #tpu.memory_space<vmem>> -> memref<1x128xi32, #tpu.memory_space<vmem>>
      %dma_wait3A_144 = tpu.memref_squeeze %dma_wait3A_143 : memref<1x128xi32, #tpu.memory_space<vmem>> -> memref<128xi32, #tpu.memory_space<vmem>>
      %dma_wait3A_145 = arith.constant 0 : i32
      %dma_wait3A_146 = tpu.memref_slice %arg7[%dma_wait3A_145] : memref<10112xf32, #tpu.memory_space<vmem_shared>> -> memref<10112xf32, #tpu.memory_space<vmem_shared>>
      tpu.wait_indirect_dma semaphore(%arg8 : memref<!tpu.dma_semaphore, #tpu.memory_space<semaphore_mem>>) src(%arg6 : memref<128xf32, #tpu.memory_space<vmem>>) dst(%dma_wait3A_146 : memref<10112xf32, #tpu.memory_space<vmem_shared>>)
      %dma_start3A_147 = arith.constant 7 : i32
      %dma_start3A_148 = arith.constant 0 : i32
      %dma_start3A_149 = tpu.memref_slice %arg5[%dma_start3A_147, %dma_start3A_148] : memref<8x128xi32, #tpu.memory_space<vmem>> -> memref<1x128xi32, #tpu.memory_space<vmem>>
      %dma_start3A_150 = tpu.memref_squeeze %dma_start3A_149 : memref<1x128xi32, #tpu.memory_space<vmem>> -> memref<128xi32, #tpu.memory_space<vmem>>
      %dma_start3A_151 = arith.constant 0 : i32
      %dma_start3A_152 = tpu.memref_slice %arg7[%dma_start3A_151] : memref<10112xf32, #tpu.memory_space<vmem_shared>> -> memref<10112xf32, #tpu.memory_space<vmem_shared>>
      tpu.enqueue_indirect_dma source(%arg6 : memref<128xf32, #tpu.memory_space<vmem>>) target(%dma_start3A_152 : memref<10112xf32, #tpu.memory_space<vmem_shared>>) offsets(%dma_start3A_150 : memref<128xi32, #tpu.memory_space<vmem>>) semaphore(%arg8 : memref<!tpu.dma_semaphore, #tpu.memory_space<semaphore_mem>>) {add = true}
      %dma_wait3A_153 = arith.constant 7 : i32
      %dma_wait3A_154 = arith.constant 0 : i32
      %dma_wait3A_155 = tpu.memref_slice %arg5[%dma_wait3A_153, %dma_wait3A_154] : memref<8x128xi32, #tpu.memory_space<vmem>> -> memref<1x128xi32, #tpu.memory_space<vmem>>
      %dma_wait3A_156 = tpu.memref_squeeze %dma_wait3A_155 : memref<1x128xi32, #tpu.memory_space<vmem>> -> memref<128xi32, #tpu.memory_space<vmem>>
      %dma_wait3A_157 = arith.constant 0 : i32
      %dma_wait3A_158 = tpu.memref_slice %arg7[%dma_wait3A_157] : memref<10112xf32, #tpu.memory_space<vmem_shared>> -> memref<10112xf32, #tpu.memory_space<vmem_shared>>
      tpu.wait_indirect_dma semaphore(%arg8 : memref<!tpu.dma_semaphore, #tpu.memory_space<semaphore_mem>>) src(%arg6 : memref<128xf32, #tpu.memory_space<vmem>>) dst(%dma_wait3A_158 : memref<10112xf32, #tpu.memory_space<vmem_shared>>)
    }
    %scan3A_52 = arith.constant 10 : i32
    %barrier3A_53 = arith.constant 0 : index
    tpu.barrier barrier_id(%barrier3A_53)
    %eq3A_54 = arith.constant 0 : i32
    %eq3A_55 = arith.cmpi eq, %arg1, %eq3A_54 : i32
    %convert_element_type3A_56 = arith.extui %eq3A_55 : i1 to i32
    %cond3A_57 = arith.constant 0 : i32
    %cond3A_58 = arith.cmpi ne, %convert_element_type3A_56, %cond3A_57 : i32
    scf.if %cond3A_58 {
      "tpu.region"() ({
        %run_scoped3A = tpu.sem_alloc : memref<!tpu.dma_semaphore, #tpu.memory_space<semaphore_mem>>
        %dma_start3A = arith.constant 0 : i32
        %dma_start3A_59 = tpu.memref_slice %arg4[%arg0, %dma_start3A] : memref<2x10112xf32, #tpu.memory_space<hbm>> -> memref<1x10112xf32, #tpu.memory_space<hbm>>
        %dma_start3A_60 = tpu.memref_squeeze %dma_start3A_59 : memref<1x10112xf32, #tpu.memory_space<hbm>> -> memref<10112xf32, #tpu.memory_space<hbm>>
        tpu.enqueue_dma source(%arg7 : memref<10112xf32, #tpu.memory_space<vmem_shared>>) target(%dma_start3A_60 : memref<10112xf32, #tpu.memory_space<hbm>>) target_semaphore(%run_scoped3A : memref<!tpu.dma_semaphore, #tpu.memory_space<semaphore_mem>>)
        %dma_wait3A = arith.constant 0 : i32
        %dma_wait3A_61 = tpu.memref_slice %arg4[%arg0, %dma_wait3A] : memref<2x10112xf32, #tpu.memory_space<hbm>> -> memref<1x10112xf32, #tpu.memory_space<hbm>>
        %dma_wait3A_62 = tpu.memref_squeeze %dma_wait3A_61 : memref<1x10112xf32, #tpu.memory_space<hbm>> -> memref<10112xf32, #tpu.memory_space<hbm>>
        tpu.wait_dma2 semaphore(%run_scoped3A : memref<!tpu.dma_semaphore, #tpu.memory_space<semaphore_mem>>) src(%arg7 : memref<10112xf32, #tpu.memory_space<vmem_shared>>) dst(%dma_wait3A_62 : memref<10112xf32, #tpu.memory_space<hbm>>)
        tpu.yield
      }) : () -> ()
    } else {
    }
    return
  }
}

#map = affine_map<(d0, d1) -> (0, 0)>
#map1 = affine_map<(d0, d1) -> (0, 0, 0)>
module attributes {stable_mosaic.version = 14 : i64} {
  func.func @seg_kernel(%arg0: i32, %arg1: i32, %arg2: memref<10000x128xf32, #tpu.memory_space<hbm>>, %arg3: memref<2560x128xi32, #tpu.memory_space<hbm>>, %arg4: memref<2560x128xi32, #tpu.memory_space<hbm>>, %arg5: memref<632x128xf32, #tpu.memory_space<hbm>>, %arg6: memref<2x10112x128xf32, #tpu.memory_space<hbm>>, %arg7: memref<8x128xi32, #tpu.memory_space<vmem>>, %arg8: memref<8x128xi32, #tpu.memory_space<vmem>>, %arg9: memref<2x128x128xf32, #tpu.memory_space<vmem>>, %arg10: memref<10112x128xf32, #tpu.memory_space<vmem_shared>>, %arg11: memref<!tpu.dma_semaphore, #tpu.memory_space<semaphore_mem>>, %arg12: memref<!tpu.dma_semaphore, #tpu.memory_space<semaphore_mem>>) attributes {dimension_semantics = [#tpu.dimension_semantics<core_parallel>, #tpu.dimension_semantics<subcore_parallel>], iteration_bounds = array<i64: 2, 16>, scalar_prefetch = 0 : i64, scratch_operands = 6 : i64, tpu.core_type = #tpu.core_type<sc_vector_subcore>, window_params = [{transform_indices = #map}, {transform_indices = #map}, {transform_indices = #map}, {transform_indices = #map}, {transform_indices = #map1}]} {
    %mul3A = arith.constant 2 : i32
    %mul3A_0 = arith.muli %arg1, %mul3A : i32
    %add3A = arith.addi %mul3A_0, %arg0 : i32
    %mul3A_1 = arith.constant 632 : i32
    %mul3A_2 = arith.muli %arg1, %mul3A_1 : i32
    "tpu.region"() ({
      %run_scoped3A = tpu.sem_alloc : memref<!tpu.dma_semaphore, #tpu.memory_space<semaphore_mem>>
      %dma_start3A = arith.constant 0 : i32
      %dma_start3A_8 = tpu.memref_slice %arg10[%mul3A_2, %dma_start3A] : memref<10112x128xf32, #tpu.memory_space<vmem_shared>> -> memref<632x128xf32, #tpu.memory_space<vmem_shared>>
      tpu.enqueue_dma source(%arg5 : memref<632x128xf32, #tpu.memory_space<hbm>>) target(%dma_start3A_8 : memref<632x128xf32, #tpu.memory_space<vmem_shared>>) target_semaphore(%run_scoped3A : memref<!tpu.dma_semaphore, #tpu.memory_space<semaphore_mem>>)
      %dma_wait3A = arith.constant 0 : i32
      %dma_wait3A_9 = tpu.memref_slice %arg10[%mul3A_2, %dma_wait3A] : memref<10112x128xf32, #tpu.memory_space<vmem_shared>> -> memref<632x128xf32, #tpu.memory_space<vmem_shared>>
      tpu.wait_dma2 semaphore(%run_scoped3A : memref<!tpu.dma_semaphore, #tpu.memory_space<semaphore_mem>>) src(%arg5 : memref<632x128xf32, #tpu.memory_space<hbm>>) dst(%dma_wait3A_9 : memref<632x128xf32, #tpu.memory_space<vmem_shared>>)
      tpu.yield
    }) : () -> ()
    %barrier3A = arith.constant 0 : index
    tpu.barrier barrier_id(%barrier3A)
    %scan3A = arith.constant 0 : i32
    %scan3A_3 = arith.constant 10 : i32
    %scan3A_4 = arith.addi %scan3A, %scan3A_3 : i32
    %scan3A_5 = arith.constant 1 : i32
    scf.for %scan3A_8 = %scan3A to %scan3A_4 step %scan3A_5  : i32 {
      %mul3A_9 = arith.constant 80 : i32
      %mul3A_10 = arith.muli %add3A, %mul3A_9 : i32
      %mul3A_11 = arith.constant 8 : i32
      %mul3A_12 = arith.muli %scan3A_8, %mul3A_11 : i32
      %add3A_13 = arith.addi %mul3A_10, %mul3A_12 : i32
      "tpu.region"() ({
        %run_scoped3A = tpu.sem_alloc : memref<!tpu.dma_semaphore, #tpu.memory_space<semaphore_mem>>
        %dma_start3A_396 = arith.constant 0 : i32
        %dma_start3A_397 = tpu.memref_slice %arg3[%add3A_13, %dma_start3A_396] : memref<2560x128xi32, #tpu.memory_space<hbm>> -> memref<8x128xi32, #tpu.memory_space<hbm>>
        %dma_start3A_398 = arith.constant 0 : i32
        %dma_start3A_399 = tpu.memref_slice %arg3[%add3A_13, %dma_start3A_398] : memref<2560x128xi32, #tpu.memory_space<hbm>> -> memref<8x128xi32, #tpu.memory_space<hbm>>
        tpu.enqueue_dma source(%dma_start3A_399 : memref<8x128xi32, #tpu.memory_space<hbm>>) target(%arg7 : memref<8x128xi32, #tpu.memory_space<vmem>>) target_semaphore(%run_scoped3A : memref<!tpu.dma_semaphore, #tpu.memory_space<semaphore_mem>>)
        %dma_wait3A_400 = arith.constant 0 : i32
        %dma_wait3A_401 = tpu.memref_slice %arg3[%add3A_13, %dma_wait3A_400] : memref<2560x128xi32, #tpu.memory_space<hbm>> -> memref<8x128xi32, #tpu.memory_space<hbm>>
        %dma_wait3A_402 = arith.constant 0 : i32
        %dma_wait3A_403 = tpu.memref_slice %arg3[%add3A_13, %dma_wait3A_402] : memref<2560x128xi32, #tpu.memory_space<hbm>> -> memref<8x128xi32, #tpu.memory_space<hbm>>
        tpu.wait_dma2 semaphore(%run_scoped3A : memref<!tpu.dma_semaphore, #tpu.memory_space<semaphore_mem>>) src(%dma_wait3A_403 : memref<8x128xi32, #tpu.memory_space<hbm>>) dst(%arg7 : memref<8x128xi32, #tpu.memory_space<vmem>>)
        tpu.yield
      }) : () -> ()
      "tpu.region"() ({
        %run_scoped3A = tpu.sem_alloc : memref<!tpu.dma_semaphore, #tpu.memory_space<semaphore_mem>>
        %dma_start3A_396 = arith.constant 0 : i32
        %dma_start3A_397 = tpu.memref_slice %arg4[%add3A_13, %dma_start3A_396] : memref<2560x128xi32, #tpu.memory_space<hbm>> -> memref<8x128xi32, #tpu.memory_space<hbm>>
        %dma_start3A_398 = arith.constant 0 : i32
        %dma_start3A_399 = tpu.memref_slice %arg4[%add3A_13, %dma_start3A_398] : memref<2560x128xi32, #tpu.memory_space<hbm>> -> memref<8x128xi32, #tpu.memory_space<hbm>>
        tpu.enqueue_dma source(%dma_start3A_399 : memref<8x128xi32, #tpu.memory_space<hbm>>) target(%arg8 : memref<8x128xi32, #tpu.memory_space<vmem>>) target_semaphore(%run_scoped3A : memref<!tpu.dma_semaphore, #tpu.memory_space<semaphore_mem>>)
        %dma_wait3A_400 = arith.constant 0 : i32
        %dma_wait3A_401 = tpu.memref_slice %arg4[%add3A_13, %dma_wait3A_400] : memref<2560x128xi32, #tpu.memory_space<hbm>> -> memref<8x128xi32, #tpu.memory_space<hbm>>
        %dma_wait3A_402 = arith.constant 0 : i32
        %dma_wait3A_403 = tpu.memref_slice %arg4[%add3A_13, %dma_wait3A_402] : memref<2560x128xi32, #tpu.memory_space<hbm>> -> memref<8x128xi32, #tpu.memory_space<hbm>>
        tpu.wait_dma2 semaphore(%run_scoped3A : memref<!tpu.dma_semaphore, #tpu.memory_space<semaphore_mem>>) src(%dma_wait3A_403 : memref<8x128xi32, #tpu.memory_space<hbm>>) dst(%arg8 : memref<8x128xi32, #tpu.memory_space<vmem>>)
        tpu.yield
      }) : () -> ()
      %dma_start3A = arith.constant 0 : i32
      %dma_start3A_14 = arith.constant 0 : i32
      %dma_start3A_15 = arith.constant 0 : i32
      %dma_start3A_16 = arith.constant 0 : i32
      %dma_start3A_17 = tpu.memref_slice %arg9[%dma_start3A_14, %dma_start3A_15, %dma_start3A_16] : memref<2x128x128xf32, #tpu.memory_space<vmem>> -> memref<1x128x128xf32, #tpu.memory_space<vmem>>
      %dma_start3A_18 = tpu.memref_squeeze %dma_start3A_17 : memref<1x128x128xf32, #tpu.memory_space<vmem>> -> memref<128x128xf32, #tpu.memory_space<vmem>>
      %dma_start3A_19 = arith.constant 0 : i32
      %dma_start3A_20 = tpu.memref_slice %arg7[%dma_start3A, %dma_start3A_19] : memref<8x128xi32, #tpu.memory_space<vmem>> -> memref<1x128xi32, #tpu.memory_space<vmem>>
      %dma_start3A_21 = tpu.memref_squeeze %dma_start3A_20 : memref<1x128xi32, #tpu.memory_space<vmem>> -> memref<128xi32, #tpu.memory_space<vmem>>
      %dma_start3A_22 = arith.constant 0 : i32
      %dma_start3A_23 = arith.constant 0 : i32
      %dma_start3A_24 = tpu.memref_slice %arg2[%dma_start3A_22, %dma_start3A_23] : memref<10000x128xf32, #tpu.memory_space<hbm>> -> memref<10000x128xf32, #tpu.memory_space<hbm>>
      tpu.enqueue_indirect_dma source(%dma_start3A_24 : memref<10000x128xf32, #tpu.memory_space<hbm>>) target(%dma_start3A_18 : memref<128x128xf32, #tpu.memory_space<vmem>>) offsets(%dma_start3A_21 : memref<128xi32, #tpu.memory_space<vmem>>) semaphore(%arg11 : memref<!tpu.dma_semaphore, #tpu.memory_space<semaphore_mem>>)
      %dma_start3A_25 = arith.constant 1 : i32
      %dma_start3A_26 = arith.constant 1 : i32
      %dma_start3A_27 = arith.constant 0 : i32
      %dma_start3A_28 = arith.constant 0 : i32
      %dma_start3A_29 = tpu.memref_slice %arg9[%dma_start3A_26, %dma_start3A_27, %dma_start3A_28] : memref<2x128x128xf32, #tpu.memory_space<vmem>> -> memref<1x128x128xf32, #tpu.memory_space<vmem>>
      %dma_start3A_30 = tpu.memref_squeeze %dma_start3A_29 : memref<1x128x128xf32, #tpu.memory_space<vmem>> -> memref<128x128xf32, #tpu.memory_space<vmem>>
      %dma_start3A_31 = arith.constant 0 : i32
      %dma_start3A_32 = tpu.memref_slice %arg7[%dma_start3A_25, %dma_start3A_31] : memref<8x128xi32, #tpu.memory_space<vmem>> -> memref<1x128xi32, #tpu.memory_space<vmem>>
      %dma_start3A_33 = tpu.memref_squeeze %dma_start3A_32 : memref<1x128xi32, #tpu.memory_space<vmem>> -> memref<128xi32, #tpu.memory_space<vmem>>
      %dma_start3A_34 = arith.constant 0 : i32
      %dma_start3A_35 = arith.constant 0 : i32
      %dma_start3A_36 = tpu.memref_slice %arg2[%dma_start3A_34, %dma_start3A_35] : memref<10000x128xf32, #tpu.memory_space<hbm>> -> memref<10000x128xf32, #tpu.memory_space<hbm>>
      tpu.enqueue_indirect_dma source(%dma_start3A_36 : memref<10000x128xf32, #tpu.memory_space<hbm>>) target(%dma_start3A_30 : memref<128x128xf32, #tpu.memory_space<vmem>>) offsets(%dma_start3A_33 : memref<128xi32, #tpu.memory_space<vmem>>) semaphore(%arg11 : memref<!tpu.dma_semaphore, #tpu.memory_space<semaphore_mem>>)
      %dma_wait3A = arith.constant 0 : i32
      %dma_wait3A_37 = arith.constant 0 : i32
      %dma_wait3A_38 = arith.constant 0 : i32
      %dma_wait3A_39 = arith.constant 0 : i32
      %dma_wait3A_40 = tpu.memref_slice %arg9[%dma_wait3A_37, %dma_wait3A_38, %dma_wait3A_39] : memref<2x128x128xf32, #tpu.memory_space<vmem>> -> memref<1x128x128xf32, #tpu.memory_space<vmem>>
      %dma_wait3A_41 = tpu.memref_squeeze %dma_wait3A_40 : memref<1x128x128xf32, #tpu.memory_space<vmem>> -> memref<128x128xf32, #tpu.memory_space<vmem>>
      %dma_wait3A_42 = arith.constant 0 : i32
      %dma_wait3A_43 = tpu.memref_slice %arg7[%dma_wait3A, %dma_wait3A_42] : memref<8x128xi32, #tpu.memory_space<vmem>> -> memref<1x128xi32, #tpu.memory_space<vmem>>
      %dma_wait3A_44 = tpu.memref_squeeze %dma_wait3A_43 : memref<1x128xi32, #tpu.memory_space<vmem>> -> memref<128xi32, #tpu.memory_space<vmem>>
      %dma_wait3A_45 = arith.constant 0 : i32
      %dma_wait3A_46 = arith.constant 0 : i32
      %dma_wait3A_47 = tpu.memref_slice %arg2[%dma_wait3A_45, %dma_wait3A_46] : memref<10000x128xf32, #tpu.memory_space<hbm>> -> memref<10000x128xf32, #tpu.memory_space<hbm>>
      tpu.wait_indirect_dma semaphore(%arg11 : memref<!tpu.dma_semaphore, #tpu.memory_space<semaphore_mem>>) src(%dma_wait3A_47 : memref<10000x128xf32, #tpu.memory_space<hbm>>) dst(%dma_wait3A_41 : memref<128x128xf32, #tpu.memory_space<vmem>>)
      %dma_start3A_48 = arith.constant 0 : i32
      %dma_start3A_49 = arith.constant 0 : i32
      %dma_start3A_50 = arith.constant 0 : i32
      %dma_start3A_51 = arith.constant 0 : i32
      %dma_start3A_52 = tpu.memref_slice %arg9[%dma_start3A_48, %dma_start3A_50, %dma_start3A_51] : memref<2x128x128xf32, #tpu.memory_space<vmem>> -> memref<1x128x128xf32, #tpu.memory_space<vmem>>
      %dma_start3A_53 = tpu.memref_squeeze %dma_start3A_52 : memref<1x128x128xf32, #tpu.memory_space<vmem>> -> memref<128x128xf32, #tpu.memory_space<vmem>>
      %dma_start3A_54 = arith.constant 0 : i32
      %dma_start3A_55 = tpu.memref_slice %arg8[%dma_start3A_49, %dma_start3A_54] : memref<8x128xi32, #tpu.memory_space<vmem>> -> memref<1x128xi32, #tpu.memory_space<vmem>>
      %dma_start3A_56 = tpu.memref_squeeze %dma_start3A_55 : memref<1x128xi32, #tpu.memory_space<vmem>> -> memref<128xi32, #tpu.memory_space<vmem>>
      %dma_start3A_57 = arith.constant 0 : i32
      %dma_start3A_58 = arith.constant 0 : i32
      %dma_start3A_59 = tpu.memref_slice %arg10[%dma_start3A_57, %dma_start3A_58] : memref<10112x128xf32, #tpu.memory_space<vmem_shared>> -> memref<10112x128xf32, #tpu.memory_space<vmem_shared>>
      tpu.enqueue_indirect_dma source(%dma_start3A_53 : memref<128x128xf32, #tpu.memory_space<vmem>>) target(%dma_start3A_59 : memref<10112x128xf32, #tpu.memory_space<vmem_shared>>) offsets(%dma_start3A_56 : memref<128xi32, #tpu.memory_space<vmem>>) semaphore(%arg12 : memref<!tpu.dma_semaphore, #tpu.memory_space<semaphore_mem>>) {add = true}
      %dma_wait3A_60 = arith.constant 1 : i32
      %dma_wait3A_61 = arith.constant 1 : i32
      %dma_wait3A_62 = arith.constant 0 : i32
      %dma_wait3A_63 = arith.constant 0 : i32
      %dma_wait3A_64 = tpu.memref_slice %arg9[%dma_wait3A_61, %dma_wait3A_62, %dma_wait3A_63] : memref<2x128x128xf32, #tpu.memory_space<vmem>> -> memref<1x128x128xf32, #tpu.memory_space<vmem>>
      %dma_wait3A_65 = tpu.memref_squeeze %dma_wait3A_64 : memref<1x128x128xf32, #tpu.memory_space<vmem>> -> memref<128x128xf32, #tpu.memory_space<vmem>>
      %dma_wait3A_66 = arith.constant 0 : i32
      %dma_wait3A_67 = tpu.memref_slice %arg7[%dma_wait3A_60, %dma_wait3A_66] : memref<8x128xi32, #tpu.memory_space<vmem>> -> memref<1x128xi32, #tpu.memory_space<vmem>>
      %dma_wait3A_68 = tpu.memref_squeeze %dma_wait3A_67 : memref<1x128xi32, #tpu.memory_space<vmem>> -> memref<128xi32, #tpu.memory_space<vmem>>
      %dma_wait3A_69 = arith.constant 0 : i32
      %dma_wait3A_70 = arith.constant 0 : i32
      %dma_wait3A_71 = tpu.memref_slice %arg2[%dma_wait3A_69, %dma_wait3A_70] : memref<10000x128xf32, #tpu.memory_space<hbm>> -> memref<10000x128xf32, #tpu.memory_space<hbm>>
      tpu.wait_indirect_dma semaphore(%arg11 : memref<!tpu.dma_semaphore, #tpu.memory_space<semaphore_mem>>) src(%dma_wait3A_71 : memref<10000x128xf32, #tpu.memory_space<hbm>>) dst(%dma_wait3A_65 : memref<128x128xf32, #tpu.memory_space<vmem>>)
      %dma_wait3A_72 = arith.constant 0 : i32
      %dma_wait3A_73 = arith.constant 0 : i32
      %dma_wait3A_74 = arith.constant 0 : i32
      %dma_wait3A_75 = arith.constant 0 : i32
      %dma_wait3A_76 = tpu.memref_slice %arg9[%dma_wait3A_72, %dma_wait3A_74, %dma_wait3A_75] : memref<2x128x128xf32, #tpu.memory_space<vmem>> -> memref<1x128x128xf32, #tpu.memory_space<vmem>>
      %dma_wait3A_77 = tpu.memref_squeeze %dma_wait3A_76 : memref<1x128x128xf32, #tpu.memory_space<vmem>> -> memref<128x128xf32, #tpu.memory_space<vmem>>
      %dma_wait3A_78 = arith.constant 0 : i32
      %dma_wait3A_79 = tpu.memref_slice %arg8[%dma_wait3A_73, %dma_wait3A_78] : memref<8x128xi32, #tpu.memory_space<vmem>> -> memref<1x128xi32, #tpu.memory_space<vmem>>
      %dma_wait3A_80 = tpu.memref_squeeze %dma_wait3A_79 : memref<1x128xi32, #tpu.memory_space<vmem>> -> memref<128xi32, #tpu.memory_space<vmem>>
      %dma_wait3A_81 = arith.constant 0 : i32
      %dma_wait3A_82 = arith.constant 0 : i32
      %dma_wait3A_83 = tpu.memref_slice %arg10[%dma_wait3A_81, %dma_wait3A_82] : memref<10112x128xf32, #tpu.memory_space<vmem_shared>> -> memref<10112x128xf32, #tpu.memory_space<vmem_shared>>
      tpu.wait_indirect_dma semaphore(%arg12 : memref<!tpu.dma_semaphore, #tpu.memory_space<semaphore_mem>>) src(%dma_wait3A_77 : memref<128x128xf32, #tpu.memory_space<vmem>>) dst(%dma_wait3A_83 : memref<10112x128xf32, #tpu.memory_space<vmem_shared>>)
      %dma_start3A_84 = arith.constant 1 : i32
      %dma_start3A_85 = arith.constant 1 : i32
      %dma_start3A_86 = arith.constant 0 : i32
      %dma_start3A_87 = arith.constant 0 : i32
      %dma_start3A_88 = tpu.memref_slice %arg9[%dma_start3A_84, %dma_start3A_86, %dma_start3A_87] : memref<2x128x128xf32, #tpu.memory_space<vmem>> -> memref<1x128x128xf32, #tpu.memory_space<vmem>>
      %dma_start3A_89 = tpu.memref_squeeze %dma_start3A_88 : memref<1x128x128xf32, #tpu.memory_space<vmem>> -> memref<128x128xf32, #tpu.memory_space<vmem>>
      %dma_start3A_90 = arith.constant 0 : i32
      %dma_start3A_91 = tpu.memref_slice %arg8[%dma_start3A_85, %dma_start3A_90] : memref<8x128xi32, #tpu.memory_space<vmem>> -> memref<1x128xi32, #tpu.memory_space<vmem>>
      %dma_start3A_92 = tpu.memref_squeeze %dma_start3A_91 : memref<1x128xi32, #tpu.memory_space<vmem>> -> memref<128xi32, #tpu.memory_space<vmem>>
      %dma_start3A_93 = arith.constant 0 : i32
      %dma_start3A_94 = arith.constant 0 : i32
      %dma_start3A_95 = tpu.memref_slice %arg10[%dma_start3A_93, %dma_start3A_94] : memref<10112x128xf32, #tpu.memory_space<vmem_shared>> -> memref<10112x128xf32, #tpu.memory_space<vmem_shared>>
      tpu.enqueue_indirect_dma source(%dma_start3A_89 : memref<128x128xf32, #tpu.memory_space<vmem>>) target(%dma_start3A_95 : memref<10112x128xf32, #tpu.memory_space<vmem_shared>>) offsets(%dma_start3A_92 : memref<128xi32, #tpu.memory_space<vmem>>) semaphore(%arg12 : memref<!tpu.dma_semaphore, #tpu.memory_space<semaphore_mem>>) {add = true}
      %dma_wait3A_96 = arith.constant 1 : i32
      %dma_wait3A_97 = arith.constant 1 : i32
      %dma_wait3A_98 = arith.constant 0 : i32
      %dma_wait3A_99 = arith.constant 0 : i32
      %dma_wait3A_100 = tpu.memref_slice %arg9[%dma_wait3A_96, %dma_wait3A_98, %dma_wait3A_99] : memref<2x128x128xf32, #tpu.memory_space<vmem>> -> memref<1x128x128xf32, #tpu.memory_space<vmem>>
      %dma_wait3A_101 = tpu.memref_squeeze %dma_wait3A_100 : memref<1x128x128xf32, #tpu.memory_space<vmem>> -> memref<128x128xf32, #tpu.memory_space<vmem>>
      %dma_wait3A_102 = arith.constant 0 : i32
      %dma_wait3A_103 = tpu.memref_slice %arg8[%dma_wait3A_97, %dma_wait3A_102] : memref<8x128xi32, #tpu.memory_space<vmem>> -> memref<1x128xi32, #tpu.memory_space<vmem>>
      %dma_wait3A_104 = tpu.memref_squeeze %dma_wait3A_103 : memref<1x128xi32, #tpu.memory_space<vmem>> -> memref<128xi32, #tpu.memory_space<vmem>>
      %dma_wait3A_105 = arith.constant 0 : i32
      %dma_wait3A_106 = arith.constant 0 : i32
      %dma_wait3A_107 = tpu.memref_slice %arg10[%dma_wait3A_105, %dma_wait3A_106] : memref<10112x128xf32, #tpu.memory_space<vmem_shared>> -> memref<10112x128xf32, #tpu.memory_space<vmem_shared>>
      tpu.wait_indirect_dma semaphore(%arg12 : memref<!tpu.dma_semaphore, #tpu.memory_space<semaphore_mem>>) src(%dma_wait3A_101 : memref<128x128xf32, #tpu.memory_space<vmem>>) dst(%dma_wait3A_107 : memref<10112x128xf32, #tpu.memory_space<vmem_shared>>)
      %dma_start3A_108 = arith.constant 2 : i32
      %dma_start3A_109 = arith.constant 0 : i32
      %dma_start3A_110 = arith.constant 0 : i32
      %dma_start3A_111 = arith.constant 0 : i32
      %dma_start3A_112 = tpu.memref_slice %arg9[%dma_start3A_109, %dma_start3A_110, %dma_start3A_111] : memref<2x128x128xf32, #tpu.memory_space<vmem>> -> memref<1x128x128xf32, #tpu.memory_space<vmem>>
      %dma_start3A_113 = tpu.memref_squeeze %dma_start3A_112 : memref<1x128x128xf32, #tpu.memory_space<vmem>> -> memref<128x128xf32, #tpu.memory_space<vmem>>
      %dma_start3A_114 = arith.constant 0 : i32
      %dma_start3A_115 = tpu.memref_slice %arg7[%dma_start3A_108, %dma_start3A_114] : memref<8x128xi32, #tpu.memory_space<vmem>> -> memref<1x128xi32, #tpu.memory_space<vmem>>
      %dma_start3A_116 = tpu.memref_squeeze %dma_start3A_115 : memref<1x128xi32, #tpu.memory_space<vmem>> -> memref<128xi32, #tpu.memory_space<vmem>>
      %dma_start3A_117 = arith.constant 0 : i32
      %dma_start3A_118 = arith.constant 0 : i32
      %dma_start3A_119 = tpu.memref_slice %arg2[%dma_start3A_117, %dma_start3A_118] : memref<10000x128xf32, #tpu.memory_space<hbm>> -> memref<10000x128xf32, #tpu.memory_space<hbm>>
      tpu.enqueue_indirect_dma source(%dma_start3A_119 : memref<10000x128xf32, #tpu.memory_space<hbm>>) target(%dma_start3A_113 : memref<128x128xf32, #tpu.memory_space<vmem>>) offsets(%dma_start3A_116 : memref<128xi32, #tpu.memory_space<vmem>>) semaphore(%arg11 : memref<!tpu.dma_semaphore, #tpu.memory_space<semaphore_mem>>)
      %dma_start3A_120 = arith.constant 3 : i32
      %dma_start3A_121 = arith.constant 1 : i32
      %dma_start3A_122 = arith.constant 0 : i32
      %dma_start3A_123 = arith.constant 0 : i32
      %dma_start3A_124 = tpu.memref_slice %arg9[%dma_start3A_121, %dma_start3A_122, %dma_start3A_123] : memref<2x128x128xf32, #tpu.memory_space<vmem>> -> memref<1x128x128xf32, #tpu.memory_space<vmem>>
      %dma_start3A_125 = tpu.memref_squeeze %dma_start3A_124 : memref<1x128x128xf32, #tpu.memory_space<vmem>> -> memref<128x128xf32, #tpu.memory_space<vmem>>
      %dma_start3A_126 = arith.constant 0 : i32
      %dma_start3A_127 = tpu.memref_slice %arg7[%dma_start3A_120, %dma_start3A_126] : memref<8x128xi32, #tpu.memory_space<vmem>> -> memref<1x128xi32, #tpu.memory_space<vmem>>
      %dma_start3A_128 = tpu.memref_squeeze %dma_start3A_127 : memref<1x128xi32, #tpu.memory_space<vmem>> -> memref<128xi32, #tpu.memory_space<vmem>>
      %dma_start3A_129 = arith.constant 0 : i32
      %dma_start3A_130 = arith.constant 0 : i32
      %dma_start3A_131 = tpu.memref_slice %arg2[%dma_start3A_129, %dma_start3A_130] : memref<10000x128xf32, #tpu.memory_space<hbm>> -> memref<10000x128xf32, #tpu.memory_space<hbm>>
      tpu.enqueue_indirect_dma source(%dma_start3A_131 : memref<10000x128xf32, #tpu.memory_space<hbm>>) target(%dma_start3A_125 : memref<128x128xf32, #tpu.memory_space<vmem>>) offsets(%dma_start3A_128 : memref<128xi32, #tpu.memory_space<vmem>>) semaphore(%arg11 : memref<!tpu.dma_semaphore, #tpu.memory_space<semaphore_mem>>)
      %dma_wait3A_132 = arith.constant 2 : i32
      %dma_wait3A_133 = arith.constant 0 : i32
      %dma_wait3A_134 = arith.constant 0 : i32
      %dma_wait3A_135 = arith.constant 0 : i32
      %dma_wait3A_136 = tpu.memref_slice %arg9[%dma_wait3A_133, %dma_wait3A_134, %dma_wait3A_135] : memref<2x128x128xf32, #tpu.memory_space<vmem>> -> memref<1x128x128xf32, #tpu.memory_space<vmem>>
      %dma_wait3A_137 = tpu.memref_squeeze %dma_wait3A_136 : memref<1x128x128xf32, #tpu.memory_space<vmem>> -> memref<128x128xf32, #tpu.memory_space<vmem>>
      %dma_wait3A_138 = arith.constant 0 : i32
      %dma_wait3A_139 = tpu.memref_slice %arg7[%dma_wait3A_132, %dma_wait3A_138] : memref<8x128xi32, #tpu.memory_space<vmem>> -> memref<1x128xi32, #tpu.memory_space<vmem>>
      %dma_wait3A_140 = tpu.memref_squeeze %dma_wait3A_139 : memref<1x128xi32, #tpu.memory_space<vmem>> -> memref<128xi32, #tpu.memory_space<vmem>>
      %dma_wait3A_141 = arith.constant 0 : i32
      %dma_wait3A_142 = arith.constant 0 : i32
      %dma_wait3A_143 = tpu.memref_slice %arg2[%dma_wait3A_141, %dma_wait3A_142] : memref<10000x128xf32, #tpu.memory_space<hbm>> -> memref<10000x128xf32, #tpu.memory_space<hbm>>
      tpu.wait_indirect_dma semaphore(%arg11 : memref<!tpu.dma_semaphore, #tpu.memory_space<semaphore_mem>>) src(%dma_wait3A_143 : memref<10000x128xf32, #tpu.memory_space<hbm>>) dst(%dma_wait3A_137 : memref<128x128xf32, #tpu.memory_space<vmem>>)
      %dma_start3A_144 = arith.constant 0 : i32
      %dma_start3A_145 = arith.constant 2 : i32
      %dma_start3A_146 = arith.constant 0 : i32
      %dma_start3A_147 = arith.constant 0 : i32
      %dma_start3A_148 = tpu.memref_slice %arg9[%dma_start3A_144, %dma_start3A_146, %dma_start3A_147] : memref<2x128x128xf32, #tpu.memory_space<vmem>> -> memref<1x128x128xf32, #tpu.memory_space<vmem>>
      %dma_start3A_149 = tpu.memref_squeeze %dma_start3A_148 : memref<1x128x128xf32, #tpu.memory_space<vmem>> -> memref<128x128xf32, #tpu.memory_space<vmem>>
      %dma_start3A_150 = arith.constant 0 : i32
      %dma_start3A_151 = tpu.memref_slice %arg8[%dma_start3A_145, %dma_start3A_150] : memref<8x128xi32, #tpu.memory_space<vmem>> -> memref<1x128xi32, #tpu.memory_space<vmem>>
      %dma_start3A_152 = tpu.memref_squeeze %dma_start3A_151 : memref<1x128xi32, #tpu.memory_space<vmem>> -> memref<128xi32, #tpu.memory_space<vmem>>
      %dma_start3A_153 = arith.constant 0 : i32
      %dma_start3A_154 = arith.constant 0 : i32
      %dma_start3A_155 = tpu.memref_slice %arg10[%dma_start3A_153, %dma_start3A_154] : memref<10112x128xf32, #tpu.memory_space<vmem_shared>> -> memref<10112x128xf32, #tpu.memory_space<vmem_shared>>
      tpu.enqueue_indirect_dma source(%dma_start3A_149 : memref<128x128xf32, #tpu.memory_space<vmem>>) target(%dma_start3A_155 : memref<10112x128xf32, #tpu.memory_space<vmem_shared>>) offsets(%dma_start3A_152 : memref<128xi32, #tpu.memory_space<vmem>>) semaphore(%arg12 : memref<!tpu.dma_semaphore, #tpu.memory_space<semaphore_mem>>) {add = true}
      %dma_wait3A_156 = arith.constant 3 : i32
      %dma_wait3A_157 = arith.constant 1 : i32
      %dma_wait3A_158 = arith.constant 0 : i32
      %dma_wait3A_159 = arith.constant 0 : i32
      %dma_wait3A_160 = tpu.memref_slice %arg9[%dma_wait3A_157, %dma_wait3A_158, %dma_wait3A_159] : memref<2x128x128xf32, #tpu.memory_space<vmem>> -> memref<1x128x128xf32, #tpu.memory_space<vmem>>
      %dma_wait3A_161 = tpu.memref_squeeze %dma_wait3A_160 : memref<1x128x128xf32, #tpu.memory_space<vmem>> -> memref<128x128xf32, #tpu.memory_space<vmem>>
      %dma_wait3A_162 = arith.constant 0 : i32
      %dma_wait3A_163 = tpu.memref_slice %arg7[%dma_wait3A_156, %dma_wait3A_162] : memref<8x128xi32, #tpu.memory_space<vmem>> -> memref<1x128xi32, #tpu.memory_space<vmem>>
      %dma_wait3A_164 = tpu.memref_squeeze %dma_wait3A_163 : memref<1x128xi32, #tpu.memory_space<vmem>> -> memref<128xi32, #tpu.memory_space<vmem>>
      %dma_wait3A_165 = arith.constant 0 : i32
      %dma_wait3A_166 = arith.constant 0 : i32
      %dma_wait3A_167 = tpu.memref_slice %arg2[%dma_wait3A_165, %dma_wait3A_166] : memref<10000x128xf32, #tpu.memory_space<hbm>> -> memref<10000x128xf32, #tpu.memory_space<hbm>>
      tpu.wait_indirect_dma semaphore(%arg11 : memref<!tpu.dma_semaphore, #tpu.memory_space<semaphore_mem>>) src(%dma_wait3A_167 : memref<10000x128xf32, #tpu.memory_space<hbm>>) dst(%dma_wait3A_161 : memref<128x128xf32, #tpu.memory_space<vmem>>)
      %dma_wait3A_168 = arith.constant 0 : i32
      %dma_wait3A_169 = arith.constant 2 : i32
      %dma_wait3A_170 = arith.constant 0 : i32
      %dma_wait3A_171 = arith.constant 0 : i32
      %dma_wait3A_172 = tpu.memref_slice %arg9[%dma_wait3A_168, %dma_wait3A_170, %dma_wait3A_171] : memref<2x128x128xf32, #tpu.memory_space<vmem>> -> memref<1x128x128xf32, #tpu.memory_space<vmem>>
      %dma_wait3A_173 = tpu.memref_squeeze %dma_wait3A_172 : memref<1x128x128xf32, #tpu.memory_space<vmem>> -> memref<128x128xf32, #tpu.memory_space<vmem>>
      %dma_wait3A_174 = arith.constant 0 : i32
      %dma_wait3A_175 = tpu.memref_slice %arg8[%dma_wait3A_169, %dma_wait3A_174] : memref<8x128xi32, #tpu.memory_space<vmem>> -> memref<1x128xi32, #tpu.memory_space<vmem>>
      %dma_wait3A_176 = tpu.memref_squeeze %dma_wait3A_175 : memref<1x128xi32, #tpu.memory_space<vmem>> -> memref<128xi32, #tpu.memory_space<vmem>>
      %dma_wait3A_177 = arith.constant 0 : i32
      %dma_wait3A_178 = arith.constant 0 : i32
      %dma_wait3A_179 = tpu.memref_slice %arg10[%dma_wait3A_177, %dma_wait3A_178] : memref<10112x128xf32, #tpu.memory_space<vmem_shared>> -> memref<10112x128xf32, #tpu.memory_space<vmem_shared>>
      tpu.wait_indirect_dma semaphore(%arg12 : memref<!tpu.dma_semaphore, #tpu.memory_space<semaphore_mem>>) src(%dma_wait3A_173 : memref<128x128xf32, #tpu.memory_space<vmem>>) dst(%dma_wait3A_179 : memref<10112x128xf32, #tpu.memory_space<vmem_shared>>)
      %dma_start3A_180 = arith.constant 1 : i32
      %dma_start3A_181 = arith.constant 3 : i32
      %dma_start3A_182 = arith.constant 0 : i32
      %dma_start3A_183 = arith.constant 0 : i32
      %dma_start3A_184 = tpu.memref_slice %arg9[%dma_start3A_180, %dma_start3A_182, %dma_start3A_183] : memref<2x128x128xf32, #tpu.memory_space<vmem>> -> memref<1x128x128xf32, #tpu.memory_space<vmem>>
      %dma_start3A_185 = tpu.memref_squeeze %dma_start3A_184 : memref<1x128x128xf32, #tpu.memory_space<vmem>> -> memref<128x128xf32, #tpu.memory_space<vmem>>
      %dma_start3A_186 = arith.constant 0 : i32
      %dma_start3A_187 = tpu.memref_slice %arg8[%dma_start3A_181, %dma_start3A_186] : memref<8x128xi32, #tpu.memory_space<vmem>> -> memref<1x128xi32, #tpu.memory_space<vmem>>
      %dma_start3A_188 = tpu.memref_squeeze %dma_start3A_187 : memref<1x128xi32, #tpu.memory_space<vmem>> -> memref<128xi32, #tpu.memory_space<vmem>>
      %dma_start3A_189 = arith.constant 0 : i32
      %dma_start3A_190 = arith.constant 0 : i32
      %dma_start3A_191 = tpu.memref_slice %arg10[%dma_start3A_189, %dma_start3A_190] : memref<10112x128xf32, #tpu.memory_space<vmem_shared>> -> memref<10112x128xf32, #tpu.memory_space<vmem_shared>>
      tpu.enqueue_indirect_dma source(%dma_start3A_185 : memref<128x128xf32, #tpu.memory_space<vmem>>) target(%dma_start3A_191 : memref<10112x128xf32, #tpu.memory_space<vmem_shared>>) offsets(%dma_start3A_188 : memref<128xi32, #tpu.memory_space<vmem>>) semaphore(%arg12 : memref<!tpu.dma_semaphore, #tpu.memory_space<semaphore_mem>>) {add = true}
      %dma_wait3A_192 = arith.constant 1 : i32
      %dma_wait3A_193 = arith.constant 3 : i32
      %dma_wait3A_194 = arith.constant 0 : i32
      %dma_wait3A_195 = arith.constant 0 : i32
      %dma_wait3A_196 = tpu.memref_slice %arg9[%dma_wait3A_192, %dma_wait3A_194, %dma_wait3A_195] : memref<2x128x128xf32, #tpu.memory_space<vmem>> -> memref<1x128x128xf32, #tpu.memory_space<vmem>>
      %dma_wait3A_197 = tpu.memref_squeeze %dma_wait3A_196 : memref<1x128x128xf32, #tpu.memory_space<vmem>> -> memref<128x128xf32, #tpu.memory_space<vmem>>
      %dma_wait3A_198 = arith.constant 0 : i32
      %dma_wait3A_199 = tpu.memref_slice %arg8[%dma_wait3A_193, %dma_wait3A_198] : memref<8x128xi32, #tpu.memory_space<vmem>> -> memref<1x128xi32, #tpu.memory_space<vmem>>
      %dma_wait3A_200 = tpu.memref_squeeze %dma_wait3A_199 : memref<1x128xi32, #tpu.memory_space<vmem>> -> memref<128xi32, #tpu.memory_space<vmem>>
      %dma_wait3A_201 = arith.constant 0 : i32
      %dma_wait3A_202 = arith.constant 0 : i32
      %dma_wait3A_203 = tpu.memref_slice %arg10[%dma_wait3A_201, %dma_wait3A_202] : memref<10112x128xf32, #tpu.memory_space<vmem_shared>> -> memref<10112x128xf32, #tpu.memory_space<vmem_shared>>
      tpu.wait_indirect_dma semaphore(%arg12 : memref<!tpu.dma_semaphore, #tpu.memory_space<semaphore_mem>>) src(%dma_wait3A_197 : memref<128x128xf32, #tpu.memory_space<vmem>>) dst(%dma_wait3A_203 : memref<10112x128xf32, #tpu.memory_space<vmem_shared>>)
      %dma_start3A_204 = arith.constant 4 : i32
      %dma_start3A_205 = arith.constant 0 : i32
      %dma_start3A_206 = arith.constant 0 : i32
      %dma_start3A_207 = arith.constant 0 : i32
      %dma_start3A_208 = tpu.memref_slice %arg9[%dma_start3A_205, %dma_start3A_206, %dma_start3A_207] : memref<2x128x128xf32, #tpu.memory_space<vmem>> -> memref<1x128x128xf32, #tpu.memory_space<vmem>>
      %dma_start3A_209 = tpu.memref_squeeze %dma_start3A_208 : memref<1x128x128xf32, #tpu.memory_space<vmem>> -> memref<128x128xf32, #tpu.memory_space<vmem>>
      %dma_start3A_210 = arith.constant 0 : i32
      %dma_start3A_211 = tpu.memref_slice %arg7[%dma_start3A_204, %dma_start3A_210] : memref<8x128xi32, #tpu.memory_space<vmem>> -> memref<1x128xi32, #tpu.memory_space<vmem>>
      %dma_start3A_212 = tpu.memref_squeeze %dma_start3A_211 : memref<1x128xi32, #tpu.memory_space<vmem>> -> memref<128xi32, #tpu.memory_space<vmem>>
      %dma_start3A_213 = arith.constant 0 : i32
      %dma_start3A_214 = arith.constant 0 : i32
      %dma_start3A_215 = tpu.memref_slice %arg2[%dma_start3A_213, %dma_start3A_214] : memref<10000x128xf32, #tpu.memory_space<hbm>> -> memref<10000x128xf32, #tpu.memory_space<hbm>>
      tpu.enqueue_indirect_dma source(%dma_start3A_215 : memref<10000x128xf32, #tpu.memory_space<hbm>>) target(%dma_start3A_209 : memref<128x128xf32, #tpu.memory_space<vmem>>) offsets(%dma_start3A_212 : memref<128xi32, #tpu.memory_space<vmem>>) semaphore(%arg11 : memref<!tpu.dma_semaphore, #tpu.memory_space<semaphore_mem>>)
      %dma_start3A_216 = arith.constant 5 : i32
      %dma_start3A_217 = arith.constant 1 : i32
      %dma_start3A_218 = arith.constant 0 : i32
      %dma_start3A_219 = arith.constant 0 : i32
      %dma_start3A_220 = tpu.memref_slice %arg9[%dma_start3A_217, %dma_start3A_218, %dma_start3A_219] : memref<2x128x128xf32, #tpu.memory_space<vmem>> -> memref<1x128x128xf32, #tpu.memory_space<vmem>>
      %dma_start3A_221 = tpu.memref_squeeze %dma_start3A_220 : memref<1x128x128xf32, #tpu.memory_space<vmem>> -> memref<128x128xf32, #tpu.memory_space<vmem>>
      %dma_start3A_222 = arith.constant 0 : i32
      %dma_start3A_223 = tpu.memref_slice %arg7[%dma_start3A_216, %dma_start3A_222] : memref<8x128xi32, #tpu.memory_space<vmem>> -> memref<1x128xi32, #tpu.memory_space<vmem>>
      %dma_start3A_224 = tpu.memref_squeeze %dma_start3A_223 : memref<1x128xi32, #tpu.memory_space<vmem>> -> memref<128xi32, #tpu.memory_space<vmem>>
      %dma_start3A_225 = arith.constant 0 : i32
      %dma_start3A_226 = arith.constant 0 : i32
      %dma_start3A_227 = tpu.memref_slice %arg2[%dma_start3A_225, %dma_start3A_226] : memref<10000x128xf32, #tpu.memory_space<hbm>> -> memref<10000x128xf32, #tpu.memory_space<hbm>>
      tpu.enqueue_indirect_dma source(%dma_start3A_227 : memref<10000x128xf32, #tpu.memory_space<hbm>>) target(%dma_start3A_221 : memref<128x128xf32, #tpu.memory_space<vmem>>) offsets(%dma_start3A_224 : memref<128xi32, #tpu.memory_space<vmem>>) semaphore(%arg11 : memref<!tpu.dma_semaphore, #tpu.memory_space<semaphore_mem>>)
      %dma_wait3A_228 = arith.constant 4 : i32
      %dma_wait3A_229 = arith.constant 0 : i32
      %dma_wait3A_230 = arith.constant 0 : i32
      %dma_wait3A_231 = arith.constant 0 : i32
      %dma_wait3A_232 = tpu.memref_slice %arg9[%dma_wait3A_229, %dma_wait3A_230, %dma_wait3A_231] : memref<2x128x128xf32, #tpu.memory_space<vmem>> -> memref<1x128x128xf32, #tpu.memory_space<vmem>>
      %dma_wait3A_233 = tpu.memref_squeeze %dma_wait3A_232 : memref<1x128x128xf32, #tpu.memory_space<vmem>> -> memref<128x128xf32, #tpu.memory_space<vmem>>
      %dma_wait3A_234 = arith.constant 0 : i32
      %dma_wait3A_235 = tpu.memref_slice %arg7[%dma_wait3A_228, %dma_wait3A_234] : memref<8x128xi32, #tpu.memory_space<vmem>> -> memref<1x128xi32, #tpu.memory_space<vmem>>
      %dma_wait3A_236 = tpu.memref_squeeze %dma_wait3A_235 : memref<1x128xi32, #tpu.memory_space<vmem>> -> memref<128xi32, #tpu.memory_space<vmem>>
      %dma_wait3A_237 = arith.constant 0 : i32
      %dma_wait3A_238 = arith.constant 0 : i32
      %dma_wait3A_239 = tpu.memref_slice %arg2[%dma_wait3A_237, %dma_wait3A_238] : memref<10000x128xf32, #tpu.memory_space<hbm>> -> memref<10000x128xf32, #tpu.memory_space<hbm>>
      tpu.wait_indirect_dma semaphore(%arg11 : memref<!tpu.dma_semaphore, #tpu.memory_space<semaphore_mem>>) src(%dma_wait3A_239 : memref<10000x128xf32, #tpu.memory_space<hbm>>) dst(%dma_wait3A_233 : memref<128x128xf32, #tpu.memory_space<vmem>>)
      %dma_start3A_240 = arith.constant 0 : i32
      %dma_start3A_241 = arith.constant 4 : i32
      %dma_start3A_242 = arith.constant 0 : i32
      %dma_start3A_243 = arith.constant 0 : i32
      %dma_start3A_244 = tpu.memref_slice %arg9[%dma_start3A_240, %dma_start3A_242, %dma_start3A_243] : memref<2x128x128xf32, #tpu.memory_space<vmem>> -> memref<1x128x128xf32, #tpu.memory_space<vmem>>
      %dma_start3A_245 = tpu.memref_squeeze %dma_start3A_244 : memref<1x128x128xf32, #tpu.memory_space<vmem>> -> memref<128x128xf32, #tpu.memory_space<vmem>>
      %dma_start3A_246 = arith.constant 0 : i32
      %dma_start3A_247 = tpu.memref_slice %arg8[%dma_start3A_241, %dma_start3A_246] : memref<8x128xi32, #tpu.memory_space<vmem>> -> memref<1x128xi32, #tpu.memory_space<vmem>>
      %dma_start3A_248 = tpu.memref_squeeze %dma_start3A_247 : memref<1x128xi32, #tpu.memory_space<vmem>> -> memref<128xi32, #tpu.memory_space<vmem>>
      %dma_start3A_249 = arith.constant 0 : i32
      %dma_start3A_250 = arith.constant 0 : i32
      %dma_start3A_251 = tpu.memref_slice %arg10[%dma_start3A_249, %dma_start3A_250] : memref<10112x128xf32, #tpu.memory_space<vmem_shared>> -> memref<10112x128xf32, #tpu.memory_space<vmem_shared>>
      tpu.enqueue_indirect_dma source(%dma_start3A_245 : memref<128x128xf32, #tpu.memory_space<vmem>>) target(%dma_start3A_251 : memref<10112x128xf32, #tpu.memory_space<vmem_shared>>) offsets(%dma_start3A_248 : memref<128xi32, #tpu.memory_space<vmem>>) semaphore(%arg12 : memref<!tpu.dma_semaphore, #tpu.memory_space<semaphore_mem>>) {add = true}
      %dma_wait3A_252 = arith.constant 5 : i32
      %dma_wait3A_253 = arith.constant 1 : i32
      %dma_wait3A_254 = arith.constant 0 : i32
      %dma_wait3A_255 = arith.constant 0 : i32
      %dma_wait3A_256 = tpu.memref_slice %arg9[%dma_wait3A_253, %dma_wait3A_254, %dma_wait3A_255] : memref<2x128x128xf32, #tpu.memory_space<vmem>> -> memref<1x128x128xf32, #tpu.memory_space<vmem>>
      %dma_wait3A_257 = tpu.memref_squeeze %dma_wait3A_256 : memref<1x128x128xf32, #tpu.memory_space<vmem>> -> memref<128x128xf32, #tpu.memory_space<vmem>>
      %dma_wait3A_258 = arith.constant 0 : i32
      %dma_wait3A_259 = tpu.memref_slice %arg7[%dma_wait3A_252, %dma_wait3A_258] : memref<8x128xi32, #tpu.memory_space<vmem>> -> memref<1x128xi32, #tpu.memory_space<vmem>>
      %dma_wait3A_260 = tpu.memref_squeeze %dma_wait3A_259 : memref<1x128xi32, #tpu.memory_space<vmem>> -> memref<128xi32, #tpu.memory_space<vmem>>
      %dma_wait3A_261 = arith.constant 0 : i32
      %dma_wait3A_262 = arith.constant 0 : i32
      %dma_wait3A_263 = tpu.memref_slice %arg2[%dma_wait3A_261, %dma_wait3A_262] : memref<10000x128xf32, #tpu.memory_space<hbm>> -> memref<10000x128xf32, #tpu.memory_space<hbm>>
      tpu.wait_indirect_dma semaphore(%arg11 : memref<!tpu.dma_semaphore, #tpu.memory_space<semaphore_mem>>) src(%dma_wait3A_263 : memref<10000x128xf32, #tpu.memory_space<hbm>>) dst(%dma_wait3A_257 : memref<128x128xf32, #tpu.memory_space<vmem>>)
      %dma_wait3A_264 = arith.constant 0 : i32
      %dma_wait3A_265 = arith.constant 4 : i32
      %dma_wait3A_266 = arith.constant 0 : i32
      %dma_wait3A_267 = arith.constant 0 : i32
      %dma_wait3A_268 = tpu.memref_slice %arg9[%dma_wait3A_264, %dma_wait3A_266, %dma_wait3A_267] : memref<2x128x128xf32, #tpu.memory_space<vmem>> -> memref<1x128x128xf32, #tpu.memory_space<vmem>>
      %dma_wait3A_269 = tpu.memref_squeeze %dma_wait3A_268 : memref<1x128x128xf32, #tpu.memory_space<vmem>> -> memref<128x128xf32, #tpu.memory_space<vmem>>
      %dma_wait3A_270 = arith.constant 0 : i32
      %dma_wait3A_271 = tpu.memref_slice %arg8[%dma_wait3A_265, %dma_wait3A_270] : memref<8x128xi32, #tpu.memory_space<vmem>> -> memref<1x128xi32, #tpu.memory_space<vmem>>
      %dma_wait3A_272 = tpu.memref_squeeze %dma_wait3A_271 : memref<1x128xi32, #tpu.memory_space<vmem>> -> memref<128xi32, #tpu.memory_space<vmem>>
      %dma_wait3A_273 = arith.constant 0 : i32
      %dma_wait3A_274 = arith.constant 0 : i32
      %dma_wait3A_275 = tpu.memref_slice %arg10[%dma_wait3A_273, %dma_wait3A_274] : memref<10112x128xf32, #tpu.memory_space<vmem_shared>> -> memref<10112x128xf32, #tpu.memory_space<vmem_shared>>
      tpu.wait_indirect_dma semaphore(%arg12 : memref<!tpu.dma_semaphore, #tpu.memory_space<semaphore_mem>>) src(%dma_wait3A_269 : memref<128x128xf32, #tpu.memory_space<vmem>>) dst(%dma_wait3A_275 : memref<10112x128xf32, #tpu.memory_space<vmem_shared>>)
      %dma_start3A_276 = arith.constant 1 : i32
      %dma_start3A_277 = arith.constant 5 : i32
      %dma_start3A_278 = arith.constant 0 : i32
      %dma_start3A_279 = arith.constant 0 : i32
      %dma_start3A_280 = tpu.memref_slice %arg9[%dma_start3A_276, %dma_start3A_278, %dma_start3A_279] : memref<2x128x128xf32, #tpu.memory_space<vmem>> -> memref<1x128x128xf32, #tpu.memory_space<vmem>>
      %dma_start3A_281 = tpu.memref_squeeze %dma_start3A_280 : memref<1x128x128xf32, #tpu.memory_space<vmem>> -> memref<128x128xf32, #tpu.memory_space<vmem>>
      %dma_start3A_282 = arith.constant 0 : i32
      %dma_start3A_283 = tpu.memref_slice %arg8[%dma_start3A_277, %dma_start3A_282] : memref<8x128xi32, #tpu.memory_space<vmem>> -> memref<1x128xi32, #tpu.memory_space<vmem>>
      %dma_start3A_284 = tpu.memref_squeeze %dma_start3A_283 : memref<1x128xi32, #tpu.memory_space<vmem>> -> memref<128xi32, #tpu.memory_space<vmem>>
      %dma_start3A_285 = arith.constant 0 : i32
      %dma_start3A_286 = arith.constant 0 : i32
      %dma_start3A_287 = tpu.memref_slice %arg10[%dma_start3A_285, %dma_start3A_286] : memref<10112x128xf32, #tpu.memory_space<vmem_shared>> -> memref<10112x128xf32, #tpu.memory_space<vmem_shared>>
      tpu.enqueue_indirect_dma source(%dma_start3A_281 : memref<128x128xf32, #tpu.memory_space<vmem>>) target(%dma_start3A_287 : memref<10112x128xf32, #tpu.memory_space<vmem_shared>>) offsets(%dma_start3A_284 : memref<128xi32, #tpu.memory_space<vmem>>) semaphore(%arg12 : memref<!tpu.dma_semaphore, #tpu.memory_space<semaphore_mem>>) {add = true}
      %dma_wait3A_288 = arith.constant 1 : i32
      %dma_wait3A_289 = arith.constant 5 : i32
      %dma_wait3A_290 = arith.constant 0 : i32
      %dma_wait3A_291 = arith.constant 0 : i32
      %dma_wait3A_292 = tpu.memref_slice %arg9[%dma_wait3A_288, %dma_wait3A_290, %dma_wait3A_291] : memref<2x128x128xf32, #tpu.memory_space<vmem>> -> memref<1x128x128xf32, #tpu.memory_space<vmem>>
      %dma_wait3A_293 = tpu.memref_squeeze %dma_wait3A_292 : memref<1x128x128xf32, #tpu.memory_space<vmem>> -> memref<128x128xf32, #tpu.memory_space<vmem>>
      %dma_wait3A_294 = arith.constant 0 : i32
      %dma_wait3A_295 = tpu.memref_slice %arg8[%dma_wait3A_289, %dma_wait3A_294] : memref<8x128xi32, #tpu.memory_space<vmem>> -> memref<1x128xi32, #tpu.memory_space<vmem>>
      %dma_wait3A_296 = tpu.memref_squeeze %dma_wait3A_295 : memref<1x128xi32, #tpu.memory_space<vmem>> -> memref<128xi32, #tpu.memory_space<vmem>>
      %dma_wait3A_297 = arith.constant 0 : i32
      %dma_wait3A_298 = arith.constant 0 : i32
      %dma_wait3A_299 = tpu.memref_slice %arg10[%dma_wait3A_297, %dma_wait3A_298] : memref<10112x128xf32, #tpu.memory_space<vmem_shared>> -> memref<10112x128xf32, #tpu.memory_space<vmem_shared>>
      tpu.wait_indirect_dma semaphore(%arg12 : memref<!tpu.dma_semaphore, #tpu.memory_space<semaphore_mem>>) src(%dma_wait3A_293 : memref<128x128xf32, #tpu.memory_space<vmem>>) dst(%dma_wait3A_299 : memref<10112x128xf32, #tpu.memory_space<vmem_shared>>)
      %dma_start3A_300 = arith.constant 6 : i32
      %dma_start3A_301 = arith.constant 0 : i32
      %dma_start3A_302 = arith.constant 0 : i32
      %dma_start3A_303 = arith.constant 0 : i32
      %dma_start3A_304 = tpu.memref_slice %arg9[%dma_start3A_301, %dma_start3A_302, %dma_start3A_303] : memref<2x128x128xf32, #tpu.memory_space<vmem>> -> memref<1x128x128xf32, #tpu.memory_space<vmem>>
      %dma_start3A_305 = tpu.memref_squeeze %dma_start3A_304 : memref<1x128x128xf32, #tpu.memory_space<vmem>> -> memref<128x128xf32, #tpu.memory_space<vmem>>
      %dma_start3A_306 = arith.constant 0 : i32
      %dma_start3A_307 = tpu.memref_slice %arg7[%dma_start3A_300, %dma_start3A_306] : memref<8x128xi32, #tpu.memory_space<vmem>> -> memref<1x128xi32, #tpu.memory_space<vmem>>
      %dma_start3A_308 = tpu.memref_squeeze %dma_start3A_307 : memref<1x128xi32, #tpu.memory_space<vmem>> -> memref<128xi32, #tpu.memory_space<vmem>>
      %dma_start3A_309 = arith.constant 0 : i32
      %dma_start3A_310 = arith.constant 0 : i32
      %dma_start3A_311 = tpu.memref_slice %arg2[%dma_start3A_309, %dma_start3A_310] : memref<10000x128xf32, #tpu.memory_space<hbm>> -> memref<10000x128xf32, #tpu.memory_space<hbm>>
      tpu.enqueue_indirect_dma source(%dma_start3A_311 : memref<10000x128xf32, #tpu.memory_space<hbm>>) target(%dma_start3A_305 : memref<128x128xf32, #tpu.memory_space<vmem>>) offsets(%dma_start3A_308 : memref<128xi32, #tpu.memory_space<vmem>>) semaphore(%arg11 : memref<!tpu.dma_semaphore, #tpu.memory_space<semaphore_mem>>)
      %dma_start3A_312 = arith.constant 7 : i32
      %dma_start3A_313 = arith.constant 1 : i32
      %dma_start3A_314 = arith.constant 0 : i32
      %dma_start3A_315 = arith.constant 0 : i32
      %dma_start3A_316 = tpu.memref_slice %arg9[%dma_start3A_313, %dma_start3A_314, %dma_start3A_315] : memref<2x128x128xf32, #tpu.memory_space<vmem>> -> memref<1x128x128xf32, #tpu.memory_space<vmem>>
      %dma_start3A_317 = tpu.memref_squeeze %dma_start3A_316 : memref<1x128x128xf32, #tpu.memory_space<vmem>> -> memref<128x128xf32, #tpu.memory_space<vmem>>
      %dma_start3A_318 = arith.constant 0 : i32
      %dma_start3A_319 = tpu.memref_slice %arg7[%dma_start3A_312, %dma_start3A_318] : memref<8x128xi32, #tpu.memory_space<vmem>> -> memref<1x128xi32, #tpu.memory_space<vmem>>
      %dma_start3A_320 = tpu.memref_squeeze %dma_start3A_319 : memref<1x128xi32, #tpu.memory_space<vmem>> -> memref<128xi32, #tpu.memory_space<vmem>>
      %dma_start3A_321 = arith.constant 0 : i32
      %dma_start3A_322 = arith.constant 0 : i32
      %dma_start3A_323 = tpu.memref_slice %arg2[%dma_start3A_321, %dma_start3A_322] : memref<10000x128xf32, #tpu.memory_space<hbm>> -> memref<10000x128xf32, #tpu.memory_space<hbm>>
      tpu.enqueue_indirect_dma source(%dma_start3A_323 : memref<10000x128xf32, #tpu.memory_space<hbm>>) target(%dma_start3A_317 : memref<128x128xf32, #tpu.memory_space<vmem>>) offsets(%dma_start3A_320 : memref<128xi32, #tpu.memory_space<vmem>>) semaphore(%arg11 : memref<!tpu.dma_semaphore, #tpu.memory_space<semaphore_mem>>)
      %dma_wait3A_324 = arith.constant 6 : i32
      %dma_wait3A_325 = arith.constant 0 : i32
      %dma_wait3A_326 = arith.constant 0 : i32
      %dma_wait3A_327 = arith.constant 0 : i32
      %dma_wait3A_328 = tpu.memref_slice %arg9[%dma_wait3A_325, %dma_wait3A_326, %dma_wait3A_327] : memref<2x128x128xf32, #tpu.memory_space<vmem>> -> memref<1x128x128xf32, #tpu.memory_space<vmem>>
      %dma_wait3A_329 = tpu.memref_squeeze %dma_wait3A_328 : memref<1x128x128xf32, #tpu.memory_space<vmem>> -> memref<128x128xf32, #tpu.memory_space<vmem>>
      %dma_wait3A_330 = arith.constant 0 : i32
      %dma_wait3A_331 = tpu.memref_slice %arg7[%dma_wait3A_324, %dma_wait3A_330] : memref<8x128xi32, #tpu.memory_space<vmem>> -> memref<1x128xi32, #tpu.memory_space<vmem>>
      %dma_wait3A_332 = tpu.memref_squeeze %dma_wait3A_331 : memref<1x128xi32, #tpu.memory_space<vmem>> -> memref<128xi32, #tpu.memory_space<vmem>>
      %dma_wait3A_333 = arith.constant 0 : i32
      %dma_wait3A_334 = arith.constant 0 : i32
      %dma_wait3A_335 = tpu.memref_slice %arg2[%dma_wait3A_333, %dma_wait3A_334] : memref<10000x128xf32, #tpu.memory_space<hbm>> -> memref<10000x128xf32, #tpu.memory_space<hbm>>
      tpu.wait_indirect_dma semaphore(%arg11 : memref<!tpu.dma_semaphore, #tpu.memory_space<semaphore_mem>>) src(%dma_wait3A_335 : memref<10000x128xf32, #tpu.memory_space<hbm>>) dst(%dma_wait3A_329 : memref<128x128xf32, #tpu.memory_space<vmem>>)
      %dma_start3A_336 = arith.constant 0 : i32
      %dma_start3A_337 = arith.constant 6 : i32
      %dma_start3A_338 = arith.constant 0 : i32
      %dma_start3A_339 = arith.constant 0 : i32
      %dma_start3A_340 = tpu.memref_slice %arg9[%dma_start3A_336, %dma_start3A_338, %dma_start3A_339] : memref<2x128x128xf32, #tpu.memory_space<vmem>> -> memref<1x128x128xf32, #tpu.memory_space<vmem>>
      %dma_start3A_341 = tpu.memref_squeeze %dma_start3A_340 : memref<1x128x128xf32, #tpu.memory_space<vmem>> -> memref<128x128xf32, #tpu.memory_space<vmem>>
      %dma_start3A_342 = arith.constant 0 : i32
      %dma_start3A_343 = tpu.memref_slice %arg8[%dma_start3A_337, %dma_start3A_342] : memref<8x128xi32, #tpu.memory_space<vmem>> -> memref<1x128xi32, #tpu.memory_space<vmem>>
      %dma_start3A_344 = tpu.memref_squeeze %dma_start3A_343 : memref<1x128xi32, #tpu.memory_space<vmem>> -> memref<128xi32, #tpu.memory_space<vmem>>
      %dma_start3A_345 = arith.constant 0 : i32
      %dma_start3A_346 = arith.constant 0 : i32
      %dma_start3A_347 = tpu.memref_slice %arg10[%dma_start3A_345, %dma_start3A_346] : memref<10112x128xf32, #tpu.memory_space<vmem_shared>> -> memref<10112x128xf32, #tpu.memory_space<vmem_shared>>
      tpu.enqueue_indirect_dma source(%dma_start3A_341 : memref<128x128xf32, #tpu.memory_space<vmem>>) target(%dma_start3A_347 : memref<10112x128xf32, #tpu.memory_space<vmem_shared>>) offsets(%dma_start3A_344 : memref<128xi32, #tpu.memory_space<vmem>>) semaphore(%arg12 : memref<!tpu.dma_semaphore, #tpu.memory_space<semaphore_mem>>) {add = true}
      %dma_wait3A_348 = arith.constant 7 : i32
      %dma_wait3A_349 = arith.constant 1 : i32
      %dma_wait3A_350 = arith.constant 0 : i32
      %dma_wait3A_351 = arith.constant 0 : i32
      %dma_wait3A_352 = tpu.memref_slice %arg9[%dma_wait3A_349, %dma_wait3A_350, %dma_wait3A_351] : memref<2x128x128xf32, #tpu.memory_space<vmem>> -> memref<1x128x128xf32, #tpu.memory_space<vmem>>
      %dma_wait3A_353 = tpu.memref_squeeze %dma_wait3A_352 : memref<1x128x128xf32, #tpu.memory_space<vmem>> -> memref<128x128xf32, #tpu.memory_space<vmem>>
      %dma_wait3A_354 = arith.constant 0 : i32
      %dma_wait3A_355 = tpu.memref_slice %arg7[%dma_wait3A_348, %dma_wait3A_354] : memref<8x128xi32, #tpu.memory_space<vmem>> -> memref<1x128xi32, #tpu.memory_space<vmem>>
      %dma_wait3A_356 = tpu.memref_squeeze %dma_wait3A_355 : memref<1x128xi32, #tpu.memory_space<vmem>> -> memref<128xi32, #tpu.memory_space<vmem>>
      %dma_wait3A_357 = arith.constant 0 : i32
      %dma_wait3A_358 = arith.constant 0 : i32
      %dma_wait3A_359 = tpu.memref_slice %arg2[%dma_wait3A_357, %dma_wait3A_358] : memref<10000x128xf32, #tpu.memory_space<hbm>> -> memref<10000x128xf32, #tpu.memory_space<hbm>>
      tpu.wait_indirect_dma semaphore(%arg11 : memref<!tpu.dma_semaphore, #tpu.memory_space<semaphore_mem>>) src(%dma_wait3A_359 : memref<10000x128xf32, #tpu.memory_space<hbm>>) dst(%dma_wait3A_353 : memref<128x128xf32, #tpu.memory_space<vmem>>)
      %dma_wait3A_360 = arith.constant 0 : i32
      %dma_wait3A_361 = arith.constant 6 : i32
      %dma_wait3A_362 = arith.constant 0 : i32
      %dma_wait3A_363 = arith.constant 0 : i32
      %dma_wait3A_364 = tpu.memref_slice %arg9[%dma_wait3A_360, %dma_wait3A_362, %dma_wait3A_363] : memref<2x128x128xf32, #tpu.memory_space<vmem>> -> memref<1x128x128xf32, #tpu.memory_space<vmem>>
      %dma_wait3A_365 = tpu.memref_squeeze %dma_wait3A_364 : memref<1x128x128xf32, #tpu.memory_space<vmem>> -> memref<128x128xf32, #tpu.memory_space<vmem>>
      %dma_wait3A_366 = arith.constant 0 : i32
      %dma_wait3A_367 = tpu.memref_slice %arg8[%dma_wait3A_361, %dma_wait3A_366] : memref<8x128xi32, #tpu.memory_space<vmem>> -> memref<1x128xi32, #tpu.memory_space<vmem>>
      %dma_wait3A_368 = tpu.memref_squeeze %dma_wait3A_367 : memref<1x128xi32, #tpu.memory_space<vmem>> -> memref<128xi32, #tpu.memory_space<vmem>>
      %dma_wait3A_369 = arith.constant 0 : i32
      %dma_wait3A_370 = arith.constant 0 : i32
      %dma_wait3A_371 = tpu.memref_slice %arg10[%dma_wait3A_369, %dma_wait3A_370] : memref<10112x128xf32, #tpu.memory_space<vmem_shared>> -> memref<10112x128xf32, #tpu.memory_space<vmem_shared>>
      tpu.wait_indirect_dma semaphore(%arg12 : memref<!tpu.dma_semaphore, #tpu.memory_space<semaphore_mem>>) src(%dma_wait3A_365 : memref<128x128xf32, #tpu.memory_space<vmem>>) dst(%dma_wait3A_371 : memref<10112x128xf32, #tpu.memory_space<vmem_shared>>)
      %dma_start3A_372 = arith.constant 1 : i32
      %dma_start3A_373 = arith.constant 7 : i32
      %dma_start3A_374 = arith.constant 0 : i32
      %dma_start3A_375 = arith.constant 0 : i32
      %dma_start3A_376 = tpu.memref_slice %arg9[%dma_start3A_372, %dma_start3A_374, %dma_start3A_375] : memref<2x128x128xf32, #tpu.memory_space<vmem>> -> memref<1x128x128xf32, #tpu.memory_space<vmem>>
      %dma_start3A_377 = tpu.memref_squeeze %dma_start3A_376 : memref<1x128x128xf32, #tpu.memory_space<vmem>> -> memref<128x128xf32, #tpu.memory_space<vmem>>
      %dma_start3A_378 = arith.constant 0 : i32
      %dma_start3A_379 = tpu.memref_slice %arg8[%dma_start3A_373, %dma_start3A_378] : memref<8x128xi32, #tpu.memory_space<vmem>> -> memref<1x128xi32, #tpu.memory_space<vmem>>
      %dma_start3A_380 = tpu.memref_squeeze %dma_start3A_379 : memref<1x128xi32, #tpu.memory_space<vmem>> -> memref<128xi32, #tpu.memory_space<vmem>>
      %dma_start3A_381 = arith.constant 0 : i32
      %dma_start3A_382 = arith.constant 0 : i32
      %dma_start3A_383 = tpu.memref_slice %arg10[%dma_start3A_381, %dma_start3A_382] : memref<10112x128xf32, #tpu.memory_space<vmem_shared>> -> memref<10112x128xf32, #tpu.memory_space<vmem_shared>>
      tpu.enqueue_indirect_dma source(%dma_start3A_377 : memref<128x128xf32, #tpu.memory_space<vmem>>) target(%dma_start3A_383 : memref<10112x128xf32, #tpu.memory_space<vmem_shared>>) offsets(%dma_start3A_380 : memref<128xi32, #tpu.memory_space<vmem>>) semaphore(%arg12 : memref<!tpu.dma_semaphore, #tpu.memory_space<semaphore_mem>>) {add = true}
      %dma_wait3A_384 = arith.constant 1 : i32
      %dma_wait3A_385 = arith.constant 7 : i32
      %dma_wait3A_386 = arith.constant 0 : i32
      %dma_wait3A_387 = arith.constant 0 : i32
      %dma_wait3A_388 = tpu.memref_slice %arg9[%dma_wait3A_384, %dma_wait3A_386, %dma_wait3A_387] : memref<2x128x128xf32, #tpu.memory_space<vmem>> -> memref<1x128x128xf32, #tpu.memory_space<vmem>>
      %dma_wait3A_389 = tpu.memref_squeeze %dma_wait3A_388 : memref<1x128x128xf32, #tpu.memory_space<vmem>> -> memref<128x128xf32, #tpu.memory_space<vmem>>
      %dma_wait3A_390 = arith.constant 0 : i32
      %dma_wait3A_391 = tpu.memref_slice %arg8[%dma_wait3A_385, %dma_wait3A_390] : memref<8x128xi32, #tpu.memory_space<vmem>> -> memref<1x128xi32, #tpu.memory_space<vmem>>
      %dma_wait3A_392 = tpu.memref_squeeze %dma_wait3A_391 : memref<1x128xi32, #tpu.memory_space<vmem>> -> memref<128xi32, #tpu.memory_space<vmem>>
      %dma_wait3A_393 = arith.constant 0 : i32
      %dma_wait3A_394 = arith.constant 0 : i32
      %dma_wait3A_395 = tpu.memref_slice %arg10[%dma_wait3A_393, %dma_wait3A_394] : memref<10112x128xf32, #tpu.memory_space<vmem_shared>> -> memref<10112x128xf32, #tpu.memory_space<vmem_shared>>
      tpu.wait_indirect_dma semaphore(%arg12 : memref<!tpu.dma_semaphore, #tpu.memory_space<semaphore_mem>>) src(%dma_wait3A_389 : memref<128x128xf32, #tpu.memory_space<vmem>>) dst(%dma_wait3A_395 : memref<10112x128xf32, #tpu.memory_space<vmem_shared>>)
    }
    %scan3A_6 = arith.constant 10 : i32
    %barrier3A_7 = arith.constant 0 : index
    tpu.barrier barrier_id(%barrier3A_7)
    "tpu.region"() ({
      %run_scoped3A = tpu.sem_alloc : memref<!tpu.dma_semaphore, #tpu.memory_space<semaphore_mem>>
      %dma_start3A = arith.constant 0 : i32
      %dma_start3A_8 = tpu.memref_slice %arg6[%arg0, %mul3A_2, %dma_start3A] : memref<2x10112x128xf32, #tpu.memory_space<hbm>> -> memref<1x632x128xf32, #tpu.memory_space<hbm>>
      %dma_start3A_9 = tpu.memref_squeeze %dma_start3A_8 : memref<1x632x128xf32, #tpu.memory_space<hbm>> -> memref<632x128xf32, #tpu.memory_space<hbm>>
      %dma_start3A_10 = arith.constant 0 : i32
      %dma_start3A_11 = tpu.memref_slice %arg10[%mul3A_2, %dma_start3A_10] : memref<10112x128xf32, #tpu.memory_space<vmem_shared>> -> memref<632x128xf32, #tpu.memory_space<vmem_shared>>
      tpu.enqueue_dma source(%dma_start3A_11 : memref<632x128xf32, #tpu.memory_space<vmem_shared>>) target(%dma_start3A_9 : memref<632x128xf32, #tpu.memory_space<hbm>>) target_semaphore(%run_scoped3A : memref<!tpu.dma_semaphore, #tpu.memory_space<semaphore_mem>>)
      %dma_wait3A = arith.constant 0 : i32
      %dma_wait3A_12 = tpu.memref_slice %arg6[%arg0, %mul3A_2, %dma_wait3A] : memref<2x10112x128xf32, #tpu.memory_space<hbm>> -> memref<1x632x128xf32, #tpu.memory_space<hbm>>
      %dma_wait3A_13 = tpu.memref_squeeze %dma_wait3A_12 : memref<1x632x128xf32, #tpu.memory_space<hbm>> -> memref<632x128xf32, #tpu.memory_space<hbm>>
      %dma_wait3A_14 = arith.constant 0 : i32
      %dma_wait3A_15 = tpu.memref_slice %arg10[%mul3A_2, %dma_wait3A_14] : memref<10112x128xf32, #tpu.memory_space<vmem_shared>> -> memref<632x128xf32, #tpu.memory_space<vmem_shared>>
      tpu.wait_dma2 semaphore(%run_scoped3A : memref<!tpu.dma_semaphore, #tpu.memory_space<semaphore_mem>>) src(%dma_wait3A_15 : memref<632x128xf32, #tpu.memory_space<vmem_shared>>) dst(%dma_wait3A_13 : memref<632x128xf32, #tpu.memory_space<hbm>>)
      tpu.yield
    }) : () -> ()
    return
  }
}

#map = affine_map<(d0, d1) -> (0, 0)>
#map1 = affine_map<(d0, d1) -> (0, 0, 0)>
module attributes {stable_mosaic.version = 14 : i64} {
  func.func @seg_kernel(%arg0: i32, %arg1: i32, %arg2: memref<10000x128xf32, #tpu.memory_space<hbm>>, %arg3: memref<2560x128xi32, #tpu.memory_space<hbm>>, %arg4: memref<2560x128xi32, #tpu.memory_space<hbm>>, %arg5: memref<632x128xf32, #tpu.memory_space<hbm>>, %arg6: memref<2x10112x128xf32, #tpu.memory_space<hbm>>, %arg7: memref<8x128xi32, #tpu.memory_space<vmem>>, %arg8: memref<8x128xi32, #tpu.memory_space<vmem>>, %arg9: memref<2x128x128xf32, #tpu.memory_space<vmem>>, %arg10: memref<10112x128xf32, #tpu.memory_space<vmem_shared>>, %arg11: memref<!tpu.dma_semaphore, #tpu.memory_space<semaphore_mem>>, %arg12: memref<!tpu.dma_semaphore, #tpu.memory_space<semaphore_mem>>) attributes {dimension_semantics = [#tpu.dimension_semantics<core_parallel>, #tpu.dimension_semantics<subcore_parallel>], iteration_bounds = array<i64: 2, 16>, scalar_prefetch = 0 : i64, scratch_operands = 6 : i64, tpu.core_type = #tpu.core_type<sc_vector_subcore>, window_params = [{transform_indices = #map}, {transform_indices = #map}, {transform_indices = #map}, {transform_indices = #map}, {transform_indices = #map1}]} {
    %mul3A = arith.constant 2 : i32
    %mul3A_0 = arith.muli %arg1, %mul3A : i32
    %add3A = arith.addi %mul3A_0, %arg0 : i32
    %mul3A_1 = arith.constant 632 : i32
    %mul3A_2 = arith.muli %arg1, %mul3A_1 : i32
    "tpu.region"() ({
      %run_scoped3A = tpu.sem_alloc : memref<!tpu.dma_semaphore, #tpu.memory_space<semaphore_mem>>
      %dma_start3A = arith.constant 0 : i32
      %dma_start3A_8 = tpu.memref_slice %arg10[%mul3A_2, %dma_start3A] : memref<10112x128xf32, #tpu.memory_space<vmem_shared>> -> memref<632x128xf32, #tpu.memory_space<vmem_shared>>
      tpu.enqueue_dma source(%arg5 : memref<632x128xf32, #tpu.memory_space<hbm>>) target(%dma_start3A_8 : memref<632x128xf32, #tpu.memory_space<vmem_shared>>) target_semaphore(%run_scoped3A : memref<!tpu.dma_semaphore, #tpu.memory_space<semaphore_mem>>)
      %dma_wait3A = arith.constant 0 : i32
      %dma_wait3A_9 = tpu.memref_slice %arg10[%mul3A_2, %dma_wait3A] : memref<10112x128xf32, #tpu.memory_space<vmem_shared>> -> memref<632x128xf32, #tpu.memory_space<vmem_shared>>
      tpu.wait_dma2 semaphore(%run_scoped3A : memref<!tpu.dma_semaphore, #tpu.memory_space<semaphore_mem>>) src(%arg5 : memref<632x128xf32, #tpu.memory_space<hbm>>) dst(%dma_wait3A_9 : memref<632x128xf32, #tpu.memory_space<vmem_shared>>)
      tpu.yield
    }) : () -> ()
    %barrier3A = arith.constant 0 : index
    tpu.barrier barrier_id(%barrier3A)
    %scan3A = arith.constant 0 : i32
    %scan3A_3 = arith.constant 10 : i32
    %scan3A_4 = arith.addi %scan3A, %scan3A_3 : i32
    %scan3A_5 = arith.constant 1 : i32
    scf.for %scan3A_8 = %scan3A to %scan3A_4 step %scan3A_5  : i32 {
      %mul3A_9 = arith.constant 80 : i32
      %mul3A_10 = arith.muli %add3A, %mul3A_9 : i32
      %mul3A_11 = arith.constant 8 : i32
      %mul3A_12 = arith.muli %scan3A_8, %mul3A_11 : i32
      %add3A_13 = arith.addi %mul3A_10, %mul3A_12 : i32
      "tpu.region"() ({
        %run_scoped3A = tpu.sem_alloc : memref<!tpu.dma_semaphore, #tpu.memory_space<semaphore_mem>>
        %dma_start3A_396 = arith.constant 0 : i32
        %dma_start3A_397 = tpu.memref_slice %arg3[%add3A_13, %dma_start3A_396] : memref<2560x128xi32, #tpu.memory_space<hbm>> -> memref<8x128xi32, #tpu.memory_space<hbm>>
        %dma_start3A_398 = arith.constant 0 : i32
        %dma_start3A_399 = tpu.memref_slice %arg3[%add3A_13, %dma_start3A_398] : memref<2560x128xi32, #tpu.memory_space<hbm>> -> memref<8x128xi32, #tpu.memory_space<hbm>>
        tpu.enqueue_dma source(%dma_start3A_399 : memref<8x128xi32, #tpu.memory_space<hbm>>) target(%arg7 : memref<8x128xi32, #tpu.memory_space<vmem>>) target_semaphore(%run_scoped3A : memref<!tpu.dma_semaphore, #tpu.memory_space<semaphore_mem>>)
        %dma_wait3A_400 = arith.constant 0 : i32
        %dma_wait3A_401 = tpu.memref_slice %arg3[%add3A_13, %dma_wait3A_400] : memref<2560x128xi32, #tpu.memory_space<hbm>> -> memref<8x128xi32, #tpu.memory_space<hbm>>
        %dma_wait3A_402 = arith.constant 0 : i32
        %dma_wait3A_403 = tpu.memref_slice %arg3[%add3A_13, %dma_wait3A_402] : memref<2560x128xi32, #tpu.memory_space<hbm>> -> memref<8x128xi32, #tpu.memory_space<hbm>>
        tpu.wait_dma2 semaphore(%run_scoped3A : memref<!tpu.dma_semaphore, #tpu.memory_space<semaphore_mem>>) src(%dma_wait3A_403 : memref<8x128xi32, #tpu.memory_space<hbm>>) dst(%arg7 : memref<8x128xi32, #tpu.memory_space<vmem>>)
        tpu.yield
      }) : () -> ()
      "tpu.region"() ({
        %run_scoped3A = tpu.sem_alloc : memref<!tpu.dma_semaphore, #tpu.memory_space<semaphore_mem>>
        %dma_start3A_396 = arith.constant 0 : i32
        %dma_start3A_397 = tpu.memref_slice %arg4[%add3A_13, %dma_start3A_396] : memref<2560x128xi32, #tpu.memory_space<hbm>> -> memref<8x128xi32, #tpu.memory_space<hbm>>
        %dma_start3A_398 = arith.constant 0 : i32
        %dma_start3A_399 = tpu.memref_slice %arg4[%add3A_13, %dma_start3A_398] : memref<2560x128xi32, #tpu.memory_space<hbm>> -> memref<8x128xi32, #tpu.memory_space<hbm>>
        tpu.enqueue_dma source(%dma_start3A_399 : memref<8x128xi32, #tpu.memory_space<hbm>>) target(%arg8 : memref<8x128xi32, #tpu.memory_space<vmem>>) target_semaphore(%run_scoped3A : memref<!tpu.dma_semaphore, #tpu.memory_space<semaphore_mem>>)
        %dma_wait3A_400 = arith.constant 0 : i32
        %dma_wait3A_401 = tpu.memref_slice %arg4[%add3A_13, %dma_wait3A_400] : memref<2560x128xi32, #tpu.memory_space<hbm>> -> memref<8x128xi32, #tpu.memory_space<hbm>>
        %dma_wait3A_402 = arith.constant 0 : i32
        %dma_wait3A_403 = tpu.memref_slice %arg4[%add3A_13, %dma_wait3A_402] : memref<2560x128xi32, #tpu.memory_space<hbm>> -> memref<8x128xi32, #tpu.memory_space<hbm>>
        tpu.wait_dma2 semaphore(%run_scoped3A : memref<!tpu.dma_semaphore, #tpu.memory_space<semaphore_mem>>) src(%dma_wait3A_403 : memref<8x128xi32, #tpu.memory_space<hbm>>) dst(%arg8 : memref<8x128xi32, #tpu.memory_space<vmem>>)
        tpu.yield
      }) : () -> ()
      %dma_start3A = arith.constant 0 : i32
      %dma_start3A_14 = arith.constant 0 : i32
      %dma_start3A_15 = arith.constant 0 : i32
      %dma_start3A_16 = arith.constant 0 : i32
      %dma_start3A_17 = tpu.memref_slice %arg9[%dma_start3A_14, %dma_start3A_15, %dma_start3A_16] : memref<2x128x128xf32, #tpu.memory_space<vmem>> -> memref<1x128x128xf32, #tpu.memory_space<vmem>>
      %dma_start3A_18 = tpu.memref_squeeze %dma_start3A_17 : memref<1x128x128xf32, #tpu.memory_space<vmem>> -> memref<128x128xf32, #tpu.memory_space<vmem>>
      %dma_start3A_19 = arith.constant 0 : i32
      %dma_start3A_20 = tpu.memref_slice %arg7[%dma_start3A, %dma_start3A_19] : memref<8x128xi32, #tpu.memory_space<vmem>> -> memref<1x128xi32, #tpu.memory_space<vmem>>
      %dma_start3A_21 = tpu.memref_squeeze %dma_start3A_20 : memref<1x128xi32, #tpu.memory_space<vmem>> -> memref<128xi32, #tpu.memory_space<vmem>>
      %dma_start3A_22 = arith.constant 0 : i32
      %dma_start3A_23 = arith.constant 0 : i32
      %dma_start3A_24 = tpu.memref_slice %arg2[%dma_start3A_22, %dma_start3A_23] : memref<10000x128xf32, #tpu.memory_space<hbm>> -> memref<10000x128xf32, #tpu.memory_space<hbm>>
      tpu.enqueue_indirect_dma source(%dma_start3A_24 : memref<10000x128xf32, #tpu.memory_space<hbm>>) target(%dma_start3A_18 : memref<128x128xf32, #tpu.memory_space<vmem>>) offsets(%dma_start3A_21 : memref<128xi32, #tpu.memory_space<vmem>>) semaphore(%arg11 : memref<!tpu.dma_semaphore, #tpu.memory_space<semaphore_mem>>)
      %dma_start3A_25 = arith.constant 1 : i32
      %dma_start3A_26 = arith.constant 1 : i32
      %dma_start3A_27 = arith.constant 0 : i32
      %dma_start3A_28 = arith.constant 0 : i32
      %dma_start3A_29 = tpu.memref_slice %arg9[%dma_start3A_26, %dma_start3A_27, %dma_start3A_28] : memref<2x128x128xf32, #tpu.memory_space<vmem>> -> memref<1x128x128xf32, #tpu.memory_space<vmem>>
      %dma_start3A_30 = tpu.memref_squeeze %dma_start3A_29 : memref<1x128x128xf32, #tpu.memory_space<vmem>> -> memref<128x128xf32, #tpu.memory_space<vmem>>
      %dma_start3A_31 = arith.constant 0 : i32
      %dma_start3A_32 = tpu.memref_slice %arg7[%dma_start3A_25, %dma_start3A_31] : memref<8x128xi32, #tpu.memory_space<vmem>> -> memref<1x128xi32, #tpu.memory_space<vmem>>
      %dma_start3A_33 = tpu.memref_squeeze %dma_start3A_32 : memref<1x128xi32, #tpu.memory_space<vmem>> -> memref<128xi32, #tpu.memory_space<vmem>>
      %dma_start3A_34 = arith.constant 0 : i32
      %dma_start3A_35 = arith.constant 0 : i32
      %dma_start3A_36 = tpu.memref_slice %arg2[%dma_start3A_34, %dma_start3A_35] : memref<10000x128xf32, #tpu.memory_space<hbm>> -> memref<10000x128xf32, #tpu.memory_space<hbm>>
      tpu.enqueue_indirect_dma source(%dma_start3A_36 : memref<10000x128xf32, #tpu.memory_space<hbm>>) target(%dma_start3A_30 : memref<128x128xf32, #tpu.memory_space<vmem>>) offsets(%dma_start3A_33 : memref<128xi32, #tpu.memory_space<vmem>>) semaphore(%arg11 : memref<!tpu.dma_semaphore, #tpu.memory_space<semaphore_mem>>)
      %dma_wait3A = arith.constant 0 : i32
      %dma_wait3A_37 = arith.constant 0 : i32
      %dma_wait3A_38 = arith.constant 0 : i32
      %dma_wait3A_39 = arith.constant 0 : i32
      %dma_wait3A_40 = tpu.memref_slice %arg9[%dma_wait3A_37, %dma_wait3A_38, %dma_wait3A_39] : memref<2x128x128xf32, #tpu.memory_space<vmem>> -> memref<1x128x128xf32, #tpu.memory_space<vmem>>
      %dma_wait3A_41 = tpu.memref_squeeze %dma_wait3A_40 : memref<1x128x128xf32, #tpu.memory_space<vmem>> -> memref<128x128xf32, #tpu.memory_space<vmem>>
      %dma_wait3A_42 = arith.constant 0 : i32
      %dma_wait3A_43 = tpu.memref_slice %arg7[%dma_wait3A, %dma_wait3A_42] : memref<8x128xi32, #tpu.memory_space<vmem>> -> memref<1x128xi32, #tpu.memory_space<vmem>>
      %dma_wait3A_44 = tpu.memref_squeeze %dma_wait3A_43 : memref<1x128xi32, #tpu.memory_space<vmem>> -> memref<128xi32, #tpu.memory_space<vmem>>
      %dma_wait3A_45 = arith.constant 0 : i32
      %dma_wait3A_46 = arith.constant 0 : i32
      %dma_wait3A_47 = tpu.memref_slice %arg2[%dma_wait3A_45, %dma_wait3A_46] : memref<10000x128xf32, #tpu.memory_space<hbm>> -> memref<10000x128xf32, #tpu.memory_space<hbm>>
      tpu.wait_indirect_dma semaphore(%arg11 : memref<!tpu.dma_semaphore, #tpu.memory_space<semaphore_mem>>) src(%dma_wait3A_47 : memref<10000x128xf32, #tpu.memory_space<hbm>>) dst(%dma_wait3A_41 : memref<128x128xf32, #tpu.memory_space<vmem>>)
      %dma_start3A_48 = arith.constant 0 : i32
      %dma_start3A_49 = arith.constant 0 : i32
      %dma_start3A_50 = arith.constant 0 : i32
      %dma_start3A_51 = arith.constant 0 : i32
      %dma_start3A_52 = tpu.memref_slice %arg9[%dma_start3A_48, %dma_start3A_50, %dma_start3A_51] : memref<2x128x128xf32, #tpu.memory_space<vmem>> -> memref<1x128x128xf32, #tpu.memory_space<vmem>>
      %dma_start3A_53 = tpu.memref_squeeze %dma_start3A_52 : memref<1x128x128xf32, #tpu.memory_space<vmem>> -> memref<128x128xf32, #tpu.memory_space<vmem>>
      %dma_start3A_54 = arith.constant 0 : i32
      %dma_start3A_55 = tpu.memref_slice %arg8[%dma_start3A_49, %dma_start3A_54] : memref<8x128xi32, #tpu.memory_space<vmem>> -> memref<1x128xi32, #tpu.memory_space<vmem>>
      %dma_start3A_56 = tpu.memref_squeeze %dma_start3A_55 : memref<1x128xi32, #tpu.memory_space<vmem>> -> memref<128xi32, #tpu.memory_space<vmem>>
      %dma_start3A_57 = arith.constant 0 : i32
      %dma_start3A_58 = arith.constant 0 : i32
      %dma_start3A_59 = tpu.memref_slice %arg10[%dma_start3A_57, %dma_start3A_58] : memref<10112x128xf32, #tpu.memory_space<vmem_shared>> -> memref<10112x128xf32, #tpu.memory_space<vmem_shared>>
      tpu.enqueue_indirect_dma source(%dma_start3A_53 : memref<128x128xf32, #tpu.memory_space<vmem>>) target(%dma_start3A_59 : memref<10112x128xf32, #tpu.memory_space<vmem_shared>>) offsets(%dma_start3A_56 : memref<128xi32, #tpu.memory_space<vmem>>) semaphore(%arg12 : memref<!tpu.dma_semaphore, #tpu.memory_space<semaphore_mem>>) {add = true}
      %dma_wait3A_60 = arith.constant 1 : i32
      %dma_wait3A_61 = arith.constant 1 : i32
      %dma_wait3A_62 = arith.constant 0 : i32
      %dma_wait3A_63 = arith.constant 0 : i32
      %dma_wait3A_64 = tpu.memref_slice %arg9[%dma_wait3A_61, %dma_wait3A_62, %dma_wait3A_63] : memref<2x128x128xf32, #tpu.memory_space<vmem>> -> memref<1x128x128xf32, #tpu.memory_space<vmem>>
      %dma_wait3A_65 = tpu.memref_squeeze %dma_wait3A_64 : memref<1x128x128xf32, #tpu.memory_space<vmem>> -> memref<128x128xf32, #tpu.memory_space<vmem>>
      %dma_wait3A_66 = arith.constant 0 : i32
      %dma_wait3A_67 = tpu.memref_slice %arg7[%dma_wait3A_60, %dma_wait3A_66] : memref<8x128xi32, #tpu.memory_space<vmem>> -> memref<1x128xi32, #tpu.memory_space<vmem>>
      %dma_wait3A_68 = tpu.memref_squeeze %dma_wait3A_67 : memref<1x128xi32, #tpu.memory_space<vmem>> -> memref<128xi32, #tpu.memory_space<vmem>>
      %dma_wait3A_69 = arith.constant 0 : i32
      %dma_wait3A_70 = arith.constant 0 : i32
      %dma_wait3A_71 = tpu.memref_slice %arg2[%dma_wait3A_69, %dma_wait3A_70] : memref<10000x128xf32, #tpu.memory_space<hbm>> -> memref<10000x128xf32, #tpu.memory_space<hbm>>
      tpu.wait_indirect_dma semaphore(%arg11 : memref<!tpu.dma_semaphore, #tpu.memory_space<semaphore_mem>>) src(%dma_wait3A_71 : memref<10000x128xf32, #tpu.memory_space<hbm>>) dst(%dma_wait3A_65 : memref<128x128xf32, #tpu.memory_space<vmem>>)
      %dma_wait3A_72 = arith.constant 0 : i32
      %dma_wait3A_73 = arith.constant 0 : i32
      %dma_wait3A_74 = arith.constant 0 : i32
      %dma_wait3A_75 = arith.constant 0 : i32
      %dma_wait3A_76 = tpu.memref_slice %arg9[%dma_wait3A_72, %dma_wait3A_74, %dma_wait3A_75] : memref<2x128x128xf32, #tpu.memory_space<vmem>> -> memref<1x128x128xf32, #tpu.memory_space<vmem>>
      %dma_wait3A_77 = tpu.memref_squeeze %dma_wait3A_76 : memref<1x128x128xf32, #tpu.memory_space<vmem>> -> memref<128x128xf32, #tpu.memory_space<vmem>>
      %dma_wait3A_78 = arith.constant 0 : i32
      %dma_wait3A_79 = tpu.memref_slice %arg8[%dma_wait3A_73, %dma_wait3A_78] : memref<8x128xi32, #tpu.memory_space<vmem>> -> memref<1x128xi32, #tpu.memory_space<vmem>>
      %dma_wait3A_80 = tpu.memref_squeeze %dma_wait3A_79 : memref<1x128xi32, #tpu.memory_space<vmem>> -> memref<128xi32, #tpu.memory_space<vmem>>
      %dma_wait3A_81 = arith.constant 0 : i32
      %dma_wait3A_82 = arith.constant 0 : i32
      %dma_wait3A_83 = tpu.memref_slice %arg10[%dma_wait3A_81, %dma_wait3A_82] : memref<10112x128xf32, #tpu.memory_space<vmem_shared>> -> memref<10112x128xf32, #tpu.memory_space<vmem_shared>>
      tpu.wait_indirect_dma semaphore(%arg12 : memref<!tpu.dma_semaphore, #tpu.memory_space<semaphore_mem>>) src(%dma_wait3A_77 : memref<128x128xf32, #tpu.memory_space<vmem>>) dst(%dma_wait3A_83 : memref<10112x128xf32, #tpu.memory_space<vmem_shared>>)
      %dma_start3A_84 = arith.constant 1 : i32
      %dma_start3A_85 = arith.constant 1 : i32
      %dma_start3A_86 = arith.constant 0 : i32
      %dma_start3A_87 = arith.constant 0 : i32
      %dma_start3A_88 = tpu.memref_slice %arg9[%dma_start3A_84, %dma_start3A_86, %dma_start3A_87] : memref<2x128x128xf32, #tpu.memory_space<vmem>> -> memref<1x128x128xf32, #tpu.memory_space<vmem>>
      %dma_start3A_89 = tpu.memref_squeeze %dma_start3A_88 : memref<1x128x128xf32, #tpu.memory_space<vmem>> -> memref<128x128xf32, #tpu.memory_space<vmem>>
      %dma_start3A_90 = arith.constant 0 : i32
      %dma_start3A_91 = tpu.memref_slice %arg8[%dma_start3A_85, %dma_start3A_90] : memref<8x128xi32, #tpu.memory_space<vmem>> -> memref<1x128xi32, #tpu.memory_space<vmem>>
      %dma_start3A_92 = tpu.memref_squeeze %dma_start3A_91 : memref<1x128xi32, #tpu.memory_space<vmem>> -> memref<128xi32, #tpu.memory_space<vmem>>
      %dma_start3A_93 = arith.constant 0 : i32
      %dma_start3A_94 = arith.constant 0 : i32
      %dma_start3A_95 = tpu.memref_slice %arg10[%dma_start3A_93, %dma_start3A_94] : memref<10112x128xf32, #tpu.memory_space<vmem_shared>> -> memref<10112x128xf32, #tpu.memory_space<vmem_shared>>
      tpu.enqueue_indirect_dma source(%dma_start3A_89 : memref<128x128xf32, #tpu.memory_space<vmem>>) target(%dma_start3A_95 : memref<10112x128xf32, #tpu.memory_space<vmem_shared>>) offsets(%dma_start3A_92 : memref<128xi32, #tpu.memory_space<vmem>>) semaphore(%arg12 : memref<!tpu.dma_semaphore, #tpu.memory_space<semaphore_mem>>) {add = true}
      %dma_wait3A_96 = arith.constant 1 : i32
      %dma_wait3A_97 = arith.constant 1 : i32
      %dma_wait3A_98 = arith.constant 0 : i32
      %dma_wait3A_99 = arith.constant 0 : i32
      %dma_wait3A_100 = tpu.memref_slice %arg9[%dma_wait3A_96, %dma_wait3A_98, %dma_wait3A_99] : memref<2x128x128xf32, #tpu.memory_space<vmem>> -> memref<1x128x128xf32, #tpu.memory_space<vmem>>
      %dma_wait3A_101 = tpu.memref_squeeze %dma_wait3A_100 : memref<1x128x128xf32, #tpu.memory_space<vmem>> -> memref<128x128xf32, #tpu.memory_space<vmem>>
      %dma_wait3A_102 = arith.constant 0 : i32
      %dma_wait3A_103 = tpu.memref_slice %arg8[%dma_wait3A_97, %dma_wait3A_102] : memref<8x128xi32, #tpu.memory_space<vmem>> -> memref<1x128xi32, #tpu.memory_space<vmem>>
      %dma_wait3A_104 = tpu.memref_squeeze %dma_wait3A_103 : memref<1x128xi32, #tpu.memory_space<vmem>> -> memref<128xi32, #tpu.memory_space<vmem>>
      %dma_wait3A_105 = arith.constant 0 : i32
      %dma_wait3A_106 = arith.constant 0 : i32
      %dma_wait3A_107 = tpu.memref_slice %arg10[%dma_wait3A_105, %dma_wait3A_106] : memref<10112x128xf32, #tpu.memory_space<vmem_shared>> -> memref<10112x128xf32, #tpu.memory_space<vmem_shared>>
      tpu.wait_indirect_dma semaphore(%arg12 : memref<!tpu.dma_semaphore, #tpu.memory_space<semaphore_mem>>) src(%dma_wait3A_101 : memref<128x128xf32, #tpu.memory_space<vmem>>) dst(%dma_wait3A_107 : memref<10112x128xf32, #tpu.memory_space<vmem_shared>>)
      %dma_start3A_108 = arith.constant 2 : i32
      %dma_start3A_109 = arith.constant 0 : i32
      %dma_start3A_110 = arith.constant 0 : i32
      %dma_start3A_111 = arith.constant 0 : i32
      %dma_start3A_112 = tpu.memref_slice %arg9[%dma_start3A_109, %dma_start3A_110, %dma_start3A_111] : memref<2x128x128xf32, #tpu.memory_space<vmem>> -> memref<1x128x128xf32, #tpu.memory_space<vmem>>
      %dma_start3A_113 = tpu.memref_squeeze %dma_start3A_112 : memref<1x128x128xf32, #tpu.memory_space<vmem>> -> memref<128x128xf32, #tpu.memory_space<vmem>>
      %dma_start3A_114 = arith.constant 0 : i32
      %dma_start3A_115 = tpu.memref_slice %arg7[%dma_start3A_108, %dma_start3A_114] : memref<8x128xi32, #tpu.memory_space<vmem>> -> memref<1x128xi32, #tpu.memory_space<vmem>>
      %dma_start3A_116 = tpu.memref_squeeze %dma_start3A_115 : memref<1x128xi32, #tpu.memory_space<vmem>> -> memref<128xi32, #tpu.memory_space<vmem>>
      %dma_start3A_117 = arith.constant 0 : i32
      %dma_start3A_118 = arith.constant 0 : i32
      %dma_start3A_119 = tpu.memref_slice %arg2[%dma_start3A_117, %dma_start3A_118] : memref<10000x128xf32, #tpu.memory_space<hbm>> -> memref<10000x128xf32, #tpu.memory_space<hbm>>
      tpu.enqueue_indirect_dma source(%dma_start3A_119 : memref<10000x128xf32, #tpu.memory_space<hbm>>) target(%dma_start3A_113 : memref<128x128xf32, #tpu.memory_space<vmem>>) offsets(%dma_start3A_116 : memref<128xi32, #tpu.memory_space<vmem>>) semaphore(%arg11 : memref<!tpu.dma_semaphore, #tpu.memory_space<semaphore_mem>>)
      %dma_start3A_120 = arith.constant 3 : i32
      %dma_start3A_121 = arith.constant 1 : i32
      %dma_start3A_122 = arith.constant 0 : i32
      %dma_start3A_123 = arith.constant 0 : i32
      %dma_start3A_124 = tpu.memref_slice %arg9[%dma_start3A_121, %dma_start3A_122, %dma_start3A_123] : memref<2x128x128xf32, #tpu.memory_space<vmem>> -> memref<1x128x128xf32, #tpu.memory_space<vmem>>
      %dma_start3A_125 = tpu.memref_squeeze %dma_start3A_124 : memref<1x128x128xf32, #tpu.memory_space<vmem>> -> memref<128x128xf32, #tpu.memory_space<vmem>>
      %dma_start3A_126 = arith.constant 0 : i32
      %dma_start3A_127 = tpu.memref_slice %arg7[%dma_start3A_120, %dma_start3A_126] : memref<8x128xi32, #tpu.memory_space<vmem>> -> memref<1x128xi32, #tpu.memory_space<vmem>>
      %dma_start3A_128 = tpu.memref_squeeze %dma_start3A_127 : memref<1x128xi32, #tpu.memory_space<vmem>> -> memref<128xi32, #tpu.memory_space<vmem>>
      %dma_start3A_129 = arith.constant 0 : i32
      %dma_start3A_130 = arith.constant 0 : i32
      %dma_start3A_131 = tpu.memref_slice %arg2[%dma_start3A_129, %dma_start3A_130] : memref<10000x128xf32, #tpu.memory_space<hbm>> -> memref<10000x128xf32, #tpu.memory_space<hbm>>
      tpu.enqueue_indirect_dma source(%dma_start3A_131 : memref<10000x128xf32, #tpu.memory_space<hbm>>) target(%dma_start3A_125 : memref<128x128xf32, #tpu.memory_space<vmem>>) offsets(%dma_start3A_128 : memref<128xi32, #tpu.memory_space<vmem>>) semaphore(%arg11 : memref<!tpu.dma_semaphore, #tpu.memory_space<semaphore_mem>>)
      %dma_wait3A_132 = arith.constant 2 : i32
      %dma_wait3A_133 = arith.constant 0 : i32
      %dma_wait3A_134 = arith.constant 0 : i32
      %dma_wait3A_135 = arith.constant 0 : i32
      %dma_wait3A_136 = tpu.memref_slice %arg9[%dma_wait3A_133, %dma_wait3A_134, %dma_wait3A_135] : memref<2x128x128xf32, #tpu.memory_space<vmem>> -> memref<1x128x128xf32, #tpu.memory_space<vmem>>
      %dma_wait3A_137 = tpu.memref_squeeze %dma_wait3A_136 : memref<1x128x128xf32, #tpu.memory_space<vmem>> -> memref<128x128xf32, #tpu.memory_space<vmem>>
      %dma_wait3A_138 = arith.constant 0 : i32
      %dma_wait3A_139 = tpu.memref_slice %arg7[%dma_wait3A_132, %dma_wait3A_138] : memref<8x128xi32, #tpu.memory_space<vmem>> -> memref<1x128xi32, #tpu.memory_space<vmem>>
      %dma_wait3A_140 = tpu.memref_squeeze %dma_wait3A_139 : memref<1x128xi32, #tpu.memory_space<vmem>> -> memref<128xi32, #tpu.memory_space<vmem>>
      %dma_wait3A_141 = arith.constant 0 : i32
      %dma_wait3A_142 = arith.constant 0 : i32
      %dma_wait3A_143 = tpu.memref_slice %arg2[%dma_wait3A_141, %dma_wait3A_142] : memref<10000x128xf32, #tpu.memory_space<hbm>> -> memref<10000x128xf32, #tpu.memory_space<hbm>>
      tpu.wait_indirect_dma semaphore(%arg11 : memref<!tpu.dma_semaphore, #tpu.memory_space<semaphore_mem>>) src(%dma_wait3A_143 : memref<10000x128xf32, #tpu.memory_space<hbm>>) dst(%dma_wait3A_137 : memref<128x128xf32, #tpu.memory_space<vmem>>)
      %dma_start3A_144 = arith.constant 0 : i32
      %dma_start3A_145 = arith.constant 2 : i32
      %dma_start3A_146 = arith.constant 0 : i32
      %dma_start3A_147 = arith.constant 0 : i32
      %dma_start3A_148 = tpu.memref_slice %arg9[%dma_start3A_144, %dma_start3A_146, %dma_start3A_147] : memref<2x128x128xf32, #tpu.memory_space<vmem>> -> memref<1x128x128xf32, #tpu.memory_space<vmem>>
      %dma_start3A_149 = tpu.memref_squeeze %dma_start3A_148 : memref<1x128x128xf32, #tpu.memory_space<vmem>> -> memref<128x128xf32, #tpu.memory_space<vmem>>
      %dma_start3A_150 = arith.constant 0 : i32
      %dma_start3A_151 = tpu.memref_slice %arg8[%dma_start3A_145, %dma_start3A_150] : memref<8x128xi32, #tpu.memory_space<vmem>> -> memref<1x128xi32, #tpu.memory_space<vmem>>
      %dma_start3A_152 = tpu.memref_squeeze %dma_start3A_151 : memref<1x128xi32, #tpu.memory_space<vmem>> -> memref<128xi32, #tpu.memory_space<vmem>>
      %dma_start3A_153 = arith.constant 0 : i32
      %dma_start3A_154 = arith.constant 0 : i32
      %dma_start3A_155 = tpu.memref_slice %arg10[%dma_start3A_153, %dma_start3A_154] : memref<10112x128xf32, #tpu.memory_space<vmem_shared>> -> memref<10112x128xf32, #tpu.memory_space<vmem_shared>>
      tpu.enqueue_indirect_dma source(%dma_start3A_149 : memref<128x128xf32, #tpu.memory_space<vmem>>) target(%dma_start3A_155 : memref<10112x128xf32, #tpu.memory_space<vmem_shared>>) offsets(%dma_start3A_152 : memref<128xi32, #tpu.memory_space<vmem>>) semaphore(%arg12 : memref<!tpu.dma_semaphore, #tpu.memory_space<semaphore_mem>>) {add = true}
      %dma_wait3A_156 = arith.constant 3 : i32
      %dma_wait3A_157 = arith.constant 1 : i32
      %dma_wait3A_158 = arith.constant 0 : i32
      %dma_wait3A_159 = arith.constant 0 : i32
      %dma_wait3A_160 = tpu.memref_slice %arg9[%dma_wait3A_157, %dma_wait3A_158, %dma_wait3A_159] : memref<2x128x128xf32, #tpu.memory_space<vmem>> -> memref<1x128x128xf32, #tpu.memory_space<vmem>>
      %dma_wait3A_161 = tpu.memref_squeeze %dma_wait3A_160 : memref<1x128x128xf32, #tpu.memory_space<vmem>> -> memref<128x128xf32, #tpu.memory_space<vmem>>
      %dma_wait3A_162 = arith.constant 0 : i32
      %dma_wait3A_163 = tpu.memref_slice %arg7[%dma_wait3A_156, %dma_wait3A_162] : memref<8x128xi32, #tpu.memory_space<vmem>> -> memref<1x128xi32, #tpu.memory_space<vmem>>
      %dma_wait3A_164 = tpu.memref_squeeze %dma_wait3A_163 : memref<1x128xi32, #tpu.memory_space<vmem>> -> memref<128xi32, #tpu.memory_space<vmem>>
      %dma_wait3A_165 = arith.constant 0 : i32
      %dma_wait3A_166 = arith.constant 0 : i32
      %dma_wait3A_167 = tpu.memref_slice %arg2[%dma_wait3A_165, %dma_wait3A_166] : memref<10000x128xf32, #tpu.memory_space<hbm>> -> memref<10000x128xf32, #tpu.memory_space<hbm>>
      tpu.wait_indirect_dma semaphore(%arg11 : memref<!tpu.dma_semaphore, #tpu.memory_space<semaphore_mem>>) src(%dma_wait3A_167 : memref<10000x128xf32, #tpu.memory_space<hbm>>) dst(%dma_wait3A_161 : memref<128x128xf32, #tpu.memory_space<vmem>>)
      %dma_wait3A_168 = arith.constant 0 : i32
      %dma_wait3A_169 = arith.constant 2 : i32
      %dma_wait3A_170 = arith.constant 0 : i32
      %dma_wait3A_171 = arith.constant 0 : i32
      %dma_wait3A_172 = tpu.memref_slice %arg9[%dma_wait3A_168, %dma_wait3A_170, %dma_wait3A_171] : memref<2x128x128xf32, #tpu.memory_space<vmem>> -> memref<1x128x128xf32, #tpu.memory_space<vmem>>
      %dma_wait3A_173 = tpu.memref_squeeze %dma_wait3A_172 : memref<1x128x128xf32, #tpu.memory_space<vmem>> -> memref<128x128xf32, #tpu.memory_space<vmem>>
      %dma_wait3A_174 = arith.constant 0 : i32
      %dma_wait3A_175 = tpu.memref_slice %arg8[%dma_wait3A_169, %dma_wait3A_174] : memref<8x128xi32, #tpu.memory_space<vmem>> -> memref<1x128xi32, #tpu.memory_space<vmem>>
      %dma_wait3A_176 = tpu.memref_squeeze %dma_wait3A_175 : memref<1x128xi32, #tpu.memory_space<vmem>> -> memref<128xi32, #tpu.memory_space<vmem>>
      %dma_wait3A_177 = arith.constant 0 : i32
      %dma_wait3A_178 = arith.constant 0 : i32
      %dma_wait3A_179 = tpu.memref_slice %arg10[%dma_wait3A_177, %dma_wait3A_178] : memref<10112x128xf32, #tpu.memory_space<vmem_shared>> -> memref<10112x128xf32, #tpu.memory_space<vmem_shared>>
      tpu.wait_indirect_dma semaphore(%arg12 : memref<!tpu.dma_semaphore, #tpu.memory_space<semaphore_mem>>) src(%dma_wait3A_173 : memref<128x128xf32, #tpu.memory_space<vmem>>) dst(%dma_wait3A_179 : memref<10112x128xf32, #tpu.memory_space<vmem_shared>>)
      %dma_start3A_180 = arith.constant 1 : i32
      %dma_start3A_181 = arith.constant 3 : i32
      %dma_start3A_182 = arith.constant 0 : i32
      %dma_start3A_183 = arith.constant 0 : i32
      %dma_start3A_184 = tpu.memref_slice %arg9[%dma_start3A_180, %dma_start3A_182, %dma_start3A_183] : memref<2x128x128xf32, #tpu.memory_space<vmem>> -> memref<1x128x128xf32, #tpu.memory_space<vmem>>
      %dma_start3A_185 = tpu.memref_squeeze %dma_start3A_184 : memref<1x128x128xf32, #tpu.memory_space<vmem>> -> memref<128x128xf32, #tpu.memory_space<vmem>>
      %dma_start3A_186 = arith.constant 0 : i32
      %dma_start3A_187 = tpu.memref_slice %arg8[%dma_start3A_181, %dma_start3A_186] : memref<8x128xi32, #tpu.memory_space<vmem>> -> memref<1x128xi32, #tpu.memory_space<vmem>>
      %dma_start3A_188 = tpu.memref_squeeze %dma_start3A_187 : memref<1x128xi32, #tpu.memory_space<vmem>> -> memref<128xi32, #tpu.memory_space<vmem>>
      %dma_start3A_189 = arith.constant 0 : i32
      %dma_start3A_190 = arith.constant 0 : i32
      %dma_start3A_191 = tpu.memref_slice %arg10[%dma_start3A_189, %dma_start3A_190] : memref<10112x128xf32, #tpu.memory_space<vmem_shared>> -> memref<10112x128xf32, #tpu.memory_space<vmem_shared>>
      tpu.enqueue_indirect_dma source(%dma_start3A_185 : memref<128x128xf32, #tpu.memory_space<vmem>>) target(%dma_start3A_191 : memref<10112x128xf32, #tpu.memory_space<vmem_shared>>) offsets(%dma_start3A_188 : memref<128xi32, #tpu.memory_space<vmem>>) semaphore(%arg12 : memref<!tpu.dma_semaphore, #tpu.memory_space<semaphore_mem>>) {add = true}
      %dma_wait3A_192 = arith.constant 1 : i32
      %dma_wait3A_193 = arith.constant 3 : i32
      %dma_wait3A_194 = arith.constant 0 : i32
      %dma_wait3A_195 = arith.constant 0 : i32
      %dma_wait3A_196 = tpu.memref_slice %arg9[%dma_wait3A_192, %dma_wait3A_194, %dma_wait3A_195] : memref<2x128x128xf32, #tpu.memory_space<vmem>> -> memref<1x128x128xf32, #tpu.memory_space<vmem>>
      %dma_wait3A_197 = tpu.memref_squeeze %dma_wait3A_196 : memref<1x128x128xf32, #tpu.memory_space<vmem>> -> memref<128x128xf32, #tpu.memory_space<vmem>>
      %dma_wait3A_198 = arith.constant 0 : i32
      %dma_wait3A_199 = tpu.memref_slice %arg8[%dma_wait3A_193, %dma_wait3A_198] : memref<8x128xi32, #tpu.memory_space<vmem>> -> memref<1x128xi32, #tpu.memory_space<vmem>>
      %dma_wait3A_200 = tpu.memref_squeeze %dma_wait3A_199 : memref<1x128xi32, #tpu.memory_space<vmem>> -> memref<128xi32, #tpu.memory_space<vmem>>
      %dma_wait3A_201 = arith.constant 0 : i32
      %dma_wait3A_202 = arith.constant 0 : i32
      %dma_wait3A_203 = tpu.memref_slice %arg10[%dma_wait3A_201, %dma_wait3A_202] : memref<10112x128xf32, #tpu.memory_space<vmem_shared>> -> memref<10112x128xf32, #tpu.memory_space<vmem_shared>>
      tpu.wait_indirect_dma semaphore(%arg12 : memref<!tpu.dma_semaphore, #tpu.memory_space<semaphore_mem>>) src(%dma_wait3A_197 : memref<128x128xf32, #tpu.memory_space<vmem>>) dst(%dma_wait3A_203 : memref<10112x128xf32, #tpu.memory_space<vmem_shared>>)
      %dma_start3A_204 = arith.constant 4 : i32
      %dma_start3A_205 = arith.constant 0 : i32
      %dma_start3A_206 = arith.constant 0 : i32
      %dma_start3A_207 = arith.constant 0 : i32
      %dma_start3A_208 = tpu.memref_slice %arg9[%dma_start3A_205, %dma_start3A_206, %dma_start3A_207] : memref<2x128x128xf32, #tpu.memory_space<vmem>> -> memref<1x128x128xf32, #tpu.memory_space<vmem>>
      %dma_start3A_209 = tpu.memref_squeeze %dma_start3A_208 : memref<1x128x128xf32, #tpu.memory_space<vmem>> -> memref<128x128xf32, #tpu.memory_space<vmem>>
      %dma_start3A_210 = arith.constant 0 : i32
      %dma_start3A_211 = tpu.memref_slice %arg7[%dma_start3A_204, %dma_start3A_210] : memref<8x128xi32, #tpu.memory_space<vmem>> -> memref<1x128xi32, #tpu.memory_space<vmem>>
      %dma_start3A_212 = tpu.memref_squeeze %dma_start3A_211 : memref<1x128xi32, #tpu.memory_space<vmem>> -> memref<128xi32, #tpu.memory_space<vmem>>
      %dma_start3A_213 = arith.constant 0 : i32
      %dma_start3A_214 = arith.constant 0 : i32
      %dma_start3A_215 = tpu.memref_slice %arg2[%dma_start3A_213, %dma_start3A_214] : memref<10000x128xf32, #tpu.memory_space<hbm>> -> memref<10000x128xf32, #tpu.memory_space<hbm>>
      tpu.enqueue_indirect_dma source(%dma_start3A_215 : memref<10000x128xf32, #tpu.memory_space<hbm>>) target(%dma_start3A_209 : memref<128x128xf32, #tpu.memory_space<vmem>>) offsets(%dma_start3A_212 : memref<128xi32, #tpu.memory_space<vmem>>) semaphore(%arg11 : memref<!tpu.dma_semaphore, #tpu.memory_space<semaphore_mem>>)
      %dma_start3A_216 = arith.constant 5 : i32
      %dma_start3A_217 = arith.constant 1 : i32
      %dma_start3A_218 = arith.constant 0 : i32
      %dma_start3A_219 = arith.constant 0 : i32
      %dma_start3A_220 = tpu.memref_slice %arg9[%dma_start3A_217, %dma_start3A_218, %dma_start3A_219] : memref<2x128x128xf32, #tpu.memory_space<vmem>> -> memref<1x128x128xf32, #tpu.memory_space<vmem>>
      %dma_start3A_221 = tpu.memref_squeeze %dma_start3A_220 : memref<1x128x128xf32, #tpu.memory_space<vmem>> -> memref<128x128xf32, #tpu.memory_space<vmem>>
      %dma_start3A_222 = arith.constant 0 : i32
      %dma_start3A_223 = tpu.memref_slice %arg7[%dma_start3A_216, %dma_start3A_222] : memref<8x128xi32, #tpu.memory_space<vmem>> -> memref<1x128xi32, #tpu.memory_space<vmem>>
      %dma_start3A_224 = tpu.memref_squeeze %dma_start3A_223 : memref<1x128xi32, #tpu.memory_space<vmem>> -> memref<128xi32, #tpu.memory_space<vmem>>
      %dma_start3A_225 = arith.constant 0 : i32
      %dma_start3A_226 = arith.constant 0 : i32
      %dma_start3A_227 = tpu.memref_slice %arg2[%dma_start3A_225, %dma_start3A_226] : memref<10000x128xf32, #tpu.memory_space<hbm>> -> memref<10000x128xf32, #tpu.memory_space<hbm>>
      tpu.enqueue_indirect_dma source(%dma_start3A_227 : memref<10000x128xf32, #tpu.memory_space<hbm>>) target(%dma_start3A_221 : memref<128x128xf32, #tpu.memory_space<vmem>>) offsets(%dma_start3A_224 : memref<128xi32, #tpu.memory_space<vmem>>) semaphore(%arg11 : memref<!tpu.dma_semaphore, #tpu.memory_space<semaphore_mem>>)
      %dma_wait3A_228 = arith.constant 4 : i32
      %dma_wait3A_229 = arith.constant 0 : i32
      %dma_wait3A_230 = arith.constant 0 : i32
      %dma_wait3A_231 = arith.constant 0 : i32
      %dma_wait3A_232 = tpu.memref_slice %arg9[%dma_wait3A_229, %dma_wait3A_230, %dma_wait3A_231] : memref<2x128x128xf32, #tpu.memory_space<vmem>> -> memref<1x128x128xf32, #tpu.memory_space<vmem>>
      %dma_wait3A_233 = tpu.memref_squeeze %dma_wait3A_232 : memref<1x128x128xf32, #tpu.memory_space<vmem>> -> memref<128x128xf32, #tpu.memory_space<vmem>>
      %dma_wait3A_234 = arith.constant 0 : i32
      %dma_wait3A_235 = tpu.memref_slice %arg7[%dma_wait3A_228, %dma_wait3A_234] : memref<8x128xi32, #tpu.memory_space<vmem>> -> memref<1x128xi32, #tpu.memory_space<vmem>>
      %dma_wait3A_236 = tpu.memref_squeeze %dma_wait3A_235 : memref<1x128xi32, #tpu.memory_space<vmem>> -> memref<128xi32, #tpu.memory_space<vmem>>
      %dma_wait3A_237 = arith.constant 0 : i32
      %dma_wait3A_238 = arith.constant 0 : i32
      %dma_wait3A_239 = tpu.memref_slice %arg2[%dma_wait3A_237, %dma_wait3A_238] : memref<10000x128xf32, #tpu.memory_space<hbm>> -> memref<10000x128xf32, #tpu.memory_space<hbm>>
      tpu.wait_indirect_dma semaphore(%arg11 : memref<!tpu.dma_semaphore, #tpu.memory_space<semaphore_mem>>) src(%dma_wait3A_239 : memref<10000x128xf32, #tpu.memory_space<hbm>>) dst(%dma_wait3A_233 : memref<128x128xf32, #tpu.memory_space<vmem>>)
      %dma_start3A_240 = arith.constant 0 : i32
      %dma_start3A_241 = arith.constant 4 : i32
      %dma_start3A_242 = arith.constant 0 : i32
      %dma_start3A_243 = arith.constant 0 : i32
      %dma_start3A_244 = tpu.memref_slice %arg9[%dma_start3A_240, %dma_start3A_242, %dma_start3A_243] : memref<2x128x128xf32, #tpu.memory_space<vmem>> -> memref<1x128x128xf32, #tpu.memory_space<vmem>>
      %dma_start3A_245 = tpu.memref_squeeze %dma_start3A_244 : memref<1x128x128xf32, #tpu.memory_space<vmem>> -> memref<128x128xf32, #tpu.memory_space<vmem>>
      %dma_start3A_246 = arith.constant 0 : i32
      %dma_start3A_247 = tpu.memref_slice %arg8[%dma_start3A_241, %dma_start3A_246] : memref<8x128xi32, #tpu.memory_space<vmem>> -> memref<1x128xi32, #tpu.memory_space<vmem>>
      %dma_start3A_248 = tpu.memref_squeeze %dma_start3A_247 : memref<1x128xi32, #tpu.memory_space<vmem>> -> memref<128xi32, #tpu.memory_space<vmem>>
      %dma_start3A_249 = arith.constant 0 : i32
      %dma_start3A_250 = arith.constant 0 : i32
      %dma_start3A_251 = tpu.memref_slice %arg10[%dma_start3A_249, %dma_start3A_250] : memref<10112x128xf32, #tpu.memory_space<vmem_shared>> -> memref<10112x128xf32, #tpu.memory_space<vmem_shared>>
      tpu.enqueue_indirect_dma source(%dma_start3A_245 : memref<128x128xf32, #tpu.memory_space<vmem>>) target(%dma_start3A_251 : memref<10112x128xf32, #tpu.memory_space<vmem_shared>>) offsets(%dma_start3A_248 : memref<128xi32, #tpu.memory_space<vmem>>) semaphore(%arg12 : memref<!tpu.dma_semaphore, #tpu.memory_space<semaphore_mem>>) {add = true}
      %dma_wait3A_252 = arith.constant 5 : i32
      %dma_wait3A_253 = arith.constant 1 : i32
      %dma_wait3A_254 = arith.constant 0 : i32
      %dma_wait3A_255 = arith.constant 0 : i32
      %dma_wait3A_256 = tpu.memref_slice %arg9[%dma_wait3A_253, %dma_wait3A_254, %dma_wait3A_255] : memref<2x128x128xf32, #tpu.memory_space<vmem>> -> memref<1x128x128xf32, #tpu.memory_space<vmem>>
      %dma_wait3A_257 = tpu.memref_squeeze %dma_wait3A_256 : memref<1x128x128xf32, #tpu.memory_space<vmem>> -> memref<128x128xf32, #tpu.memory_space<vmem>>
      %dma_wait3A_258 = arith.constant 0 : i32
      %dma_wait3A_259 = tpu.memref_slice %arg7[%dma_wait3A_252, %dma_wait3A_258] : memref<8x128xi32, #tpu.memory_space<vmem>> -> memref<1x128xi32, #tpu.memory_space<vmem>>
      %dma_wait3A_260 = tpu.memref_squeeze %dma_wait3A_259 : memref<1x128xi32, #tpu.memory_space<vmem>> -> memref<128xi32, #tpu.memory_space<vmem>>
      %dma_wait3A_261 = arith.constant 0 : i32
      %dma_wait3A_262 = arith.constant 0 : i32
      %dma_wait3A_263 = tpu.memref_slice %arg2[%dma_wait3A_261, %dma_wait3A_262] : memref<10000x128xf32, #tpu.memory_space<hbm>> -> memref<10000x128xf32, #tpu.memory_space<hbm>>
      tpu.wait_indirect_dma semaphore(%arg11 : memref<!tpu.dma_semaphore, #tpu.memory_space<semaphore_mem>>) src(%dma_wait3A_263 : memref<10000x128xf32, #tpu.memory_space<hbm>>) dst(%dma_wait3A_257 : memref<128x128xf32, #tpu.memory_space<vmem>>)
      %dma_wait3A_264 = arith.constant 0 : i32
      %dma_wait3A_265 = arith.constant 4 : i32
      %dma_wait3A_266 = arith.constant 0 : i32
      %dma_wait3A_267 = arith.constant 0 : i32
      %dma_wait3A_268 = tpu.memref_slice %arg9[%dma_wait3A_264, %dma_wait3A_266, %dma_wait3A_267] : memref<2x128x128xf32, #tpu.memory_space<vmem>> -> memref<1x128x128xf32, #tpu.memory_space<vmem>>
      %dma_wait3A_269 = tpu.memref_squeeze %dma_wait3A_268 : memref<1x128x128xf32, #tpu.memory_space<vmem>> -> memref<128x128xf32, #tpu.memory_space<vmem>>
      %dma_wait3A_270 = arith.constant 0 : i32
      %dma_wait3A_271 = tpu.memref_slice %arg8[%dma_wait3A_265, %dma_wait3A_270] : memref<8x128xi32, #tpu.memory_space<vmem>> -> memref<1x128xi32, #tpu.memory_space<vmem>>
      %dma_wait3A_272 = tpu.memref_squeeze %dma_wait3A_271 : memref<1x128xi32, #tpu.memory_space<vmem>> -> memref<128xi32, #tpu.memory_space<vmem>>
      %dma_wait3A_273 = arith.constant 0 : i32
      %dma_wait3A_274 = arith.constant 0 : i32
      %dma_wait3A_275 = tpu.memref_slice %arg10[%dma_wait3A_273, %dma_wait3A_274] : memref<10112x128xf32, #tpu.memory_space<vmem_shared>> -> memref<10112x128xf32, #tpu.memory_space<vmem_shared>>
      tpu.wait_indirect_dma semaphore(%arg12 : memref<!tpu.dma_semaphore, #tpu.memory_space<semaphore_mem>>) src(%dma_wait3A_269 : memref<128x128xf32, #tpu.memory_space<vmem>>) dst(%dma_wait3A_275 : memref<10112x128xf32, #tpu.memory_space<vmem_shared>>)
      %dma_start3A_276 = arith.constant 1 : i32
      %dma_start3A_277 = arith.constant 5 : i32
      %dma_start3A_278 = arith.constant 0 : i32
      %dma_start3A_279 = arith.constant 0 : i32
      %dma_start3A_280 = tpu.memref_slice %arg9[%dma_start3A_276, %dma_start3A_278, %dma_start3A_279] : memref<2x128x128xf32, #tpu.memory_space<vmem>> -> memref<1x128x128xf32, #tpu.memory_space<vmem>>
      %dma_start3A_281 = tpu.memref_squeeze %dma_start3A_280 : memref<1x128x128xf32, #tpu.memory_space<vmem>> -> memref<128x128xf32, #tpu.memory_space<vmem>>
      %dma_start3A_282 = arith.constant 0 : i32
      %dma_start3A_283 = tpu.memref_slice %arg8[%dma_start3A_277, %dma_start3A_282] : memref<8x128xi32, #tpu.memory_space<vmem>> -> memref<1x128xi32, #tpu.memory_space<vmem>>
      %dma_start3A_284 = tpu.memref_squeeze %dma_start3A_283 : memref<1x128xi32, #tpu.memory_space<vmem>> -> memref<128xi32, #tpu.memory_space<vmem>>
      %dma_start3A_285 = arith.constant 0 : i32
      %dma_start3A_286 = arith.constant 0 : i32
      %dma_start3A_287 = tpu.memref_slice %arg10[%dma_start3A_285, %dma_start3A_286] : memref<10112x128xf32, #tpu.memory_space<vmem_shared>> -> memref<10112x128xf32, #tpu.memory_space<vmem_shared>>
      tpu.enqueue_indirect_dma source(%dma_start3A_281 : memref<128x128xf32, #tpu.memory_space<vmem>>) target(%dma_start3A_287 : memref<10112x128xf32, #tpu.memory_space<vmem_shared>>) offsets(%dma_start3A_284 : memref<128xi32, #tpu.memory_space<vmem>>) semaphore(%arg12 : memref<!tpu.dma_semaphore, #tpu.memory_space<semaphore_mem>>) {add = true}
      %dma_wait3A_288 = arith.constant 1 : i32
      %dma_wait3A_289 = arith.constant 5 : i32
      %dma_wait3A_290 = arith.constant 0 : i32
      %dma_wait3A_291 = arith.constant 0 : i32
      %dma_wait3A_292 = tpu.memref_slice %arg9[%dma_wait3A_288, %dma_wait3A_290, %dma_wait3A_291] : memref<2x128x128xf32, #tpu.memory_space<vmem>> -> memref<1x128x128xf32, #tpu.memory_space<vmem>>
      %dma_wait3A_293 = tpu.memref_squeeze %dma_wait3A_292 : memref<1x128x128xf32, #tpu.memory_space<vmem>> -> memref<128x128xf32, #tpu.memory_space<vmem>>
      %dma_wait3A_294 = arith.constant 0 : i32
      %dma_wait3A_295 = tpu.memref_slice %arg8[%dma_wait3A_289, %dma_wait3A_294] : memref<8x128xi32, #tpu.memory_space<vmem>> -> memref<1x128xi32, #tpu.memory_space<vmem>>
      %dma_wait3A_296 = tpu.memref_squeeze %dma_wait3A_295 : memref<1x128xi32, #tpu.memory_space<vmem>> -> memref<128xi32, #tpu.memory_space<vmem>>
      %dma_wait3A_297 = arith.constant 0 : i32
      %dma_wait3A_298 = arith.constant 0 : i32
      %dma_wait3A_299 = tpu.memref_slice %arg10[%dma_wait3A_297, %dma_wait3A_298] : memref<10112x128xf32, #tpu.memory_space<vmem_shared>> -> memref<10112x128xf32, #tpu.memory_space<vmem_shared>>
      tpu.wait_indirect_dma semaphore(%arg12 : memref<!tpu.dma_semaphore, #tpu.memory_space<semaphore_mem>>) src(%dma_wait3A_293 : memref<128x128xf32, #tpu.memory_space<vmem>>) dst(%dma_wait3A_299 : memref<10112x128xf32, #tpu.memory_space<vmem_shared>>)
      %dma_start3A_300 = arith.constant 6 : i32
      %dma_start3A_301 = arith.constant 0 : i32
      %dma_start3A_302 = arith.constant 0 : i32
      %dma_start3A_303 = arith.constant 0 : i32
      %dma_start3A_304 = tpu.memref_slice %arg9[%dma_start3A_301, %dma_start3A_302, %dma_start3A_303] : memref<2x128x128xf32, #tpu.memory_space<vmem>> -> memref<1x128x128xf32, #tpu.memory_space<vmem>>
      %dma_start3A_305 = tpu.memref_squeeze %dma_start3A_304 : memref<1x128x128xf32, #tpu.memory_space<vmem>> -> memref<128x128xf32, #tpu.memory_space<vmem>>
      %dma_start3A_306 = arith.constant 0 : i32
      %dma_start3A_307 = tpu.memref_slice %arg7[%dma_start3A_300, %dma_start3A_306] : memref<8x128xi32, #tpu.memory_space<vmem>> -> memref<1x128xi32, #tpu.memory_space<vmem>>
      %dma_start3A_308 = tpu.memref_squeeze %dma_start3A_307 : memref<1x128xi32, #tpu.memory_space<vmem>> -> memref<128xi32, #tpu.memory_space<vmem>>
      %dma_start3A_309 = arith.constant 0 : i32
      %dma_start3A_310 = arith.constant 0 : i32
      %dma_start3A_311 = tpu.memref_slice %arg2[%dma_start3A_309, %dma_start3A_310] : memref<10000x128xf32, #tpu.memory_space<hbm>> -> memref<10000x128xf32, #tpu.memory_space<hbm>>
      tpu.enqueue_indirect_dma source(%dma_start3A_311 : memref<10000x128xf32, #tpu.memory_space<hbm>>) target(%dma_start3A_305 : memref<128x128xf32, #tpu.memory_space<vmem>>) offsets(%dma_start3A_308 : memref<128xi32, #tpu.memory_space<vmem>>) semaphore(%arg11 : memref<!tpu.dma_semaphore, #tpu.memory_space<semaphore_mem>>)
      %dma_start3A_312 = arith.constant 7 : i32
      %dma_start3A_313 = arith.constant 1 : i32
      %dma_start3A_314 = arith.constant 0 : i32
      %dma_start3A_315 = arith.constant 0 : i32
      %dma_start3A_316 = tpu.memref_slice %arg9[%dma_start3A_313, %dma_start3A_314, %dma_start3A_315] : memref<2x128x128xf32, #tpu.memory_space<vmem>> -> memref<1x128x128xf32, #tpu.memory_space<vmem>>
      %dma_start3A_317 = tpu.memref_squeeze %dma_start3A_316 : memref<1x128x128xf32, #tpu.memory_space<vmem>> -> memref<128x128xf32, #tpu.memory_space<vmem>>
      %dma_start3A_318 = arith.constant 0 : i32
      %dma_start3A_319 = tpu.memref_slice %arg7[%dma_start3A_312, %dma_start3A_318] : memref<8x128xi32, #tpu.memory_space<vmem>> -> memref<1x128xi32, #tpu.memory_space<vmem>>
      %dma_start3A_320 = tpu.memref_squeeze %dma_start3A_319 : memref<1x128xi32, #tpu.memory_space<vmem>> -> memref<128xi32, #tpu.memory_space<vmem>>
      %dma_start3A_321 = arith.constant 0 : i32
      %dma_start3A_322 = arith.constant 0 : i32
      %dma_start3A_323 = tpu.memref_slice %arg2[%dma_start3A_321, %dma_start3A_322] : memref<10000x128xf32, #tpu.memory_space<hbm>> -> memref<10000x128xf32, #tpu.memory_space<hbm>>
      tpu.enqueue_indirect_dma source(%dma_start3A_323 : memref<10000x128xf32, #tpu.memory_space<hbm>>) target(%dma_start3A_317 : memref<128x128xf32, #tpu.memory_space<vmem>>) offsets(%dma_start3A_320 : memref<128xi32, #tpu.memory_space<vmem>>) semaphore(%arg11 : memref<!tpu.dma_semaphore, #tpu.memory_space<semaphore_mem>>)
      %dma_wait3A_324 = arith.constant 6 : i32
      %dma_wait3A_325 = arith.constant 0 : i32
      %dma_wait3A_326 = arith.constant 0 : i32
      %dma_wait3A_327 = arith.constant 0 : i32
      %dma_wait3A_328 = tpu.memref_slice %arg9[%dma_wait3A_325, %dma_wait3A_326, %dma_wait3A_327] : memref<2x128x128xf32, #tpu.memory_space<vmem>> -> memref<1x128x128xf32, #tpu.memory_space<vmem>>
      %dma_wait3A_329 = tpu.memref_squeeze %dma_wait3A_328 : memref<1x128x128xf32, #tpu.memory_space<vmem>> -> memref<128x128xf32, #tpu.memory_space<vmem>>
      %dma_wait3A_330 = arith.constant 0 : i32
      %dma_wait3A_331 = tpu.memref_slice %arg7[%dma_wait3A_324, %dma_wait3A_330] : memref<8x128xi32, #tpu.memory_space<vmem>> -> memref<1x128xi32, #tpu.memory_space<vmem>>
      %dma_wait3A_332 = tpu.memref_squeeze %dma_wait3A_331 : memref<1x128xi32, #tpu.memory_space<vmem>> -> memref<128xi32, #tpu.memory_space<vmem>>
      %dma_wait3A_333 = arith.constant 0 : i32
      %dma_wait3A_334 = arith.constant 0 : i32
      %dma_wait3A_335 = tpu.memref_slice %arg2[%dma_wait3A_333, %dma_wait3A_334] : memref<10000x128xf32, #tpu.memory_space<hbm>> -> memref<10000x128xf32, #tpu.memory_space<hbm>>
      tpu.wait_indirect_dma semaphore(%arg11 : memref<!tpu.dma_semaphore, #tpu.memory_space<semaphore_mem>>) src(%dma_wait3A_335 : memref<10000x128xf32, #tpu.memory_space<hbm>>) dst(%dma_wait3A_329 : memref<128x128xf32, #tpu.memory_space<vmem>>)
      %dma_start3A_336 = arith.constant 0 : i32
      %dma_start3A_337 = arith.constant 6 : i32
      %dma_start3A_338 = arith.constant 0 : i32
      %dma_start3A_339 = arith.constant 0 : i32
      %dma_start3A_340 = tpu.memref_slice %arg9[%dma_start3A_336, %dma_start3A_338, %dma_start3A_339] : memref<2x128x128xf32, #tpu.memory_space<vmem>> -> memref<1x128x128xf32, #tpu.memory_space<vmem>>
      %dma_start3A_341 = tpu.memref_squeeze %dma_start3A_340 : memref<1x128x128xf32, #tpu.memory_space<vmem>> -> memref<128x128xf32, #tpu.memory_space<vmem>>
      %dma_start3A_342 = arith.constant 0 : i32
      %dma_start3A_343 = tpu.memref_slice %arg8[%dma_start3A_337, %dma_start3A_342] : memref<8x128xi32, #tpu.memory_space<vmem>> -> memref<1x128xi32, #tpu.memory_space<vmem>>
      %dma_start3A_344 = tpu.memref_squeeze %dma_start3A_343 : memref<1x128xi32, #tpu.memory_space<vmem>> -> memref<128xi32, #tpu.memory_space<vmem>>
      %dma_start3A_345 = arith.constant 0 : i32
      %dma_start3A_346 = arith.constant 0 : i32
      %dma_start3A_347 = tpu.memref_slice %arg10[%dma_start3A_345, %dma_start3A_346] : memref<10112x128xf32, #tpu.memory_space<vmem_shared>> -> memref<10112x128xf32, #tpu.memory_space<vmem_shared>>
      tpu.enqueue_indirect_dma source(%dma_start3A_341 : memref<128x128xf32, #tpu.memory_space<vmem>>) target(%dma_start3A_347 : memref<10112x128xf32, #tpu.memory_space<vmem_shared>>) offsets(%dma_start3A_344 : memref<128xi32, #tpu.memory_space<vmem>>) semaphore(%arg12 : memref<!tpu.dma_semaphore, #tpu.memory_space<semaphore_mem>>) {add = true}
      %dma_wait3A_348 = arith.constant 7 : i32
      %dma_wait3A_349 = arith.constant 1 : i32
      %dma_wait3A_350 = arith.constant 0 : i32
      %dma_wait3A_351 = arith.constant 0 : i32
      %dma_wait3A_352 = tpu.memref_slice %arg9[%dma_wait3A_349, %dma_wait3A_350, %dma_wait3A_351] : memref<2x128x128xf32, #tpu.memory_space<vmem>> -> memref<1x128x128xf32, #tpu.memory_space<vmem>>
      %dma_wait3A_353 = tpu.memref_squeeze %dma_wait3A_352 : memref<1x128x128xf32, #tpu.memory_space<vmem>> -> memref<128x128xf32, #tpu.memory_space<vmem>>
      %dma_wait3A_354 = arith.constant 0 : i32
      %dma_wait3A_355 = tpu.memref_slice %arg7[%dma_wait3A_348, %dma_wait3A_354] : memref<8x128xi32, #tpu.memory_space<vmem>> -> memref<1x128xi32, #tpu.memory_space<vmem>>
      %dma_wait3A_356 = tpu.memref_squeeze %dma_wait3A_355 : memref<1x128xi32, #tpu.memory_space<vmem>> -> memref<128xi32, #tpu.memory_space<vmem>>
      %dma_wait3A_357 = arith.constant 0 : i32
      %dma_wait3A_358 = arith.constant 0 : i32
      %dma_wait3A_359 = tpu.memref_slice %arg2[%dma_wait3A_357, %dma_wait3A_358] : memref<10000x128xf32, #tpu.memory_space<hbm>> -> memref<10000x128xf32, #tpu.memory_space<hbm>>
      tpu.wait_indirect_dma semaphore(%arg11 : memref<!tpu.dma_semaphore, #tpu.memory_space<semaphore_mem>>) src(%dma_wait3A_359 : memref<10000x128xf32, #tpu.memory_space<hbm>>) dst(%dma_wait3A_353 : memref<128x128xf32, #tpu.memory_space<vmem>>)
      %dma_wait3A_360 = arith.constant 0 : i32
      %dma_wait3A_361 = arith.constant 6 : i32
      %dma_wait3A_362 = arith.constant 0 : i32
      %dma_wait3A_363 = arith.constant 0 : i32
      %dma_wait3A_364 = tpu.memref_slice %arg9[%dma_wait3A_360, %dma_wait3A_362, %dma_wait3A_363] : memref<2x128x128xf32, #tpu.memory_space<vmem>> -> memref<1x128x128xf32, #tpu.memory_space<vmem>>
      %dma_wait3A_365 = tpu.memref_squeeze %dma_wait3A_364 : memref<1x128x128xf32, #tpu.memory_space<vmem>> -> memref<128x128xf32, #tpu.memory_space<vmem>>
      %dma_wait3A_366 = arith.constant 0 : i32
      %dma_wait3A_367 = tpu.memref_slice %arg8[%dma_wait3A_361, %dma_wait3A_366] : memref<8x128xi32, #tpu.memory_space<vmem>> -> memref<1x128xi32, #tpu.memory_space<vmem>>
      %dma_wait3A_368 = tpu.memref_squeeze %dma_wait3A_367 : memref<1x128xi32, #tpu.memory_space<vmem>> -> memref<128xi32, #tpu.memory_space<vmem>>
      %dma_wait3A_369 = arith.constant 0 : i32
      %dma_wait3A_370 = arith.constant 0 : i32
      %dma_wait3A_371 = tpu.memref_slice %arg10[%dma_wait3A_369, %dma_wait3A_370] : memref<10112x128xf32, #tpu.memory_space<vmem_shared>> -> memref<10112x128xf32, #tpu.memory_space<vmem_shared>>
      tpu.wait_indirect_dma semaphore(%arg12 : memref<!tpu.dma_semaphore, #tpu.memory_space<semaphore_mem>>) src(%dma_wait3A_365 : memref<128x128xf32, #tpu.memory_space<vmem>>) dst(%dma_wait3A_371 : memref<10112x128xf32, #tpu.memory_space<vmem_shared>>)
      %dma_start3A_372 = arith.constant 1 : i32
      %dma_start3A_373 = arith.constant 7 : i32
      %dma_start3A_374 = arith.constant 0 : i32
      %dma_start3A_375 = arith.constant 0 : i32
      %dma_start3A_376 = tpu.memref_slice %arg9[%dma_start3A_372, %dma_start3A_374, %dma_start3A_375] : memref<2x128x128xf32, #tpu.memory_space<vmem>> -> memref<1x128x128xf32, #tpu.memory_space<vmem>>
      %dma_start3A_377 = tpu.memref_squeeze %dma_start3A_376 : memref<1x128x128xf32, #tpu.memory_space<vmem>> -> memref<128x128xf32, #tpu.memory_space<vmem>>
      %dma_start3A_378 = arith.constant 0 : i32
      %dma_start3A_379 = tpu.memref_slice %arg8[%dma_start3A_373, %dma_start3A_378] : memref<8x128xi32, #tpu.memory_space<vmem>> -> memref<1x128xi32, #tpu.memory_space<vmem>>
      %dma_start3A_380 = tpu.memref_squeeze %dma_start3A_379 : memref<1x128xi32, #tpu.memory_space<vmem>> -> memref<128xi32, #tpu.memory_space<vmem>>
      %dma_start3A_381 = arith.constant 0 : i32
      %dma_start3A_382 = arith.constant 0 : i32
      %dma_start3A_383 = tpu.memref_slice %arg10[%dma_start3A_381, %dma_start3A_382] : memref<10112x128xf32, #tpu.memory_space<vmem_shared>> -> memref<10112x128xf32, #tpu.memory_space<vmem_shared>>
      tpu.enqueue_indirect_dma source(%dma_start3A_377 : memref<128x128xf32, #tpu.memory_space<vmem>>) target(%dma_start3A_383 : memref<10112x128xf32, #tpu.memory_space<vmem_shared>>) offsets(%dma_start3A_380 : memref<128xi32, #tpu.memory_space<vmem>>) semaphore(%arg12 : memref<!tpu.dma_semaphore, #tpu.memory_space<semaphore_mem>>) {add = true}
      %dma_wait3A_384 = arith.constant 1 : i32
      %dma_wait3A_385 = arith.constant 7 : i32
      %dma_wait3A_386 = arith.constant 0 : i32
      %dma_wait3A_387 = arith.constant 0 : i32
      %dma_wait3A_388 = tpu.memref_slice %arg9[%dma_wait3A_384, %dma_wait3A_386, %dma_wait3A_387] : memref<2x128x128xf32, #tpu.memory_space<vmem>> -> memref<1x128x128xf32, #tpu.memory_space<vmem>>
      %dma_wait3A_389 = tpu.memref_squeeze %dma_wait3A_388 : memref<1x128x128xf32, #tpu.memory_space<vmem>> -> memref<128x128xf32, #tpu.memory_space<vmem>>
      %dma_wait3A_390 = arith.constant 0 : i32
      %dma_wait3A_391 = tpu.memref_slice %arg8[%dma_wait3A_385, %dma_wait3A_390] : memref<8x128xi32, #tpu.memory_space<vmem>> -> memref<1x128xi32, #tpu.memory_space<vmem>>
      %dma_wait3A_392 = tpu.memref_squeeze %dma_wait3A_391 : memref<1x128xi32, #tpu.memory_space<vmem>> -> memref<128xi32, #tpu.memory_space<vmem>>
      %dma_wait3A_393 = arith.constant 0 : i32
      %dma_wait3A_394 = arith.constant 0 : i32
      %dma_wait3A_395 = tpu.memref_slice %arg10[%dma_wait3A_393, %dma_wait3A_394] : memref<10112x128xf32, #tpu.memory_space<vmem_shared>> -> memref<10112x128xf32, #tpu.memory_space<vmem_shared>>
      tpu.wait_indirect_dma semaphore(%arg12 : memref<!tpu.dma_semaphore, #tpu.memory_space<semaphore_mem>>) src(%dma_wait3A_389 : memref<128x128xf32, #tpu.memory_space<vmem>>) dst(%dma_wait3A_395 : memref<10112x128xf32, #tpu.memory_space<vmem_shared>>)
    }
    %scan3A_6 = arith.constant 10 : i32
    %barrier3A_7 = arith.constant 0 : index
    tpu.barrier barrier_id(%barrier3A_7)
    "tpu.region"() ({
      %run_scoped3A = tpu.sem_alloc : memref<!tpu.dma_semaphore, #tpu.memory_space<semaphore_mem>>
      %dma_start3A = arith.constant 0 : i32
      %dma_start3A_8 = tpu.memref_slice %arg6[%arg0, %mul3A_2, %dma_start3A] : memref<2x10112x128xf32, #tpu.memory_space<hbm>> -> memref<1x632x128xf32, #tpu.memory_space<hbm>>
      %dma_start3A_9 = tpu.memref_squeeze %dma_start3A_8 : memref<1x632x128xf32, #tpu.memory_space<hbm>> -> memref<632x128xf32, #tpu.memory_space<hbm>>
      %dma_start3A_10 = arith.constant 0 : i32
      %dma_start3A_11 = tpu.memref_slice %arg10[%mul3A_2, %dma_start3A_10] : memref<10112x128xf32, #tpu.memory_space<vmem_shared>> -> memref<632x128xf32, #tpu.memory_space<vmem_shared>>
      tpu.enqueue_dma source(%dma_start3A_11 : memref<632x128xf32, #tpu.memory_space<vmem_shared>>) target(%dma_start3A_9 : memref<632x128xf32, #tpu.memory_space<hbm>>) target_semaphore(%run_scoped3A : memref<!tpu.dma_semaphore, #tpu.memory_space<semaphore_mem>>)
      %dma_wait3A = arith.constant 0 : i32
      %dma_wait3A_12 = tpu.memref_slice %arg6[%arg0, %mul3A_2, %dma_wait3A] : memref<2x10112x128xf32, #tpu.memory_space<hbm>> -> memref<1x632x128xf32, #tpu.memory_space<hbm>>
      %dma_wait3A_13 = tpu.memref_squeeze %dma_wait3A_12 : memref<1x632x128xf32, #tpu.memory_space<hbm>> -> memref<632x128xf32, #tpu.memory_space<hbm>>
      %dma_wait3A_14 = arith.constant 0 : i32
      %dma_wait3A_15 = tpu.memref_slice %arg10[%mul3A_2, %dma_wait3A_14] : memref<10112x128xf32, #tpu.memory_space<vmem_shared>> -> memref<632x128xf32, #tpu.memory_space<vmem_shared>>
      tpu.wait_dma2 semaphore(%run_scoped3A : memref<!tpu.dma_semaphore, #tpu.memory_space<semaphore_mem>>) src(%dma_wait3A_15 : memref<632x128xf32, #tpu.memory_space<vmem_shared>>) dst(%dma_wait3A_13 : memref<632x128xf32, #tpu.memory_space<hbm>>)
      tpu.yield
    }) : () -> ()
    return
  }
}

#map = affine_map<(d0, d1) -> (0, 0)>
#map1 = affine_map<(d0, d1) -> (0)>
#map2 = affine_map<(d0, d1) -> (0, 0, 0)>
module attributes {stable_mosaic.version = 14 : i64} {
  func.func @pair_kernel(%arg0: i32, %arg1: i32, %arg2: memref<10000x128xf32, #tpu.memory_space<hbm>>, %arg3: memref<10000x128xf32, #tpu.memory_space<hbm>>, %arg4: memref<128xf32, #tpu.memory_space<hbm>>, %arg5: memref<832x128xi32, #tpu.memory_space<hbm>>, %arg6: memref<832x128xi32, #tpu.memory_space<hbm>>, %arg7: memref<832x128x16xf32, #tpu.memory_space<hbm>>, %arg8: memref<2x128xi32, #tpu.memory_space<vmem>>, %arg9: memref<2x128xi32, #tpu.memory_space<vmem>>, %arg10: memref<2x128x128xf32, #tpu.memory_space<vmem>>, %arg11: memref<2x128x128xf32, #tpu.memory_space<vmem>>, %arg12: memref<2x128x16xf32, #tpu.memory_space<vmem>>, %arg13: memref<128xf32, #tpu.memory_space<vmem>>, %arg14: memref<!tpu.dma_semaphore, #tpu.memory_space<semaphore_mem>>, %arg15: memref<!tpu.dma_semaphore, #tpu.memory_space<semaphore_mem>>, %arg16: memref<!tpu.dma_semaphore, #tpu.memory_space<semaphore_mem>>) attributes {dimension_semantics = [#tpu.dimension_semantics<core_parallel>, #tpu.dimension_semantics<subcore_parallel>], iteration_bounds = array<i64: 2, 16>, scalar_prefetch = 0 : i64, scratch_operands = 9 : i64, tpu.core_type = #tpu.core_type<sc_vector_subcore>, window_params = [{transform_indices = #map}, {transform_indices = #map}, {transform_indices = #map1}, {transform_indices = #map}, {transform_indices = #map}, {transform_indices = #map2}]} {
    %mul3A = arith.constant 2 : i32
    %mul3A_0 = arith.muli %arg1, %mul3A : i32
    %add3A = arith.addi %mul3A_0, %arg0 : i32
    "tpu.region"() ({
      %run_scoped3A = tpu.sem_alloc : memref<!tpu.dma_semaphore, #tpu.memory_space<semaphore_mem>>
      tpu.enqueue_dma source(%arg4 : memref<128xf32, #tpu.memory_space<hbm>>) target(%arg13 : memref<128xf32, #tpu.memory_space<vmem>>) target_semaphore(%run_scoped3A : memref<!tpu.dma_semaphore, #tpu.memory_space<semaphore_mem>>)
      tpu.wait_dma2 semaphore(%run_scoped3A : memref<!tpu.dma_semaphore, #tpu.memory_space<semaphore_mem>>) src(%arg4 : memref<128xf32, #tpu.memory_space<hbm>>) dst(%arg13 : memref<128xf32, #tpu.memory_space<vmem>>)
      tpu.yield
    }) : () -> ()
    %get3A = arith.constant 0 : index
    %get3A_1 = tpu.vector_load %arg13[%get3A] {strides = array<i32>} : memref<128xf32, #tpu.memory_space<vmem>>, vector<16xf32>,
    %get3A_2 = vector.shape_cast %get3A_1 : vector<16xf32> to vector<16xf32>
    %get3A_3 = arith.constant 16 : index
    %get3A_4 = tpu.vector_load %arg13[%get3A_3] {strides = array<i32>} : memref<128xf32, #tpu.memory_space<vmem>>, vector<16xf32>,
    %get3A_5 = vector.shape_cast %get3A_4 : vector<16xf32> to vector<16xf32>
    %get3A_6 = arith.constant 32 : index
    %get3A_7 = tpu.vector_load %arg13[%get3A_6] {strides = array<i32>} : memref<128xf32, #tpu.memory_space<vmem>>, vector<16xf32>,
    %get3A_8 = vector.shape_cast %get3A_7 : vector<16xf32> to vector<16xf32>
    %get3A_9 = arith.constant 48 : index
    %get3A_10 = tpu.vector_load %arg13[%get3A_9] {strides = array<i32>} : memref<128xf32, #tpu.memory_space<vmem>>, vector<16xf32>,
    %get3A_11 = vector.shape_cast %get3A_10 : vector<16xf32> to vector<16xf32>
    %get3A_12 = arith.constant 64 : index
    %get3A_13 = tpu.vector_load %arg13[%get3A_12] {strides = array<i32>} : memref<128xf32, #tpu.memory_space<vmem>>, vector<16xf32>,
    %get3A_14 = vector.shape_cast %get3A_13 : vector<16xf32> to vector<16xf32>
    %get3A_15 = arith.constant 80 : index
    %get3A_16 = tpu.vector_load %arg13[%get3A_15] {strides = array<i32>} : memref<128xf32, #tpu.memory_space<vmem>>, vector<16xf32>,
    %get3A_17 = vector.shape_cast %get3A_16 : vector<16xf32> to vector<16xf32>
    %get3A_18 = arith.constant 96 : index
    %get3A_19 = tpu.vector_load %arg13[%get3A_18] {strides = array<i32>} : memref<128xf32, #tpu.memory_space<vmem>>, vector<16xf32>,
    %get3A_20 = vector.shape_cast %get3A_19 : vector<16xf32> to vector<16xf32>
    %get3A_21 = arith.constant 112 : index
    %get3A_22 = tpu.vector_load %arg13[%get3A_21] {strides = array<i32>} : memref<128xf32, #tpu.memory_space<vmem>>, vector<16xf32>,
    %get3A_23 = vector.shape_cast %get3A_22 : vector<16xf32> to vector<16xf32>
    %scan3A = arith.constant 0 : i32
    %scan3A_24 = arith.constant 13 : i32
    %scan3A_25 = arith.addi %scan3A, %scan3A_24 : i32
    %scan3A_26 = arith.constant 1 : i32
    scf.for %scan3A_28 = %scan3A to %scan3A_25 step %scan3A_26  : i32 {
      %mul3A_29 = arith.constant 26 : i32
      %mul3A_30 = arith.muli %add3A, %mul3A_29 : i32
      %mul3A_31 = arith.constant 2 : i32
      %mul3A_32 = arith.muli %scan3A_28, %mul3A_31 : i32
      %add3A_33 = arith.addi %mul3A_30, %mul3A_32 : i32
      "tpu.region"() ({
        %run_scoped3A = tpu.sem_alloc : memref<!tpu.dma_semaphore, #tpu.memory_space<semaphore_mem>>
        %dma_start3A_210 = arith.constant 0 : i32
        %dma_start3A_211 = tpu.memref_slice %arg5[%add3A_33, %dma_start3A_210] : memref<832x128xi32, #tpu.memory_space<hbm>> -> memref<2x128xi32, #tpu.memory_space<hbm>>
        %dma_start3A_212 = arith.constant 0 : i32
        %dma_start3A_213 = tpu.memref_slice %arg5[%add3A_33, %dma_start3A_212] : memref<832x128xi32, #tpu.memory_space<hbm>> -> memref<2x128xi32, #tpu.memory_space<hbm>>
        tpu.enqueue_dma source(%dma_start3A_213 : memref<2x128xi32, #tpu.memory_space<hbm>>) target(%arg8 : memref<2x128xi32, #tpu.memory_space<vmem>>) target_semaphore(%run_scoped3A : memref<!tpu.dma_semaphore, #tpu.memory_space<semaphore_mem>>)
        %dma_wait3A_214 = arith.constant 0 : i32
        %dma_wait3A_215 = tpu.memref_slice %arg5[%add3A_33, %dma_wait3A_214] : memref<832x128xi32, #tpu.memory_space<hbm>> -> memref<2x128xi32, #tpu.memory_space<hbm>>
        %dma_wait3A_216 = arith.constant 0 : i32
        %dma_wait3A_217 = tpu.memref_slice %arg5[%add3A_33, %dma_wait3A_216] : memref<832x128xi32, #tpu.memory_space<hbm>> -> memref<2x128xi32, #tpu.memory_space<hbm>>
        tpu.wait_dma2 semaphore(%run_scoped3A : memref<!tpu.dma_semaphore, #tpu.memory_space<semaphore_mem>>) src(%dma_wait3A_217 : memref<2x128xi32, #tpu.memory_space<hbm>>) dst(%arg8 : memref<2x128xi32, #tpu.memory_space<vmem>>)
        tpu.yield
      }) : () -> ()
      "tpu.region"() ({
        %run_scoped3A = tpu.sem_alloc : memref<!tpu.dma_semaphore, #tpu.memory_space<semaphore_mem>>
        %dma_start3A_210 = arith.constant 0 : i32
        %dma_start3A_211 = tpu.memref_slice %arg6[%add3A_33, %dma_start3A_210] : memref<832x128xi32, #tpu.memory_space<hbm>> -> memref<2x128xi32, #tpu.memory_space<hbm>>
        %dma_start3A_212 = arith.constant 0 : i32
        %dma_start3A_213 = tpu.memref_slice %arg6[%add3A_33, %dma_start3A_212] : memref<832x128xi32, #tpu.memory_space<hbm>> -> memref<2x128xi32, #tpu.memory_space<hbm>>
        tpu.enqueue_dma source(%dma_start3A_213 : memref<2x128xi32, #tpu.memory_space<hbm>>) target(%arg9 : memref<2x128xi32, #tpu.memory_space<vmem>>) target_semaphore(%run_scoped3A : memref<!tpu.dma_semaphore, #tpu.memory_space<semaphore_mem>>)
        %dma_wait3A_214 = arith.constant 0 : i32
        %dma_wait3A_215 = tpu.memref_slice %arg6[%add3A_33, %dma_wait3A_214] : memref<832x128xi32, #tpu.memory_space<hbm>> -> memref<2x128xi32, #tpu.memory_space<hbm>>
        %dma_wait3A_216 = arith.constant 0 : i32
        %dma_wait3A_217 = tpu.memref_slice %arg6[%add3A_33, %dma_wait3A_216] : memref<832x128xi32, #tpu.memory_space<hbm>> -> memref<2x128xi32, #tpu.memory_space<hbm>>
        tpu.wait_dma2 semaphore(%run_scoped3A : memref<!tpu.dma_semaphore, #tpu.memory_space<semaphore_mem>>) src(%dma_wait3A_217 : memref<2x128xi32, #tpu.memory_space<hbm>>) dst(%arg9 : memref<2x128xi32, #tpu.memory_space<vmem>>)
        tpu.yield
      }) : () -> ()
      %dma_start3A = arith.constant 0 : i32
      %dma_start3A_34 = arith.constant 0 : i32
      %dma_start3A_35 = arith.constant 0 : i32
      %dma_start3A_36 = arith.constant 0 : i32
      %dma_start3A_37 = tpu.memref_slice %arg10[%dma_start3A_34, %dma_start3A_35, %dma_start3A_36] : memref<2x128x128xf32, #tpu.memory_space<vmem>> -> memref<1x128x128xf32, #tpu.memory_space<vmem>>
      %dma_start3A_38 = tpu.memref_squeeze %dma_start3A_37 : memref<1x128x128xf32, #tpu.memory_space<vmem>> -> memref<128x128xf32, #tpu.memory_space<vmem>>
      %dma_start3A_39 = arith.constant 0 : i32
      %dma_start3A_40 = tpu.memref_slice %arg8[%dma_start3A, %dma_start3A_39] : memref<2x128xi32, #tpu.memory_space<vmem>> -> memref<1x128xi32, #tpu.memory_space<vmem>>
      %dma_start3A_41 = tpu.memref_squeeze %dma_start3A_40 : memref<1x128xi32, #tpu.memory_space<vmem>> -> memref<128xi32, #tpu.memory_space<vmem>>
      %dma_start3A_42 = arith.constant 0 : i32
      %dma_start3A_43 = arith.constant 0 : i32
      %dma_start3A_44 = tpu.memref_slice %arg2[%dma_start3A_42, %dma_start3A_43] : memref<10000x128xf32, #tpu.memory_space<hbm>> -> memref<10000x128xf32, #tpu.memory_space<hbm>>
      tpu.enqueue_indirect_dma source(%dma_start3A_44 : memref<10000x128xf32, #tpu.memory_space<hbm>>) target(%dma_start3A_38 : memref<128x128xf32, #tpu.memory_space<vmem>>) offsets(%dma_start3A_41 : memref<128xi32, #tpu.memory_space<vmem>>) semaphore(%arg14 : memref<!tpu.dma_semaphore, #tpu.memory_space<semaphore_mem>>)
      %dma_start3A_45 = arith.constant 1 : i32
      %dma_start3A_46 = arith.constant 1 : i32
      %dma_start3A_47 = arith.constant 0 : i32
      %dma_start3A_48 = arith.constant 0 : i32
      %dma_start3A_49 = tpu.memref_slice %arg10[%dma_start3A_46, %dma_start3A_47, %dma_start3A_48] : memref<2x128x128xf32, #tpu.memory_space<vmem>> -> memref<1x128x128xf32, #tpu.memory_space<vmem>>
      %dma_start3A_50 = tpu.memref_squeeze %dma_start3A_49 : memref<1x128x128xf32, #tpu.memory_space<vmem>> -> memref<128x128xf32, #tpu.memory_space<vmem>>
      %dma_start3A_51 = arith.constant 0 : i32
      %dma_start3A_52 = tpu.memref_slice %arg8[%dma_start3A_45, %dma_start3A_51] : memref<2x128xi32, #tpu.memory_space<vmem>> -> memref<1x128xi32, #tpu.memory_space<vmem>>
      %dma_start3A_53 = tpu.memref_squeeze %dma_start3A_52 : memref<1x128xi32, #tpu.memory_space<vmem>> -> memref<128xi32, #tpu.memory_space<vmem>>
      %dma_start3A_54 = arith.constant 0 : i32
      %dma_start3A_55 = arith.constant 0 : i32
      %dma_start3A_56 = tpu.memref_slice %arg2[%dma_start3A_54, %dma_start3A_55] : memref<10000x128xf32, #tpu.memory_space<hbm>> -> memref<10000x128xf32, #tpu.memory_space<hbm>>
      tpu.enqueue_indirect_dma source(%dma_start3A_56 : memref<10000x128xf32, #tpu.memory_space<hbm>>) target(%dma_start3A_50 : memref<128x128xf32, #tpu.memory_space<vmem>>) offsets(%dma_start3A_53 : memref<128xi32, #tpu.memory_space<vmem>>) semaphore(%arg14 : memref<!tpu.dma_semaphore, #tpu.memory_space<semaphore_mem>>)
      %dma_start3A_57 = arith.constant 0 : i32
      %dma_start3A_58 = arith.constant 0 : i32
      %dma_start3A_59 = arith.constant 0 : i32
      %dma_start3A_60 = arith.constant 0 : i32
      %dma_start3A_61 = tpu.memref_slice %arg11[%dma_start3A_58, %dma_start3A_59, %dma_start3A_60] : memref<2x128x128xf32, #tpu.memory_space<vmem>> -> memref<1x128x128xf32, #tpu.memory_space<vmem>>
      %dma_start3A_62 = tpu.memref_squeeze %dma_start3A_61 : memref<1x128x128xf32, #tpu.memory_space<vmem>> -> memref<128x128xf32, #tpu.memory_space<vmem>>
      %dma_start3A_63 = arith.constant 0 : i32
      %dma_start3A_64 = tpu.memref_slice %arg9[%dma_start3A_57, %dma_start3A_63] : memref<2x128xi32, #tpu.memory_space<vmem>> -> memref<1x128xi32, #tpu.memory_space<vmem>>
      %dma_start3A_65 = tpu.memref_squeeze %dma_start3A_64 : memref<1x128xi32, #tpu.memory_space<vmem>> -> memref<128xi32, #tpu.memory_space<vmem>>
      %dma_start3A_66 = arith.constant 0 : i32
      %dma_start3A_67 = arith.constant 0 : i32
      %dma_start3A_68 = tpu.memref_slice %arg3[%dma_start3A_66, %dma_start3A_67] : memref<10000x128xf32, #tpu.memory_space<hbm>> -> memref<10000x128xf32, #tpu.memory_space<hbm>>
      tpu.enqueue_indirect_dma source(%dma_start3A_68 : memref<10000x128xf32, #tpu.memory_space<hbm>>) target(%dma_start3A_62 : memref<128x128xf32, #tpu.memory_space<vmem>>) offsets(%dma_start3A_65 : memref<128xi32, #tpu.memory_space<vmem>>) semaphore(%arg15 : memref<!tpu.dma_semaphore, #tpu.memory_space<semaphore_mem>>)
      %dma_start3A_69 = arith.constant 1 : i32
      %dma_start3A_70 = arith.constant 1 : i32
      %dma_start3A_71 = arith.constant 0 : i32
      %dma_start3A_72 = arith.constant 0 : i32
      %dma_start3A_73 = tpu.memref_slice %arg11[%dma_start3A_70, %dma_start3A_71, %dma_start3A_72] : memref<2x128x128xf32, #tpu.memory_space<vmem>> -> memref<1x128x128xf32, #tpu.memory_space<vmem>>
      %dma_start3A_74 = tpu.memref_squeeze %dma_start3A_73 : memref<1x128x128xf32, #tpu.memory_space<vmem>> -> memref<128x128xf32, #tpu.memory_space<vmem>>
      %dma_start3A_75 = arith.constant 0 : i32
      %dma_start3A_76 = tpu.memref_slice %arg9[%dma_start3A_69, %dma_start3A_75] : memref<2x128xi32, #tpu.memory_space<vmem>> -> memref<1x128xi32, #tpu.memory_space<vmem>>
      %dma_start3A_77 = tpu.memref_squeeze %dma_start3A_76 : memref<1x128xi32, #tpu.memory_space<vmem>> -> memref<128xi32, #tpu.memory_space<vmem>>
      %dma_start3A_78 = arith.constant 0 : i32
      %dma_start3A_79 = arith.constant 0 : i32
      %dma_start3A_80 = tpu.memref_slice %arg3[%dma_start3A_78, %dma_start3A_79] : memref<10000x128xf32, #tpu.memory_space<hbm>> -> memref<10000x128xf32, #tpu.memory_space<hbm>>
      tpu.enqueue_indirect_dma source(%dma_start3A_80 : memref<10000x128xf32, #tpu.memory_space<hbm>>) target(%dma_start3A_74 : memref<128x128xf32, #tpu.memory_space<vmem>>) offsets(%dma_start3A_77 : memref<128xi32, #tpu.memory_space<vmem>>) semaphore(%arg15 : memref<!tpu.dma_semaphore, #tpu.memory_space<semaphore_mem>>)
      %dma_wait3A = arith.constant 0 : i32
      %dma_wait3A_81 = arith.constant 0 : i32
      %dma_wait3A_82 = arith.constant 0 : i32
      %dma_wait3A_83 = arith.constant 0 : i32
      %dma_wait3A_84 = tpu.memref_slice %arg10[%dma_wait3A_81, %dma_wait3A_82, %dma_wait3A_83] : memref<2x128x128xf32, #tpu.memory_space<vmem>> -> memref<1x128x128xf32, #tpu.memory_space<vmem>>
      %dma_wait3A_85 = tpu.memref_squeeze %dma_wait3A_84 : memref<1x128x128xf32, #tpu.memory_space<vmem>> -> memref<128x128xf32, #tpu.memory_space<vmem>>
      %dma_wait3A_86 = arith.constant 0 : i32
      %dma_wait3A_87 = tpu.memref_slice %arg8[%dma_wait3A, %dma_wait3A_86] : memref<2x128xi32, #tpu.memory_space<vmem>> -> memref<1x128xi32, #tpu.memory_space<vmem>>
      %dma_wait3A_88 = tpu.memref_squeeze %dma_wait3A_87 : memref<1x128xi32, #tpu.memory_space<vmem>> -> memref<128xi32, #tpu.memory_space<vmem>>
      %dma_wait3A_89 = arith.constant 0 : i32
      %dma_wait3A_90 = arith.constant 0 : i32
      %dma_wait3A_91 = tpu.memref_slice %arg2[%dma_wait3A_89, %dma_wait3A_90] : memref<10000x128xf32, #tpu.memory_space<hbm>> -> memref<10000x128xf32, #tpu.memory_space<hbm>>
      tpu.wait_indirect_dma semaphore(%arg14 : memref<!tpu.dma_semaphore, #tpu.memory_space<semaphore_mem>>) src(%dma_wait3A_91 : memref<10000x128xf32, #tpu.memory_space<hbm>>) dst(%dma_wait3A_85 : memref<128x128xf32, #tpu.memory_space<vmem>>)
      %dma_wait3A_92 = arith.constant 0 : i32
      %dma_wait3A_93 = arith.constant 0 : i32
      %dma_wait3A_94 = arith.constant 0 : i32
      %dma_wait3A_95 = arith.constant 0 : i32
      %dma_wait3A_96 = tpu.memref_slice %arg11[%dma_wait3A_93, %dma_wait3A_94, %dma_wait3A_95] : memref<2x128x128xf32, #tpu.memory_space<vmem>> -> memref<1x128x128xf32, #tpu.memory_space<vmem>>
      %dma_wait3A_97 = tpu.memref_squeeze %dma_wait3A_96 : memref<1x128x128xf32, #tpu.memory_space<vmem>> -> memref<128x128xf32, #tpu.memory_space<vmem>>
      %dma_wait3A_98 = arith.constant 0 : i32
      %dma_wait3A_99 = tpu.memref_slice %arg9[%dma_wait3A_92, %dma_wait3A_98] : memref<2x128xi32, #tpu.memory_space<vmem>> -> memref<1x128xi32, #tpu.memory_space<vmem>>
      %dma_wait3A_100 = tpu.memref_squeeze %dma_wait3A_99 : memref<1x128xi32, #tpu.memory_space<vmem>> -> memref<128xi32, #tpu.memory_space<vmem>>
      %dma_wait3A_101 = arith.constant 0 : i32
      %dma_wait3A_102 = arith.constant 0 : i32
      %dma_wait3A_103 = tpu.memref_slice %arg3[%dma_wait3A_101, %dma_wait3A_102] : memref<10000x128xf32, #tpu.memory_space<hbm>> -> memref<10000x128xf32, #tpu.memory_space<hbm>>
      tpu.wait_indirect_dma semaphore(%arg15 : memref<!tpu.dma_semaphore, #tpu.memory_space<semaphore_mem>>) src(%dma_wait3A_103 : memref<10000x128xf32, #tpu.memory_space<hbm>>) dst(%dma_wait3A_97 : memref<128x128xf32, #tpu.memory_space<vmem>>)
      %scan3A_104 = arith.constant 0 : i32
      %scan3A_105 = arith.constant 128 : i32
      %scan3A_106 = arith.addi %scan3A_104, %scan3A_105 : i32
      %scan3A_107 = arith.constant 1 : i32
      scf.for %scan3A_210 = %scan3A_104 to %scan3A_106 step %scan3A_107  : i32 {
        %get3A_211 = arith.constant 0 : i32
        %get3A_212 = arith.index_cast %get3A_211 : i32 to index
        %get3A_213 = arith.index_cast %scan3A_210 : i32 to index
        %get3A_214 = arith.constant 0 : index
        %get3A_215 = tpu.vector_load %arg10[%get3A_212, %get3A_213, %get3A_214] {strides = array<i32>} : memref<2x128x128xf32, #tpu.memory_space<vmem>>, vector<1x1x16xf32>,
        %get3A_216 = vector.shape_cast %get3A_215 : vector<1x1x16xf32> to vector<16xf32>
        %mul3A_217 = arith.mulf %get3A_2, %get3A_216 : vector<16xf32>
        %get3A_218 = arith.constant 0 : i32
        %get3A_219 = arith.index_cast %get3A_218 : i32 to index
        %get3A_220 = arith.index_cast %scan3A_210 : i32 to index
        %get3A_221 = arith.constant 0 : index
        %get3A_222 = tpu.vector_load %arg11[%get3A_219, %get3A_220, %get3A_221] {strides = array<i32>} : memref<2x128x128xf32, #tpu.memory_space<vmem>>, vector<1x1x16xf32>,
        %get3A_223 = vector.shape_cast %get3A_222 : vector<1x1x16xf32> to vector<16xf32>
        %mul3A_224 = arith.mulf %mul3A_217, %get3A_223 : vector<16xf32>
        %get3A_225 = arith.constant 0 : i32
        %get3A_226 = arith.index_cast %get3A_225 : i32 to index
        %get3A_227 = arith.index_cast %scan3A_210 : i32 to index
        %get3A_228 = arith.constant 16 : index
        %get3A_229 = tpu.vector_load %arg10[%get3A_226, %get3A_227, %get3A_228] {strides = array<i32>} : memref<2x128x128xf32, #tpu.memory_space<vmem>>, vector<1x1x16xf32>,
        %get3A_230 = vector.shape_cast %get3A_229 : vector<1x1x16xf32> to vector<16xf32>
        %mul3A_231 = arith.mulf %get3A_5, %get3A_230 : vector<16xf32>
        %get3A_232 = arith.constant 0 : i32
        %get3A_233 = arith.index_cast %get3A_232 : i32 to index
        %get3A_234 = arith.index_cast %scan3A_210 : i32 to index
        %get3A_235 = arith.constant 16 : index
        %get3A_236 = tpu.vector_load %arg11[%get3A_233, %get3A_234, %get3A_235] {strides = array<i32>} : memref<2x128x128xf32, #tpu.memory_space<vmem>>, vector<1x1x16xf32>,
        %get3A_237 = vector.shape_cast %get3A_236 : vector<1x1x16xf32> to vector<16xf32>
        %mul3A_238 = arith.mulf %mul3A_231, %get3A_237 : vector<16xf32>
        %add3A_239 = arith.addf %mul3A_224, %mul3A_238 : vector<16xf32>
        %get3A_240 = arith.constant 0 : i32
        %get3A_241 = arith.index_cast %get3A_240 : i32 to index
        %get3A_242 = arith.index_cast %scan3A_210 : i32 to index
        %get3A_243 = arith.constant 32 : index
        %get3A_244 = tpu.vector_load %arg10[%get3A_241, %get3A_242, %get3A_243] {strides = array<i32>} : memref<2x128x128xf32, #tpu.memory_space<vmem>>, vector<1x1x16xf32>,
        %get3A_245 = vector.shape_cast %get3A_244 : vector<1x1x16xf32> to vector<16xf32>
        %mul3A_246 = arith.mulf %get3A_8, %get3A_245 : vector<16xf32>
        %get3A_247 = arith.constant 0 : i32
        %get3A_248 = arith.index_cast %get3A_247 : i32 to index
        %get3A_249 = arith.index_cast %scan3A_210 : i32 to index
        %get3A_250 = arith.constant 32 : index
        %get3A_251 = tpu.vector_load %arg11[%get3A_248, %get3A_249, %get3A_250] {strides = array<i32>} : memref<2x128x128xf32, #tpu.memory_space<vmem>>, vector<1x1x16xf32>,
        %get3A_252 = vector.shape_cast %get3A_251 : vector<1x1x16xf32> to vector<16xf32>
        %mul3A_253 = arith.mulf %mul3A_246, %get3A_252 : vector<16xf32>
        %add3A_254 = arith.addf %add3A_239, %mul3A_253 : vector<16xf32>
        %get3A_255 = arith.constant 0 : i32
        %get3A_256 = arith.index_cast %get3A_255 : i32 to index
        %get3A_257 = arith.index_cast %scan3A_210 : i32 to index
        %get3A_258 = arith.constant 48 : index
        %get3A_259 = tpu.vector_load %arg10[%get3A_256, %get3A_257, %get3A_258] {strides = array<i32>} : memref<2x128x128xf32, #tpu.memory_space<vmem>>, vector<1x1x16xf32>,
        %get3A_260 = vector.shape_cast %get3A_259 : vector<1x1x16xf32> to vector<16xf32>
        %mul3A_261 = arith.mulf %get3A_11, %get3A_260 : vector<16xf32>
        %get3A_262 = arith.constant 0 : i32
        %get3A_263 = arith.index_cast %get3A_262 : i32 to index
        %get3A_264 = arith.index_cast %scan3A_210 : i32 to index
        %get3A_265 = arith.constant 48 : index
        %get3A_266 = tpu.vector_load %arg11[%get3A_263, %get3A_264, %get3A_265] {strides = array<i32>} : memref<2x128x128xf32, #tpu.memory_space<vmem>>, vector<1x1x16xf32>,
        %get3A_267 = vector.shape_cast %get3A_266 : vector<1x1x16xf32> to vector<16xf32>
        %mul3A_268 = arith.mulf %mul3A_261, %get3A_267 : vector<16xf32>
        %add3A_269 = arith.addf %add3A_254, %mul3A_268 : vector<16xf32>
        %get3A_270 = arith.constant 0 : i32
        %get3A_271 = arith.index_cast %get3A_270 : i32 to index
        %get3A_272 = arith.index_cast %scan3A_210 : i32 to index
        %get3A_273 = arith.constant 64 : index
        %get3A_274 = tpu.vector_load %arg10[%get3A_271, %get3A_272, %get3A_273] {strides = array<i32>} : memref<2x128x128xf32, #tpu.memory_space<vmem>>, vector<1x1x16xf32>,
        %get3A_275 = vector.shape_cast %get3A_274 : vector<1x1x16xf32> to vector<16xf32>
        %mul3A_276 = arith.mulf %get3A_14, %get3A_275 : vector<16xf32>
        %get3A_277 = arith.constant 0 : i32
        %get3A_278 = arith.index_cast %get3A_277 : i32 to index
        %get3A_279 = arith.index_cast %scan3A_210 : i32 to index
        %get3A_280 = arith.constant 64 : index
        %get3A_281 = tpu.vector_load %arg11[%get3A_278, %get3A_279, %get3A_280] {strides = array<i32>} : memref<2x128x128xf32, #tpu.memory_space<vmem>>, vector<1x1x16xf32>,
        %get3A_282 = vector.shape_cast %get3A_281 : vector<1x1x16xf32> to vector<16xf32>
        %mul3A_283 = arith.mulf %mul3A_276, %get3A_282 : vector<16xf32>
        %add3A_284 = arith.addf %add3A_269, %mul3A_283 : vector<16xf32>
        %get3A_285 = arith.constant 0 : i32
        %get3A_286 = arith.index_cast %get3A_285 : i32 to index
        %get3A_287 = arith.index_cast %scan3A_210 : i32 to index
        %get3A_288 = arith.constant 80 : index
        %get3A_289 = tpu.vector_load %arg10[%get3A_286, %get3A_287, %get3A_288] {strides = array<i32>} : memref<2x128x128xf32, #tpu.memory_space<vmem>>, vector<1x1x16xf32>,
        %get3A_290 = vector.shape_cast %get3A_289 : vector<1x1x16xf32> to vector<16xf32>
        %mul3A_291 = arith.mulf %get3A_17, %get3A_290 : vector<16xf32>
        %get3A_292 = arith.constant 0 : i32
        %get3A_293 = arith.index_cast %get3A_292 : i32 to index
        %get3A_294 = arith.index_cast %scan3A_210 : i32 to index
        %get3A_295 = arith.constant 80 : index
        %get3A_296 = tpu.vector_load %arg11[%get3A_293, %get3A_294, %get3A_295] {strides = array<i32>} : memref<2x128x128xf32, #tpu.memory_space<vmem>>, vector<1x1x16xf32>,
        %get3A_297 = vector.shape_cast %get3A_296 : vector<1x1x16xf32> to vector<16xf32>
        %mul3A_298 = arith.mulf %mul3A_291, %get3A_297 : vector<16xf32>
        %add3A_299 = arith.addf %add3A_284, %mul3A_298 : vector<16xf32>
        %get3A_300 = arith.constant 0 : i32
        %get3A_301 = arith.index_cast %get3A_300 : i32 to index
        %get3A_302 = arith.index_cast %scan3A_210 : i32 to index
        %get3A_303 = arith.constant 96 : index
        %get3A_304 = tpu.vector_load %arg10[%get3A_301, %get3A_302, %get3A_303] {strides = array<i32>} : memref<2x128x128xf32, #tpu.memory_space<vmem>>, vector<1x1x16xf32>,
        %get3A_305 = vector.shape_cast %get3A_304 : vector<1x1x16xf32> to vector<16xf32>
        %mul3A_306 = arith.mulf %get3A_20, %get3A_305 : vector<16xf32>
        %get3A_307 = arith.constant 0 : i32
        %get3A_308 = arith.index_cast %get3A_307 : i32 to index
        %get3A_309 = arith.index_cast %scan3A_210 : i32 to index
        %get3A_310 = arith.constant 96 : index
        %get3A_311 = tpu.vector_load %arg11[%get3A_308, %get3A_309, %get3A_310] {strides = array<i32>} : memref<2x128x128xf32, #tpu.memory_space<vmem>>, vector<1x1x16xf32>,
        %get3A_312 = vector.shape_cast %get3A_311 : vector<1x1x16xf32> to vector<16xf32>
        %mul3A_313 = arith.mulf %mul3A_306, %get3A_312 : vector<16xf32>
        %add3A_314 = arith.addf %add3A_299, %mul3A_313 : vector<16xf32>
        %get3A_315 = arith.constant 0 : i32
        %get3A_316 = arith.index_cast %get3A_315 : i32 to index
        %get3A_317 = arith.index_cast %scan3A_210 : i32 to index
        %get3A_318 = arith.constant 112 : index
        %get3A_319 = tpu.vector_load %arg10[%get3A_316, %get3A_317, %get3A_318] {strides = array<i32>} : memref<2x128x128xf32, #tpu.memory_space<vmem>>, vector<1x1x16xf32>,
        %get3A_320 = vector.shape_cast %get3A_319 : vector<1x1x16xf32> to vector<16xf32>
        %mul3A_321 = arith.mulf %get3A_23, %get3A_320 : vector<16xf32>
        %get3A_322 = arith.constant 0 : i32
        %get3A_323 = arith.index_cast %get3A_322 : i32 to index
        %get3A_324 = arith.index_cast %scan3A_210 : i32 to index
        %get3A_325 = arith.constant 112 : index
        %get3A_326 = tpu.vector_load %arg11[%get3A_323, %get3A_324, %get3A_325] {strides = array<i32>} : memref<2x128x128xf32, #tpu.memory_space<vmem>>, vector<1x1x16xf32>,
        %get3A_327 = vector.shape_cast %get3A_326 : vector<1x1x16xf32> to vector<16xf32>
        %mul3A_328 = arith.mulf %mul3A_321, %get3A_327 : vector<16xf32>
        %add3A_329 = arith.addf %add3A_314, %mul3A_328 : vector<16xf32>
        %swap3A = arith.constant 0 : i32
        %swap3A_330 = arith.index_cast %swap3A : i32 to index
        %swap3A_331 = arith.index_cast %scan3A_210 : i32 to index
        %swap3A_332 = arith.constant 0 : index
        %swap3A_333 = tpu.vector_load %arg12[%swap3A_330, %swap3A_331, %swap3A_332] {strides = array<i32>} : memref<2x128x16xf32, #tpu.memory_space<vmem>>, vector<1x1x16xf32>,
        %swap3A_334 = vector.shape_cast %swap3A_333 : vector<1x1x16xf32> to vector<16xf32>
        %swap3A_335 = vector.shape_cast %add3A_329 : vector<16xf32> to vector<1x1x16xf32>
        tpu.vector_store %arg12[%swap3A_330, %swap3A_331, %swap3A_332], %swap3A_335 {strides = array<i32>} : memref<2x128x16xf32, #tpu.memory_space<vmem>>, vector<1x1x16xf32>,
      }
      %scan3A_108 = arith.constant 128 : i32
      %add3A_109 = arith.constant 0 : i32
      %add3A_110 = arith.addi %add3A_33, %add3A_109 : i32
      %dma_start3A_111 = arith.constant 0 : i32
      %dma_start3A_112 = arith.constant 0 : i32
      %dma_start3A_113 = arith.constant 0 : i32
      %dma_start3A_114 = tpu.memref_slice %arg12[%dma_start3A_111, %dma_start3A_112, %dma_start3A_113] : memref<2x128x16xf32, #tpu.memory_space<vmem>> -> memref<1x128x16xf32, #tpu.memory_space<vmem>>
      %dma_start3A_115 = tpu.memref_squeeze %dma_start3A_114 : memref<1x128x16xf32, #tpu.memory_space<vmem>> -> memref<128x16xf32, #tpu.memory_space<vmem>>
      %dma_start3A_116 = arith.constant 0 : i32
      %dma_start3A_117 = arith.constant 0 : i32
      %dma_start3A_118 = tpu.memref_slice %arg7[%add3A_110, %dma_start3A_116, %dma_start3A_117] : memref<832x128x16xf32, #tpu.memory_space<hbm>> -> memref<1x128x16xf32, #tpu.memory_space<hbm>>
      %dma_start3A_119 = tpu.memref_squeeze %dma_start3A_118 : memref<1x128x16xf32, #tpu.memory_space<hbm>> -> memref<128x16xf32, #tpu.memory_space<hbm>>
      %dma_start3A_120 = arith.constant 0 : i32
      %dma_start3A_121 = arith.constant 0 : i32
      %dma_start3A_122 = tpu.memref_slice %arg7[%add3A_110, %dma_start3A_120, %dma_start3A_121] : memref<832x128x16xf32, #tpu.memory_space<hbm>> -> memref<1x128x16xf32, #tpu.memory_space<hbm>>
      %dma_start3A_123 = tpu.memref_squeeze %dma_start3A_122 : memref<1x128x16xf32, #tpu.memory_space<hbm>> -> memref<128x16xf32, #tpu.memory_space<hbm>>
      %dma_start3A_124 = arith.constant 0 : i32
      %dma_start3A_125 = arith.constant 0 : i32
      %dma_start3A_126 = tpu.memref_slice %arg12[%dma_start3A_111, %dma_start3A_124, %dma_start3A_125] : memref<2x128x16xf32, #tpu.memory_space<vmem>> -> memref<1x128x16xf32, #tpu.memory_space<vmem>>
      %dma_start3A_127 = tpu.memref_squeeze %dma_start3A_126 : memref<1x128x16xf32, #tpu.memory_space<vmem>> -> memref<128x16xf32, #tpu.memory_space<vmem>>
      tpu.enqueue_dma source(%dma_start3A_127 : memref<128x16xf32, #tpu.memory_space<vmem>>) target(%dma_start3A_123 : memref<128x16xf32, #tpu.memory_space<hbm>>) target_semaphore(%arg16 : memref<!tpu.dma_semaphore, #tpu.memory_space<semaphore_mem>>)
      %dma_wait3A_128 = arith.constant 1 : i32
      %dma_wait3A_129 = arith.constant 1 : i32
      %dma_wait3A_130 = arith.constant 0 : i32
      %dma_wait3A_131 = arith.constant 0 : i32
      %dma_wait3A_132 = tpu.memref_slice %arg10[%dma_wait3A_129, %dma_wait3A_130, %dma_wait3A_131] : memref<2x128x128xf32, #tpu.memory_space<vmem>> -> memref<1x128x128xf32, #tpu.memory_space<vmem>>
      %dma_wait3A_133 = tpu.memref_squeeze %dma_wait3A_132 : memref<1x128x128xf32, #tpu.memory_space<vmem>> -> memref<128x128xf32, #tpu.memory_space<vmem>>
      %dma_wait3A_134 = arith.constant 0 : i32
      %dma_wait3A_135 = tpu.memref_slice %arg8[%dma_wait3A_128, %dma_wait3A_134] : memref<2x128xi32, #tpu.memory_space<vmem>> -> memref<1x128xi32, #tpu.memory_space<vmem>>
      %dma_wait3A_136 = tpu.memref_squeeze %dma_wait3A_135 : memref<1x128xi32, #tpu.memory_space<vmem>> -> memref<128xi32, #tpu.memory_space<vmem>>
      %dma_wait3A_137 = arith.constant 0 : i32
      %dma_wait3A_138 = arith.constant 0 : i32
      %dma_wait3A_139 = tpu.memref_slice %arg2[%dma_wait3A_137, %dma_wait3A_138] : memref<10000x128xf32, #tpu.memory_space<hbm>> -> memref<10000x128xf32, #tpu.memory_space<hbm>>
      tpu.wait_indirect_dma semaphore(%arg14 : memref<!tpu.dma_semaphore, #tpu.memory_space<semaphore_mem>>) src(%dma_wait3A_139 : memref<10000x128xf32, #tpu.memory_space<hbm>>) dst(%dma_wait3A_133 : memref<128x128xf32, #tpu.memory_space<vmem>>)
      %dma_wait3A_140 = arith.constant 1 : i32
      %dma_wait3A_141 = arith.constant 1 : i32
      %dma_wait3A_142 = arith.constant 0 : i32
      %dma_wait3A_143 = arith.constant 0 : i32
      %dma_wait3A_144 = tpu.memref_slice %arg11[%dma_wait3A_141, %dma_wait3A_142, %dma_wait3A_143] : memref<2x128x128xf32, #tpu.memory_space<vmem>> -> memref<1x128x128xf32, #tpu.memory_space<vmem>>
      %dma_wait3A_145 = tpu.memref_squeeze %dma_wait3A_144 : memref<1x128x128xf32, #tpu.memory_space<vmem>> -> memref<128x128xf32, #tpu.memory_space<vmem>>
      %dma_wait3A_146 = arith.constant 0 : i32
      %dma_wait3A_147 = tpu.memref_slice %arg9[%dma_wait3A_140, %dma_wait3A_146] : memref<2x128xi32, #tpu.memory_space<vmem>> -> memref<1x128xi32, #tpu.memory_space<vmem>>
      %dma_wait3A_148 = tpu.memref_squeeze %dma_wait3A_147 : memref<1x128xi32, #tpu.memory_space<vmem>> -> memref<128xi32, #tpu.memory_space<vmem>>
      %dma_wait3A_149 = arith.constant 0 : i32
      %dma_wait3A_150 = arith.constant 0 : i32
      %dma_wait3A_151 = tpu.memref_slice %arg3[%dma_wait3A_149, %dma_wait3A_150] : memref<10000x128xf32, #tpu.memory_space<hbm>> -> memref<10000x128xf32, #tpu.memory_space<hbm>>
      tpu.wait_indirect_dma semaphore(%arg15 : memref<!tpu.dma_semaphore, #tpu.memory_space<semaphore_mem>>) src(%dma_wait3A_151 : memref<10000x128xf32, #tpu.memory_space<hbm>>) dst(%dma_wait3A_145 : memref<128x128xf32, #tpu.memory_space<vmem>>)
      %scan3A_152 = arith.constant 0 : i32
      %scan3A_153 = arith.constant 128 : i32
      %scan3A_154 = arith.addi %scan3A_152, %scan3A_153 : i32
      %scan3A_155 = arith.constant 1 : i32
      scf.for %scan3A_210 = %scan3A_152 to %scan3A_154 step %scan3A_155  : i32 {
        %get3A_211 = arith.constant 1 : i32
        %get3A_212 = arith.index_cast %get3A_211 : i32 to index
        %get3A_213 = arith.index_cast %scan3A_210 : i32 to index
        %get3A_214 = arith.constant 0 : index
        %get3A_215 = tpu.vector_load %arg10[%get3A_212, %get3A_213, %get3A_214] {strides = array<i32>} : memref<2x128x128xf32, #tpu.memory_space<vmem>>, vector<1x1x16xf32>,
        %get3A_216 = vector.shape_cast %get3A_215 : vector<1x1x16xf32> to vector<16xf32>
        %mul3A_217 = arith.mulf %get3A_2, %get3A_216 : vector<16xf32>
        %get3A_218 = arith.constant 1 : i32
        %get3A_219 = arith.index_cast %get3A_218 : i32 to index
        %get3A_220 = arith.index_cast %scan3A_210 : i32 to index
        %get3A_221 = arith.constant 0 : index
        %get3A_222 = tpu.vector_load %arg11[%get3A_219, %get3A_220, %get3A_221] {strides = array<i32>} : memref<2x128x128xf32, #tpu.memory_space<vmem>>, vector<1x1x16xf32>,
        %get3A_223 = vector.shape_cast %get3A_222 : vector<1x1x16xf32> to vector<16xf32>
        %mul3A_224 = arith.mulf %mul3A_217, %get3A_223 : vector<16xf32>
        %get3A_225 = arith.constant 1 : i32
        %get3A_226 = arith.index_cast %get3A_225 : i32 to index
        %get3A_227 = arith.index_cast %scan3A_210 : i32 to index
        %get3A_228 = arith.constant 16 : index
        %get3A_229 = tpu.vector_load %arg10[%get3A_226, %get3A_227, %get3A_228] {strides = array<i32>} : memref<2x128x128xf32, #tpu.memory_space<vmem>>, vector<1x1x16xf32>,
        %get3A_230 = vector.shape_cast %get3A_229 : vector<1x1x16xf32> to vector<16xf32>
        %mul3A_231 = arith.mulf %get3A_5, %get3A_230 : vector<16xf32>
        %get3A_232 = arith.constant 1 : i32
        %get3A_233 = arith.index_cast %get3A_232 : i32 to index
        %get3A_234 = arith.index_cast %scan3A_210 : i32 to index
        %get3A_235 = arith.constant 16 : index
        %get3A_236 = tpu.vector_load %arg11[%get3A_233, %get3A_234, %get3A_235] {strides = array<i32>} : memref<2x128x128xf32, #tpu.memory_space<vmem>>, vector<1x1x16xf32>,
        %get3A_237 = vector.shape_cast %get3A_236 : vector<1x1x16xf32> to vector<16xf32>
        %mul3A_238 = arith.mulf %mul3A_231, %get3A_237 : vector<16xf32>
        %add3A_239 = arith.addf %mul3A_224, %mul3A_238 : vector<16xf32>
        %get3A_240 = arith.constant 1 : i32
        %get3A_241 = arith.index_cast %get3A_240 : i32 to index
        %get3A_242 = arith.index_cast %scan3A_210 : i32 to index
        %get3A_243 = arith.constant 32 : index
        %get3A_244 = tpu.vector_load %arg10[%get3A_241, %get3A_242, %get3A_243] {strides = array<i32>} : memref<2x128x128xf32, #tpu.memory_space<vmem>>, vector<1x1x16xf32>,
        %get3A_245 = vector.shape_cast %get3A_244 : vector<1x1x16xf32> to vector<16xf32>
        %mul3A_246 = arith.mulf %get3A_8, %get3A_245 : vector<16xf32>
        %get3A_247 = arith.constant 1 : i32
        %get3A_248 = arith.index_cast %get3A_247 : i32 to index
        %get3A_249 = arith.index_cast %scan3A_210 : i32 to index
        %get3A_250 = arith.constant 32 : index
        %get3A_251 = tpu.vector_load %arg11[%get3A_248, %get3A_249, %get3A_250] {strides = array<i32>} : memref<2x128x128xf32, #tpu.memory_space<vmem>>, vector<1x1x16xf32>,
        %get3A_252 = vector.shape_cast %get3A_251 : vector<1x1x16xf32> to vector<16xf32>
        %mul3A_253 = arith.mulf %mul3A_246, %get3A_252 : vector<16xf32>
        %add3A_254 = arith.addf %add3A_239, %mul3A_253 : vector<16xf32>
        %get3A_255 = arith.constant 1 : i32
        %get3A_256 = arith.index_cast %get3A_255 : i32 to index
        %get3A_257 = arith.index_cast %scan3A_210 : i32 to index
        %get3A_258 = arith.constant 48 : index
        %get3A_259 = tpu.vector_load %arg10[%get3A_256, %get3A_257, %get3A_258] {strides = array<i32>} : memref<2x128x128xf32, #tpu.memory_space<vmem>>, vector<1x1x16xf32>,
        %get3A_260 = vector.shape_cast %get3A_259 : vector<1x1x16xf32> to vector<16xf32>
        %mul3A_261 = arith.mulf %get3A_11, %get3A_260 : vector<16xf32>
        %get3A_262 = arith.constant 1 : i32
        %get3A_263 = arith.index_cast %get3A_262 : i32 to index
        %get3A_264 = arith.index_cast %scan3A_210 : i32 to index
        %get3A_265 = arith.constant 48 : index
        %get3A_266 = tpu.vector_load %arg11[%get3A_263, %get3A_264, %get3A_265] {strides = array<i32>} : memref<2x128x128xf32, #tpu.memory_space<vmem>>, vector<1x1x16xf32>,
        %get3A_267 = vector.shape_cast %get3A_266 : vector<1x1x16xf32> to vector<16xf32>
        %mul3A_268 = arith.mulf %mul3A_261, %get3A_267 : vector<16xf32>
        %add3A_269 = arith.addf %add3A_254, %mul3A_268 : vector<16xf32>
        %get3A_270 = arith.constant 1 : i32
        %get3A_271 = arith.index_cast %get3A_270 : i32 to index
        %get3A_272 = arith.index_cast %scan3A_210 : i32 to index
        %get3A_273 = arith.constant 64 : index
        %get3A_274 = tpu.vector_load %arg10[%get3A_271, %get3A_272, %get3A_273] {strides = array<i32>} : memref<2x128x128xf32, #tpu.memory_space<vmem>>, vector<1x1x16xf32>,
        %get3A_275 = vector.shape_cast %get3A_274 : vector<1x1x16xf32> to vector<16xf32>
        %mul3A_276 = arith.mulf %get3A_14, %get3A_275 : vector<16xf32>
        %get3A_277 = arith.constant 1 : i32
        %get3A_278 = arith.index_cast %get3A_277 : i32 to index
        %get3A_279 = arith.index_cast %scan3A_210 : i32 to index
        %get3A_280 = arith.constant 64 : index
        %get3A_281 = tpu.vector_load %arg11[%get3A_278, %get3A_279, %get3A_280] {strides = array<i32>} : memref<2x128x128xf32, #tpu.memory_space<vmem>>, vector<1x1x16xf32>,
        %get3A_282 = vector.shape_cast %get3A_281 : vector<1x1x16xf32> to vector<16xf32>
        %mul3A_283 = arith.mulf %mul3A_276, %get3A_282 : vector<16xf32>
        %add3A_284 = arith.addf %add3A_269, %mul3A_283 : vector<16xf32>
        %get3A_285 = arith.constant 1 : i32
        %get3A_286 = arith.index_cast %get3A_285 : i32 to index
        %get3A_287 = arith.index_cast %scan3A_210 : i32 to index
        %get3A_288 = arith.constant 80 : index
        %get3A_289 = tpu.vector_load %arg10[%get3A_286, %get3A_287, %get3A_288] {strides = array<i32>} : memref<2x128x128xf32, #tpu.memory_space<vmem>>, vector<1x1x16xf32>,
        %get3A_290 = vector.shape_cast %get3A_289 : vector<1x1x16xf32> to vector<16xf32>
        %mul3A_291 = arith.mulf %get3A_17, %get3A_290 : vector<16xf32>
        %get3A_292 = arith.constant 1 : i32
        %get3A_293 = arith.index_cast %get3A_292 : i32 to index
        %get3A_294 = arith.index_cast %scan3A_210 : i32 to index
        %get3A_295 = arith.constant 80 : index
        %get3A_296 = tpu.vector_load %arg11[%get3A_293, %get3A_294, %get3A_295] {strides = array<i32>} : memref<2x128x128xf32, #tpu.memory_space<vmem>>, vector<1x1x16xf32>,
        %get3A_297 = vector.shape_cast %get3A_296 : vector<1x1x16xf32> to vector<16xf32>
        %mul3A_298 = arith.mulf %mul3A_291, %get3A_297 : vector<16xf32>
        %add3A_299 = arith.addf %add3A_284, %mul3A_298 : vector<16xf32>
        %get3A_300 = arith.constant 1 : i32
        %get3A_301 = arith.index_cast %get3A_300 : i32 to index
        %get3A_302 = arith.index_cast %scan3A_210 : i32 to index
        %get3A_303 = arith.constant 96 : index
        %get3A_304 = tpu.vector_load %arg10[%get3A_301, %get3A_302, %get3A_303] {strides = array<i32>} : memref<2x128x128xf32, #tpu.memory_space<vmem>>, vector<1x1x16xf32>,
        %get3A_305 = vector.shape_cast %get3A_304 : vector<1x1x16xf32> to vector<16xf32>
        %mul3A_306 = arith.mulf %get3A_20, %get3A_305 : vector<16xf32>
        %get3A_307 = arith.constant 1 : i32
        %get3A_308 = arith.index_cast %get3A_307 : i32 to index
        %get3A_309 = arith.index_cast %scan3A_210 : i32 to index
        %get3A_310 = arith.constant 96 : index
        %get3A_311 = tpu.vector_load %arg11[%get3A_308, %get3A_309, %get3A_310] {strides = array<i32>} : memref<2x128x128xf32, #tpu.memory_space<vmem>>, vector<1x1x16xf32>,
        %get3A_312 = vector.shape_cast %get3A_311 : vector<1x1x16xf32> to vector<16xf32>
        %mul3A_313 = arith.mulf %mul3A_306, %get3A_312 : vector<16xf32>
        %add3A_314 = arith.addf %add3A_299, %mul3A_313 : vector<16xf32>
        %get3A_315 = arith.constant 1 : i32
        %get3A_316 = arith.index_cast %get3A_315 : i32 to index
        %get3A_317 = arith.index_cast %scan3A_210 : i32 to index
        %get3A_318 = arith.constant 112 : index
        %get3A_319 = tpu.vector_load %arg10[%get3A_316, %get3A_317, %get3A_318] {strides = array<i32>} : memref<2x128x128xf32, #tpu.memory_space<vmem>>, vector<1x1x16xf32>,
        %get3A_320 = vector.shape_cast %get3A_319 : vector<1x1x16xf32> to vector<16xf32>
        %mul3A_321 = arith.mulf %get3A_23, %get3A_320 : vector<16xf32>
        %get3A_322 = arith.constant 1 : i32
        %get3A_323 = arith.index_cast %get3A_322 : i32 to index
        %get3A_324 = arith.index_cast %scan3A_210 : i32 to index
        %get3A_325 = arith.constant 112 : index
        %get3A_326 = tpu.vector_load %arg11[%get3A_323, %get3A_324, %get3A_325] {strides = array<i32>} : memref<2x128x128xf32, #tpu.memory_space<vmem>>, vector<1x1x16xf32>,
        %get3A_327 = vector.shape_cast %get3A_326 : vector<1x1x16xf32> to vector<16xf32>
        %mul3A_328 = arith.mulf %mul3A_321, %get3A_327 : vector<16xf32>
        %add3A_329 = arith.addf %add3A_314, %mul3A_328 : vector<16xf32>
        %swap3A = arith.constant 1 : i32
        %swap3A_330 = arith.index_cast %swap3A : i32 to index
        %swap3A_331 = arith.index_cast %scan3A_210 : i32 to index
        %swap3A_332 = arith.constant 0 : index
        %swap3A_333 = tpu.vector_load %arg12[%swap3A_330, %swap3A_331, %swap3A_332] {strides = array<i32>} : memref<2x128x16xf32, #tpu.memory_space<vmem>>, vector<1x1x16xf32>,
        %swap3A_334 = vector.shape_cast %swap3A_333 : vector<1x1x16xf32> to vector<16xf32>
        %swap3A_335 = vector.shape_cast %add3A_329 : vector<16xf32> to vector<1x1x16xf32>
        tpu.vector_store %arg12[%swap3A_330, %swap3A_331, %swap3A_332], %swap3A_335 {strides = array<i32>} : memref<2x128x16xf32, #tpu.memory_space<vmem>>, vector<1x1x16xf32>,
      }
      %scan3A_156 = arith.constant 128 : i32
      %add3A_157 = arith.constant 1 : i32
      %add3A_158 = arith.addi %add3A_33, %add3A_157 : i32
      %dma_start3A_159 = arith.constant 1 : i32
      %dma_start3A_160 = arith.constant 0 : i32
      %dma_start3A_161 = arith.constant 0 : i32
      %dma_start3A_162 = tpu.memref_slice %arg12[%dma_start3A_159, %dma_start3A_160, %dma_start3A_161] : memref<2x128x16xf32, #tpu.memory_space<vmem>> -> memref<1x128x16xf32, #tpu.memory_space<vmem>>
      %dma_start3A_163 = tpu.memref_squeeze %dma_start3A_162 : memref<1x128x16xf32, #tpu.memory_space<vmem>> -> memref<128x16xf32, #tpu.memory_space<vmem>>
      %dma_start3A_164 = arith.constant 0 : i32
      %dma_start3A_165 = arith.constant 0 : i32
      %dma_start3A_166 = tpu.memref_slice %arg7[%add3A_158, %dma_start3A_164, %dma_start3A_165] : memref<832x128x16xf32, #tpu.memory_space<hbm>> -> memref<1x128x16xf32, #tpu.memory_space<hbm>>
      %dma_start3A_167 = tpu.memref_squeeze %dma_start3A_166 : memref<1x128x16xf32, #tpu.memory_space<hbm>> -> memref<128x16xf32, #tpu.memory_space<hbm>>
      %dma_start3A_168 = arith.constant 0 : i32
      %dma_start3A_169 = arith.constant 0 : i32
      %dma_start3A_170 = tpu.memref_slice %arg7[%add3A_158, %dma_start3A_168, %dma_start3A_169] : memref<832x128x16xf32, #tpu.memory_space<hbm>> -> memref<1x128x16xf32, #tpu.memory_space<hbm>>
      %dma_start3A_171 = tpu.memref_squeeze %dma_start3A_170 : memref<1x128x16xf32, #tpu.memory_space<hbm>> -> memref<128x16xf32, #tpu.memory_space<hbm>>
      %dma_start3A_172 = arith.constant 0 : i32
      %dma_start3A_173 = arith.constant 0 : i32
      %dma_start3A_174 = tpu.memref_slice %arg12[%dma_start3A_159, %dma_start3A_172, %dma_start3A_173] : memref<2x128x16xf32, #tpu.memory_space<vmem>> -> memref<1x128x16xf32, #tpu.memory_space<vmem>>
      %dma_start3A_175 = tpu.memref_squeeze %dma_start3A_174 : memref<1x128x16xf32, #tpu.memory_space<vmem>> -> memref<128x16xf32, #tpu.memory_space<vmem>>
      tpu.enqueue_dma source(%dma_start3A_175 : memref<128x16xf32, #tpu.memory_space<vmem>>) target(%dma_start3A_171 : memref<128x16xf32, #tpu.memory_space<hbm>>) target_semaphore(%arg16 : memref<!tpu.dma_semaphore, #tpu.memory_space<semaphore_mem>>)
      %dma_wait3A_176 = arith.constant 0 : i32
      %dma_wait3A_177 = arith.constant 0 : i32
      %dma_wait3A_178 = arith.constant 0 : i32
      %dma_wait3A_179 = tpu.memref_slice %arg12[%dma_wait3A_176, %dma_wait3A_177, %dma_wait3A_178] : memref<2x128x16xf32, #tpu.memory_space<vmem>> -> memref<1x128x16xf32, #tpu.memory_space<vmem>>
      %dma_wait3A_180 = tpu.memref_squeeze %dma_wait3A_179 : memref<1x128x16xf32, #tpu.memory_space<vmem>> -> memref<128x16xf32, #tpu.memory_space<vmem>>
      %dma_wait3A_181 = arith.constant 0 : i32
      %dma_wait3A_182 = arith.constant 0 : i32
      %dma_wait3A_183 = tpu.memref_slice %arg7[%add3A_110, %dma_wait3A_181, %dma_wait3A_182] : memref<832x128x16xf32, #tpu.memory_space<hbm>> -> memref<1x128x16xf32, #tpu.memory_space<hbm>>
      %dma_wait3A_184 = tpu.memref_squeeze %dma_wait3A_183 : memref<1x128x16xf32, #tpu.memory_space<hbm>> -> memref<128x16xf32, #tpu.memory_space<hbm>>
      %dma_wait3A_185 = arith.constant 0 : i32
      %dma_wait3A_186 = arith.constant 0 : i32
      %dma_wait3A_187 = tpu.memref_slice %arg7[%add3A_110, %dma_wait3A_185, %dma_wait3A_186] : memref<832x128x16xf32, #tpu.memory_space<hbm>> -> memref<1x128x16xf32, #tpu.memory_space<hbm>>
      %dma_wait3A_188 = tpu.memref_squeeze %dma_wait3A_187 : memref<1x128x16xf32, #tpu.memory_space<hbm>> -> memref<128x16xf32, #tpu.memory_space<hbm>>
      %dma_wait3A_189 = arith.constant 0 : i32
      %dma_wait3A_190 = arith.constant 0 : i32
      %dma_wait3A_191 = tpu.memref_slice %arg12[%dma_wait3A_176, %dma_wait3A_189, %dma_wait3A_190] : memref<2x128x16xf32, #tpu.memory_space<vmem>> -> memref<1x128x16xf32, #tpu.memory_space<vmem>>
      %dma_wait3A_192 = tpu.memref_squeeze %dma_wait3A_191 : memref<1x128x16xf32, #tpu.memory_space<vmem>> -> memref<128x16xf32, #tpu.memory_space<vmem>>
      tpu.wait_dma2 semaphore(%arg16 : memref<!tpu.dma_semaphore, #tpu.memory_space<semaphore_mem>>) src(%dma_wait3A_192 : memref<128x16xf32, #tpu.memory_space<vmem>>) dst(%dma_wait3A_188 : memref<128x16xf32, #tpu.memory_space<hbm>>)
      %dma_wait3A_193 = arith.constant 1 : i32
      %dma_wait3A_194 = arith.constant 0 : i32
      %dma_wait3A_195 = arith.constant 0 : i32
      %dma_wait3A_196 = tpu.memref_slice %arg12[%dma_wait3A_193, %dma_wait3A_194, %dma_wait3A_195] : memref<2x128x16xf32, #tpu.memory_space<vmem>> -> memref<1x128x16xf32, #tpu.memory_space<vmem>>
      %dma_wait3A_197 = tpu.memref_squeeze %dma_wait3A_196 : memref<1x128x16xf32, #tpu.memory_space<vmem>> -> memref<128x16xf32, #tpu.memory_space<vmem>>
      %dma_wait3A_198 = arith.constant 0 : i32
      %dma_wait3A_199 = arith.constant 0 : i32
      %dma_wait3A_200 = tpu.memref_slice %arg7[%add3A_158, %dma_wait3A_198, %dma_wait3A_199] : memref<832x128x16xf32, #tpu.memory_space<hbm>> -> memref<1x128x16xf32, #tpu.memory_space<hbm>>
      %dma_wait3A_201 = tpu.memref_squeeze %dma_wait3A_200 : memref<1x128x16xf32, #tpu.memory_space<hbm>> -> memref<128x16xf32, #tpu.memory_space<hbm>>
      %dma_wait3A_202 = arith.constant 0 : i32
      %dma_wait3A_203 = arith.constant 0 : i32
      %dma_wait3A_204 = tpu.memref_slice %arg7[%add3A_158, %dma_wait3A_202, %dma_wait3A_203] : memref<832x128x16xf32, #tpu.memory_space<hbm>> -> memref<1x128x16xf32, #tpu.memory_space<hbm>>
      %dma_wait3A_205 = tpu.memref_squeeze %dma_wait3A_204 : memref<1x128x16xf32, #tpu.memory_space<hbm>> -> memref<128x16xf32, #tpu.memory_space<hbm>>
      %dma_wait3A_206 = arith.constant 0 : i32
      %dma_wait3A_207 = arith.constant 0 : i32
      %dma_wait3A_208 = tpu.memref_slice %arg12[%dma_wait3A_193, %dma_wait3A_206, %dma_wait3A_207] : memref<2x128x16xf32, #tpu.memory_space<vmem>> -> memref<1x128x16xf32, #tpu.memory_space<vmem>>
      %dma_wait3A_209 = tpu.memref_squeeze %dma_wait3A_208 : memref<1x128x16xf32, #tpu.memory_space<vmem>> -> memref<128x16xf32, #tpu.memory_space<vmem>>
      tpu.wait_dma2 semaphore(%arg16 : memref<!tpu.dma_semaphore, #tpu.memory_space<semaphore_mem>>) src(%dma_wait3A_209 : memref<128x16xf32, #tpu.memory_space<vmem>>) dst(%dma_wait3A_205 : memref<128x16xf32, #tpu.memory_space<hbm>>)
    }
    %scan3A_27 = arith.constant 13 : i32
    return
  }
}

module attributes {stable_mosaic.version = 14 : i64} {
  func.func @body(%arg0: i32, %arg1: memref<1000x128xf32, #tpu.memory_space<vmem>>, %arg2: memref<1000x2xf32, #tpu.memory_space<vmem>>, %arg3: memref<128x128xf32, #tpu.memory_space<vmem>>, %arg4: memref<1x128xf32, #tpu.memory_space<vmem>>, %arg5: memref<128x128xf32, #tpu.memory_space<vmem>>, %arg6: memref<1000x128xf32, #tpu.memory_space<vmem>>) attributes {dimension_semantics = [#tpu.dimension_semantics<arbitrary>], iteration_bounds = array<i64: 10>, scalar_prefetch = 0 : i64, scratch_operands = 0 : i64, tpu.core_type = #tpu.core_type<tc>, window_params = [{transform_indices = @transform_0, window_bounds = array<i64: 1000, 128>}, {transform_indices = @transform_1, window_bounds = array<i64: 1000, 2>}, {pipeline_mode = #tpu.pipeline_mode<synchronous>, transform_indices = @transform_2, window_bounds = array<i64: 128, 128>}, {pipeline_mode = #tpu.pipeline_mode<synchronous>, transform_indices = @transform_3, window_bounds = array<i64: 1, 128>}, {pipeline_mode = #tpu.pipeline_mode<synchronous>, transform_indices = @transform_4, window_bounds = array<i64: 128, 128>}, {transform_indices = @transform_5, window_bounds = array<i64: 1000, 128>}]} {
    %get3A = arith.constant 0 : index
    %get3A_0 = arith.constant 0 : index
    %get3A_1 = vector.load %arg2[%get3A, %get3A_0] : memref<1000x2xf32, #tpu.memory_space<vmem>>, vector<1000x1xf32>
    %get3A_2 = vector.shape_cast %get3A_1 : vector<1000x1xf32> to vector<1000xf32>
    %get3A_3 = arith.constant 0 : index
    %get3A_4 = arith.constant 1 : index
    %get3A_5 = vector.load %arg2[%get3A_3, %get3A_4] : memref<1000x2xf32, #tpu.memory_space<vmem>>, vector<1000x1xf32>
    %get3A_6 = vector.shape_cast %get3A_5 : vector<1000x1xf32> to vector<1000xf32>
    %add3A = arith.addf %get3A_2, %get3A_6 : vector<1000xf32>
    %add3A_7 = arith.constant 1.000000e+00 : f32
    %add3A_8 = vector.broadcast %add3A_7 : f32 to vector<1000xf32>
    %add3A_9 = arith.addf %add3A, %add3A_8 : vector<1000xf32>
    %rsqrt3A = math.rsqrt %add3A_9 : vector<1000xf32>
    %get3A_10 = arith.constant 0 : index
    %get3A_11 = arith.constant 0 : index
    %get3A_12 = vector.load %arg1[%get3A_10, %get3A_11] : memref<1000x128xf32, #tpu.memory_space<vmem>>, vector<1000x128xf32>
    %get3A_13 = arith.constant 0 : index
    %get3A_14 = arith.constant 0 : index
    %get3A_15 = vector.load %arg3[%get3A_13, %get3A_14] : memref<128x128xf32, #tpu.memory_space<vmem>>, vector<128x128xf32>
    %dot_general3A = arith.constant dense<0.000000e+00> : vector<1000x128xf32>
    %dot_general3A_16 = tpu.matmul %get3A_12, %get3A_15, %dot_general3A {dimension_numbers = #tpu.dot_dimension_numbers<[1], [0], [0], [1], [0, 0, 1, 1], [], []>, transpose_lhs_hint = false} : vector<1000x128xf32>, vector<128x128xf32>, vector<1000x128xf32> -> vector<1000x128xf32>
    %get3A_17 = arith.constant 0 : index
    %get3A_18 = arith.constant 0 : index
    %get3A_19 = vector.load %arg4[%get3A_17, %get3A_18] : memref<1x128xf32, #tpu.memory_space<vmem>>, vector<1x128xf32>
    %add3A_20 = vector.broadcast %get3A_19 : vector<1x128xf32> to vector<1000x128xf32>
    %add3A_21 = arith.addf %dot_general3A_16, %add3A_20 : vector<1000x128xf32>
    %max3A = arith.constant 0.000000e+00 : f32
    %max3A_22 = vector.broadcast %max3A : f32 to vector<1000x128xf32>
    %max3A_23 = arith.maximumf %add3A_21, %max3A_22 : vector<1000x128xf32>
    %get3A_24 = arith.constant 0 : index
    %get3A_25 = arith.constant 0 : index
    %get3A_26 = vector.load %arg5[%get3A_24, %get3A_25] : memref<128x128xf32, #tpu.memory_space<vmem>>, vector<128x128xf32>
    %dot_general3A_27 = arith.constant dense<0.000000e+00> : vector<1000x128xf32>
    %dot_general3A_28 = tpu.matmul %max3A_23, %get3A_26, %dot_general3A_27 {dimension_numbers = #tpu.dot_dimension_numbers<[1], [0], [0], [1], [0, 0, 1, 1], [], []>, transpose_lhs_hint = false} : vector<1000x128xf32>, vector<128x128xf32>, vector<1000x128xf32> -> vector<1000x128xf32>
    %broadcast_in_dim3A = vector.shape_cast %rsqrt3A : vector<1000xf32> to vector<1000x1xf32>
    %mul3A = vector.broadcast %broadcast_in_dim3A : vector<1000x1xf32> to vector<1000x128xf32>
    %mul3A_29 = arith.mulf %dot_general3A_28, %mul3A : vector<1000x128xf32>
    %swap3A = arith.constant 0 : index
    %swap3A_30 = arith.constant 0 : index
    %swap3A_31 = vector.load %arg6[%swap3A, %swap3A_30] : memref<1000x128xf32, #tpu.memory_space<vmem>>, vector<1000x128xf32>
    tpu.vector_store %arg6[%swap3A, %swap3A_30], %mul3A_29 {strides = array<i32>} : memref<1000x128xf32, #tpu.memory_space<vmem>>, vector<1000x128xf32>,
    return
  }
  func.func @transform_0(%arg0: i32) -> (i32, i32) {
    %c0_i32 = arith.constant 0 : i32
    %c0_i32_0 = arith.constant 0 : i32
    return %arg0, %c0_i32 : i32, i32
  }
  func.func @transform_1(%arg0: i32) -> (i32, i32) {
    %c0_i32 = arith.constant 0 : i32
    %c0_i32_0 = arith.constant 0 : i32
    return %arg0, %c0_i32 : i32, i32
  }
  func.func @transform_2(%arg0: i32) -> (i32, i32) {
    %c0_i32 = arith.constant 0 : i32
    %c0_i32_0 = arith.constant 0 : i32
    %c0_i32_1 = arith.constant 0 : i32
    return %c0_i32, %c0_i32_0 : i32, i32
  }
  func.func @transform_3(%arg0: i32) -> (i32, i32) {
    %c0_i32 = arith.constant 0 : i32
    %c0_i32_0 = arith.constant 0 : i32
    %c0_i32_1 = arith.constant 0 : i32
    return %c0_i32, %c0_i32_0 : i32, i32
  }
  func.func @transform_4(%arg0: i32) -> (i32, i32) {
    %c0_i32 = arith.constant 0 : i32
    %c0_i32_0 = arith.constant 0 : i32
    %c0_i32_1 = arith.constant 0 : i32
    return %c0_i32, %c0_i32_0 : i32, i32
  }
  func.func @transform_5(%arg0: i32) -> (i32, i32) {
    %c0_i32 = arith.constant 0 : i32
    %c0_i32_0 = arith.constant 0 : i32
    return %arg0, %c0_i32 : i32, i32
  }
}

module attributes {stable_mosaic.version = 14 : i64} {
  func.func @body(%arg0: i32, %arg1: memref<2x1000x128xf32, #tpu.memory_space<vmem>>, %arg2: memref<1000x128xf32, #tpu.memory_space<vmem>>, %arg3: memref<1000x2xf32, #tpu.memory_space<vmem>>, %arg4: memref<1x128xf32, #tpu.memory_space<vmem>>, %arg5: memref<128x128xf32, #tpu.memory_space<vmem>>, %arg6: memref<1000x128xf32, #tpu.memory_space<vmem>>) attributes {dimension_semantics = [#tpu.dimension_semantics<arbitrary>], iteration_bounds = array<i64: 10>, scalar_prefetch = 0 : i64, scratch_operands = 0 : i64, tpu.core_type = #tpu.core_type<tc>, window_params = [{transform_indices = @transform_0, window_bounds = array<i64: 2, 1000, 128>}, {transform_indices = @transform_1, window_bounds = array<i64: 1000, 128>}, {transform_indices = @transform_2, window_bounds = array<i64: 1000, 2>}, {pipeline_mode = #tpu.pipeline_mode<synchronous>, transform_indices = @transform_3, window_bounds = array<i64: 1, 128>}, {pipeline_mode = #tpu.pipeline_mode<synchronous>, transform_indices = @transform_4, window_bounds = array<i64: 128, 128>}, {transform_indices = @transform_5, window_bounds = array<i64: 1000, 128>}]} {
    %get3A = arith.constant 0 : index
    %get3A_0 = arith.constant 0 : index
    %get3A_1 = vector.load %arg3[%get3A, %get3A_0] : memref<1000x2xf32, #tpu.memory_space<vmem>>, vector<1000x1xf32>
    %get3A_2 = vector.shape_cast %get3A_1 : vector<1000x1xf32> to vector<1000xf32>
    %get3A_3 = arith.constant 0 : index
    %get3A_4 = arith.constant 1 : index
    %get3A_5 = vector.load %arg3[%get3A_3, %get3A_4] : memref<1000x2xf32, #tpu.memory_space<vmem>>, vector<1000x1xf32>
    %get3A_6 = vector.shape_cast %get3A_5 : vector<1000x1xf32> to vector<1000xf32>
    %add3A = arith.addf %get3A_2, %get3A_6 : vector<1000xf32>
    %add3A_7 = arith.constant 1.000000e+00 : f32
    %add3A_8 = vector.broadcast %add3A_7 : f32 to vector<1000xf32>
    %add3A_9 = arith.addf %add3A, %add3A_8 : vector<1000xf32>
    %rsqrt3A = math.rsqrt %add3A_9 : vector<1000xf32>
    %get3A_10 = arith.constant 0 : index
    %get3A_11 = arith.constant 0 : index
    %get3A_12 = arith.constant 0 : index
    %get3A_13 = vector.load %arg1[%get3A_10, %get3A_11, %get3A_12] : memref<2x1000x128xf32, #tpu.memory_space<vmem>>, vector<1x1000x128xf32>
    %get3A_14 = vector.shape_cast %get3A_13 : vector<1x1000x128xf32> to vector<1000x128xf32>
    %get3A_15 = arith.constant 1 : index
    %get3A_16 = arith.constant 0 : index
    %get3A_17 = arith.constant 0 : index
    %get3A_18 = vector.load %arg1[%get3A_15, %get3A_16, %get3A_17] : memref<2x1000x128xf32, #tpu.memory_space<vmem>>, vector<1x1000x128xf32>
    %get3A_19 = vector.shape_cast %get3A_18 : vector<1x1000x128xf32> to vector<1000x128xf32>
    %add3A_20 = arith.addf %get3A_14, %get3A_19 : vector<1000x128xf32>
    %get3A_21 = arith.constant 0 : index
    %get3A_22 = arith.constant 0 : index
    %get3A_23 = vector.load %arg2[%get3A_21, %get3A_22] : memref<1000x128xf32, #tpu.memory_space<vmem>>, vector<1000x128xf32>
    %add3A_24 = arith.addf %add3A_20, %get3A_23 : vector<1000x128xf32>
    %broadcast_in_dim3A = vector.shape_cast %rsqrt3A : vector<1000xf32> to vector<1000x1xf32>
    %mul3A = vector.broadcast %broadcast_in_dim3A : vector<1000x1xf32> to vector<1000x128xf32>
    %mul3A_25 = arith.mulf %add3A_24, %mul3A : vector<1000x128xf32>
    %get3A_26 = arith.constant 0 : index
    %get3A_27 = arith.constant 0 : index
    %get3A_28 = vector.load %arg4[%get3A_26, %get3A_27] : memref<1x128xf32, #tpu.memory_space<vmem>>, vector<1x128xf32>
    %add3A_29 = vector.broadcast %get3A_28 : vector<1x128xf32> to vector<1000x128xf32>
    %add3A_30 = arith.addf %mul3A_25, %add3A_29 : vector<1000x128xf32>
    %max3A = arith.constant 0.000000e+00 : f32
    %max3A_31 = vector.broadcast %max3A : f32 to vector<1000x128xf32>
    %max3A_32 = arith.maximumf %add3A_30, %max3A_31 : vector<1000x128xf32>
    %get3A_33 = arith.constant 0 : index
    %get3A_34 = arith.constant 0 : index
    %get3A_35 = vector.load %arg5[%get3A_33, %get3A_34] : memref<128x128xf32, #tpu.memory_space<vmem>>, vector<128x128xf32>
    %dot_general3A = arith.constant dense<0.000000e+00> : vector<1000x128xf32>
    %dot_general3A_36 = tpu.matmul %max3A_32, %get3A_35, %dot_general3A {dimension_numbers = #tpu.dot_dimension_numbers<[1], [0], [0], [1], [0, 0, 1, 1], [], []>, transpose_lhs_hint = false} : vector<1000x128xf32>, vector<128x128xf32>, vector<1000x128xf32> -> vector<1000x128xf32>
    %broadcast_in_dim3A_37 = vector.shape_cast %rsqrt3A : vector<1000xf32> to vector<1000x1xf32>
    %mul3A_38 = vector.broadcast %broadcast_in_dim3A_37 : vector<1000x1xf32> to vector<1000x128xf32>
    %mul3A_39 = arith.mulf %dot_general3A_36, %mul3A_38 : vector<1000x128xf32>
    %swap3A = arith.constant 0 : index
    %swap3A_40 = arith.constant 0 : index
    %swap3A_41 = vector.load %arg6[%swap3A, %swap3A_40] : memref<1000x128xf32, #tpu.memory_space<vmem>>, vector<1000x128xf32>
    tpu.vector_store %arg6[%swap3A, %swap3A_40], %mul3A_39 {strides = array<i32>} : memref<1000x128xf32, #tpu.memory_space<vmem>>, vector<1000x128xf32>,
    return
  }
  func.func @transform_0(%arg0: i32) -> (i32, i32, i32) {
    %c0_i32 = arith.constant 0 : i32
    %c0_i32_0 = arith.constant 0 : i32
    %c0_i32_1 = arith.constant 0 : i32
    return %c0_i32, %arg0, %c0_i32_0 : i32, i32, i32
  }
  func.func @transform_1(%arg0: i32) -> (i32, i32) {
    %c0_i32 = arith.constant 0 : i32
    %c0_i32_0 = arith.constant 0 : i32
    return %arg0, %c0_i32 : i32, i32
  }
  func.func @transform_2(%arg0: i32) -> (i32, i32) {
    %c0_i32 = arith.constant 0 : i32
    %c0_i32_0 = arith.constant 0 : i32
    return %arg0, %c0_i32 : i32, i32
  }
  func.func @transform_3(%arg0: i32) -> (i32, i32) {
    %c0_i32 = arith.constant 0 : i32
    %c0_i32_0 = arith.constant 0 : i32
    %c0_i32_1 = arith.constant 0 : i32
    return %c0_i32, %c0_i32_0 : i32, i32
  }
  func.func @transform_4(%arg0: i32) -> (i32, i32) {
    %c0_i32 = arith.constant 0 : i32
    %c0_i32_0 = arith.constant 0 : i32
    %c0_i32_1 = arith.constant 0 : i32
    return %c0_i32, %c0_i32_0 : i32, i32
  }
  func.func @transform_5(%arg0: i32) -> (i32, i32) {
    %c0_i32 = arith.constant 0 : i32
    %c0_i32_0 = arith.constant 0 : i32
    return %arg0, %c0_i32 : i32, i32
  }
}

module attributes {stable_mosaic.version = 14 : i64} {
  func.func @body(%arg0: i32, %arg1: memref<2x1000x128xf32, #tpu.memory_space<vmem>>, %arg2: memref<1000x128xf32, #tpu.memory_space<vmem>>, %arg3: memref<1000x2xf32, #tpu.memory_space<vmem>>, %arg4: memref<1x128xf32, #tpu.memory_space<vmem>>, %arg5: memref<1000x128xf32, #tpu.memory_space<vmem>>) attributes {dimension_semantics = [#tpu.dimension_semantics<arbitrary>], iteration_bounds = array<i64: 10>, scalar_prefetch = 0 : i64, scratch_operands = 0 : i64, tpu.core_type = #tpu.core_type<tc>, window_params = [{transform_indices = @transform_0, window_bounds = array<i64: 2, 1000, 128>}, {transform_indices = @transform_1, window_bounds = array<i64: 1000, 128>}, {transform_indices = @transform_2, window_bounds = array<i64: 1000, 2>}, {pipeline_mode = #tpu.pipeline_mode<synchronous>, transform_indices = @transform_3, window_bounds = array<i64: 1, 128>}, {transform_indices = @transform_4, window_bounds = array<i64: 1000, 128>}]} {
    %get3A = arith.constant 0 : index
    %get3A_0 = arith.constant 0 : index
    %get3A_1 = vector.load %arg3[%get3A, %get3A_0] : memref<1000x2xf32, #tpu.memory_space<vmem>>, vector<1000x1xf32>
    %get3A_2 = vector.shape_cast %get3A_1 : vector<1000x1xf32> to vector<1000xf32>
    %get3A_3 = arith.constant 0 : index
    %get3A_4 = arith.constant 1 : index
    %get3A_5 = vector.load %arg3[%get3A_3, %get3A_4] : memref<1000x2xf32, #tpu.memory_space<vmem>>, vector<1000x1xf32>
    %get3A_6 = vector.shape_cast %get3A_5 : vector<1000x1xf32> to vector<1000xf32>
    %add3A = arith.addf %get3A_2, %get3A_6 : vector<1000xf32>
    %add3A_7 = arith.constant 1.000000e+00 : f32
    %add3A_8 = vector.broadcast %add3A_7 : f32 to vector<1000xf32>
    %add3A_9 = arith.addf %add3A, %add3A_8 : vector<1000xf32>
    %rsqrt3A = math.rsqrt %add3A_9 : vector<1000xf32>
    %get3A_10 = arith.constant 0 : index
    %get3A_11 = arith.constant 0 : index
    %get3A_12 = arith.constant 0 : index
    %get3A_13 = vector.load %arg1[%get3A_10, %get3A_11, %get3A_12] : memref<2x1000x128xf32, #tpu.memory_space<vmem>>, vector<1x1000x128xf32>
    %get3A_14 = vector.shape_cast %get3A_13 : vector<1x1000x128xf32> to vector<1000x128xf32>
    %get3A_15 = arith.constant 1 : index
    %get3A_16 = arith.constant 0 : index
    %get3A_17 = arith.constant 0 : index
    %get3A_18 = vector.load %arg1[%get3A_15, %get3A_16, %get3A_17] : memref<2x1000x128xf32, #tpu.memory_space<vmem>>, vector<1x1000x128xf32>
    %get3A_19 = vector.shape_cast %get3A_18 : vector<1x1000x128xf32> to vector<1000x128xf32>
    %add3A_20 = arith.addf %get3A_14, %get3A_19 : vector<1000x128xf32>
    %get3A_21 = arith.constant 0 : index
    %get3A_22 = arith.constant 0 : index
    %get3A_23 = vector.load %arg2[%get3A_21, %get3A_22] : memref<1000x128xf32, #tpu.memory_space<vmem>>, vector<1000x128xf32>
    %add3A_24 = arith.addf %add3A_20, %get3A_23 : vector<1000x128xf32>
    %broadcast_in_dim3A = vector.shape_cast %rsqrt3A : vector<1000xf32> to vector<1000x1xf32>
    %mul3A = vector.broadcast %broadcast_in_dim3A : vector<1000x1xf32> to vector<1000x128xf32>
    %mul3A_25 = arith.mulf %add3A_24, %mul3A : vector<1000x128xf32>
    %get3A_26 = arith.constant 0 : index
    %get3A_27 = arith.constant 0 : index
    %get3A_28 = vector.load %arg4[%get3A_26, %get3A_27] : memref<1x128xf32, #tpu.memory_space<vmem>>, vector<1x128xf32>
    %add3A_29 = vector.broadcast %get3A_28 : vector<1x128xf32> to vector<1000x128xf32>
    %add3A_30 = arith.addf %mul3A_25, %add3A_29 : vector<1000x128xf32>
    %swap3A = arith.constant 0 : index
    %swap3A_31 = arith.constant 0 : index
    %swap3A_32 = vector.load %arg5[%swap3A, %swap3A_31] : memref<1000x128xf32, #tpu.memory_space<vmem>>, vector<1000x128xf32>
    tpu.vector_store %arg5[%swap3A, %swap3A_31], %add3A_30 {strides = array<i32>} : memref<1000x128xf32, #tpu.memory_space<vmem>>, vector<1000x128xf32>,
    return
  }
  func.func @transform_0(%arg0: i32) -> (i32, i32, i32) {
    %c0_i32 = arith.constant 0 : i32
    %c0_i32_0 = arith.constant 0 : i32
    %c0_i32_1 = arith.constant 0 : i32
    return %c0_i32, %arg0, %c0_i32_0 : i32, i32, i32
  }
  func.func @transform_1(%arg0: i32) -> (i32, i32) {
    %c0_i32 = arith.constant 0 : i32
    %c0_i32_0 = arith.constant 0 : i32
    return %arg0, %c0_i32 : i32, i32
  }
  func.func @transform_2(%arg0: i32) -> (i32, i32) {
    %c0_i32 = arith.constant 0 : i32
    %c0_i32_0 = arith.constant 0 : i32
    return %arg0, %c0_i32 : i32, i32
  }
  func.func @transform_3(%arg0: i32) -> (i32, i32) {
    %c0_i32 = arith.constant 0 : i32
    %c0_i32_0 = arith.constant 0 : i32
    %c0_i32_1 = arith.constant 0 : i32
    return %c0_i32, %c0_i32_0 : i32, i32
  }
  func.func @transform_4(%arg0: i32) -> (i32, i32) {
    %c0_i32 = arith.constant 0 : i32
    %c0_i32_0 = arith.constant 0 : i32
    return %arg0, %c0_i32 : i32, i32
  }
}

module attributes {stable_mosaic.version = 14 : i64} {
  func.func @body(%arg0: i32, %arg1: memref<16x128x16xf32, #tpu.memory_space<vmem>>, %arg2: memref<16x128xf32, #tpu.memory_space<vmem>>) attributes {dimension_semantics = [#tpu.dimension_semantics<arbitrary>], iteration_bounds = array<i64: 52>, scalar_prefetch = 0 : i64, scratch_operands = 0 : i64, tpu.core_type = #tpu.core_type<tc>, window_params = [{transform_indices = @transform_0, window_bounds = array<i64: 16, 128, 16>}, {transform_indices = @transform_1, window_bounds = array<i64: 16, 128>}]} {
    %get3A = arith.constant 0 : index
    %get3A_0 = arith.constant 0 : index
    %get3A_1 = arith.constant 0 : index
    %get3A_2 = vector.load %arg1[%get3A, %get3A_0, %get3A_1] : memref<16x128x16xf32, #tpu.memory_space<vmem>>, vector<16x128x16xf32>
    %reduce_sum3A = arith.constant dense<0.000000e+00> : vector<16x128xf32>
    %reduce_sum3A_3 = vector.multi_reduction <add>, %get3A_2, %reduce_sum3A [2] : vector<16x128x16xf32> to vector<16x128xf32>
    %swap3A = arith.constant 0 : index
    %swap3A_4 = arith.constant 0 : index
    %swap3A_5 = vector.load %arg2[%swap3A, %swap3A_4] : memref<16x128xf32, #tpu.memory_space<vmem>>, vector<16x128xf32>
    tpu.vector_store %arg2[%swap3A, %swap3A_4], %reduce_sum3A_3 {strides = array<i32>} : memref<16x128xf32, #tpu.memory_space<vmem>>, vector<16x128xf32>,
    return
  }
  func.func @transform_0(%arg0: i32) -> (i32, i32, i32) {
    %c0_i32 = arith.constant 0 : i32
    %c0_i32_0 = arith.constant 0 : i32
    %c0_i32_1 = arith.constant 0 : i32
    return %arg0, %c0_i32, %c0_i32_0 : i32, i32, i32
  }
  func.func @transform_1(%arg0: i32) -> (i32, i32) {
    %c0_i32 = arith.constant 0 : i32
    %c0_i32_0 = arith.constant 0 : i32
    return %arg0, %c0_i32 : i32, i32
  }
}

</mosaic_0001>

<sc_bundles>
// kernel: gather_offload_async_start.1
scs
__scs_entry_jumppad:
0x0: {  	(pc) =	sbr.rel $0x88, $3  }
0x1: {  	(tag) =	ssettag $0x0;
	lr =	simm.s32 $0x1  }
0x2: {  	[smem:$0x3F96] =	sst lr;
	_ =	strace $0xD0000000  }
0x3: {  	_ = 	snop  }
0x4: {  	_ = 	snop  }
0x5: {  	_ = 	snop  }
0x6: {  	_ = 	snop  }
0x7: {  	_ = 	snop  }
__scs_overlays_trampoline_lowered:
0x8: {  	[smem:$0x3FA5] =	sst s0  }
0x9: {  	[smem:$0x3FA6] =	sst s1  }
0xa: {  	[smem:$0x3FA7] =	sst s2  }
0xb: {  	[smem:$0x3FA8] =	sst s3  }
0xc: {  	[smem:$0x3FA9] =	sst s4  }
0xd: {  	[smem:$0x3FAA] =	sst s5  }
0xe: {  	[smem:$0x3FAB] =	sst s6  }
0xf: {  	[smem:$0x3FAC] =	sst s7  }
0x10: {  	[smem:$0x3FAD] =	sst s8  }
0x11: {  	[smem:$0x3FAE] =	sst s9;
	s0 =	simm.s32 @!p0 $0x0  }
0x12: {  	s1 =	sld [smem:$0x3F94];
	s0 =	simm.s32 @p0 $0x1  }
0x13: {  	[smem:$0x3FAF] =	sst s0;
	s0 =	simm.s32 @!p1 $0x0  }
0x14: {  	s2 =	sld [smem:$0x3F93];
	s0 =	simm.s32 @p1 $0x1  }
0x15: {  	[smem:$0x3FB0] =	sst s0;
	s0 =	simm.s32 @!p2 $0x0  }
0x16: {  	s3 =	sld [smem:$0x3FDB];
	s0 =	simm.s32 @p2 $0x1  }
0x17: {  	s4 =	simm.s32 $0x1BF5;
	[smem:$0x3FB2] =	sst s0  }
0x18: {  	s0 =	sld [smem:$0x3F95];
	_ =	swait.ge [sflag:s4], $0x0  }
0x19: {  	s7 =	sld [smem:$0x3F96]  }
0x1a: {  	s8 =	sadd.s32 $0xFFFFE003, lr  }
0x1b: {  	s9 =	sadd.s32 $0xFFFFFEF7, lr;
	s5 =	simm.s32 $0xFFFFFFFF;
	p2 =	slt.u32 s8, $0xFFFFF086  }
0x1c: {  	p1 =	slt.u32 s9, $0xF7A;
	s5 =	simm.s32 @!p2 $0x0  }
0x1d: {  	s5 =	simm.s32 @p1 $0x1;
	p0 =	seq.s32 s7, s2  }
0x1e: {  	s7 =	smul.u32 @!p0 $0xF7A, s2;
	p2 =	seq.s32 @!p0 s5, $0x0  }
0x1f: {  	s9 =	smul.u32 $0xF7A, s1;
	s8 =	simm.s32 @!p0 $0x1BF5;
	p2 =	por !p2, p0  }
0x20: {  	[sflag:s8] =	ssyncset.s32 @!p0 $0xFFFFF086;
	s6 =	sadd.s32 @!p0 s3, s7;
	s7 =	simm.s32 @!p0 $0x108  }
0x21: {  	s3 =	sadd.s32 s3, s9;
	s6 =	sadd.s32 @!p0 $0x88, s6;
	s7 =	simm.s32 @p2 $0x1082  }
0x22: {  	[simem:s7], [sflag:s8] =	dma.local @!p0 [hbm:s6], $0xF7A  }
0x23: {  	s9 =	sor.u32 $0xD0000000, s2;
	s6 =	simm.s32 $0x108;
	_ =	swait.ge @!p0 [sflag:s8], $0x0  }
0x24: {  	s3 =	sadd.s32 $0x88, s3;
	s6 =	simm.s32 @!p1 $0x1082;
	[sflag:s4] =	ssyncset.s32 $0xFFFFF086  }
0x25: {  	[simem:s6], [sflag:s4] =	dma.local [hbm:s3], $0xF7A  }
0x26: {  	[smem:$0x3F96] =	sst s1;
	(tag) =	ssettag s2;
	_ =	strace s9  }
0x27: {  	s1 =	sld [smem:$0x3FA6]  }
0x28: {  	s2 =	sld [smem:$0x3FA7]  }
0x29: {  	s4 =	sld [smem:$0x3FA9]  }
0x2a: {  	p0 =	seq.s32 s5, $0x0;
	s5 =	sld [smem:$0x3FAA]  }
0x2b: {  	s6 =	sld [smem:$0x3FAB]  }
0x2c: {  	s7 =	sld [smem:$0x3FAC]  }
0x2d: {  	s3 =	simm.s32 $0x108;
	s8 =	sld [smem:$0x3FAD]  }
0x2e: {  	s3 =	simm.s32 @!p0 $0x1082;
	s9 =	sld [smem:$0x3FAE]  }
0x2f: {  	lr =	sadd.s32 s0, s3;
	s0 =	sld [smem:$0x3FA5]  }
0x30: {  	s3 =	sld [smem:$0x3FA8]  }
0x31: {  	[smem:$0x3FB1] =	sst s10  }
0x32: {  	s10 =	sld [smem:$0x3FAF];
	_ =	sdelay $0x3  }
0x33: {  	p0 =	seq.s32 s10, $0x1;
	s10 =	sld [smem:$0x3FB1];
	_ =	sdelay $0x3  }
0x34: {  	[smem:$0x3FB1] =	sst s10  }
0x35: {  	s10 =	sld [smem:$0x3FB0];
	_ =	sdelay $0x3  }
0x36: {  	p1 =	seq.s32 s10, $0x1;
	s10 =	sld [smem:$0x3FB1];
	_ =	sdelay $0x3  }
0x37: {  	[smem:$0x3FB1] =	sst s10  }
0x38: {  	s10 =	sld [smem:$0x3FB2]  }
0x39: {  	_ = 	snop;
	(pc) =	sbr.ind lr, $3  }
0x3a: {  	_ = 	snop  }
0x3b: {  	_ = 	snop  }
0x3c: {  	p2 =	seq.s32 s10, $0x1;
	s10 =	sld [smem:$0x3FB1]  }
0x3d: {  	_ =	shalt  }
0x3e: {  	_ =	shalt  }
0x3f: {  	_ =	shalt  }
0x40: {  	_ =	shalt  }
0x41: {  	_ =	shalt  }
0x42: {  	_ =	shalt  }
0x43: {  	_ =	shalt  }
0x44: {  	_ =	shalt  }
0x45: {  	_ =	shalt  }
0x46: {  	_ =	shalt  }
0x47: {  	_ =	shalt  }
0x48: {  	_ =	shalt  }
0x49: {  	_ =	shalt  }
0x4a: {  	_ =	shalt  }
0x4b: {  	_ =	shalt  }
0x4c: {  	_ =	shalt  }
0x4d: {  	_ =	shalt  }
0x4e: {  	_ =	shalt  }
0x4f: {  	_ =	shalt  }
0x50: {  	_ =	shalt  }
0x51: {  	_ =	shalt  }
0x52: {  	_ =	shalt  }
0x53: {  	_ =	shalt  }
0x54: {  	_ =	shalt  }
0x55: {  	_ =	shalt  }
0x56: {  	_ =	shalt  }
0x57: {  	_ =	shalt  }
0x58: {  	_ =	shalt  }
0x59: {  	_ =	shalt  }
0x5a: {  	_ =	shalt  }
0x5b: {  	_ =	shalt  }
0x5c: {  	_ =	shalt  }
0x5d: {  	_ =	shalt  }
0x5e: {  	_ =	shalt  }
0x5f: {  	_ =	shalt  }
0x60: {  	_ =	shalt  }
0x61: {  	_ =	shalt  }
0x62: {  	_ =	shalt  }
0x63: {  	_ =	shalt  }
0x64: {  	_ =	shalt  }
0x65: {  	_ =	shalt  }
0x66: {  	_ =	shalt  }
0x67: {  	_ =	shalt  }
0x68: {  	_ =	shalt  }
0x69: {  	_ =	shalt  }
0x6a: {  	_ =	shalt  }
0x6b: {  	_ =	shalt  }
0x6c: {  	_ =	shalt  }
0x6d: {  	_ =	shalt  }
0x6e: {  	_ =	shalt  }
0x6f: {  	_ =	shalt  }
0x70: {  	_ =	shalt  }
0x71: {  	_ =	shalt  }
0x72: {  	_ =	shalt  }
0x73: {  	_ =	shalt  }
0x74: {  	_ =	shalt  }
0x75: {  	_ =	shalt  }
0x76: {  	_ =	shalt  }
0x77: {  	_ =	shalt  }
0x78: {  	_ =	shalt  }
0x79: {  	_ =	shalt  }
0x7a: {  	_ =	shalt  }
0x7b: {  	_ =	shalt  }
0x7c: {  	_ =	shalt  }
0x7d: {  	_ =	shalt  }
0x7e: {  	_ =	shalt  }
0x7f: {  	_ =	shalt  }
0x80: {  	_ =	shalt  }
0x81: {  	_ =	shalt  }
0x82: {  	_ =	shalt  }
0x83: {  	_ =	shalt  }
0x84: {  	_ =	shalt  }
0x85: {  	_ =	shalt  }
0x86: {  	_ =	shalt  }
0x87: {  	_ =	shalt  }
.Lfunc_end0:
.L_simem_size_0:
called_computation.1_lowered:
.L_overlay_start_0:
0x88: {  	s2 =	sld [smem:$0x3FD9]  }
0x89: {  	s3 =	sld [smem:$0x3FFE];
	_ =	sdelay $0x1  }
0x8a: {  	s1 =	srdreg.scid  }
0x8b: {  	s0 =	sand.u32 $0x1, s1  }
0x8c: {  	s16 =	sshll.u32 s0, $0xA;
	s2 =	sadd.s32 s3, s2  }
0x8d: {  	s2 =	sadd.s32 s2, s16  }
0x8e: {  	[smem:$0x3FBD] =	sst s2  }
0x8f: {  	_ = 	snop  }
0x90: {  	(tm) =	ssettm $0x1  }
0x91: {  	s17 =	sld [smem:$0x3FFB];
	_ =	sdelay $0x3  }
0x92: {  	_ =	strace s17  }
0x93: {  	s2 =	sld [smem:$0x3FFC];
	_ =	sdelay $0x3  }
0x94: {  	_ =	strace s2  }
0x95: {  	s2 =	sld [smem:$0x3FFD];
	_ =	sdelay $0x3  }
0x96: {  	_ =	strace s2  }
0x97: {  	_ =	strace $0x8FFFFFFF  }
0x98: {  	s18 =	sld [smem:$0x3FDB];
	_ =	sdelay $0x1  }
0x99: {  	s19 =	simm.s32 $_scs_section_size  }
0x9a: {  	s4 =	simm.s32 $_size__tile_overlayer_lowered;
	s5 =	simm.s32 $_tile_overlayer_lowered  }
0x9b: {  	s22 =	simm.s32 $0x1BFF;
	s21 =	sshll.u32 s5, $0x1;
	s2 =	sadd.s32 s19, s18  }
0x9c: {  	s6 =	simm.s32 $0x0;
	s20 =	sshll.u32 s4, $0x1;
	s4 =	sadd.s32 s21, s2  }
0x9d: {  	[timem:s6], [sflag:s22] =	dma.local [hbm:s4], s20  }
0x9e: {  	_ =	swait.ge [sflag:s22], s20  }
0x9f: {  	s3 =	ssub.s32 $0x0, s20;
	[sflag:s22] =	ssyncset.done $0x0  }
0xa0: {  	[sflag:s22] =	ssyncadd.s32 s3;
	_ =	sdelay $0x1  }
0xa1: {  	s23 =	simm.s32 $0x1B8B  }
0xa2: {  	_ =	swait.ge [sflag:s23], $0x1  }
0xa3: {  	[sflag:s23] =	ssyncset.done $0x0  }
0xa4: {  	s25 =	simm.s32 $0x1B8E;
	s24 =	sld [smem:$0x3FFE];
	[sflag:s23] =	ssyncadd.s32 $0xFFFFFFFF  }
0xa5: {  	s26 =	simm.s32 $execute0_lowered;
	[smem:$0x3FD2] =	sst s25  }
0xa6: {  	s4 =	sshll.u32 s26, $0x1;
	_ =	strace $0x80000046;
	[dreg:$0x1] =	wrdreg $0xFFFFFFFF  }
0xa7: {  	s28 =	simm.s32 $_size_execute0_lowered;
	s2 =	sadd.s32 s2, s4;
	[dreg:$0x0] =	wrdreg $0x0  }
0xa8: {  	s4 =	sshll.u32 s28, $0x1;
	[dreg:$0x2] =	wrdreg s2  }
0xa9: {  	[dreg:$0x3] =	wrdreg s4  }
0xaa: {  	[dreg:$0x4] =	wrdreg $0xC0  }
0xab: {  	_ =	task [dreg:s6], $0x5FFFF  }
0xac: {  	[dreg:$0x1] =	wrdreg $0xFFFFFFFF  }
0xad: {  	[dreg:$0x0] =	wrdreg $0x60  }
0xae: {  	[dreg:$0x2] =	wrdreg s24  }
0xaf: {  	[dreg:$0x3] =	wrdreg $0x9  }
0xb0: {  	_ =	task.clear_ibuf [dreg:s6], $0x4FFFF;
	_ =	strace $0x90000046  }
0xb1: {  	s29 =	simm.s32 $0x9;
	_ =	strace $0x80000048  }
0xb2: {  	_ =	swait.ge [sflag:s29], $0x1  }
0xb3: {  	[sflag:s29] =	ssyncadd.s32 $0xFFFFFFFF  }
0xb4: {  	_ =	strace $0x90000048  }
0xb5: {  	_ =	sfence  }
0xb6: {  	s30 =	sld [smem:$0x0];
	_ =	sdelay $0x2  }
0xb7: {  	s31 =	sshll.u32 s1, $0xD;
	s1 =	sshrl.u32 s1, $0x2  }
0xb8: {  	s3 =	sand.u32 $0x4000, s31;
	s1 =	sadd.s32 s1, s30  }
0xb9: {  	s0 =	sor.u32 s3, s0;
	s1 =	sshll.u32 s1, $0x11  }
0xba: {  	s0 =	sor.u32 s1, s0  }
0xbb: {  	s0 =	sadd.s32 $0x8F2B, s0  }
0xbc: {  	[sflag:s0] =	ssyncadd.remote.s32 $0x1  }
0xbd: {  	_ =	sfence.sel $0xFFFF  }
0xbe: {  	[dreg:$0x0] =	wrdreg $0xFFFFFFFF;
	(pc) =	sbr.abs _section_cstart, $3  }
0xbf: {  	[dreg:$0x1] =	wrdreg $0xFFFFFFFF  }
0xc0: {  	_ =	task.clear_ibuf [dreg:s6], $0x2FFFF;
	_ =	strace $0x9FFFFFFF  }
0xc1: {  	(tm) =	ssettm $0x7FFFFFFF  }
tec
execute0_lowered:
.L_overlay_start_1:
0x0: {  	(tag) =	ssettag $0x1  }
0x1: {  	s0 =	srdreg.scid  }
0x2: {  	s1 =	sshll.u32 s0, $0x4  }
0x3: {  	s0 =	stileid.u32;
	s1 =	sand.u32 $0x10, s1  }
0x4: {  	s1 =	sor.u32 s0, s1  }
0x5: {  	s9 =	rddreg [dreg:$0x0];
	s6 =	simm.s32 $0x1;
	s2 =	smin.u32 s1, $0x8  }
0x6: {  	p0 =	slt.u32 s1, $0x8;
	s2 =	sadd.s32 s1, s2;
	s1 =	simm.s32 $0x80  }
0x7: {  	s7 =	simm.s32 $0x2;
	s2 =	sshll.u32 s2, $0x6;
	s1 =	simm.s32 @!p0 $0x40  }
0x8: {  	s10 =	simm.s32 $0x3;
	s13 =	simm.s32 $0x0;
	s3 =	sadd.s32 s1, s2  }
0x9: {  	s12 =	simm.s32 $0x0;
	s4 =	sadd.s32 $0x2C00, s9;
	s3 =	smin.u32 s3, $0xA00  }
.Ltmp0:
0xa: {  	s5 =	sadd.s32 $0x2A00, s9;
	s8 =	ssub.s32 s3, s2;
	(pc) =	sbr.rel .LBB2_1-.Ltmp0, $4  }
0xb: {  	s1 =	rddreg [dreg:$0x1];
	_ =	strace $0x80000047;
	p0 =	sgt.s32 s8, $0x0  }
0xc: {  	s9 =	sadd.s32 $0x16C00, s9;
	[sflag:s6] =	ssyncpa.u1 $0x0;
	s8 =	simm.s32 @!p0 $0x0  }
0xd: {  	s11 =	smov.u32 s2;
	[sflag:s7] =	ssyncpa.u1 $0x0;
	s8 =	sshrl.u32 s8, $0x6  }
0xe: {  	vm0 =	vmmov $0xff;
	vm1 =	vcmask $0x3F20;
	[sflag:s10] =	ssyncpa.u1 $0x0;
	p0 =	por $0x0, $0x0;
	s10 =	sadd.s32 $0x1, s8  }
.LBB2_6:
0xf: {  	[hbm:s17] =	stream.linear.scatter [tilespmem:s14], [sflag:$0x3], $0x400, $0x38;
	[tilespmem:$0x4080] =	vst v63  }
.LBB2_7:
0x10: {  	s13 =	sadd.s32 $0x40, s11  }
0x11: {  	s15 =	smov.u32 s2;
	p2 =	slt.s32 s13, s3  }
0x12: {  	s15 =	smov.u32 @p2 s13;
	p2 =	sne.s32 s12, s10  }
.Ltmp1:
0x13: {  	p1 =	slt.u32 s12, $0x2;
	(pc) =	sbr.rel @!p2 .LBB2_8-.Ltmp1, $4  }
0x14: {  	s14 =	simm.s32 @!p1 $0x3  }
0x15: {  	s16 =	sadd.s32 $0x1, s12;
	_ =	swait.ge @!p1 [sflag:s14], $0x2000  }
0x16: {  	p0 =	por !p0, !p0;
	s13 =	smov.u32 s11;
	[sflag:s14] =	ssyncset.done @!p1 $0x0  }
0x17: {  	s12 =	smov.u32 s16;
	s11 =	smov.u32 s15;
	[sflag:s14] =	ssyncadd.s32 @!p1 $0xFFFFE000  }
.LBB2_1:
0x18: {  	p1 =	sge.u32 s12, s8  }
0x19: {  	s14 =	sxor.u32 @!p1 $0xFFFFFFFF, s12  }
0x1a: {  	s31 =	sadd.s32 $0xFFFFFFFF, s12;
	s15 =	sshrl.u32 @!p1 s11, $0x3;
	s14 =	sshll.u32 @!p1 s14, $0x6  }
0x1b: {  	s16 =	sand.u32 @!p1 $0x7, s11;
	s15 =	sadd.s32 @!p1 s5, s15;
	s14 =	sand.u32 @!p1 $0x40, s14  }
0x1c: {  	[tilespmem:s14], [sflag:$0x2] =	stream.linear.gather @!p1 [hbm4b:s15+s16], $0x40, $0x38;
	[tilespmem:$0x4080] =	vst v63  }
0x1d: {  	p1 =	sge.u32 s31, s8  }
.Ltmp2:
0x1e: {  	_ = 	snop;
	(pc) =	sbr.rel @p1 .LBB2_7-.Ltmp2, $1  }
0x1f: {  	_ =	sdelay $0x3  }
0x20: {  	s14 =	simm.s32 $0x1  }
0x21: {  	_ =	swait.ge [sflag:s7], $0x40;
	s14 =	simm.s32 @!p0 $0x0  }
0x22: {  	[sflag:s7] =	ssyncset.done $0x0;
	s16 =	sshll.u32 s14, $0x6  }
0x23: {  	[sflag:s7] =	ssyncadd.s32 $0xFFFFFFC0;
	s15 =	sadd.s32 $0x0, s16  }
0x24: {  	v0 =	vld.msk [tilespmem:s15+$0x0 ss:$0x1], $0xffff;
	_ =	sdelay $0x4  }
0x25: {  	vm2 =	vgt.s32 v0, $0x0  }
0x26: {  	v0 =	vnsel vm2, $0x0, v0  }
0x27: {  	v0 =	vmin.u32 v0, $0x9FF  }
0x28: {  	v0 =	vshll.u32 v0, $0x4;
	_ =	sdelay $0x2  }
0x29: {  	s14 =	sshll.u32 s14, $0xD  }
0x2a: {  	s14 =	sor.u32 $0x80, s14  }
0x2b: {  	[tilespmem:s14], [sflag:$0x1] =	stream.indirect_vreg.gather [hbm:s4], $0x80, v0, vm0, $0x38;
	[tilespmem:$0x4080] =	vst v63  }
0x2c: {  	s17 =	sadd.s32 $0x10, s16;
	s15 =	sadd.s32 $0x400, s14  }
0x2d: {  	[tilespmem:s15], [sflag:$0x1] =	stream.indirect_vreg.gather [hbm:s4], $0x80, v0, vm1, $0x38;
	[tilespmem:$0x4080] =	vst v63  }
0x2e: {  	s18 =	simm.s32 $0x80;
	v0 =	vld.msk [tilespmem:s17+$0x0 ss:$0x1], $0xffff;
	s17 =	smov.u32 s14  }
.LBB2_3:
0x2f: {  	p1 =	sne.s32 s18, $0xC0;
	_ =	sdelay $0x4  }
0x30: {  	vm2 =	vgt.s32 v0, $0x0  }
0x31: {  	v0 =	vnsel vm2, $0x0, v0  }
0x32: {  	v0 =	vmin.u32 v0, $0x9FF  }
0x33: {  	v0 =	vshll.u32 v0, $0x4;
	_ =	sdelay $0x3  }
.Ltmp3:
0x34: {  	s19 =	sshra.s32 s18, $0x2;
	s17 =	sadd.s32 $0x800, s17;
	(pc) =	sbr.rel @p1 .LBB2_3-.Ltmp3, $4  }
0x35: {  	[tilespmem:s17], [sflag:$0x1] =	stream.indirect_vreg.gather [hbm:s4], $0x80, v0, vm0, $0x38;
	[tilespmem:$0x4080] =	vst v63  }
0x36: {  	s19 =	sadd.s32 s19, s16;
	s20 =	sadd.s32 $0x400, s17  }
0x37: {  	[tilespmem:s20], [sflag:$0x1] =	stream.indirect_vreg.gather [hbm:s4], $0x80, v0, vm1, $0x38;
	[tilespmem:$0x4080] =	vst v63  }
0x38: {  	s18 =	sadd.s32 $0x40, s18;
	v0 =	vld.msk [tilespmem:s19+$0x0 ss:$0x1], $0xffff  }
0x39: {  	_ =	sdelay $0x3  }
0x3a: {  	vm2 =	vgt.s32 v0, $0x0  }
0x3b: {  	v0 =	vnsel vm2, $0x0, v0  }
0x3c: {  	v0 =	vmin.u32 v0, $0x9FF  }
0x3d: {  	v0 =	vshll.u32 v0, $0x4;
	_ =	sdelay $0x3  }
0x3e: {  	s16 =	sadd.s32 $0x800, s17  }
0x3f: {  	[tilespmem:s16], [sflag:$0x1] =	stream.indirect_vreg.gather [hbm:s4], $0x80, v0, vm0, $0x38;
	[tilespmem:$0x4080] =	vst v63  }
0x40: {  	s16 =	sadd.s32 $0x400, s16  }
0x41: {  	[tilespmem:s16], [sflag:$0x1] =	stream.indirect_vreg.gather [hbm:s4], $0x80, v0, vm1, $0x38;
	[tilespmem:$0x4080] =	vst v63  }
0x42: {  	s13 =	sshll.u32 s13, $0x4;
	_ =	swait.ge [sflag:s6], $0x2000  }
0x43: {  	s13 =	sadd.s32 s13, s9;
	[sflag:s6] =	ssyncset.done $0x0  }
0x44: {  	s17 =	sadd.s32 $0x0, s13;
	s16 =	simm.s32 $0x80;
	[sflag:s6] =	ssyncadd.s32 $0xFFFFE000  }
.LBB2_5:
0x45: {  	[hbm:s17] =	stream.linear.scatter [tilespmem:s14], [sflag:$0x3], $0x400, $0x38;
	[tilespmem:$0x4080] =	vst v63  }
0x46: {  	s17 =	smov.u32 s16;
	s14 =	smov.u32 s15;
	p1 =	sne.s32 s16, $0x380  }
.Ltmp4:
0x47: {  	s16 =	sadd.s32 $0x80, s16;
	(pc) =	sbr.rel @p1 .LBB2_5-.Ltmp4, $2  }
0x48: {  	_ =	sdelay $0x2  }
0x49: {  	s15 =	sadd.s32 $0x400, s15;
	s17 =	sadd.s32 s17, s13  }
.Ltmp5:
0x4a: {  	_ = 	snop;
	(pc) =	sbr.rel .LBB2_6-.Ltmp5, $1  }
0x4b: {  	_ =	sdelay $0x3  }
.LBB2_8:
0x4c: {  	_ =	sfence.sel $0x180000  }
0x4d: {  	s2 =	simm.s32 $0x2;
	[bflag:$0x0] =	sbarrier.arrive $0xFFFF  }
0x4e: {  	s30 =	simm.s32 $0x3;
	[sflag:s2] =	ssyncpa.u1 $0x1  }
0x4f: {  	s31 =	simm.s32 $0x1;
	[sflag:s30] =	ssyncpa.u1 $0x1  }
0x50: {  	[sflag:s31] =	ssyncpa.u1 $0x1  }
0x51: {  	p0 =	sne.s32 s0, $0x0;
	_ =	strace $0x90000047  }
0x52: {  	s0 =	sadd.s32 @!p0 $0x100000, s1;
	[bflag:$0x2] =	sbarrier.arrive $0xFFFF  }
0x53: {  	[sflag:s0] =	ssyncadd.tile.s32 @!p0 $0x1;
	_ =	shalt  }
.Lfunc_end2:
_tile_overlayer_lowered:
.L_overlay_start_2:
0x54: {  	(tag) =	ssettag $0x2  }
0x55: {  	s0 =	rddreg [dreg:$0x0];
	s2 =	stileid.u32  }
0x56: {  	s1 =	rddreg [dreg:$0x1];
	p0 =	sne.s32 s2, $0x0  }
0x57: {  	s3 =	rddreg [dreg:$0x2];
	[bflag:$0x3] =	sbarrier.arrive $0xFFFF;
	s2 =	simm.s32 @!p0 $0x1C01  }
0x58: {  	[timem:s3], [sflag:s2] =	dma.local @!p0 [hbm:s0], s1  }
0x59: {  	s0 =	simm.s32 @!p0 $0x1  }
0x5a: {  	_ =	swait.ge @!p0 [sflag:s0], s1  }
0x5b: {  	s1 =	ssub.s32 @!p0 $0x0, s1;
	[sflag:s0] =	ssyncset.done @!p0 $0x0  }
0x5c: {  	[sflag:s0] =	ssyncadd.s32 @!p0 s1  }
0x5d: {  	[bflag:$0x3] =	sbarrier.arrive $0xFFFF  }
0x5e: {  	_ =	shalt  }

// kernel: gather_offload_async_start
scs
__scs_entry_jumppad:
0x0: {  	(pc) =	sbr.rel $0x88, $3  }
0x1: {  	(tag) =	ssettag $0x0;
	lr =	simm.s32 $0x1  }
0x2: {  	[smem:$0x3F96] =	sst lr;
	_ =	strace $0xD0000000  }
0x3: {  	_ = 	snop  }
0x4: {  	_ = 	snop  }
0x5: {  	_ = 	snop  }
0x6: {  	_ = 	snop  }
0x7: {  	_ = 	snop  }
__scs_overlays_trampoline_lowered:
0x8: {  	[smem:$0x3FA5] =	sst s0  }
0x9: {  	[smem:$0x3FA6] =	sst s1  }
0xa: {  	[smem:$0x3FA7] =	sst s2  }
0xb: {  	[smem:$0x3FA8] =	sst s3  }
0xc: {  	[smem:$0x3FA9] =	sst s4  }
0xd: {  	[smem:$0x3FAA] =	sst s5  }
0xe: {  	[smem:$0x3FAB] =	sst s6  }
0xf: {  	[smem:$0x3FAC] =	sst s7  }
0x10: {  	[smem:$0x3FAD] =	sst s8  }
0x11: {  	[smem:$0x3FAE] =	sst s9;
	s0 =	simm.s32 @!p0 $0x0  }
0x12: {  	s1 =	sld [smem:$0x3F94];
	s0 =	simm.s32 @p0 $0x1  }
0x13: {  	[smem:$0x3FAF] =	sst s0;
	s0 =	simm.s32 @!p1 $0x0  }
0x14: {  	s2 =	sld [smem:$0x3F93];
	s0 =	simm.s32 @p1 $0x1  }
0x15: {  	[smem:$0x3FB0] =	sst s0;
	s0 =	simm.s32 @!p2 $0x0  }
0x16: {  	s3 =	sld [smem:$0x3FDB];
	s0 =	simm.s32 @p2 $0x1  }
0x17: {  	s4 =	simm.s32 $0x1BF5;
	[smem:$0x3FB2] =	sst s0  }
0x18: {  	s0 =	sld [smem:$0x3F95];
	_ =	swait.ge [sflag:s4], $0x0  }
0x19: {  	s7 =	sld [smem:$0x3F96]  }
0x1a: {  	s8 =	sadd.s32 $0xFFFFE003, lr  }
0x1b: {  	s9 =	sadd.s32 $0xFFFFFEF7, lr;
	s5 =	simm.s32 $0xFFFFFFFF;
	p2 =	slt.u32 s8, $0xFFFFF086  }
0x1c: {  	p1 =	slt.u32 s9, $0xF7A;
	s5 =	simm.s32 @!p2 $0x0  }
0x1d: {  	s5 =	simm.s32 @p1 $0x1;
	p0 =	seq.s32 s7, s2  }
0x1e: {  	s7 =	smul.u32 @!p0 $0xF7A, s2;
	p2 =	seq.s32 @!p0 s5, $0x0  }
0x1f: {  	s9 =	smul.u32 $0xF7A, s1;
	s8 =	simm.s32 @!p0 $0x1BF5;
	p2 =	por !p2, p0  }
0x20: {  	[sflag:s8] =	ssyncset.s32 @!p0 $0xFFFFF086;
	s6 =	sadd.s32 @!p0 s3, s7;
	s7 =	simm.s32 @!p0 $0x108  }
0x21: {  	s3 =	sadd.s32 s3, s9;
	s6 =	sadd.s32 @!p0 $0x88, s6;
	s7 =	simm.s32 @p2 $0x1082  }
0x22: {  	[simem:s7], [sflag:s8] =	dma.local @!p0 [hbm:s6], $0xF7A  }
0x23: {  	s9 =	sor.u32 $0xD0000000, s2;
	s6 =	simm.s32 $0x108;
	_ =	swait.ge @!p0 [sflag:s8], $0x0  }
0x24: {  	s3 =	sadd.s32 $0x88, s3;
	s6 =	simm.s32 @!p1 $0x1082;
	[sflag:s4] =	ssyncset.s32 $0xFFFFF086  }
0x25: {  	[simem:s6], [sflag:s4] =	dma.local [hbm:s3], $0xF7A  }
0x26: {  	[smem:$0x3F96] =	sst s1;
	(tag) =	ssettag s2;
	_ =	strace s9  }
0x27: {  	s1 =	sld [smem:$0x3FA6]  }
0x28: {  	s2 =	sld [smem:$0x3FA7]  }
0x29: {  	s4 =	sld [smem:$0x3FA9]  }
0x2a: {  	p0 =	seq.s32 s5, $0x0;
	s5 =	sld [smem:$0x3FAA]  }
0x2b: {  	s6 =	sld [smem:$0x3FAB]  }
0x2c: {  	s7 =	sld [smem:$0x3FAC]  }
0x2d: {  	s3 =	simm.s32 $0x108;
	s8 =	sld [smem:$0x3FAD]  }
0x2e: {  	s3 =	simm.s32 @!p0 $0x1082;
	s9 =	sld [smem:$0x3FAE]  }
0x2f: {  	lr =	sadd.s32 s0, s3;
	s0 =	sld [smem:$0x3FA5]  }
0x30: {  	s3 =	sld [smem:$0x3FA8]  }
0x31: {  	[smem:$0x3FB1] =	sst s10  }
0x32: {  	s10 =	sld [smem:$0x3FAF];
	_ =	sdelay $0x3  }
0x33: {  	p0 =	seq.s32 s10, $0x1;
	s10 =	sld [smem:$0x3FB1];
	_ =	sdelay $0x3  }
0x34: {  	[smem:$0x3FB1] =	sst s10  }
0x35: {  	s10 =	sld [smem:$0x3FB0];
	_ =	sdelay $0x3  }
0x36: {  	p1 =	seq.s32 s10, $0x1;
	s10 =	sld [smem:$0x3FB1];
	_ =	sdelay $0x3  }
0x37: {  	[smem:$0x3FB1] =	sst s10  }
0x38: {  	s10 =	sld [smem:$0x3FB2]  }
0x39: {  	_ = 	snop;
	(pc) =	sbr.ind lr, $3  }
0x3a: {  	_ = 	snop  }
0x3b: {  	_ = 	snop  }
0x3c: {  	p2 =	seq.s32 s10, $0x1;
	s10 =	sld [smem:$0x3FB1]  }
0x3d: {  	_ =	shalt  }
0x3e: {  	_ =	shalt  }
0x3f: {  	_ =	shalt  }
0x40: {  	_ =	shalt  }
0x41: {  	_ =	shalt  }
0x42: {  	_ =	shalt  }
0x43: {  	_ =	shalt  }
0x44: {  	_ =	shalt  }
0x45: {  	_ =	shalt  }
0x46: {  	_ =	shalt  }
0x47: {  	_ =	shalt  }
0x48: {  	_ =	shalt  }
0x49: {  	_ =	shalt  }
0x4a: {  	_ =	shalt  }
0x4b: {  	_ =	shalt  }
0x4c: {  	_ =	shalt  }
0x4d: {  	_ =	shalt  }
0x4e: {  	_ =	shalt  }
0x4f: {  	_ =	shalt  }
0x50: {  	_ =	shalt  }
0x51: {  	_ =	shalt  }
0x52: {  	_ =	shalt  }
0x53: {  	_ =	shalt  }
0x54: {  	_ =	shalt  }
0x55: {  	_ =	shalt  }
0x56: {  	_ =	shalt  }
0x57: {  	_ =	shalt  }
0x58: {  	_ =	shalt  }
0x59: {  	_ =	shalt  }
0x5a: {  	_ =	shalt  }
0x5b: {  	_ =	shalt  }
0x5c: {  	_ =	shalt  }
0x5d: {  	_ =	shalt  }
0x5e: {  	_ =	shalt  }
0x5f: {  	_ =	shalt  }
0x60: {  	_ =	shalt  }
0x61: {  	_ =	shalt  }
0x62: {  	_ =	shalt  }
0x63: {  	_ =	shalt  }
0x64: {  	_ =	shalt  }
0x65: {  	_ =	shalt  }
0x66: {  	_ =	shalt  }
0x67: {  	_ =	shalt  }
0x68: {  	_ =	shalt  }
0x69: {  	_ =	shalt  }
0x6a: {  	_ =	shalt  }
0x6b: {  	_ =	shalt  }
0x6c: {  	_ =	shalt  }
0x6d: {  	_ =	shalt  }
0x6e: {  	_ =	shalt  }
0x6f: {  	_ =	shalt  }
0x70: {  	_ =	shalt  }
0x71: {  	_ =	shalt  }
0x72: {  	_ =	shalt  }
0x73: {  	_ =	shalt  }
0x74: {  	_ =	shalt  }
0x75: {  	_ =	shalt  }
0x76: {  	_ =	shalt  }
0x77: {  	_ =	shalt  }
0x78: {  	_ =	shalt  }
0x79: {  	_ =	shalt  }
0x7a: {  	_ =	shalt  }
0x7b: {  	_ =	shalt  }
0x7c: {  	_ =	shalt  }
0x7d: {  	_ =	shalt  }
0x7e: {  	_ =	shalt  }
0x7f: {  	_ =	shalt  }
0x80: {  	_ =	shalt  }
0x81: {  	_ =	shalt  }
0x82: {  	_ =	shalt  }
0x83: {  	_ =	shalt  }
0x84: {  	_ =	shalt  }
0x85: {  	_ =	shalt  }
0x86: {  	_ =	shalt  }
0x87: {  	_ =	shalt  }
.Lfunc_end0:
.L_simem_size_0:
called_computation_lowered:
.L_overlay_start_0:
0x88: {  	s2 =	sld [smem:$0x3FD9]  }
0x89: {  	s3 =	sld [smem:$0x3FFE];
	_ =	sdelay $0x1  }
0x8a: {  	s1 =	srdreg.scid  }
0x8b: {  	s0 =	sand.u32 $0x1, s1  }
0x8c: {  	s17 =	sshll.u32 s0, $0xA;
	s2 =	sadd.s32 s3, s2  }
0x8d: {  	s2 =	sadd.s32 s2, s17  }
0x8e: {  	[smem:$0x3FBD] =	sst s2  }
0x8f: {  	_ = 	snop  }
0x90: {  	(tm) =	ssettm $0x1  }
0x91: {  	s18 =	sld [smem:$0x3FFB];
	_ =	sdelay $0x3  }
0x92: {  	_ =	strace s18  }
0x93: {  	s2 =	sld [smem:$0x3FFC];
	_ =	sdelay $0x3  }
0x94: {  	_ =	strace s2  }
0x95: {  	s2 =	sld [smem:$0x3FFD];
	_ =	sdelay $0x3  }
0x96: {  	_ =	strace s2  }
0x97: {  	_ =	strace $0x8FFFFFFF  }
0x98: {  	s19 =	sld [smem:$0x3FDB];
	_ =	sdelay $0x1  }
0x99: {  	s20 =	simm.s32 $_scs_section_size  }
0x9a: {  	s4 =	simm.s32 $_size__tile_overlayer_lowered;
	s5 =	simm.s32 $_tile_overlayer_lowered  }
0x9b: {  	s6 =	simm.s32 $0x1BFF;
	s21 =	sshll.u32 s5, $0x1;
	s3 =	sadd.s32 s20, s19  }
0x9c: {  	s22 =	simm.s32 $0x0;
	s4 =	sshll.u32 s4, $0x1;
	s5 =	sadd.s32 s21, s3  }
0x9d: {  	[timem:s22], [sflag:s6] =	dma.local [hbm:s5], s4  }
0x9e: {  	_ =	swait.ge [sflag:s6], s4  }
0x9f: {  	s4 =	ssub.s32 $0x0, s4;
	[sflag:s6] =	ssyncset.done $0x0  }
0xa0: {  	[sflag:s6] =	ssyncadd.s32 s4;
	_ =	sdelay $0x1  }
0xa1: {  	s23 =	simm.s32 $0x1B8B  }
0xa2: {  	_ =	swait.ge [sflag:s23], $0x1  }
0xa3: {  	[sflag:s23] =	ssyncset.done $0x0  }
0xa4: {  	[sflag:s23] =	ssyncadd.s32 $0xFFFFFFFF  }
0xa5: {  	s4 =	sld [smem:$0x0]  }
0xa6: {  	s5 =	sand.u32 $0xFFFFFFFE, s1  }
0xa7: {  	p0 =	sne.s32 s1, s5  }
0xa8: {  	s5 =	sshll.u32 @p0 s5, $0xE  }
0xa9: {  	s5 =	sadd.s32 @p0 $0x11B8D, s5;
	s6 =	sshll.u32 @p0 s4, $0x11  }
0xaa: {  	s5 =	sor.u32 @p0 s6, s5  }
0xab: {  	[sflag:s5] =	ssyncadd.remote.s32 @p0 $0x1;
	_ =	sdelay $0x1  }
0xac: {  	s5 =	simm.s32 @p0 $0x1B8D  }
0xad: {  	_ =	swait.eq @p0 [sflag:s5], $0x1  }
0xae: {  	[sflag:s5] =	ssyncadd.s32 @p0 $0xFFFFFFFF  }
0xaf: {  	s6 =	sshll.u32 @!p0 s1, $0xE  }
0xb0: {  	s6 =	sor.u32 @!p0 $0x4000, s6;
	s5 =	simm.s32 @!p0 $0x1B8D  }
0xb1: {  	s4 =	sshll.u32 @!p0 s4, $0x11;
	s6 =	sadd.s32 @!p0 $0x11B8D, s6;
	_ =	swait.eq @!p0 [sflag:s5], $0x1  }
0xb2: {  	s4 =	sor.u32 @!p0 s4, s6;
	[sflag:s5] =	ssyncadd.s32 @!p0 $0xFFFFFFFF  }
0xb3: {  	s25 =	simm.s32 $0x1B8E;
	s24 =	sld [smem:$0x3FFE];
	[sflag:s4] =	ssyncadd.remote.s32 @!p0 $0x1  }
0xb4: {  	s26 =	simm.s32 $execute0_lowered;
	[smem:$0x3FD2] =	sst s25  }
0xb5: {  	s5 =	sshll.u32 s26, $0x1;
	_ =	strace $0x8000004C;
	[dreg:$0x1] =	wrdreg $0xFFFFFFFF  }
0xb6: {  	s28 =	simm.s32 $_size_execute0_lowered;
	s3 =	sadd.s32 s3, s5;
	[dreg:$0x0] =	wrdreg $0x0  }
0xb7: {  	s5 =	sshll.u32 s28, $0x1;
	[dreg:$0x2] =	wrdreg s3  }
0xb8: {  	[dreg:$0x3] =	wrdreg s5  }
0xb9: {  	[dreg:$0x4] =	wrdreg $0xC0  }
0xba: {  	_ =	task [dreg:s22], $0x5FFFF  }
0xbb: {  	[dreg:$0x1] =	wrdreg $0xFFFFFFFF  }
0xbc: {  	[dreg:$0x0] =	wrdreg $0x60  }
0xbd: {  	[dreg:$0x2] =	wrdreg s24  }
0xbe: {  	[dreg:$0x3] =	wrdreg $0x9  }
0xbf: {  	_ =	task.clear_ibuf [dreg:s22], $0x4FFFF;
	_ =	strace $0x9000004C  }
0xc0: {  	s29 =	simm.s32 $0x9;
	_ =	strace $0x8000004E  }
0xc1: {  	_ =	swait.ge [sflag:s29], $0x1  }
0xc2: {  	[sflag:s29] =	ssyncadd.s32 $0xFFFFFFFF  }
0xc3: {  	_ =	strace $0x9000004E  }
0xc4: {  	_ =	sfence  }
0xc5: {  	s30 =	sld [smem:$0x0];
	_ =	sdelay $0x2  }
0xc6: {  	s31 =	sshll.u32 s1, $0xD;
	s1 =	sshrl.u32 s1, $0x2  }
0xc7: {  	s4 =	sand.u32 $0x4000, s31;
	s1 =	sadd.s32 s1, s30  }
0xc8: {  	s0 =	sor.u32 s4, s0;
	s1 =	sshll.u32 s1, $0x11  }
0xc9: {  	s0 =	sor.u32 s1, s0  }
0xca: {  	s0 =	sadd.s32 $0x8F2B, s0  }
0xcb: {  	[sflag:s0] =	ssyncadd.remote.s32 $0x1  }
0xcc: {  	_ =	sfence.sel $0xFFFF  }
0xcd: {  	[dreg:$0x0] =	wrdreg $0xFFFFFFFF;
	(pc) =	sbr.abs _section_cstart, $3  }
0xce: {  	[dreg:$0x1] =	wrdreg $0xFFFFFFFF  }
0xcf: {  	_ =	task.clear_ibuf [dreg:s22], $0x2FFFF;
	_ =	strace $0x9FFFFFFF  }
0xd0: {  	(tm) =	ssettm $0x7FFFFFFF  }
0xd1: {  	_ =	shalt  }
tec
execute0_lowered:
.L_overlay_start_1:
0x0: {  	(tag) =	ssettag $0x1  }
0x1: {  	s0 =	srdreg.scid  }
0x2: {  	s1 =	sshll.u32 s0, $0x4  }
0x3: {  	s0 =	stileid.u32;
	s1 =	sand.u32 $0x10, s1  }
0x4: {  	s1 =	sor.u32 s0, s1  }
0x5: {  	s9 =	rddreg [dreg:$0x0];
	s6 =	simm.s32 $0x1;
	s2 =	smin.u32 s1, $0x8  }
0x6: {  	p0 =	slt.u32 s1, $0x8;
	s2 =	sadd.s32 s1, s2;
	s1 =	simm.s32 $0x80  }
0x7: {  	s7 =	simm.s32 $0x2;
	s2 =	sshll.u32 s2, $0x6;
	s1 =	simm.s32 @!p0 $0x40  }
0x8: {  	s10 =	simm.s32 $0x3;
	s13 =	simm.s32 $0x0;
	s3 =	sadd.s32 s1, s2  }
0x9: {  	s12 =	simm.s32 $0x0;
	s4 =	sadd.s32 $0xCC00, s9;
	s3 =	smin.u32 s3, $0xA00  }
.Ltmp0:
0xa: {  	s5 =	sadd.s32 $0x2A00, s9;
	s8 =	ssub.s32 s3, s2;
	(pc) =	sbr.rel .LBB2_1-.Ltmp0, $4  }
0xb: {  	s1 =	rddreg [dreg:$0x1];
	_ =	strace $0x8000004D;
	p0 =	sgt.s32 s8, $0x0  }
0xc: {  	s9 =	sadd.s32 $0x20C00, s9;
	[sflag:s6] =	ssyncpa.u1 $0x0;
	s8 =	simm.s32 @!p0 $0x0  }
0xd: {  	s11 =	smov.u32 s2;
	[sflag:s7] =	ssyncpa.u1 $0x0;
	s8 =	sshrl.u32 s8, $0x6  }
0xe: {  	vm0 =	vmmov $0xff;
	vm1 =	vcmask $0x3F20;
	[sflag:s10] =	ssyncpa.u1 $0x0;
	p0 =	por $0x0, $0x0;
	s10 =	sadd.s32 $0x1, s8  }
.LBB2_6:
0xf: {  	[hbm:s17] =	stream.linear.scatter [tilespmem:s14], [sflag:$0x3], $0x400, $0x38;
	[tilespmem:$0x4080] =	vst v63  }
.LBB2_7:
0x10: {  	s13 =	sadd.s32 $0x40, s11  }
0x11: {  	s15 =	smov.u32 s2;
	p2 =	slt.s32 s13, s3  }
0x12: {  	s15 =	smov.u32 @p2 s13;
	p2 =	sne.s32 s12, s10  }
.Ltmp1:
0x13: {  	p1 =	slt.u32 s12, $0x2;
	(pc) =	sbr.rel @!p2 .LBB2_8-.Ltmp1, $4  }
0x14: {  	s14 =	simm.s32 @!p1 $0x3  }
0x15: {  	s16 =	sadd.s32 $0x1, s12;
	_ =	swait.ge @!p1 [sflag:s14], $0x2000  }
0x16: {  	p0 =	por !p0, !p0;
	s13 =	smov.u32 s11;
	[sflag:s14] =	ssyncset.done @!p1 $0x0  }
0x17: {  	s12 =	smov.u32 s16;
	s11 =	smov.u32 s15;
	[sflag:s14] =	ssyncadd.s32 @!p1 $0xFFFFE000  }
.LBB2_1:
0x18: {  	p1 =	sge.u32 s12, s8  }
0x19: {  	s14 =	sxor.u32 @!p1 $0xFFFFFFFF, s12  }
0x1a: {  	s31 =	sadd.s32 $0xFFFFFFFF, s12;
	s15 =	sshrl.u32 @!p1 s11, $0x3;
	s14 =	sshll.u32 @!p1 s14, $0x6  }
0x1b: {  	s16 =	sand.u32 @!p1 $0x7, s11;
	s15 =	sadd.s32 @!p1 s5, s15;
	s14 =	sand.u32 @!p1 $0x40, s14  }
0x1c: {  	[tilespmem:s14], [sflag:$0x2] =	stream.linear.gather @!p1 [hbm4b:s15+s16], $0x40, $0x38;
	[tilespmem:$0x4080] =	vst v63  }
0x1d: {  	p1 =	sge.u32 s31, s8  }
.Ltmp2:
0x1e: {  	_ = 	snop;
	(pc) =	sbr.rel @p1 .LBB2_7-.Ltmp2, $1  }
0x1f: {  	_ =	sdelay $0x3  }
0x20: {  	s14 =	simm.s32 $0x1  }
0x21: {  	_ =	swait.ge [sflag:s7], $0x40;
	s14 =	simm.s32 @!p0 $0x0  }
0x22: {  	[sflag:s7] =	ssyncset.done $0x0;
	s16 =	sshll.u32 s14, $0x6  }
0x23: {  	[sflag:s7] =	ssyncadd.s32 $0xFFFFFFC0;
	s15 =	sadd.s32 $0x0, s16  }
0x24: {  	v0 =	vld.msk [tilespmem:s15+$0x0 ss:$0x1], $0xffff;
	_ =	sdelay $0x4  }
0x25: {  	vm2 =	vgt.s32 v0, $0x0  }
0x26: {  	v0 =	vnsel vm2, $0x0, v0  }
0x27: {  	v0 =	vmin.u32 v0, $0x9FF  }
0x28: {  	v0 =	vshll.u32 v0, $0x4;
	_ =	sdelay $0x2  }
0x29: {  	s14 =	sshll.u32 s14, $0xD  }
0x2a: {  	s14 =	sor.u32 $0x80, s14  }
0x2b: {  	[tilespmem:s14], [sflag:$0x1] =	stream.indirect_vreg.gather [hbm:s4], $0x80, v0, vm0, $0x38;
	[tilespmem:$0x4080] =	vst v63  }
0x2c: {  	s17 =	sadd.s32 $0x10, s16;
	s15 =	sadd.s32 $0x400, s14  }
0x2d: {  	[tilespmem:s15], [sflag:$0x1] =	stream.indirect_vreg.gather [hbm:s4], $0x80, v0, vm1, $0x38;
	[tilespmem:$0x4080] =	vst v63  }
0x2e: {  	s18 =	simm.s32 $0x80;
	v0 =	vld.msk [tilespmem:s17+$0x0 ss:$0x1], $0xffff;
	s17 =	smov.u32 s14  }
.LBB2_3:
0x2f: {  	p1 =	sne.s32 s18, $0xC0;
	_ =	sdelay $0x4  }
0x30: {  	vm2 =	vgt.s32 v0, $0x0  }
0x31: {  	v0 =	vnsel vm2, $0x0, v0  }
0x32: {  	v0 =	vmin.u32 v0, $0x9FF  }
0x33: {  	v0 =	vshll.u32 v0, $0x4;
	_ =	sdelay $0x3  }
.Ltmp3:
0x34: {  	s19 =	sshra.s32 s18, $0x2;
	s17 =	sadd.s32 $0x800, s17;
	(pc) =	sbr.rel @p1 .LBB2_3-.Ltmp3, $4  }
0x35: {  	[tilespmem:s17], [sflag:$0x1] =	stream.indirect_vreg.gather [hbm:s4], $0x80, v0, vm0, $0x38;
	[tilespmem:$0x4080] =	vst v63  }
0x36: {  	s19 =	sadd.s32 s19, s16;
	s20 =	sadd.s32 $0x400, s17  }
0x37: {  	[tilespmem:s20], [sflag:$0x1] =	stream.indirect_vreg.gather [hbm:s4], $0x80, v0, vm1, $0x38;
	[tilespmem:$0x4080] =	vst v63  }
0x38: {  	s18 =	sadd.s32 $0x40, s18;
	v0 =	vld.msk [tilespmem:s19+$0x0 ss:$0x1], $0xffff  }
0x39: {  	_ =	sdelay $0x3  }
0x3a: {  	vm2 =	vgt.s32 v0, $0x0  }
0x3b: {  	v0 =	vnsel vm2, $0x0, v0  }
0x3c: {  	v0 =	vmin.u32 v0, $0x9FF  }
0x3d: {  	v0 =	vshll.u32 v0, $0x4;
	_ =	sdelay $0x3  }
0x3e: {  	s16 =	sadd.s32 $0x800, s17  }
0x3f: {  	[tilespmem:s16], [sflag:$0x1] =	stream.indirect_vreg.gather [hbm:s4], $0x80, v0, vm0, $0x38;
	[tilespmem:$0x4080] =	vst v63  }
0x40: {  	s16 =	sadd.s32 $0x400, s16  }
0x41: {  	[tilespmem:s16], [sflag:$0x1] =	stream.indirect_vreg.gather [hbm:s4], $0x80, v0, vm1, $0x38;
	[tilespmem:$0x4080] =	vst v63  }
0x42: {  	s13 =	sshll.u32 s13, $0x4;
	_ =	swait.ge [sflag:s6], $0x2000  }
0x43: {  	s13 =	sadd.s32 s13, s9;
	[sflag:s6] =	ssyncset.done $0x0  }
0x44: {  	s17 =	sadd.s32 $0x0, s13;
	s16 =	simm.s32 $0x80;
	[sflag:s6] =	ssyncadd.s32 $0xFFFFE000  }
.LBB2_5:
0x45: {  	[hbm:s17] =	stream.linear.scatter [tilespmem:s14], [sflag:$0x3], $0x400, $0x38;
	[tilespmem:$0x4080] =	vst v63  }
0x46: {  	s17 =	smov.u32 s16;
	s14 =	smov.u32 s15;
	p1 =	sne.s32 s16, $0x380  }
.Ltmp4:
0x47: {  	s16 =	sadd.s32 $0x80, s16;
	(pc) =	sbr.rel @p1 .LBB2_5-.Ltmp4, $2  }
0x48: {  	_ =	sdelay $0x2  }
0x49: {  	s15 =	sadd.s32 $0x400, s15;
	s17 =	sadd.s32 s17, s13  }
.Ltmp5:
0x4a: {  	_ = 	snop;
	(pc) =	sbr.rel .LBB2_6-.Ltmp5, $1  }
0x4b: {  	_ =	sdelay $0x3  }
.LBB2_8:
0x4c: {  	_ =	sfence.sel $0x180000  }
0x4d: {  	s2 =	simm.s32 $0x2;
	[bflag:$0x0] =	sbarrier.arrive $0xFFFF  }
0x4e: {  	s30 =	simm.s32 $0x3;
	[sflag:s2] =	ssyncpa.u1 $0x1  }
0x4f: {  	s31 =	simm.s32 $0x1;
	[sflag:s30] =	ssyncpa.u1 $0x1  }
0x50: {  	[sflag:s31] =	ssyncpa.u1 $0x1  }
0x51: {  	p0 =	sne.s32 s0, $0x0;
	_ =	strace $0x9000004D  }
0x52: {  	s0 =	sadd.s32 @!p0 $0x100000, s1;
	[bflag:$0x2] =	sbarrier.arrive $0xFFFF  }
0x53: {  	[sflag:s0] =	ssyncadd.tile.s32 @!p0 $0x1;
	_ =	shalt  }
.Lfunc_end2:
_tile_overlayer_lowered:
.L_overlay_start_2:
0x54: {  	(tag) =	ssettag $0x2  }
0x55: {  	s0 =	rddreg [dreg:$0x0];
	s2 =	stileid.u32  }
0x56: {  	s1 =	rddreg [dreg:$0x1];
	p0 =	sne.s32 s2, $0x0  }
0x57: {  	s3 =	rddreg [dreg:$0x2];
	[bflag:$0x3] =	sbarrier.arrive $0xFFFF;
	s2 =	simm.s32 @!p0 $0x1C01  }
0x58: {  	[timem:s3], [sflag:s2] =	dma.local @!p0 [hbm:s0], s1  }
0x59: {  	s0 =	simm.s32 @!p0 $0x1  }
0x5a: {  	_ =	swait.ge @!p0 [sflag:s0], s1  }
0x5b: {  	s1 =	ssub.s32 @!p0 $0x0, s1;
	[sflag:s0] =	ssyncset.done @!p0 $0x0  }
0x5c: {  	[sflag:s0] =	ssyncadd.s32 @!p0 s1  }
0x5d: {  	[bflag:$0x3] =	sbarrier.arrive $0xFFFF  }
0x5e: {  	_ =	shalt  }

// kernel: kernel.10.cloned.1.call-start
scs
__scs_entry_jumppad:
0x0: {  	(pc) =	sbr.rel $0x88, $3  }
0x1: {  	(tag) =	ssettag $0x0;
	lr =	simm.s32 $0x1  }
0x2: {  	[smem:$0x3F96] =	sst lr;
	_ =	strace $0xD0000000  }
0x3: {  	_ = 	snop  }
0x4: {  	_ = 	snop  }
0x5: {  	_ = 	snop  }
0x6: {  	_ = 	snop  }
0x7: {  	_ = 	snop  }
__scs_overlays_trampoline_lowered:
0x8: {  	[smem:$0x3FA5] =	sst s0  }
0x9: {  	[smem:$0x3FA6] =	sst s1  }
0xa: {  	[smem:$0x3FA7] =	sst s2  }
0xb: {  	[smem:$0x3FA8] =	sst s3  }
0xc: {  	[smem:$0x3FA9] =	sst s4  }
0xd: {  	[smem:$0x3FAA] =	sst s5  }
0xe: {  	[smem:$0x3FAB] =	sst s6  }
0xf: {  	[smem:$0x3FAC] =	sst s7  }
0x10: {  	[smem:$0x3FAD] =	sst s8  }
0x11: {  	[smem:$0x3FAE] =	sst s9;
	s0 =	simm.s32 @!p0 $0x0  }
0x12: {  	s1 =	sld [smem:$0x3F94];
	s0 =	simm.s32 @p0 $0x1  }
0x13: {  	[smem:$0x3FAF] =	sst s0;
	s0 =	simm.s32 @!p1 $0x0  }
0x14: {  	s2 =	sld [smem:$0x3F93];
	s0 =	simm.s32 @p1 $0x1  }
0x15: {  	[smem:$0x3FB0] =	sst s0;
	s0 =	simm.s32 @!p2 $0x0  }
0x16: {  	s3 =	sld [smem:$0x3FDB];
	s0 =	simm.s32 @p2 $0x1  }
0x17: {  	s4 =	simm.s32 $0x1BF5;
	[smem:$0x3FB2] =	sst s0  }
0x18: {  	s0 =	sld [smem:$0x3F95];
	_ =	swait.ge [sflag:s4], $0x0  }
0x19: {  	s7 =	sld [smem:$0x3F96]  }
0x1a: {  	s8 =	sadd.s32 $0xFFFFE003, lr  }
0x1b: {  	s9 =	sadd.s32 $0xFFFFFEF7, lr;
	s5 =	simm.s32 $0xFFFFFFFF;
	p2 =	slt.u32 s8, $0xFFFFF086  }
0x1c: {  	p1 =	slt.u32 s9, $0xF7A;
	s5 =	simm.s32 @!p2 $0x0  }
0x1d: {  	s5 =	simm.s32 @p1 $0x1;
	p0 =	seq.s32 s7, s2  }
0x1e: {  	s7 =	smul.u32 @!p0 $0xF7A, s2;
	p2 =	seq.s32 @!p0 s5, $0x0  }
0x1f: {  	s9 =	smul.u32 $0xF7A, s1;
	s8 =	simm.s32 @!p0 $0x1BF5;
	p2 =	por !p2, p0  }
0x20: {  	[sflag:s8] =	ssyncset.s32 @!p0 $0xFFFFF086;
	s6 =	sadd.s32 @!p0 s3, s7;
	s7 =	simm.s32 @!p0 $0x108  }
0x21: {  	s3 =	sadd.s32 s3, s9;
	s6 =	sadd.s32 @!p0 $0x88, s6;
	s7 =	simm.s32 @p2 $0x1082  }
0x22: {  	[simem:s7], [sflag:s8] =	dma.local @!p0 [hbm:s6], $0xF7A  }
0x23: {  	s9 =	sor.u32 $0xD0000000, s2;
	s6 =	simm.s32 $0x108;
	_ =	swait.ge @!p0 [sflag:s8], $0x0  }
0x24: {  	s3 =	sadd.s32 $0x88, s3;
	s6 =	simm.s32 @!p1 $0x1082;
	[sflag:s4] =	ssyncset.s32 $0xFFFFF086  }
0x25: {  	[simem:s6], [sflag:s4] =	dma.local [hbm:s3], $0xF7A  }
0x26: {  	[smem:$0x3F96] =	sst s1;
	(tag) =	ssettag s2;
	_ =	strace s9  }
0x27: {  	s1 =	sld [smem:$0x3FA6]  }
0x28: {  	s2 =	sld [smem:$0x3FA7]  }
0x29: {  	s4 =	sld [smem:$0x3FA9]  }
0x2a: {  	p0 =	seq.s32 s5, $0x0;
	s5 =	sld [smem:$0x3FAA]  }
0x2b: {  	s6 =	sld [smem:$0x3FAB]  }
0x2c: {  	s7 =	sld [smem:$0x3FAC]  }
0x2d: {  	s3 =	simm.s32 $0x108;
	s8 =	sld [smem:$0x3FAD]  }
0x2e: {  	s3 =	simm.s32 @!p0 $0x1082;
	s9 =	sld [smem:$0x3FAE]  }
0x2f: {  	lr =	sadd.s32 s0, s3;
	s0 =	sld [smem:$0x3FA5]  }
0x30: {  	s3 =	sld [smem:$0x3FA8]  }
0x31: {  	[smem:$0x3FB1] =	sst s10  }
0x32: {  	s10 =	sld [smem:$0x3FAF];
	_ =	sdelay $0x3  }
0x33: {  	p0 =	seq.s32 s10, $0x1;
	s10 =	sld [smem:$0x3FB1];
	_ =	sdelay $0x3  }
0x34: {  	[smem:$0x3FB1] =	sst s10  }
0x35: {  	s10 =	sld [smem:$0x3FB0];
	_ =	sdelay $0x3  }
0x36: {  	p1 =	seq.s32 s10, $0x1;
	s10 =	sld [smem:$0x3FB1];
	_ =	sdelay $0x3  }
0x37: {  	[smem:$0x3FB1] =	sst s10  }
0x38: {  	s10 =	sld [smem:$0x3FB2]  }
0x39: {  	_ = 	snop;
	(pc) =	sbr.ind lr, $3  }
0x3a: {  	_ = 	snop  }
0x3b: {  	_ = 	snop  }
0x3c: {  	p2 =	seq.s32 s10, $0x1;
	s10 =	sld [smem:$0x3FB1]  }
0x3d: {  	_ =	shalt  }
0x3e: {  	_ =	shalt  }
0x3f: {  	_ =	shalt  }
0x40: {  	_ =	shalt  }
0x41: {  	_ =	shalt  }
0x42: {  	_ =	shalt  }
0x43: {  	_ =	shalt  }
0x44: {  	_ =	shalt  }
0x45: {  	_ =	shalt  }
0x46: {  	_ =	shalt  }
0x47: {  	_ =	shalt  }
0x48: {  	_ =	shalt  }
0x49: {  	_ =	shalt  }
0x4a: {  	_ =	shalt  }
0x4b: {  	_ =	shalt  }
0x4c: {  	_ =	shalt  }
0x4d: {  	_ =	shalt  }
0x4e: {  	_ =	shalt  }
0x4f: {  	_ =	shalt  }
0x50: {  	_ =	shalt  }
0x51: {  	_ =	shalt  }
0x52: {  	_ =	shalt  }
0x53: {  	_ =	shalt  }
0x54: {  	_ =	shalt  }
0x55: {  	_ =	shalt  }
0x56: {  	_ =	shalt  }
0x57: {  	_ =	shalt  }
0x58: {  	_ =	shalt  }
0x59: {  	_ =	shalt  }
0x5a: {  	_ =	shalt  }
0x5b: {  	_ =	shalt  }
0x5c: {  	_ =	shalt  }
0x5d: {  	_ =	shalt  }
0x5e: {  	_ =	shalt  }
0x5f: {  	_ =	shalt  }
0x60: {  	_ =	shalt  }
0x61: {  	_ =	shalt  }
0x62: {  	_ =	shalt  }
0x63: {  	_ =	shalt  }
0x64: {  	_ =	shalt  }
0x65: {  	_ =	shalt  }
0x66: {  	_ =	shalt  }
0x67: {  	_ =	shalt  }
0x68: {  	_ =	shalt  }
0x69: {  	_ =	shalt  }
0x6a: {  	_ =	shalt  }
0x6b: {  	_ =	shalt  }
0x6c: {  	_ =	shalt  }
0x6d: {  	_ =	shalt  }
0x6e: {  	_ =	shalt  }
0x6f: {  	_ =	shalt  }
0x70: {  	_ =	shalt  }
0x71: {  	_ =	shalt  }
0x72: {  	_ =	shalt  }
0x73: {  	_ =	shalt  }
0x74: {  	_ =	shalt  }
0x75: {  	_ =	shalt  }
0x76: {  	_ =	shalt  }
0x77: {  	_ =	shalt  }
0x78: {  	_ =	shalt  }
0x79: {  	_ =	shalt  }
0x7a: {  	_ =	shalt  }
0x7b: {  	_ =	shalt  }
0x7c: {  	_ =	shalt  }
0x7d: {  	_ =	shalt  }
0x7e: {  	_ =	shalt  }
0x7f: {  	_ =	shalt  }
0x80: {  	_ =	shalt  }
0x81: {  	_ =	shalt  }
0x82: {  	_ =	shalt  }
0x83: {  	_ =	shalt  }
0x84: {  	_ =	shalt  }
0x85: {  	_ =	shalt  }
0x86: {  	_ =	shalt  }
0x87: {  	_ =	shalt  }
.Lfunc_end0:
.L_simem_size_0:
called_computation.2_lowered:
.L_overlay_start_0:
0x88: {  	s2 =	sld [smem:$0x3FD9]  }
0x89: {  	s3 =	sld [smem:$0x3FFE];
	_ =	sdelay $0x1  }
0x8a: {  	s1 =	srdreg.scid  }
0x8b: {  	s0 =	sand.u32 $0x1, s1  }
0x8c: {  	s17 =	sshll.u32 s0, $0xA;
	s2 =	sadd.s32 s3, s2  }
0x8d: {  	s2 =	sadd.s32 s2, s17  }
0x8e: {  	[smem:$0x3FBD] =	sst s2  }
0x8f: {  	_ = 	snop  }
0x90: {  	s2 =	sld [smem:$0x3FD0];
	(tm) =	ssettm $0x1  }
0x91: {  	s18 =	sld [smem:$0x3FFB];
	_ =	sdelay $0x3  }
0x92: {  	_ =	strace s18  }
0x93: {  	s3 =	sld [smem:$0x3FFC];
	_ =	sdelay $0x3  }
0x94: {  	_ =	strace s3  }
0x95: {  	s3 =	sld [smem:$0x3FFD];
	_ =	sdelay $0x3  }
0x96: {  	_ =	strace s3  }
0x97: {  	_ =	strace $0x8FFFFFFF  }
0x98: {  	s19 =	sld [smem:$0x3FDB];
	_ =	sdelay $0x1  }
0x99: {  	s4 =	simm.s32 $_scs_section_size  }
0x9a: {  	s5 =	simm.s32 $_size__tile_overlayer_lowered;
	s6 =	simm.s32 $_tile_overlayer_lowered  }
0x9b: {  	s22 =	simm.s32 $0x1BFF;
	s21 =	sshll.u32 s6, $0x1;
	s3 =	sadd.s32 s4, s19  }
0x9c: {  	s7 =	simm.s32 $0x0;
	s20 =	sshll.u32 s5, $0x1;
	s5 =	sadd.s32 s21, s3  }
0x9d: {  	[timem:s7], [sflag:s22] =	dma.local [hbm:s5], s20  }
0x9e: {  	_ =	swait.ge [sflag:s22], s20  }
0x9f: {  	s4 =	ssub.s32 $0x0, s20;
	[sflag:s22] =	ssyncset.done $0x0  }
0xa0: {  	[sflag:s22] =	ssyncadd.s32 s4;
	_ =	sdelay $0x1  }
0xa1: {  	s23 =	simm.s32 $0x1B8B  }
0xa2: {  	_ =	swait.ge [sflag:s23], $0x1  }
0xa3: {  	[sflag:s23] =	ssyncset.done $0x0  }
0xa4: {  	s25 =	simm.s32 $0x1B8E;
	s24 =	sld [smem:$0x3FFE];
	[sflag:s23] =	ssyncadd.s32 $0xFFFFFFFF  }
0xa5: {  	s26 =	simm.s32 $execute0_lowered;
	[smem:$0x3FD2] =	sst s25  }
0xa6: {  	s5 =	sshll.u32 s26, $0x1;
	_ =	strace $0x80000049;
	[dreg:$0x1] =	wrdreg $0xFFFFFFFF  }
0xa7: {  	s28 =	simm.s32 $_size_execute0_lowered;
	s3 =	sadd.s32 s3, s5;
	[dreg:$0x0] =	wrdreg $0x0  }
0xa8: {  	s5 =	sshll.u32 s28, $0x1;
	[dreg:$0x2] =	wrdreg s3  }
0xa9: {  	[dreg:$0x3] =	wrdreg s5  }
0xaa: {  	[dreg:$0x4] =	wrdreg $0xC0  }
0xab: {  	_ =	task [dreg:s7], $0x5FFFF  }
0xac: {  	[dreg:$0x1] =	wrdreg $0xFFFFFFFF  }
0xad: {  	[dreg:$0x0] =	wrdreg $0x60  }
0xae: {  	[dreg:$0x2] =	wrdreg s24  }
0xaf: {  	[dreg:$0x3] =	wrdreg s2  }
0xb0: {  	[dreg:$0x4] =	wrdreg $0x4800  }
0xb1: {  	[dreg:$0x5] =	wrdreg $0xA  }
0xb2: {  	_ =	task.clear_ibuf [dreg:s7], $0x6FFFF;
	_ =	strace $0x90000049  }
0xb3: {  	s29 =	simm.s32 $0xA;
	_ =	strace $0x8000004B  }
0xb4: {  	_ =	swait.ge [sflag:s29], $0x1  }
0xb5: {  	[sflag:s29] =	ssyncadd.s32 $0xFFFFFFFF  }
0xb6: {  	_ =	strace $0x9000004B  }
0xb7: {  	_ =	sfence  }
0xb8: {  	s30 =	sld [smem:$0x0];
	_ =	sdelay $0x2  }
0xb9: {  	s31 =	sshll.u32 s1, $0xD;
	s1 =	sshrl.u32 s1, $0x2  }
0xba: {  	s3 =	sand.u32 $0x4000, s31;
	s1 =	sadd.s32 s1, s30  }
0xbb: {  	s0 =	sor.u32 s3, s0;
	s1 =	sshll.u32 s1, $0x11  }
0xbc: {  	s0 =	sor.u32 s1, s0  }
0xbd: {  	s0 =	sadd.s32 $0x8F2B, s0  }
0xbe: {  	[sflag:s0] =	ssyncadd.remote.s32 $0x1  }
0xbf: {  	_ =	sfence.sel $0xFFFF  }
0xc0: {  	[dreg:$0x0] =	wrdreg $0xFFFFFFFF;
	(pc) =	sbr.abs _section_cstart, $3  }
0xc1: {  	[dreg:$0x1] =	wrdreg $0xFFFFFFFF  }
0xc2: {  	_ =	task.clear_ibuf [dreg:s7], $0x2FFFF;
	_ =	strace $0x9FFFFFFF  }
0xc3: {  	(tm) =	ssettm $0x7FFFFFFF  }
tec
execute0_lowered:
.L_overlay_start_1:
0x0: {  	(tag) =	ssettag $0x1  }
0x1: {  	s3 =	rddreg [dreg:$0x0]  }
0x2: {  	s4 =	rddreg [dreg:$0x1]  }
0x3: {  	s1 =	rddreg [dreg:$0x2]  }
0x4: {  	s0 =	rddreg [dreg:$0x3];
	s2 =	simm.s32 $0x0  }
0x5: {  	s7 =	stileid.u32;
	s6 =	srdreg.scid;
	s11 =	simm.s32 $0x1  }
0x6: {  	s12 =	simm.s32 $0x100;
	s13 =	simm.s32 $0x180;
	s14 =	simm.s32 $0x200  }
0x7: {  	s15 =	simm.s32 $0x280;
	s16 =	simm.s32 $0x300;
	s17 =	simm.s32 $0x380  }
0x8: {  	s18 =	simm.s32 $0x0;
	[smem:$0x7FF] =	sst s2;
	s5 =	smul.u32 $0xA00, s7  }
0x9: {  	s6 =	sand.u32 $0x1, s6;
	p0 =	sne.s32 s7, $0x0;
	_ =	strace $0x8000004A  }
0xa: {  	s8 =	ssub.s32 $0x2, s6;
	s9 =	smul.u32 $0x500, s6;
	s6 =	sshll.u32 s6, $0x4  }
0xb: {  	s7 =	sshrl.u32 @!p0 s1, $0x3;
	s5 =	sadd.s32 s5, s3;
	s10 =	sshrl.u32 s8, $0x1  }
0xc: {  	s3 =	sadd.s32 $0x2C00, s3;
	s4 =	sadd.s32 s4, s6;
	s8 =	ssub.s32 s8, s10  }
0xd: {  	s31 =	sadd.s32 s9, s5;
	s9 =	simm.s32 $0x80;
	s10 =	simm.s32 $0x400  }
0xe: {  	v0 =	vimm.f32 $1.000000000e+00;
	s5 =	smax.u32 s8, $0x1;
	s6 =	sadd.s32 $0x16C00, s31;
	s8 =	simm.s32 $0x2  }
.LBB2_1:
0xf: {  	[tilespmem:$0x400] =	vst v0  }
0x10: {  	[tilespmem:$0x410] =	vst v0  }
0x11: {  	[tilespmem:$0x420] =	vst v0  }
0x12: {  	[tilespmem:$0x430] =	vst v0  }
0x13: {  	[tilespmem:$0x440] =	vst v0  }
0x14: {  	[tilespmem:$0x450] =	vst v0  }
0x15: {  	[tilespmem:$0x460] =	vst v0  }
0x16: {  	[tilespmem:$0x470] =	vst v0;
	s19 =	simm.s32 @!p0 $0x1C02  }
0x17: {  	[spmem:s7], [sflag:s19] =	dma.local @!p0 [hbm:s3], $0x4F0  }
0x18: {  	s19 =	simm.s32 @!p0 $0x2  }
0x19: {  	_ =	swait.ge @!p0 [sflag:s19], $0x4F0  }
0x1a: {  	[sflag:s19] =	ssyncset.done @!p0 $0x0  }
0x1b: {  	[sflag:s19] =	ssyncadd.s32 @!p0 $0xFFFFFB10  }
0x1c: {  	s31 =	sadd.s32 $0x0, s6;
	[bflag:$0x0] =	sbarrier.arrive $0xFFFF  }
0x1d: {  	[tilespmem:s2], [sflag:$0x2] =	stream.linear.gather [hbm4b:s31+s2], $0x400, $0x38;
	[tilespmem:$0x6F8] =	vst v63  }
0x1e: {  	_ =	swait.ge [sflag:s8], $0x400  }
0x1f: {  	[sflag:s8] =	ssyncset.done $0x0  }
0x20: {  	[sflag:s8] =	ssyncadd.s32 $0xFFFFFC00  }
0x21: {  	[spmem:s1] =	stream.indirect.scatter.add.f32 [tilespmem:s10], [sflag:$0x1], $0x1, s2, s9, $0xb8;
	[tilespmem:$0x6F8] =	vst v63  }
0x22: {  	_ =	swait.ge [sflag:s11], $0x80  }
0x23: {  	[sflag:s11] =	ssyncset.done $0x0  }
0x24: {  	[sflag:s11] =	ssyncadd.s32 $0xFFFFFF80  }
0x25: {  	[spmem:s1] =	stream.indirect.scatter.add.f32 [tilespmem:s10], [sflag:$0x1], $0x1, s9, s9, $0xb8;
	[tilespmem:$0x6F8] =	vst v63  }
0x26: {  	_ =	swait.ge [sflag:s11], $0x80  }
0x27: {  	[sflag:s11] =	ssyncset.done $0x0  }
0x28: {  	[sflag:s11] =	ssyncadd.s32 $0xFFFFFF80  }
0x29: {  	[spmem:s1] =	stream.indirect.scatter.add.f32 [tilespmem:s10], [sflag:$0x1], $0x1, s12, s9, $0xb8;
	[tilespmem:$0x6F8] =	vst v63  }
0x2a: {  	_ =	swait.ge [sflag:s11], $0x80  }
0x2b: {  	[sflag:s11] =	ssyncset.done $0x0  }
0x2c: {  	[sflag:s11] =	ssyncadd.s32 $0xFFFFFF80  }
0x2d: {  	[spmem:s1] =	stream.indirect.scatter.add.f32 [tilespmem:s10], [sflag:$0x1], $0x1, s13, s9, $0xb8;
	[tilespmem:$0x6F8] =	vst v63  }
0x2e: {  	_ =	swait.ge [sflag:s11], $0x80  }
0x2f: {  	[sflag:s11] =	ssyncset.done $0x0  }
0x30: {  	[sflag:s11] =	ssyncadd.s32 $0xFFFFFF80  }
0x31: {  	[spmem:s1] =	stream.indirect.scatter.add.f32 [tilespmem:s10], [sflag:$0x1], $0x1, s14, s9, $0xb8;
	[tilespmem:$0x6F8] =	vst v63  }
0x32: {  	_ =	swait.ge [sflag:s11], $0x80  }
0x33: {  	[sflag:s11] =	ssyncset.done $0x0  }
0x34: {  	[sflag:s11] =	ssyncadd.s32 $0xFFFFFF80  }
0x35: {  	[spmem:s1] =	stream.indirect.scatter.add.f32 [tilespmem:s10], [sflag:$0x1], $0x1, s15, s9, $0xb8;
	[tilespmem:$0x6F8] =	vst v63  }
0x36: {  	_ =	swait.ge [sflag:s11], $0x80  }
0x37: {  	[sflag:s11] =	ssyncset.done $0x0  }
0x38: {  	[sflag:s11] =	ssyncadd.s32 $0xFFFFFF80  }
0x39: {  	[spmem:s1] =	stream.indirect.scatter.add.f32 [tilespmem:s10], [sflag:$0x1], $0x1, s16, s9, $0xb8;
	[tilespmem:$0x6F8] =	vst v63  }
0x3a: {  	_ =	swait.ge [sflag:s11], $0x80  }
0x3b: {  	[sflag:s11] =	ssyncset.done $0x0  }
0x3c: {  	[sflag:s11] =	ssyncadd.s32 $0xFFFFFF80  }
0x3d: {  	[spmem:s1] =	stream.indirect.scatter.add.f32 [tilespmem:s10], [sflag:$0x1], $0x1, s17, s9, $0xb8;
	[tilespmem:$0x6F8] =	vst v63  }
0x3e: {  	_ =	swait.ge [sflag:s11], $0x80  }
0x3f: {  	s21 =	simm.s32 $0x100;
	s19 =	simm.s32 $0x80;
	[sflag:s11] =	ssyncset.done $0x0  }
.LBB2_2:
0x40: {  	s22 =	sadd.s32 s19, s6  }
0x41: {  	[sflag:s11] =	ssyncadd.s32 $0xFFFFFF80;
	s19 =	smov.u32 s21;
	s20 =	sadd.s32 $0x80, s21  }
0x42: {  	[tilespmem:s2], [sflag:$0x2] =	stream.linear.gather [hbm4b:s22+s2], $0x400, $0x38;
	[tilespmem:$0x6F8] =	vst v63  }
0x43: {  	p1 =	sne.s32 s21, $0x480;
	_ =	swait.ge [sflag:s8], $0x400  }
0x44: {  	[sflag:s8] =	ssyncset.done $0x0  }
0x45: {  	[sflag:s8] =	ssyncadd.s32 $0xFFFFFC00  }
0x46: {  	[spmem:s1] =	stream.indirect.scatter.add.f32 [tilespmem:s10], [sflag:$0x1], $0x1, s2, s9, $0xb8;
	[tilespmem:$0x6F8] =	vst v63  }
0x47: {  	_ =	swait.ge [sflag:s11], $0x80  }
0x48: {  	[sflag:s11] =	ssyncset.done $0x0  }
0x49: {  	[sflag:s11] =	ssyncadd.s32 $0xFFFFFF80  }
0x4a: {  	[spmem:s1] =	stream.indirect.scatter.add.f32 [tilespmem:s10], [sflag:$0x1], $0x1, s9, s9, $0xb8;
	[tilespmem:$0x6F8] =	vst v63  }
0x4b: {  	_ =	swait.ge [sflag:s11], $0x80  }
0x4c: {  	[sflag:s11] =	ssyncset.done $0x0  }
0x4d: {  	[sflag:s11] =	ssyncadd.s32 $0xFFFFFF80  }
0x4e: {  	[spmem:s1] =	stream.indirect.scatter.add.f32 [tilespmem:s10], [sflag:$0x1], $0x1, s12, s9, $0xb8;
	[tilespmem:$0x6F8] =	vst v63  }
0x4f: {  	_ =	swait.ge [sflag:s11], $0x80  }
0x50: {  	[sflag:s11] =	ssyncset.done $0x0  }
0x51: {  	[sflag:s11] =	ssyncadd.s32 $0xFFFFFF80  }
0x52: {  	[spmem:s1] =	stream.indirect.scatter.add.f32 [tilespmem:s10], [sflag:$0x1], $0x1, s13, s9, $0xb8;
	[tilespmem:$0x6F8] =	vst v63  }
0x53: {  	_ =	swait.ge [sflag:s11], $0x80  }
0x54: {  	[sflag:s11] =	ssyncset.done $0x0  }
0x55: {  	[sflag:s11] =	ssyncadd.s32 $0xFFFFFF80  }
0x56: {  	[spmem:s1] =	stream.indirect.scatter.add.f32 [tilespmem:s10], [sflag:$0x1], $0x1, s14, s9, $0xb8;
	[tilespmem:$0x6F8] =	vst v63  }
0x57: {  	_ =	swait.ge [sflag:s11], $0x80  }
0x58: {  	[sflag:s11] =	ssyncset.done $0x0  }
0x59: {  	[sflag:s11] =	ssyncadd.s32 $0xFFFFFF80  }
0x5a: {  	[spmem:s1] =	stream.indirect.scatter.add.f32 [tilespmem:s10], [sflag:$0x1], $0x1, s15, s9, $0xb8;
	[tilespmem:$0x6F8] =	vst v63  }
0x5b: {  	_ =	swait.ge [sflag:s11], $0x80  }
0x5c: {  	[sflag:s11] =	ssyncset.done $0x0  }
0x5d: {  	[sflag:s11] =	ssyncadd.s32 $0xFFFFFF80  }
0x5e: {  	[spmem:s1] =	stream.indirect.scatter.add.f32 [tilespmem:s10], [sflag:$0x1], $0x1, s16, s9, $0xb8;
	[tilespmem:$0x6F8] =	vst v63  }
0x5f: {  	_ =	swait.ge [sflag:s11], $0x80  }
.Ltmp0:
0x60: {  	[sflag:s11] =	ssyncset.done $0x0;
	(pc) =	sbr.rel @p1 .LBB2_2-.Ltmp0, $4  }
0x61: {  	[sflag:s11] =	ssyncadd.s32 $0xFFFFFF80  }
0x62: {  	[spmem:s1] =	stream.indirect.scatter.add.f32 [tilespmem:s10], [sflag:$0x1], $0x1, s17, s9, $0xb8;
	[tilespmem:$0x6F8] =	vst v63  }
0x63: {  	_ =	swait.ge [sflag:s11], $0x80  }
0x64: {  	s21 =	smov.u32 s20;
	[sflag:s11] =	ssyncset.done $0x0  }
0x65: {  	s19 =	sadd.s32 s19, s6;
	[sflag:s11] =	ssyncadd.s32 $0xFFFFFF80  }
0x66: {  	[tilespmem:s2], [sflag:$0x2] =	stream.linear.gather [hbm4b:s19+s2], $0x400, $0x38;
	[tilespmem:$0x6F8] =	vst v63  }
0x67: {  	_ =	swait.ge [sflag:s8], $0x400  }
0x68: {  	[sflag:s8] =	ssyncset.done $0x0  }
0x69: {  	[sflag:s8] =	ssyncadd.s32 $0xFFFFFC00  }
0x6a: {  	[spmem:s1] =	stream.indirect.scatter.add.f32 [tilespmem:s10], [sflag:$0x1], $0x1, s2, s9, $0xb8;
	[tilespmem:$0x6F8] =	vst v63  }
0x6b: {  	_ =	swait.ge [sflag:s11], $0x80  }
0x6c: {  	[sflag:s11] =	ssyncset.done $0x0  }
0x6d: {  	[sflag:s11] =	ssyncadd.s32 $0xFFFFFF80  }
0x6e: {  	[spmem:s1] =	stream.indirect.scatter.add.f32 [tilespmem:s10], [sflag:$0x1], $0x1, s9, s9, $0xb8;
	[tilespmem:$0x6F8] =	vst v63  }
0x6f: {  	_ =	swait.ge [sflag:s11], $0x80  }
0x70: {  	[sflag:s11] =	ssyncset.done $0x0  }
0x71: {  	[sflag:s11] =	ssyncadd.s32 $0xFFFFFF80  }
0x72: {  	[spmem:s1] =	stream.indirect.scatter.add.f32 [tilespmem:s10], [sflag:$0x1], $0x1, s12, s9, $0xb8;
	[tilespmem:$0x6F8] =	vst v63  }
0x73: {  	_ =	swait.ge [sflag:s11], $0x80  }
0x74: {  	[sflag:s11] =	ssyncset.done $0x0  }
0x75: {  	[sflag:s11] =	ssyncadd.s32 $0xFFFFFF80  }
0x76: {  	[spmem:s1] =	stream.indirect.scatter.add.f32 [tilespmem:s10], [sflag:$0x1], $0x1, s13, s9, $0xb8;
	[tilespmem:$0x6F8] =	vst v63  }
0x77: {  	_ =	swait.ge [sflag:s11], $0x80  }
0x78: {  	[sflag:s11] =	ssyncset.done $0x0  }
0x79: {  	[sflag:s11] =	ssyncadd.s32 $0xFFFFFF80  }
0x7a: {  	[spmem:s1] =	stream.indirect.scatter.add.f32 [tilespmem:s10], [sflag:$0x1], $0x1, s14, s9, $0xb8;
	[tilespmem:$0x6F8] =	vst v63  }
0x7b: {  	_ =	swait.ge [sflag:s11], $0x80  }
0x7c: {  	[sflag:s11] =	ssyncset.done $0x0  }
0x7d: {  	[sflag:s11] =	ssyncadd.s32 $0xFFFFFF80  }
0x7e: {  	[spmem:s1] =	stream.indirect.scatter.add.f32 [tilespmem:s10], [sflag:$0x1], $0x1, s15, s9, $0xb8;
	[tilespmem:$0x6F8] =	vst v63  }
0x7f: {  	_ =	swait.ge [sflag:s11], $0x80  }
0x80: {  	[sflag:s11] =	ssyncset.done $0x0  }
0x81: {  	[sflag:s11] =	ssyncadd.s32 $0xFFFFFF80  }
0x82: {  	[spmem:s1] =	stream.indirect.scatter.add.f32 [tilespmem:s10], [sflag:$0x1], $0x1, s16, s9, $0xb8;
	[tilespmem:$0x6F8] =	vst v63  }
0x83: {  	_ =	swait.ge [sflag:s11], $0x80  }
0x84: {  	[sflag:s11] =	ssyncset.done $0x0  }
0x85: {  	[sflag:s11] =	ssyncadd.s32 $0xFFFFFF80  }
0x86: {  	[spmem:s1] =	stream.indirect.scatter.add.f32 [tilespmem:s10], [sflag:$0x1], $0x1, s17, s9, $0xb8;
	[tilespmem:$0x6F8] =	vst v63  }
0x87: {  	_ =	swait.ge [sflag:s11], $0x80  }
0x88: {  	s20 =	simm.s32 @!p0 $0x20;
	s21 =	simm.s32 @!p0 $0x10;
	[sflag:s11] =	ssyncset.done $0x0  }
0x89: {  	s22 =	simm.s32 @!p0 $0x1C02;
	s18 =	sadd.s32 $0x1, s18;
	[sflag:s11] =	ssyncadd.s32 $0xFFFFFF80  }
0x8a: {  	s19 =	simm.s32 @!p0 $0x1;
	p1 =	sne.s32 s18, s5;
	[bflag:$0x0] =	sbarrier.arrive $0xFFFF  }
0x8b: {  	[hbm:s4@s20], [sflag:s22] =	dma.strided @!p0 [spmem:s7@s21], $0x4F0, s19, $0x10   }
.Ltmp1:
0x8c: {  	_ = 	snop;
	(pc) =	sbr.rel @p1 .LBB2_1-.Ltmp1, $4  }
0x8d: {  	s19 =	simm.s32 @!p0 $0x2  }
0x8e: {  	_ =	swait.ge @!p0 [sflag:s19], $0x4F0  }
0x8f: {  	[sflag:s19] =	ssyncset.done @!p0 $0x0  }
0x90: {  	[sflag:s19] =	ssyncadd.s32 @!p0 $0xFFFFFB10  }
0x91: {  	_ =	sfence.sel $0x180000  }
0x92: {  	[bflag:$0x0] =	sbarrier.arrive $0xFFFF  }
0x93: {  	_ =	strace $0x9000004A  }
0x94: {  	s0 =	sadd.s32 @!p0 $0x100000, s0;
	[bflag:$0x2] =	sbarrier.arrive $0xFFFF  }
0x95: {  	[sflag:s0] =	ssyncadd.tile.s32 @!p0 $0x1;
	_ =	shalt  }
.Lfunc_end2:
_tile_overlayer_lowered:
.L_overlay_start_2:
0x96: {  	(tag) =	ssettag $0x2  }
0x97: {  	s0 =	rddreg [dreg:$0x0];
	s2 =	stileid.u32  }
0x98: {  	s1 =	rddreg [dreg:$0x1];
	p0 =	sne.s32 s2, $0x0  }
0x99: {  	s3 =	rddreg [dreg:$0x2];
	[bflag:$0x3] =	sbarrier.arrive $0xFFFF;
	s2 =	simm.s32 @!p0 $0x1C02  }
0x9a: {  	[timem:s3], [sflag:s2] =	dma.local @!p0 [hbm:s0], s1  }
0x9b: {  	s0 =	simm.s32 @!p0 $0x2  }
0x9c: {  	_ =	swait.ge @!p0 [sflag:s0], s1  }
0x9d: {  	s1 =	ssub.s32 @!p0 $0x0, s1;
	[sflag:s0] =	ssyncset.done @!p0 $0x0  }
0x9e: {  	[sflag:s0] =	ssyncadd.s32 @!p0 s1  }
0x9f: {  	[bflag:$0x3] =	sbarrier.arrive $0xFFFF  }
0xa0: {  	_ =	shalt  }

// kernel: kernel.13.cloned.1.call-start
scs
__scs_entry_jumppad:
0x0: {  	(pc) =	sbr.rel $0x88, $3  }
0x1: {  	(tag) =	ssettag $0x0;
	lr =	simm.s32 $0x1  }
0x2: {  	[smem:$0x3F96] =	sst lr;
	_ =	strace $0xD0000000  }
0x3: {  	_ = 	snop  }
0x4: {  	_ = 	snop  }
0x5: {  	_ = 	snop  }
0x6: {  	_ = 	snop  }
0x7: {  	_ = 	snop  }
__scs_overlays_trampoline_lowered:
0x8: {  	[smem:$0x3FA5] =	sst s0  }
0x9: {  	[smem:$0x3FA6] =	sst s1  }
0xa: {  	[smem:$0x3FA7] =	sst s2  }
0xb: {  	[smem:$0x3FA8] =	sst s3  }
0xc: {  	[smem:$0x3FA9] =	sst s4  }
0xd: {  	[smem:$0x3FAA] =	sst s5  }
0xe: {  	[smem:$0x3FAB] =	sst s6  }
0xf: {  	[smem:$0x3FAC] =	sst s7  }
0x10: {  	[smem:$0x3FAD] =	sst s8  }
0x11: {  	[smem:$0x3FAE] =	sst s9;
	s0 =	simm.s32 @!p0 $0x0  }
0x12: {  	s1 =	sld [smem:$0x3F94];
	s0 =	simm.s32 @p0 $0x1  }
0x13: {  	[smem:$0x3FAF] =	sst s0;
	s0 =	simm.s32 @!p1 $0x0  }
0x14: {  	s2 =	sld [smem:$0x3F93];
	s0 =	simm.s32 @p1 $0x1  }
0x15: {  	[smem:$0x3FB0] =	sst s0;
	s0 =	simm.s32 @!p2 $0x0  }
0x16: {  	s3 =	sld [smem:$0x3FDB];
	s0 =	simm.s32 @p2 $0x1  }
0x17: {  	s4 =	simm.s32 $0x1BF5;
	[smem:$0x3FB2] =	sst s0  }
0x18: {  	s0 =	sld [smem:$0x3F95];
	_ =	swait.ge [sflag:s4], $0x0  }
0x19: {  	s7 =	sld [smem:$0x3F96]  }
0x1a: {  	s8 =	sadd.s32 $0xFFFFE003, lr  }
0x1b: {  	s9 =	sadd.s32 $0xFFFFFEF7, lr;
	s5 =	simm.s32 $0xFFFFFFFF;
	p2 =	slt.u32 s8, $0xFFFFF086  }
0x1c: {  	p1 =	slt.u32 s9, $0xF7A;
	s5 =	simm.s32 @!p2 $0x0  }
0x1d: {  	s5 =	simm.s32 @p1 $0x1;
	p0 =	seq.s32 s7, s2  }
0x1e: {  	s7 =	smul.u32 @!p0 $0xF7A, s2;
	p2 =	seq.s32 @!p0 s5, $0x0  }
0x1f: {  	s9 =	smul.u32 $0xF7A, s1;
	s8 =	simm.s32 @!p0 $0x1BF5;
	p2 =	por !p2, p0  }
0x20: {  	[sflag:s8] =	ssyncset.s32 @!p0 $0xFFFFF086;
	s6 =	sadd.s32 @!p0 s3, s7;
	s7 =	simm.s32 @!p0 $0x108  }
0x21: {  	s3 =	sadd.s32 s3, s9;
	s6 =	sadd.s32 @!p0 $0x88, s6;
	s7 =	simm.s32 @p2 $0x1082  }
0x22: {  	[simem:s7], [sflag:s8] =	dma.local @!p0 [hbm:s6], $0xF7A  }
0x23: {  	s9 =	sor.u32 $0xD0000000, s2;
	s6 =	simm.s32 $0x108;
	_ =	swait.ge @!p0 [sflag:s8], $0x0  }
0x24: {  	s3 =	sadd.s32 $0x88, s3;
	s6 =	simm.s32 @!p1 $0x1082;
	[sflag:s4] =	ssyncset.s32 $0xFFFFF086  }
0x25: {  	[simem:s6], [sflag:s4] =	dma.local [hbm:s3], $0xF7A  }
0x26: {  	[smem:$0x3F96] =	sst s1;
	(tag) =	ssettag s2;
	_ =	strace s9  }
0x27: {  	s1 =	sld [smem:$0x3FA6]  }
0x28: {  	s2 =	sld [smem:$0x3FA7]  }
0x29: {  	s4 =	sld [smem:$0x3FA9]  }
0x2a: {  	p0 =	seq.s32 s5, $0x0;
	s5 =	sld [smem:$0x3FAA]  }
0x2b: {  	s6 =	sld [smem:$0x3FAB]  }
0x2c: {  	s7 =	sld [smem:$0x3FAC]  }
0x2d: {  	s3 =	simm.s32 $0x108;
	s8 =	sld [smem:$0x3FAD]  }
0x2e: {  	s3 =	simm.s32 @!p0 $0x1082;
	s9 =	sld [smem:$0x3FAE]  }
0x2f: {  	lr =	sadd.s32 s0, s3;
	s0 =	sld [smem:$0x3FA5]  }
0x30: {  	s3 =	sld [smem:$0x3FA8]  }
0x31: {  	[smem:$0x3FB1] =	sst s10  }
0x32: {  	s10 =	sld [smem:$0x3FAF];
	_ =	sdelay $0x3  }
0x33: {  	p0 =	seq.s32 s10, $0x1;
	s10 =	sld [smem:$0x3FB1];
	_ =	sdelay $0x3  }
0x34: {  	[smem:$0x3FB1] =	sst s10  }
0x35: {  	s10 =	sld [smem:$0x3FB0];
	_ =	sdelay $0x3  }
0x36: {  	p1 =	seq.s32 s10, $0x1;
	s10 =	sld [smem:$0x3FB1];
	_ =	sdelay $0x3  }
0x37: {  	[smem:$0x3FB1] =	sst s10  }
0x38: {  	s10 =	sld [smem:$0x3FB2]  }
0x39: {  	_ = 	snop;
	(pc) =	sbr.ind lr, $3  }
0x3a: {  	_ = 	snop  }
0x3b: {  	_ = 	snop  }
0x3c: {  	p2 =	seq.s32 s10, $0x1;
	s10 =	sld [smem:$0x3FB1]  }
0x3d: {  	_ =	shalt  }
0x3e: {  	_ =	shalt  }
0x3f: {  	_ =	shalt  }
0x40: {  	_ =	shalt  }
0x41: {  	_ =	shalt  }
0x42: {  	_ =	shalt  }
0x43: {  	_ =	shalt  }
0x44: {  	_ =	shalt  }
0x45: {  	_ =	shalt  }
0x46: {  	_ =	shalt  }
0x47: {  	_ =	shalt  }
0x48: {  	_ =	shalt  }
0x49: {  	_ =	shalt  }
0x4a: {  	_ =	shalt  }
0x4b: {  	_ =	shalt  }
0x4c: {  	_ =	shalt  }
0x4d: {  	_ =	shalt  }
0x4e: {  	_ =	shalt  }
0x4f: {  	_ =	shalt  }
0x50: {  	_ =	shalt  }
0x51: {  	_ =	shalt  }
0x52: {  	_ =	shalt  }
0x53: {  	_ =	shalt  }
0x54: {  	_ =	shalt  }
0x55: {  	_ =	shalt  }
0x56: {  	_ =	shalt  }
0x57: {  	_ =	shalt  }
0x58: {  	_ =	shalt  }
0x59: {  	_ =	shalt  }
0x5a: {  	_ =	shalt  }
0x5b: {  	_ =	shalt  }
0x5c: {  	_ =	shalt  }
0x5d: {  	_ =	shalt  }
0x5e: {  	_ =	shalt  }
0x5f: {  	_ =	shalt  }
0x60: {  	_ =	shalt  }
0x61: {  	_ =	shalt  }
0x62: {  	_ =	shalt  }
0x63: {  	_ =	shalt  }
0x64: {  	_ =	shalt  }
0x65: {  	_ =	shalt  }
0x66: {  	_ =	shalt  }
0x67: {  	_ =	shalt  }
0x68: {  	_ =	shalt  }
0x69: {  	_ =	shalt  }
0x6a: {  	_ =	shalt  }
0x6b: {  	_ =	shalt  }
0x6c: {  	_ =	shalt  }
0x6d: {  	_ =	shalt  }
0x6e: {  	_ =	shalt  }
0x6f: {  	_ =	shalt  }
0x70: {  	_ =	shalt  }
0x71: {  	_ =	shalt  }
0x72: {  	_ =	shalt  }
0x73: {  	_ =	shalt  }
0x74: {  	_ =	shalt  }
0x75: {  	_ =	shalt  }
0x76: {  	_ =	shalt  }
0x77: {  	_ =	shalt  }
0x78: {  	_ =	shalt  }
0x79: {  	_ =	shalt  }
0x7a: {  	_ =	shalt  }
0x7b: {  	_ =	shalt  }
0x7c: {  	_ =	shalt  }
0x7d: {  	_ =	shalt  }
0x7e: {  	_ =	shalt  }
0x7f: {  	_ =	shalt  }
0x80: {  	_ =	shalt  }
0x81: {  	_ =	shalt  }
0x82: {  	_ =	shalt  }
0x83: {  	_ =	shalt  }
0x84: {  	_ =	shalt  }
0x85: {  	_ =	shalt  }
0x86: {  	_ =	shalt  }
0x87: {  	_ =	shalt  }
.Lfunc_end0:
.L_simem_size_0:
called_computation.3_lowered:
.L_overlay_start_0:
0x88: {  	s2 =	sld [smem:$0x3FD9]  }
0x89: {  	s3 =	sld [smem:$0x3FFE];
	_ =	sdelay $0x1  }
0x8a: {  	s1 =	srdreg.scid  }
0x8b: {  	s0 =	sand.u32 $0x1, s1  }
0x8c: {  	s17 =	sshll.u32 s0, $0xA;
	s2 =	sadd.s32 s3, s2  }
0x8d: {  	s2 =	sadd.s32 s2, s17  }
0x8e: {  	[smem:$0x3FBD] =	sst s2  }
0x8f: {  	_ = 	snop  }
0x90: {  	s2 =	sld [smem:$0x3FD0];
	(tm) =	ssettm $0x1  }
0x91: {  	s18 =	sld [smem:$0x3FFB];
	_ =	sdelay $0x3  }
0x92: {  	_ =	strace s18  }
0x93: {  	s3 =	sld [smem:$0x3FFC];
	_ =	sdelay $0x3  }
0x94: {  	_ =	strace s3  }
0x95: {  	s3 =	sld [smem:$0x3FFD];
	_ =	sdelay $0x3  }
0x96: {  	_ =	strace s3  }
0x97: {  	_ =	strace $0x8FFFFFFF  }
0x98: {  	s19 =	sld [smem:$0x3FDB];
	_ =	sdelay $0x1  }
0x99: {  	s4 =	simm.s32 $_scs_section_size  }
0x9a: {  	s5 =	simm.s32 $_size__tile_overlayer_lowered;
	s6 =	simm.s32 $_tile_overlayer_lowered  }
0x9b: {  	s22 =	simm.s32 $0x1BFF;
	s21 =	sshll.u32 s6, $0x1;
	s3 =	sadd.s32 s4, s19  }
0x9c: {  	s7 =	simm.s32 $0x0;
	s20 =	sshll.u32 s5, $0x1;
	s5 =	sadd.s32 s21, s3  }
0x9d: {  	[timem:s7], [sflag:s22] =	dma.local [hbm:s5], s20  }
0x9e: {  	_ =	swait.ge [sflag:s22], s20  }
0x9f: {  	s4 =	ssub.s32 $0x0, s20;
	[sflag:s22] =	ssyncset.done $0x0  }
0xa0: {  	[sflag:s22] =	ssyncadd.s32 s4;
	_ =	sdelay $0x1  }
0xa1: {  	s23 =	simm.s32 $0x1B8B  }
0xa2: {  	_ =	swait.ge [sflag:s23], $0x1  }
0xa3: {  	[sflag:s23] =	ssyncset.done $0x0  }
0xa4: {  	s25 =	simm.s32 $0x1B8E;
	s24 =	sld [smem:$0x3FFE];
	[sflag:s23] =	ssyncadd.s32 $0xFFFFFFFF  }
0xa5: {  	s26 =	simm.s32 $execute0_lowered;
	[smem:$0x3FD2] =	sst s25  }
0xa6: {  	s5 =	sshll.u32 s26, $0x1;
	_ =	strace $0x8000004F;
	[dreg:$0x1] =	wrdreg $0xFFFFFFFF  }
0xa7: {  	s28 =	simm.s32 $_size_execute0_lowered;
	s3 =	sadd.s32 s3, s5;
	[dreg:$0x0] =	wrdreg $0x0  }
0xa8: {  	s5 =	sshll.u32 s28, $0x1;
	[dreg:$0x2] =	wrdreg s3  }
0xa9: {  	[dreg:$0x3] =	wrdreg s5  }
0xaa: {  	[dreg:$0x4] =	wrdreg $0xC0  }
0xab: {  	_ =	task [dreg:s7], $0x5FFFF  }
0xac: {  	[dreg:$0x1] =	wrdreg $0xFFFFFFFF  }
0xad: {  	[dreg:$0x0] =	wrdreg $0x60  }
0xae: {  	[dreg:$0x2] =	wrdreg s24  }
0xaf: {  	[dreg:$0x3] =	wrdreg s2  }
0xb0: {  	[dreg:$0x4] =	wrdreg $0x88000  }
0xb1: {  	[dreg:$0x5] =	wrdreg $0x9  }
0xb2: {  	_ =	task.clear_ibuf [dreg:s7], $0x6FFFF;
	_ =	strace $0x9000004F  }
0xb3: {  	s29 =	simm.s32 $0x9;
	_ =	strace $0x80000051  }
0xb4: {  	_ =	swait.ge [sflag:s29], $0x1  }
0xb5: {  	[sflag:s29] =	ssyncadd.s32 $0xFFFFFFFF  }
0xb6: {  	_ =	strace $0x90000051  }
0xb7: {  	_ =	sfence  }
0xb8: {  	s30 =	sld [smem:$0x0];
	_ =	sdelay $0x2  }
0xb9: {  	s31 =	sshll.u32 s1, $0xD;
	s1 =	sshrl.u32 s1, $0x2  }
0xba: {  	s3 =	sand.u32 $0x4000, s31;
	s1 =	sadd.s32 s1, s30  }
0xbb: {  	s0 =	sor.u32 s3, s0;
	s1 =	sshll.u32 s1, $0x11  }
0xbc: {  	s0 =	sor.u32 s1, s0  }
0xbd: {  	s0 =	sadd.s32 $0x8F2B, s0  }
0xbe: {  	[sflag:s0] =	ssyncadd.remote.s32 $0x1  }
0xbf: {  	_ =	sfence.sel $0xFFFF  }
0xc0: {  	[dreg:$0x0] =	wrdreg $0xFFFFFFFF;
	(pc) =	sbr.abs _section_cstart, $3  }
0xc1: {  	[dreg:$0x1] =	wrdreg $0xFFFFFFFF  }
0xc2: {  	_ =	task.clear_ibuf [dreg:s7], $0x2FFFF;
	_ =	strace $0x9FFFFFFF  }
0xc3: {  	(tm) =	ssettm $0x7FFFFFFF  }
tec
execute0_lowered:
.L_overlay_start_1:
0x0: {  	(tag) =	ssettag $0x1  }
0x1: {  	s0 =	rddreg [dreg:$0x0]  }
0x2: {  	s2 =	rddreg [dreg:$0x2]  }
0x3: {  	s1 =	srdreg.scid;
	s4 =	simm.s32 $0x0;
	s9 =	stileid.u32  }
0x4: {  	s12 =	simm.s32 $0x3;
	s13 =	simm.s32 $0x400;
	s14 =	simm.s32 $0x80  }
0x5: {  	s15 =	simm.s32 $0x800;
	s16 =	simm.s32 $0x4800;
	s17 =	simm.s32 $0x1  }
0x6: {  	s18 =	simm.s32 $0x2;
	s19 =	simm.s32 $0x480;
	s20 =	simm.s32 $0x100  }
0x7: {  	s21 =	simm.s32 $0x180;
	s22 =	simm.s32 $0x500;
	s28 =	simm.s32 $0x680  }
0x8: {  	s29 =	simm.s32 $0x300;
	s30 =	simm.s32 $0x380;
	s6 =	smul.u32 $0x13C00, s9  }
0x9: {  	s31 =	simm.s32 $0x700;
	s1 =	sand.u32 $0x1, s1;
	s7 =	smul.u32 $0xA00, s9  }
0xa: {  	[smem:$0x7FF] =	sst s4;
	s5 =	sadd.s32 $0x2AC00, s0;
	s8 =	smul.u32 $0x4F000, s9  }
0xb: {  	s9 =	sshll.u32 s9, $0x6;
	s3 =	smul.u32 $0x13C000, s1;
	_ =	strace $0x80000050  }
0xc: {  	s23 =	ssub.s32 $0x2, s1;
	s1 =	smul.u32 $0x500, s1;
	s7 =	sadd.s32 s7, s0  }
0xd: {  	s24 =	sshrl.u32 s23, $0x1;
	s8 =	sshrl.u32 s8, $0x2;
	s3 =	sadd.s32 s6, s3  }
0xe: {  	s8 =	sadd.s32 s8, s2;
	s6 =	sor.u32 $0x1C03, s9;
	s26 =	sadd.s32 s1, s7  }
0xf: {  	s3 =	sshrl.u32 s3, $0x3;
	s9 =	sadd.s32 $0x16C00, s26;
	s10 =	sadd.s32 $0x20C00, s26  }
0x10: {  	s7 =	sshrl.u32 s8, $0x3;
	s26 =	simm.s32 $0x600;
	[dreg:$0x4] =	wrdreg s6  }
0x11: {  	s0 =	sadd.s32 s3, s0;
	s3 =	ssub.s32 s23, s24;
	s23 =	simm.s32 $0x580  }
0x12: {  	s24 =	simm.s32 $0x200;
	[dreg:$0x7] =	wrdreg s7;
	s0 =	sadd.s32 $0x51E00, s0  }
0x13: {  	s25 =	smax.u32 s3, $0x1;
	s3 =	simm.s32 $0x0;
	[dreg:$0x5] =	wrdreg s0  }
0x14: {  	[dreg:$0x6] =	wrdreg s25;
	s25 =	simm.s32 $0x280;
	s0 =	simm.s32 $0x780  }
.LBB2_1:
0x15: {  	s1 =	rddreg [dreg:$0x1]  }
0x16: {  	[spmem:s7], [sflag:s6] =	dma.local [hbm:s1], $0x2780  }
0x17: {  	_ =	swait.ge [sflag:s12], $0x2780  }
0x18: {  	[sflag:s12] =	ssyncset.done $0x0  }
0x19: {  	[sflag:s12] =	ssyncadd.s32 $0xFFFFD880  }
0x1a: {  	s8 =	sadd.s32 $0x0, s10;
	[bflag:$0x0] =	sbarrier.arrive $0xFFFF  }
0x1b: {  	[tilespmem:s4], [sflag:$0x3] =	stream.linear.gather [hbm4b:s8+s4], $0x400, $0x38;
	[tilespmem:$0x1C400] =	vst v63  }
0x1c: {  	_ =	swait.ge [sflag:s12], $0x400  }
0x1d: {  	[sflag:s12] =	ssyncset.done $0x0  }
0x1e: {  	s11 =	sadd.s32 $0x0, s9;
	[sflag:s12] =	ssyncadd.s32 $0xFFFFFC00  }
0x1f: {  	[tilespmem:s13], [sflag:$0x3] =	stream.linear.gather [hbm4b:s11+s4], $0x400, $0x38;
	[tilespmem:$0x1C400] =	vst v63  }
0x20: {  	_ =	swait.ge [sflag:s12], $0x400  }
0x21: {  	[sflag:s12] =	ssyncset.done $0x0  }
0x22: {  	[sflag:s12] =	ssyncadd.s32 $0xFFFFFC00  }
0x23: {  	[tilespmem:s15], [sflag:$0x1] =	stream.indirect.gather [hbm4b:s5+s14], $0x80, s4, s14, $0xb8;
	[tilespmem:$0x1C400] =	vst v63  }
0x24: {  	_ = 	snop  }
0x25: {  	[tilespmem:s16], [sflag:$0x1] =	stream.indirect.gather [hbm4b:s5+s14], $0x80, s14, s14, $0xb8;
	[tilespmem:$0x1C400] =	vst v63  }
0x26: {  	_ =	swait.ge [sflag:s17], $0x4000  }
0x27: {  	[sflag:s17] =	ssyncset.done $0x0  }
0x28: {  	[sflag:s17] =	ssyncadd.s32 $0xFFFFC000  }
0x29: {  	[spmem:s2] =	stream.indirect.scatter.add.f32 [tilespmem:s15], [sflag:$0x2], $0x80, s13, s14, $0xb8;
	[tilespmem:$0x1C400] =	vst v63  }
0x2a: {  	_ =	swait.ge [sflag:s17], $0x4000  }
0x2b: {  	[sflag:s17] =	ssyncset.done $0x0  }
0x2c: {  	[sflag:s17] =	ssyncadd.s32 $0xFFFFC000  }
0x2d: {  	_ =	swait.ge [sflag:s18], $0x4000  }
0x2e: {  	[sflag:s18] =	ssyncset.done $0x0  }
0x2f: {  	[sflag:s18] =	ssyncadd.s32 $0xFFFFC000  }
0x30: {  	[spmem:s2] =	stream.indirect.scatter.add.f32 [tilespmem:s16], [sflag:$0x2], $0x80, s19, s14, $0xb8;
	[tilespmem:$0x1C400] =	vst v63  }
0x31: {  	_ =	swait.ge [sflag:s18], $0x4000  }
0x32: {  	[sflag:s18] =	ssyncset.done $0x0  }
0x33: {  	[sflag:s18] =	ssyncadd.s32 $0xFFFFC000  }
0x34: {  	[tilespmem:s15], [sflag:$0x1] =	stream.indirect.gather [hbm4b:s5+s14], $0x80, s20, s14, $0xb8;
	[tilespmem:$0x1C400] =	vst v63  }
0x35: {  	_ = 	snop  }
0x36: {  	[tilespmem:s16], [sflag:$0x1] =	stream.indirect.gather [hbm4b:s5+s14], $0x80, s21, s14, $0xb8;
	[tilespmem:$0x1C400] =	vst v63  }
0x37: {  	_ =	swait.ge [sflag:s17], $0x4000  }
0x38: {  	[sflag:s17] =	ssyncset.done $0x0  }
0x39: {  	[sflag:s17] =	ssyncadd.s32 $0xFFFFC000  }
0x3a: {  	[spmem:s2] =	stream.indirect.scatter.add.f32 [tilespmem:s15], [sflag:$0x2], $0x80, s22, s14, $0xb8;
	[tilespmem:$0x1C400] =	vst v63  }
0x3b: {  	_ =	swait.ge [sflag:s17], $0x4000  }
0x3c: {  	[sflag:s17] =	ssyncset.done $0x0  }
0x3d: {  	[sflag:s17] =	ssyncadd.s32 $0xFFFFC000  }
0x3e: {  	_ =	swait.ge [sflag:s18], $0x4000  }
0x3f: {  	[sflag:s18] =	ssyncset.done $0x0  }
0x40: {  	[sflag:s18] =	ssyncadd.s32 $0xFFFFC000  }
0x41: {  	[spmem:s2] =	stream.indirect.scatter.add.f32 [tilespmem:s16], [sflag:$0x2], $0x80, s23, s14, $0xb8;
	[tilespmem:$0x1C400] =	vst v63  }
0x42: {  	_ =	swait.ge [sflag:s18], $0x4000  }
0x43: {  	[sflag:s18] =	ssyncset.done $0x0  }
0x44: {  	[sflag:s18] =	ssyncadd.s32 $0xFFFFC000  }
0x45: {  	[tilespmem:s15], [sflag:$0x1] =	stream.indirect.gather [hbm4b:s5+s14], $0x80, s24, s14, $0xb8;
	[tilespmem:$0x1C400] =	vst v63  }
0x46: {  	_ = 	snop  }
0x47: {  	[tilespmem:s16], [sflag:$0x1] =	stream.indirect.gather [hbm4b:s5+s14], $0x80, s25, s14, $0xb8;
	[tilespmem:$0x1C400] =	vst v63  }
0x48: {  	_ =	swait.ge [sflag:s17], $0x4000  }
0x49: {  	[sflag:s17] =	ssyncset.done $0x0  }
0x4a: {  	[sflag:s17] =	ssyncadd.s32 $0xFFFFC000  }
0x4b: {  	[spmem:s2] =	stream.indirect.scatter.add.f32 [tilespmem:s15], [sflag:$0x2], $0x80, s26, s14, $0xb8;
	[tilespmem:$0x1C400] =	vst v63  }
0x4c: {  	_ =	swait.ge [sflag:s17], $0x4000  }
0x4d: {  	[sflag:s17] =	ssyncset.done $0x0  }
0x4e: {  	[sflag:s17] =	ssyncadd.s32 $0xFFFFC000  }
0x4f: {  	_ =	swait.ge [sflag:s18], $0x4000  }
0x50: {  	[sflag:s18] =	ssyncset.done $0x0  }
0x51: {  	[sflag:s18] =	ssyncadd.s32 $0xFFFFC000  }
0x52: {  	[spmem:s2] =	stream.indirect.scatter.add.f32 [tilespmem:s16], [sflag:$0x2], $0x80, s28, s14, $0xb8;
	[tilespmem:$0x1C400] =	vst v63  }
0x53: {  	_ =	swait.ge [sflag:s18], $0x4000  }
0x54: {  	[sflag:s18] =	ssyncset.done $0x0  }
0x55: {  	[sflag:s18] =	ssyncadd.s32 $0xFFFFC000  }
0x56: {  	[tilespmem:s15], [sflag:$0x1] =	stream.indirect.gather [hbm4b:s5+s14], $0x80, s29, s14, $0xb8;
	[tilespmem:$0x1C400] =	vst v63  }
0x57: {  	_ = 	snop  }
0x58: {  	[tilespmem:s16], [sflag:$0x1] =	stream.indirect.gather [hbm4b:s5+s14], $0x80, s30, s14, $0xb8;
	[tilespmem:$0x1C400] =	vst v63  }
0x59: {  	_ =	swait.ge [sflag:s17], $0x4000  }
0x5a: {  	[sflag:s17] =	ssyncset.done $0x0  }
0x5b: {  	[sflag:s17] =	ssyncadd.s32 $0xFFFFC000  }
0x5c: {  	[spmem:s2] =	stream.indirect.scatter.add.f32 [tilespmem:s15], [sflag:$0x2], $0x80, s31, s14, $0xb8;
	[tilespmem:$0x1C400] =	vst v63  }
0x5d: {  	_ =	swait.ge [sflag:s17], $0x4000  }
0x5e: {  	[sflag:s17] =	ssyncset.done $0x0  }
0x5f: {  	[sflag:s17] =	ssyncadd.s32 $0xFFFFC000  }
0x60: {  	_ =	swait.ge [sflag:s18], $0x4000  }
0x61: {  	[sflag:s18] =	ssyncset.done $0x0  }
0x62: {  	[sflag:s18] =	ssyncadd.s32 $0xFFFFC000  }
0x63: {  	[spmem:s2] =	stream.indirect.scatter.add.f32 [tilespmem:s16], [sflag:$0x2], $0x80, s0, s14, $0xb8;
	[tilespmem:$0x1C400] =	vst v63  }
0x64: {  	_ =	swait.ge [sflag:s18], $0x4000  }
0x65: {  	s1 =	simm.s32 $0x80;
	s7 =	simm.s32 $0x100;
	[sflag:s18] =	ssyncset.done $0x0  }
.LBB2_2:
0x66: {  	s6 =	sadd.s32 s1, s10  }
0x67: {  	[sflag:s18] =	ssyncadd.s32 $0xFFFFC000;
	s11 =	smov.u32 s7;
	s8 =	sadd.s32 $0x80, s7  }
0x68: {  	[tilespmem:s4], [sflag:$0x3] =	stream.linear.gather [hbm4b:s6+s4], $0x400, $0x38;
	[tilespmem:$0x1C400] =	vst v63  }
0x69: {  	p0 =	sne.s32 s7, $0x480;
	_ =	swait.ge [sflag:s12], $0x400  }
0x6a: {  	[sflag:s12] =	ssyncset.done $0x0  }
0x6b: {  	s6 =	sadd.s32 s1, s9;
	s1 =	smov.u32 s11;
	[sflag:s12] =	ssyncadd.s32 $0xFFFFFC00  }
0x6c: {  	[tilespmem:s13], [sflag:$0x3] =	stream.linear.gather [hbm4b:s6+s4], $0x400, $0x38;
	[tilespmem:$0x1C400] =	vst v63  }
0x6d: {  	_ =	swait.ge [sflag:s12], $0x400  }
0x6e: {  	[sflag:s12] =	ssyncset.done $0x0  }
0x6f: {  	[sflag:s12] =	ssyncadd.s32 $0xFFFFFC00  }
0x70: {  	[tilespmem:s15], [sflag:$0x1] =	stream.indirect.gather [hbm4b:s5+s14], $0x80, s4, s14, $0xb8;
	[tilespmem:$0x1C400] =	vst v63  }
0x71: {  	_ = 	snop  }
0x72: {  	[tilespmem:s16], [sflag:$0x1] =	stream.indirect.gather [hbm4b:s5+s14], $0x80, s14, s14, $0xb8;
	[tilespmem:$0x1C400] =	vst v63  }
0x73: {  	_ =	swait.ge [sflag:s17], $0x4000  }
0x74: {  	[sflag:s17] =	ssyncset.done $0x0  }
0x75: {  	[sflag:s17] =	ssyncadd.s32 $0xFFFFC000  }
0x76: {  	[spmem:s2] =	stream.indirect.scatter.add.f32 [tilespmem:s15], [sflag:$0x2], $0x80, s13, s14, $0xb8;
	[tilespmem:$0x1C400] =	vst v63  }
0x77: {  	_ =	swait.ge [sflag:s17], $0x4000  }
0x78: {  	[sflag:s17] =	ssyncset.done $0x0  }
0x79: {  	[sflag:s17] =	ssyncadd.s32 $0xFFFFC000  }
0x7a: {  	_ =	swait.ge [sflag:s18], $0x4000  }
0x7b: {  	[sflag:s18] =	ssyncset.done $0x0  }
0x7c: {  	[sflag:s18] =	ssyncadd.s32 $0xFFFFC000  }
0x7d: {  	[spmem:s2] =	stream.indirect.scatter.add.f32 [tilespmem:s16], [sflag:$0x2], $0x80, s19, s14, $0xb8;
	[tilespmem:$0x1C400] =	vst v63  }
0x7e: {  	_ =	swait.ge [sflag:s18], $0x4000  }
0x7f: {  	[sflag:s18] =	ssyncset.done $0x0  }
0x80: {  	[sflag:s18] =	ssyncadd.s32 $0xFFFFC000  }
0x81: {  	[tilespmem:s15], [sflag:$0x1] =	stream.indirect.gather [hbm4b:s5+s14], $0x80, s20, s14, $0xb8;
	[tilespmem:$0x1C400] =	vst v63  }
0x82: {  	_ = 	snop  }
0x83: {  	[tilespmem:s16], [sflag:$0x1] =	stream.indirect.gather [hbm4b:s5+s14], $0x80, s21, s14, $0xb8;
	[tilespmem:$0x1C400] =	vst v63  }
0x84: {  	_ =	swait.ge [sflag:s17], $0x4000  }
0x85: {  	[sflag:s17] =	ssyncset.done $0x0  }
0x86: {  	[sflag:s17] =	ssyncadd.s32 $0xFFFFC000  }
0x87: {  	[spmem:s2] =	stream.indirect.scatter.add.f32 [tilespmem:s15], [sflag:$0x2], $0x80, s22, s14, $0xb8;
	[tilespmem:$0x1C400] =	vst v63  }
0x88: {  	_ =	swait.ge [sflag:s17], $0x4000  }
0x89: {  	[sflag:s17] =	ssyncset.done $0x0  }
0x8a: {  	[sflag:s17] =	ssyncadd.s32 $0xFFFFC000  }
0x8b: {  	_ =	swait.ge [sflag:s18], $0x4000  }
0x8c: {  	[sflag:s18] =	ssyncset.done $0x0  }
0x8d: {  	[sflag:s18] =	ssyncadd.s32 $0xFFFFC000  }
0x8e: {  	[spmem:s2] =	stream.indirect.scatter.add.f32 [tilespmem:s16], [sflag:$0x2], $0x80, s23, s14, $0xb8;
	[tilespmem:$0x1C400] =	vst v63  }
0x8f: {  	_ =	swait.ge [sflag:s18], $0x4000  }
0x90: {  	[sflag:s18] =	ssyncset.done $0x0  }
0x91: {  	[sflag:s18] =	ssyncadd.s32 $0xFFFFC000  }
0x92: {  	[tilespmem:s15], [sflag:$0x1] =	stream.indirect.gather [hbm4b:s5+s14], $0x80, s24, s14, $0xb8;
	[tilespmem:$0x1C400] =	vst v63  }
0x93: {  	_ = 	snop  }
0x94: {  	[tilespmem:s16], [sflag:$0x1] =	stream.indirect.gather [hbm4b:s5+s14], $0x80, s25, s14, $0xb8;
	[tilespmem:$0x1C400] =	vst v63  }
0x95: {  	_ =	swait.ge [sflag:s17], $0x4000  }
0x96: {  	[sflag:s17] =	ssyncset.done $0x0  }
0x97: {  	[sflag:s17] =	ssyncadd.s32 $0xFFFFC000  }
0x98: {  	[spmem:s2] =	stream.indirect.scatter.add.f32 [tilespmem:s15], [sflag:$0x2], $0x80, s26, s14, $0xb8;
	[tilespmem:$0x1C400] =	vst v63  }
0x99: {  	_ =	swait.ge [sflag:s17], $0x4000  }
0x9a: {  	[sflag:s17] =	ssyncset.done $0x0  }
0x9b: {  	[sflag:s17] =	ssyncadd.s32 $0xFFFFC000  }
0x9c: {  	_ =	swait.ge [sflag:s18], $0x4000  }
0x9d: {  	[sflag:s18] =	ssyncset.done $0x0  }
0x9e: {  	[sflag:s18] =	ssyncadd.s32 $0xFFFFC000  }
0x9f: {  	[spmem:s2] =	stream.indirect.scatter.add.f32 [tilespmem:s16], [sflag:$0x2], $0x80, s28, s14, $0xb8;
	[tilespmem:$0x1C400] =	vst v63  }
0xa0: {  	_ =	swait.ge [sflag:s18], $0x4000  }
0xa1: {  	[sflag:s18] =	ssyncset.done $0x0  }
0xa2: {  	[sflag:s18] =	ssyncadd.s32 $0xFFFFC000  }
0xa3: {  	[tilespmem:s15], [sflag:$0x1] =	stream.indirect.gather [hbm4b:s5+s14], $0x80, s29, s14, $0xb8;
	[tilespmem:$0x1C400] =	vst v63  }
0xa4: {  	_ = 	snop  }
0xa5: {  	[tilespmem:s16], [sflag:$0x1] =	stream.indirect.gather [hbm4b:s5+s14], $0x80, s30, s14, $0xb8;
	[tilespmem:$0x1C400] =	vst v63  }
0xa6: {  	_ =	swait.ge [sflag:s17], $0x4000  }
0xa7: {  	[sflag:s17] =	ssyncset.done $0x0  }
0xa8: {  	[sflag:s17] =	ssyncadd.s32 $0xFFFFC000  }
0xa9: {  	[spmem:s2] =	stream.indirect.scatter.add.f32 [tilespmem:s15], [sflag:$0x2], $0x80, s31, s14, $0xb8;
	[tilespmem:$0x1C400] =	vst v63  }
0xaa: {  	_ =	swait.ge [sflag:s17], $0x4000  }
0xab: {  	[sflag:s17] =	ssyncset.done $0x0  }
0xac: {  	[sflag:s17] =	ssyncadd.s32 $0xFFFFC000  }
0xad: {  	_ =	swait.ge [sflag:s18], $0x4000  }
.Ltmp0:
0xae: {  	[sflag:s18] =	ssyncset.done $0x0;
	(pc) =	sbr.rel @p0 .LBB2_2-.Ltmp0, $4  }
0xaf: {  	[sflag:s18] =	ssyncadd.s32 $0xFFFFC000  }
0xb0: {  	[spmem:s2] =	stream.indirect.scatter.add.f32 [tilespmem:s16], [sflag:$0x2], $0x80, s0, s14, $0xb8;
	[tilespmem:$0x1C400] =	vst v63  }
0xb1: {  	_ =	swait.ge [sflag:s18], $0x4000  }
0xb2: {  	s7 =	smov.u32 s8;
	[sflag:s18] =	ssyncset.done $0x0  }
0xb3: {  	s6 =	sadd.s32 s1, s10;
	[sflag:s18] =	ssyncadd.s32 $0xFFFFC000  }
0xb4: {  	[tilespmem:s4], [sflag:$0x3] =	stream.linear.gather [hbm4b:s6+s4], $0x400, $0x38;
	[tilespmem:$0x1C400] =	vst v63  }
0xb5: {  	_ =	swait.ge [sflag:s12], $0x400  }
0xb6: {  	[sflag:s12] =	ssyncset.done $0x0  }
0xb7: {  	s7 =	sadd.s32 s1, s9;
	[sflag:s12] =	ssyncadd.s32 $0xFFFFFC00  }
0xb8: {  	[tilespmem:s13], [sflag:$0x3] =	stream.linear.gather [hbm4b:s7+s4], $0x400, $0x38;
	[tilespmem:$0x1C400] =	vst v63  }
0xb9: {  	_ =	swait.ge [sflag:s12], $0x400  }
0xba: {  	[sflag:s12] =	ssyncset.done $0x0  }
0xbb: {  	[sflag:s12] =	ssyncadd.s32 $0xFFFFFC00  }
0xbc: {  	[tilespmem:s15], [sflag:$0x1] =	stream.indirect.gather [hbm4b:s5+s14], $0x80, s4, s14, $0xb8;
	[tilespmem:$0x1C400] =	vst v63  }
0xbd: {  	_ = 	snop  }
0xbe: {  	[tilespmem:s16], [sflag:$0x1] =	stream.indirect.gather [hbm4b:s5+s14], $0x80, s14, s14, $0xb8;
	[tilespmem:$0x1C400] =	vst v63  }
0xbf: {  	_ =	swait.ge [sflag:s17], $0x4000  }
0xc0: {  	[sflag:s17] =	ssyncset.done $0x0  }
0xc1: {  	[sflag:s17] =	ssyncadd.s32 $0xFFFFC000  }
0xc2: {  	[spmem:s2] =	stream.indirect.scatter.add.f32 [tilespmem:s15], [sflag:$0x2], $0x80, s13, s14, $0xb8;
	[tilespmem:$0x1C400] =	vst v63  }
0xc3: {  	_ =	swait.ge [sflag:s17], $0x4000  }
0xc4: {  	[sflag:s17] =	ssyncset.done $0x0  }
0xc5: {  	[sflag:s17] =	ssyncadd.s32 $0xFFFFC000  }
0xc6: {  	_ =	swait.ge [sflag:s18], $0x4000  }
0xc7: {  	[sflag:s18] =	ssyncset.done $0x0  }
0xc8: {  	[sflag:s18] =	ssyncadd.s32 $0xFFFFC000  }
0xc9: {  	[spmem:s2] =	stream.indirect.scatter.add.f32 [tilespmem:s16], [sflag:$0x2], $0x80, s19, s14, $0xb8;
	[tilespmem:$0x1C400] =	vst v63  }
0xca: {  	_ =	swait.ge [sflag:s18], $0x4000  }
0xcb: {  	[sflag:s18] =	ssyncset.done $0x0  }
0xcc: {  	[sflag:s18] =	ssyncadd.s32 $0xFFFFC000  }
0xcd: {  	[tilespmem:s15], [sflag:$0x1] =	stream.indirect.gather [hbm4b:s5+s14], $0x80, s20, s14, $0xb8;
	[tilespmem:$0x1C400] =	vst v63  }
0xce: {  	_ = 	snop  }
0xcf: {  	[tilespmem:s16], [sflag:$0x1] =	stream.indirect.gather [hbm4b:s5+s14], $0x80, s21, s14, $0xb8;
	[tilespmem:$0x1C400] =	vst v63  }
0xd0: {  	_ =	swait.ge [sflag:s17], $0x4000  }
0xd1: {  	[sflag:s17] =	ssyncset.done $0x0  }
0xd2: {  	[sflag:s17] =	ssyncadd.s32 $0xFFFFC000  }
0xd3: {  	[spmem:s2] =	stream.indirect.scatter.add.f32 [tilespmem:s15], [sflag:$0x2], $0x80, s22, s14, $0xb8;
	[tilespmem:$0x1C400] =	vst v63  }
0xd4: {  	_ =	swait.ge [sflag:s17], $0x4000  }
0xd5: {  	[sflag:s17] =	ssyncset.done $0x0  }
0xd6: {  	[sflag:s17] =	ssyncadd.s32 $0xFFFFC000  }
0xd7: {  	_ =	swait.ge [sflag:s18], $0x4000  }
0xd8: {  	[sflag:s18] =	ssyncset.done $0x0  }
0xd9: {  	[sflag:s18] =	ssyncadd.s32 $0xFFFFC000  }
0xda: {  	[spmem:s2] =	stream.indirect.scatter.add.f32 [tilespmem:s16], [sflag:$0x2], $0x80, s23, s14, $0xb8;
	[tilespmem:$0x1C400] =	vst v63  }
0xdb: {  	_ =	swait.ge [sflag:s18], $0x4000  }
0xdc: {  	[sflag:s18] =	ssyncset.done $0x0  }
0xdd: {  	[sflag:s18] =	ssyncadd.s32 $0xFFFFC000  }
0xde: {  	[tilespmem:s15], [sflag:$0x1] =	stream.indirect.gather [hbm4b:s5+s14], $0x80, s24, s14, $0xb8;
	[tilespmem:$0x1C400] =	vst v63  }
0xdf: {  	_ = 	snop  }
0xe0: {  	[tilespmem:s16], [sflag:$0x1] =	stream.indirect.gather [hbm4b:s5+s14], $0x80, s25, s14, $0xb8;
	[tilespmem:$0x1C400] =	vst v63  }
0xe1: {  	_ =	swait.ge [sflag:s17], $0x4000  }
0xe2: {  	[sflag:s17] =	ssyncset.done $0x0  }
0xe3: {  	[sflag:s17] =	ssyncadd.s32 $0xFFFFC000  }
0xe4: {  	[spmem:s2] =	stream.indirect.scatter.add.f32 [tilespmem:s15], [sflag:$0x2], $0x80, s26, s14, $0xb8;
	[tilespmem:$0x1C400] =	vst v63  }
0xe5: {  	_ =	swait.ge [sflag:s17], $0x4000  }
0xe6: {  	[sflag:s17] =	ssyncset.done $0x0  }
0xe7: {  	[sflag:s17] =	ssyncadd.s32 $0xFFFFC000  }
0xe8: {  	_ =	swait.ge [sflag:s18], $0x4000  }
0xe9: {  	[sflag:s18] =	ssyncset.done $0x0  }
0xea: {  	[sflag:s18] =	ssyncadd.s32 $0xFFFFC000  }
0xeb: {  	[spmem:s2] =	stream.indirect.scatter.add.f32 [tilespmem:s16], [sflag:$0x2], $0x80, s28, s14, $0xb8;
	[tilespmem:$0x1C400] =	vst v63  }
0xec: {  	_ =	swait.ge [sflag:s18], $0x4000  }
0xed: {  	[sflag:s18] =	ssyncset.done $0x0  }
0xee: {  	[sflag:s18] =	ssyncadd.s32 $0xFFFFC000  }
0xef: {  	[tilespmem:s15], [sflag:$0x1] =	stream.indirect.gather [hbm4b:s5+s14], $0x80, s29, s14, $0xb8;
	[tilespmem:$0x1C400] =	vst v63  }
0xf0: {  	_ = 	snop  }
0xf1: {  	[tilespmem:s16], [sflag:$0x1] =	stream.indirect.gather [hbm4b:s5+s14], $0x80, s30, s14, $0xb8;
	[tilespmem:$0x1C400] =	vst v63  }
0xf2: {  	_ =	swait.ge [sflag:s17], $0x4000  }
0xf3: {  	[sflag:s17] =	ssyncset.done $0x0  }
0xf4: {  	[sflag:s17] =	ssyncadd.s32 $0xFFFFC000  }
0xf5: {  	[spmem:s2] =	stream.indirect.scatter.add.f32 [tilespmem:s15], [sflag:$0x2], $0x80, s31, s14, $0xb8;
	[tilespmem:$0x1C400] =	vst v63  }
0xf6: {  	_ =	swait.ge [sflag:s17], $0x4000  }
0xf7: {  	[sflag:s17] =	ssyncset.done $0x0  }
0xf8: {  	[sflag:s17] =	ssyncadd.s32 $0xFFFFC000  }
0xf9: {  	_ =	swait.ge [sflag:s18], $0x4000  }
0xfa: {  	[sflag:s18] =	ssyncset.done $0x0  }
0xfb: {  	[sflag:s18] =	ssyncadd.s32 $0xFFFFC000  }
0xfc: {  	[spmem:s2] =	stream.indirect.scatter.add.f32 [tilespmem:s16], [sflag:$0x2], $0x80, s0, s14, $0xb8;
	[tilespmem:$0x1C400] =	vst v63  }
0xfd: {  	_ =	swait.ge [sflag:s18], $0x4000  }
0xfe: {  	[sflag:s18] =	ssyncset.done $0x0  }
0xff: {  	[sflag:s18] =	ssyncadd.s32 $0xFFFFC000  }
0x100: {  	[bflag:$0x0] =	sbarrier.arrive $0xFFFF  }
0x101: {  	s6 =	rddreg [dreg:$0x4]  }
0x102: {  	s8 =	rddreg [dreg:$0x5]  }
0x103: {  	s7 =	rddreg [dreg:$0x7]  }
0x104: {  	[hbm:s8], [sflag:s6] =	dma.local [spmem:s7], $0x2780  }
0x105: {  	_ =	swait.ge [sflag:s12], $0x2780  }
0x106: {  	s3 =	sadd.s32 $0x1, s3;
	s11 =	rddreg [dreg:$0x6]  }
0x107: {  	p0 =	sne.s32 s3, s11  }
.Ltmp1:
0x108: {  	_ = 	snop;
	(pc) =	sbr.rel @p0 .LBB2_1-.Ltmp1, $3  }
0x109: {  	_ =	sdelay $0x1  }
0x10a: {  	[sflag:s12] =	ssyncset.done $0x0  }
0x10b: {  	[sflag:s12] =	ssyncadd.s32 $0xFFFFD880  }
0x10c: {  	_ =	sfence.sel $0x180000  }
0x10d: {  	[bflag:$0x0] =	sbarrier.arrive $0xFFFF  }
0x10e: {  	_ =	strace $0x90000050  }
0x10f: {  	s0 =	stileid.u32;
	[bflag:$0x2] =	sbarrier.arrive $0xFFFF  }
0x110: {  	p0 =	sne.s32 s0, $0x0;
	s0 =	rddreg [dreg:$0x3]  }
0x111: {  	s0 =	sadd.s32 @!p0 $0x100000, s0  }
0x112: {  	[sflag:s0] =	ssyncadd.tile.s32 @!p0 $0x1;
	_ =	shalt  }
.Lfunc_end2:
_tile_overlayer_lowered:
.L_overlay_start_2:
0x113: {  	(tag) =	ssettag $0x2  }
0x114: {  	s0 =	rddreg [dreg:$0x0];
	s2 =	stileid.u32  }
0x115: {  	s1 =	rddreg [dreg:$0x1];
	p0 =	sne.s32 s2, $0x0  }
0x116: {  	s3 =	rddreg [dreg:$0x2];
	[bflag:$0x3] =	sbarrier.arrive $0xFFFF;
	s2 =	simm.s32 @!p0 $0x1C03  }
0x117: {  	[timem:s3], [sflag:s2] =	dma.local @!p0 [hbm:s0], s1  }
0x118: {  	s0 =	simm.s32 @!p0 $0x3  }
0x119: {  	_ =	swait.ge @!p0 [sflag:s0], s1  }
0x11a: {  	s1 =	ssub.s32 @!p0 $0x0, s1;
	[sflag:s0] =	ssyncset.done @!p0 $0x0  }
0x11b: {  	[sflag:s0] =	ssyncadd.s32 @!p0 s1  }
0x11c: {  	[bflag:$0x3] =	sbarrier.arrive $0xFFFF  }
0x11d: {  	_ =	shalt  }

// kernel: kernel.16.cloned.1.call-start
scs
__scs_entry_jumppad:
0x0: {  	(pc) =	sbr.rel $0x88, $3  }
0x1: {  	(tag) =	ssettag $0x0;
	lr =	simm.s32 $0x1  }
0x2: {  	[smem:$0x3F96] =	sst lr;
	_ =	strace $0xD0000000  }
0x3: {  	_ = 	snop  }
0x4: {  	_ = 	snop  }
0x5: {  	_ = 	snop  }
0x6: {  	_ = 	snop  }
0x7: {  	_ = 	snop  }
__scs_overlays_trampoline_lowered:
0x8: {  	[smem:$0x3FA5] =	sst s0  }
0x9: {  	[smem:$0x3FA6] =	sst s1  }
0xa: {  	[smem:$0x3FA7] =	sst s2  }
0xb: {  	[smem:$0x3FA8] =	sst s3  }
0xc: {  	[smem:$0x3FA9] =	sst s4  }
0xd: {  	[smem:$0x3FAA] =	sst s5  }
0xe: {  	[smem:$0x3FAB] =	sst s6  }
0xf: {  	[smem:$0x3FAC] =	sst s7  }
0x10: {  	[smem:$0x3FAD] =	sst s8  }
0x11: {  	[smem:$0x3FAE] =	sst s9;
	s0 =	simm.s32 @!p0 $0x0  }
0x12: {  	s1 =	sld [smem:$0x3F94];
	s0 =	simm.s32 @p0 $0x1  }
0x13: {  	[smem:$0x3FAF] =	sst s0;
	s0 =	simm.s32 @!p1 $0x0  }
0x14: {  	s2 =	sld [smem:$0x3F93];
	s0 =	simm.s32 @p1 $0x1  }
0x15: {  	[smem:$0x3FB0] =	sst s0;
	s0 =	simm.s32 @!p2 $0x0  }
0x16: {  	s3 =	sld [smem:$0x3FDB];
	s0 =	simm.s32 @p2 $0x1  }
0x17: {  	s4 =	simm.s32 $0x1BF5;
	[smem:$0x3FB2] =	sst s0  }
0x18: {  	s0 =	sld [smem:$0x3F95];
	_ =	swait.ge [sflag:s4], $0x0  }
0x19: {  	s7 =	sld [smem:$0x3F96]  }
0x1a: {  	s8 =	sadd.s32 $0xFFFFE003, lr  }
0x1b: {  	s9 =	sadd.s32 $0xFFFFFEF7, lr;
	s5 =	simm.s32 $0xFFFFFFFF;
	p2 =	slt.u32 s8, $0xFFFFF086  }
0x1c: {  	p1 =	slt.u32 s9, $0xF7A;
	s5 =	simm.s32 @!p2 $0x0  }
0x1d: {  	s5 =	simm.s32 @p1 $0x1;
	p0 =	seq.s32 s7, s2  }
0x1e: {  	s7 =	smul.u32 @!p0 $0xF7A, s2;
	p2 =	seq.s32 @!p0 s5, $0x0  }
0x1f: {  	s9 =	smul.u32 $0xF7A, s1;
	s8 =	simm.s32 @!p0 $0x1BF5;
	p2 =	por !p2, p0  }
0x20: {  	[sflag:s8] =	ssyncset.s32 @!p0 $0xFFFFF086;
	s6 =	sadd.s32 @!p0 s3, s7;
	s7 =	simm.s32 @!p0 $0x108  }
0x21: {  	s3 =	sadd.s32 s3, s9;
	s6 =	sadd.s32 @!p0 $0x88, s6;
	s7 =	simm.s32 @p2 $0x1082  }
0x22: {  	[simem:s7], [sflag:s8] =	dma.local @!p0 [hbm:s6], $0xF7A  }
0x23: {  	s9 =	sor.u32 $0xD0000000, s2;
	s6 =	simm.s32 $0x108;
	_ =	swait.ge @!p0 [sflag:s8], $0x0  }
0x24: {  	s3 =	sadd.s32 $0x88, s3;
	s6 =	simm.s32 @!p1 $0x1082;
	[sflag:s4] =	ssyncset.s32 $0xFFFFF086  }
0x25: {  	[simem:s6], [sflag:s4] =	dma.local [hbm:s3], $0xF7A  }
0x26: {  	[smem:$0x3F96] =	sst s1;
	(tag) =	ssettag s2;
	_ =	strace s9  }
0x27: {  	s1 =	sld [smem:$0x3FA6]  }
0x28: {  	s2 =	sld [smem:$0x3FA7]  }
0x29: {  	s4 =	sld [smem:$0x3FA9]  }
0x2a: {  	p0 =	seq.s32 s5, $0x0;
	s5 =	sld [smem:$0x3FAA]  }
0x2b: {  	s6 =	sld [smem:$0x3FAB]  }
0x2c: {  	s7 =	sld [smem:$0x3FAC]  }
0x2d: {  	s3 =	simm.s32 $0x108;
	s8 =	sld [smem:$0x3FAD]  }
0x2e: {  	s3 =	simm.s32 @!p0 $0x1082;
	s9 =	sld [smem:$0x3FAE]  }
0x2f: {  	lr =	sadd.s32 s0, s3;
	s0 =	sld [smem:$0x3FA5]  }
0x30: {  	s3 =	sld [smem:$0x3FA8]  }
0x31: {  	[smem:$0x3FB1] =	sst s10  }
0x32: {  	s10 =	sld [smem:$0x3FAF];
	_ =	sdelay $0x3  }
0x33: {  	p0 =	seq.s32 s10, $0x1;
	s10 =	sld [smem:$0x3FB1];
	_ =	sdelay $0x3  }
0x34: {  	[smem:$0x3FB1] =	sst s10  }
0x35: {  	s10 =	sld [smem:$0x3FB0];
	_ =	sdelay $0x3  }
0x36: {  	p1 =	seq.s32 s10, $0x1;
	s10 =	sld [smem:$0x3FB1];
	_ =	sdelay $0x3  }
0x37: {  	[smem:$0x3FB1] =	sst s10  }
0x38: {  	s10 =	sld [smem:$0x3FB2]  }
0x39: {  	_ = 	snop;
	(pc) =	sbr.ind lr, $3  }
0x3a: {  	_ = 	snop  }
0x3b: {  	_ = 	snop  }
0x3c: {  	p2 =	seq.s32 s10, $0x1;
	s10 =	sld [smem:$0x3FB1]  }
0x3d: {  	_ =	shalt  }
0x3e: {  	_ =	shalt  }
0x3f: {  	_ =	shalt  }
0x40: {  	_ =	shalt  }
0x41: {  	_ =	shalt  }
0x42: {  	_ =	shalt  }
0x43: {  	_ =	shalt  }
0x44: {  	_ =	shalt  }
0x45: {  	_ =	shalt  }
0x46: {  	_ =	shalt  }
0x47: {  	_ =	shalt  }
0x48: {  	_ =	shalt  }
0x49: {  	_ =	shalt  }
0x4a: {  	_ =	shalt  }
0x4b: {  	_ =	shalt  }
0x4c: {  	_ =	shalt  }
0x4d: {  	_ =	shalt  }
0x4e: {  	_ =	shalt  }
0x4f: {  	_ =	shalt  }
0x50: {  	_ =	shalt  }
0x51: {  	_ =	shalt  }
0x52: {  	_ =	shalt  }
0x53: {  	_ =	shalt  }
0x54: {  	_ =	shalt  }
0x55: {  	_ =	shalt  }
0x56: {  	_ =	shalt  }
0x57: {  	_ =	shalt  }
0x58: {  	_ =	shalt  }
0x59: {  	_ =	shalt  }
0x5a: {  	_ =	shalt  }
0x5b: {  	_ =	shalt  }
0x5c: {  	_ =	shalt  }
0x5d: {  	_ =	shalt  }
0x5e: {  	_ =	shalt  }
0x5f: {  	_ =	shalt  }
0x60: {  	_ =	shalt  }
0x61: {  	_ =	shalt  }
0x62: {  	_ =	shalt  }
0x63: {  	_ =	shalt  }
0x64: {  	_ =	shalt  }
0x65: {  	_ =	shalt  }
0x66: {  	_ =	shalt  }
0x67: {  	_ =	shalt  }
0x68: {  	_ =	shalt  }
0x69: {  	_ =	shalt  }
0x6a: {  	_ =	shalt  }
0x6b: {  	_ =	shalt  }
0x6c: {  	_ =	shalt  }
0x6d: {  	_ =	shalt  }
0x6e: {  	_ =	shalt  }
0x6f: {  	_ =	shalt  }
0x70: {  	_ =	shalt  }
0x71: {  	_ =	shalt  }
0x72: {  	_ =	shalt  }
0x73: {  	_ =	shalt  }
0x74: {  	_ =	shalt  }
0x75: {  	_ =	shalt  }
0x76: {  	_ =	shalt  }
0x77: {  	_ =	shalt  }
0x78: {  	_ =	shalt  }
0x79: {  	_ =	shalt  }
0x7a: {  	_ =	shalt  }
0x7b: {  	_ =	shalt  }
0x7c: {  	_ =	shalt  }
0x7d: {  	_ =	shalt  }
0x7e: {  	_ =	shalt  }
0x7f: {  	_ =	shalt  }
0x80: {  	_ =	shalt  }
0x81: {  	_ =	shalt  }
0x82: {  	_ =	shalt  }
0x83: {  	_ =	shalt  }
0x84: {  	_ =	shalt  }
0x85: {  	_ =	shalt  }
0x86: {  	_ =	shalt  }
0x87: {  	_ =	shalt  }
.Lfunc_end0:
.L_simem_size_0:
called_computation.4_lowered:
.L_overlay_start_0:
0x88: {  	s2 =	sld [smem:$0x3FD9]  }
0x89: {  	s3 =	sld [smem:$0x3FFE];
	_ =	sdelay $0x1  }
0x8a: {  	s1 =	srdreg.scid  }
0x8b: {  	s0 =	sand.u32 $0x1, s1  }
0x8c: {  	s17 =	sshll.u32 s0, $0xA;
	s2 =	sadd.s32 s3, s2  }
0x8d: {  	s2 =	sadd.s32 s2, s17  }
0x8e: {  	[smem:$0x3FBD] =	sst s2  }
0x8f: {  	_ = 	snop  }
0x90: {  	s2 =	sld [smem:$0x3FD0];
	(tm) =	ssettm $0x1  }
0x91: {  	s18 =	sld [smem:$0x3FFB];
	_ =	sdelay $0x3  }
0x92: {  	_ =	strace s18  }
0x93: {  	s3 =	sld [smem:$0x3FFC];
	_ =	sdelay $0x3  }
0x94: {  	_ =	strace s3  }
0x95: {  	s3 =	sld [smem:$0x3FFD];
	_ =	sdelay $0x3  }
0x96: {  	_ =	strace s3  }
0x97: {  	_ =	strace $0x8FFFFFFF  }
0x98: {  	s19 =	sld [smem:$0x3FDB];
	_ =	sdelay $0x1  }
0x99: {  	s4 =	simm.s32 $_scs_section_size  }
0x9a: {  	s5 =	simm.s32 $_size__tile_overlayer_lowered;
	s6 =	simm.s32 $_tile_overlayer_lowered  }
0x9b: {  	s22 =	simm.s32 $0x1BFF;
	s21 =	sshll.u32 s6, $0x1;
	s3 =	sadd.s32 s4, s19  }
0x9c: {  	s7 =	simm.s32 $0x0;
	s20 =	sshll.u32 s5, $0x1;
	s5 =	sadd.s32 s21, s3  }
0x9d: {  	[timem:s7], [sflag:s22] =	dma.local [hbm:s5], s20  }
0x9e: {  	_ =	swait.ge [sflag:s22], s20  }
0x9f: {  	s4 =	ssub.s32 $0x0, s20;
	[sflag:s22] =	ssyncset.done $0x0  }
0xa0: {  	[sflag:s22] =	ssyncadd.s32 s4;
	_ =	sdelay $0x1  }
0xa1: {  	s23 =	simm.s32 $0x1B8B  }
0xa2: {  	_ =	swait.ge [sflag:s23], $0x1  }
0xa3: {  	[sflag:s23] =	ssyncset.done $0x0  }
0xa4: {  	s25 =	simm.s32 $0x1B8E;
	s24 =	sld [smem:$0x3FFE];
	[sflag:s23] =	ssyncadd.s32 $0xFFFFFFFF  }
0xa5: {  	s26 =	simm.s32 $execute0_lowered;
	[smem:$0x3FD2] =	sst s25  }
0xa6: {  	s5 =	sshll.u32 s26, $0x1;
	_ =	strace $0x80000052;
	[dreg:$0x1] =	wrdreg $0xFFFFFFFF  }
0xa7: {  	s28 =	simm.s32 $_size_execute0_lowered;
	s3 =	sadd.s32 s3, s5;
	[dreg:$0x0] =	wrdreg $0x0  }
0xa8: {  	s5 =	sshll.u32 s28, $0x1;
	[dreg:$0x2] =	wrdreg s3  }
0xa9: {  	[dreg:$0x3] =	wrdreg s5  }
0xaa: {  	[dreg:$0x4] =	wrdreg $0xC0  }
0xab: {  	_ =	task [dreg:s7], $0x5FFFF  }
0xac: {  	[dreg:$0x1] =	wrdreg $0xFFFFFFFF  }
0xad: {  	[dreg:$0x0] =	wrdreg $0x60  }
0xae: {  	[dreg:$0x2] =	wrdreg s24  }
0xaf: {  	[dreg:$0x3] =	wrdreg s2  }
0xb0: {  	[dreg:$0x4] =	wrdreg $0x88000  }
0xb1: {  	[dreg:$0x5] =	wrdreg $0x9  }
0xb2: {  	_ =	task.clear_ibuf [dreg:s7], $0x6FFFF;
	_ =	strace $0x90000052  }
0xb3: {  	s29 =	simm.s32 $0x9;
	_ =	strace $0x80000054  }
0xb4: {  	_ =	swait.ge [sflag:s29], $0x1  }
0xb5: {  	[sflag:s29] =	ssyncadd.s32 $0xFFFFFFFF  }
0xb6: {  	_ =	strace $0x90000054  }
0xb7: {  	_ =	sfence  }
0xb8: {  	s30 =	sld [smem:$0x0];
	_ =	sdelay $0x2  }
0xb9: {  	s31 =	sshll.u32 s1, $0xD;
	s1 =	sshrl.u32 s1, $0x2  }
0xba: {  	s3 =	sand.u32 $0x4000, s31;
	s1 =	sadd.s32 s1, s30  }
0xbb: {  	s0 =	sor.u32 s3, s0;
	s1 =	sshll.u32 s1, $0x11  }
0xbc: {  	s0 =	sor.u32 s1, s0  }
0xbd: {  	s0 =	sadd.s32 $0x8F2B, s0  }
0xbe: {  	[sflag:s0] =	ssyncadd.remote.s32 $0x1  }
0xbf: {  	_ =	sfence.sel $0xFFFF  }
0xc0: {  	[dreg:$0x0] =	wrdreg $0xFFFFFFFF;
	(pc) =	sbr.abs _section_cstart, $3  }
0xc1: {  	[dreg:$0x1] =	wrdreg $0xFFFFFFFF  }
0xc2: {  	_ =	task.clear_ibuf [dreg:s7], $0x2FFFF;
	_ =	strace $0x9FFFFFFF  }
0xc3: {  	(tm) =	ssettm $0x7FFFFFFF  }
tec
execute0_lowered:
.L_overlay_start_1:
0x0: {  	(tag) =	ssettag $0x1  }
0x1: {  	s0 =	rddreg [dreg:$0x0]  }
0x2: {  	s2 =	rddreg [dreg:$0x2]  }
0x3: {  	s1 =	srdreg.scid;
	s4 =	simm.s32 $0x0;
	s9 =	stileid.u32  }
0x4: {  	s12 =	simm.s32 $0x3;
	s13 =	simm.s32 $0x400;
	s14 =	simm.s32 $0x80  }
0x5: {  	s15 =	simm.s32 $0x800;
	s16 =	simm.s32 $0x4800;
	s17 =	simm.s32 $0x1  }
0x6: {  	s18 =	simm.s32 $0x2;
	s19 =	simm.s32 $0x480;
	s20 =	simm.s32 $0x100  }
0x7: {  	s21 =	simm.s32 $0x180;
	s22 =	simm.s32 $0x500;
	s28 =	simm.s32 $0x680  }
0x8: {  	s29 =	simm.s32 $0x300;
	s30 =	simm.s32 $0x380;
	s6 =	smul.u32 $0x13C00, s9  }
0x9: {  	s31 =	simm.s32 $0x700;
	s1 =	sand.u32 $0x1, s1;
	s7 =	smul.u32 $0xA00, s9  }
0xa: {  	[smem:$0x7FF] =	sst s4;
	s5 =	sadd.s32 $0x2AC00, s0;
	s8 =	smul.u32 $0x4F000, s9  }
0xb: {  	s9 =	sshll.u32 s9, $0x6;
	s3 =	smul.u32 $0x13C000, s1;
	_ =	strace $0x80000053  }
0xc: {  	s23 =	ssub.s32 $0x2, s1;
	s1 =	smul.u32 $0x500, s1;
	s7 =	sadd.s32 s7, s0  }
0xd: {  	s24 =	sshrl.u32 s23, $0x1;
	s8 =	sshrl.u32 s8, $0x2;
	s3 =	sadd.s32 s6, s3  }
0xe: {  	s8 =	sadd.s32 s8, s2;
	s6 =	sor.u32 $0x1C03, s9;
	s26 =	sadd.s32 s1, s7  }
0xf: {  	s3 =	sshrl.u32 s3, $0x3;
	s9 =	sadd.s32 $0x16C00, s26;
	s10 =	sadd.s32 $0x20C00, s26  }
0x10: {  	s7 =	sshrl.u32 s8, $0x3;
	s26 =	simm.s32 $0x600;
	[dreg:$0x4] =	wrdreg s6  }
0x11: {  	s0 =	sadd.s32 s3, s0;
	s3 =	ssub.s32 s23, s24;
	s23 =	simm.s32 $0x580  }
0x12: {  	s24 =	simm.s32 $0x200;
	[dreg:$0x7] =	wrdreg s7;
	s0 =	sadd.s32 $0x51E00, s0  }
0x13: {  	s25 =	smax.u32 s3, $0x1;
	s3 =	simm.s32 $0x0;
	[dreg:$0x5] =	wrdreg s0  }
0x14: {  	[dreg:$0x6] =	wrdreg s25;
	s25 =	simm.s32 $0x280;
	s0 =	simm.s32 $0x780  }
.LBB2_1:
0x15: {  	s1 =	rddreg [dreg:$0x1]  }
0x16: {  	[spmem:s7], [sflag:s6] =	dma.local [hbm:s1], $0x2780  }
0x17: {  	_ =	swait.ge [sflag:s12], $0x2780  }
0x18: {  	[sflag:s12] =	ssyncset.done $0x0  }
0x19: {  	[sflag:s12] =	ssyncadd.s32 $0xFFFFD880  }
0x1a: {  	s8 =	sadd.s32 $0x0, s10;
	[bflag:$0x0] =	sbarrier.arrive $0xFFFF  }
0x1b: {  	[tilespmem:s4], [sflag:$0x3] =	stream.linear.gather [hbm4b:s8+s4], $0x400, $0x38;
	[tilespmem:$0x1C400] =	vst v63  }
0x1c: {  	_ =	swait.ge [sflag:s12], $0x400  }
0x1d: {  	[sflag:s12] =	ssyncset.done $0x0  }
0x1e: {  	s11 =	sadd.s32 $0x0, s9;
	[sflag:s12] =	ssyncadd.s32 $0xFFFFFC00  }
0x1f: {  	[tilespmem:s13], [sflag:$0x3] =	stream.linear.gather [hbm4b:s11+s4], $0x400, $0x38;
	[tilespmem:$0x1C400] =	vst v63  }
0x20: {  	_ =	swait.ge [sflag:s12], $0x400  }
0x21: {  	[sflag:s12] =	ssyncset.done $0x0  }
0x22: {  	[sflag:s12] =	ssyncadd.s32 $0xFFFFFC00  }
0x23: {  	[tilespmem:s15], [sflag:$0x1] =	stream.indirect.gather [hbm4b:s5+s14], $0x80, s4, s14, $0xb8;
	[tilespmem:$0x1C400] =	vst v63  }
0x24: {  	_ = 	snop  }
0x25: {  	[tilespmem:s16], [sflag:$0x1] =	stream.indirect.gather [hbm4b:s5+s14], $0x80, s14, s14, $0xb8;
	[tilespmem:$0x1C400] =	vst v63  }
0x26: {  	_ =	swait.ge [sflag:s17], $0x4000  }
0x27: {  	[sflag:s17] =	ssyncset.done $0x0  }
0x28: {  	[sflag:s17] =	ssyncadd.s32 $0xFFFFC000  }
0x29: {  	[spmem:s2] =	stream.indirect.scatter.add.f32 [tilespmem:s15], [sflag:$0x2], $0x80, s13, s14, $0xb8;
	[tilespmem:$0x1C400] =	vst v63  }
0x2a: {  	_ =	swait.ge [sflag:s17], $0x4000  }
0x2b: {  	[sflag:s17] =	ssyncset.done $0x0  }
0x2c: {  	[sflag:s17] =	ssyncadd.s32 $0xFFFFC000  }
0x2d: {  	_ =	swait.ge [sflag:s18], $0x4000  }
0x2e: {  	[sflag:s18] =	ssyncset.done $0x0  }
0x2f: {  	[sflag:s18] =	ssyncadd.s32 $0xFFFFC000  }
0x30: {  	[spmem:s2] =	stream.indirect.scatter.add.f32 [tilespmem:s16], [sflag:$0x2], $0x80, s19, s14, $0xb8;
	[tilespmem:$0x1C400] =	vst v63  }
0x31: {  	_ =	swait.ge [sflag:s18], $0x4000  }
0x32: {  	[sflag:s18] =	ssyncset.done $0x0  }
0x33: {  	[sflag:s18] =	ssyncadd.s32 $0xFFFFC000  }
0x34: {  	[tilespmem:s15], [sflag:$0x1] =	stream.indirect.gather [hbm4b:s5+s14], $0x80, s20, s14, $0xb8;
	[tilespmem:$0x1C400] =	vst v63  }
0x35: {  	_ = 	snop  }
0x36: {  	[tilespmem:s16], [sflag:$0x1] =	stream.indirect.gather [hbm4b:s5+s14], $0x80, s21, s14, $0xb8;
	[tilespmem:$0x1C400] =	vst v63  }
0x37: {  	_ =	swait.ge [sflag:s17], $0x4000  }
0x38: {  	[sflag:s17] =	ssyncset.done $0x0  }
0x39: {  	[sflag:s17] =	ssyncadd.s32 $0xFFFFC000  }
0x3a: {  	[spmem:s2] =	stream.indirect.scatter.add.f32 [tilespmem:s15], [sflag:$0x2], $0x80, s22, s14, $0xb8;
	[tilespmem:$0x1C400] =	vst v63  }
0x3b: {  	_ =	swait.ge [sflag:s17], $0x4000  }
0x3c: {  	[sflag:s17] =	ssyncset.done $0x0  }
0x3d: {  	[sflag:s17] =	ssyncadd.s32 $0xFFFFC000  }
0x3e: {  	_ =	swait.ge [sflag:s18], $0x4000  }
0x3f: {  	[sflag:s18] =	ssyncset.done $0x0  }
0x40: {  	[sflag:s18] =	ssyncadd.s32 $0xFFFFC000  }
0x41: {  	[spmem:s2] =	stream.indirect.scatter.add.f32 [tilespmem:s16], [sflag:$0x2], $0x80, s23, s14, $0xb8;
	[tilespmem:$0x1C400] =	vst v63  }
0x42: {  	_ =	swait.ge [sflag:s18], $0x4000  }
0x43: {  	[sflag:s18] =	ssyncset.done $0x0  }
0x44: {  	[sflag:s18] =	ssyncadd.s32 $0xFFFFC000  }
0x45: {  	[tilespmem:s15], [sflag:$0x1] =	stream.indirect.gather [hbm4b:s5+s14], $0x80, s24, s14, $0xb8;
	[tilespmem:$0x1C400] =	vst v63  }
0x46: {  	_ = 	snop  }
0x47: {  	[tilespmem:s16], [sflag:$0x1] =	stream.indirect.gather [hbm4b:s5+s14], $0x80, s25, s14, $0xb8;
	[tilespmem:$0x1C400] =	vst v63  }
0x48: {  	_ =	swait.ge [sflag:s17], $0x4000  }
0x49: {  	[sflag:s17] =	ssyncset.done $0x0  }
0x4a: {  	[sflag:s17] =	ssyncadd.s32 $0xFFFFC000  }
0x4b: {  	[spmem:s2] =	stream.indirect.scatter.add.f32 [tilespmem:s15], [sflag:$0x2], $0x80, s26, s14, $0xb8;
	[tilespmem:$0x1C400] =	vst v63  }
0x4c: {  	_ =	swait.ge [sflag:s17], $0x4000  }
0x4d: {  	[sflag:s17] =	ssyncset.done $0x0  }
0x4e: {  	[sflag:s17] =	ssyncadd.s32 $0xFFFFC000  }
0x4f: {  	_ =	swait.ge [sflag:s18], $0x4000  }
0x50: {  	[sflag:s18] =	ssyncset.done $0x0  }
0x51: {  	[sflag:s18] =	ssyncadd.s32 $0xFFFFC000  }
0x52: {  	[spmem:s2] =	stream.indirect.scatter.add.f32 [tilespmem:s16], [sflag:$0x2], $0x80, s28, s14, $0xb8;
	[tilespmem:$0x1C400] =	vst v63  }
0x53: {  	_ =	swait.ge [sflag:s18], $0x4000  }
0x54: {  	[sflag:s18] =	ssyncset.done $0x0  }
0x55: {  	[sflag:s18] =	ssyncadd.s32 $0xFFFFC000  }
0x56: {  	[tilespmem:s15], [sflag:$0x1] =	stream.indirect.gather [hbm4b:s5+s14], $0x80, s29, s14, $0xb8;
	[tilespmem:$0x1C400] =	vst v63  }
0x57: {  	_ = 	snop  }
0x58: {  	[tilespmem:s16], [sflag:$0x1] =	stream.indirect.gather [hbm4b:s5+s14], $0x80, s30, s14, $0xb8;
	[tilespmem:$0x1C400] =	vst v63  }
0x59: {  	_ =	swait.ge [sflag:s17], $0x4000  }
0x5a: {  	[sflag:s17] =	ssyncset.done $0x0  }
0x5b: {  	[sflag:s17] =	ssyncadd.s32 $0xFFFFC000  }
0x5c: {  	[spmem:s2] =	stream.indirect.scatter.add.f32 [tilespmem:s15], [sflag:$0x2], $0x80, s31, s14, $0xb8;
	[tilespmem:$0x1C400] =	vst v63  }
0x5d: {  	_ =	swait.ge [sflag:s17], $0x4000  }
0x5e: {  	[sflag:s17] =	ssyncset.done $0x0  }
0x5f: {  	[sflag:s17] =	ssyncadd.s32 $0xFFFFC000  }
0x60: {  	_ =	swait.ge [sflag:s18], $0x4000  }
0x61: {  	[sflag:s18] =	ssyncset.done $0x0  }
0x62: {  	[sflag:s18] =	ssyncadd.s32 $0xFFFFC000  }
0x63: {  	[spmem:s2] =	stream.indirect.scatter.add.f32 [tilespmem:s16], [sflag:$0x2], $0x80, s0, s14, $0xb8;
	[tilespmem:$0x1C400] =	vst v63  }
0x64: {  	_ =	swait.ge [sflag:s18], $0x4000  }
0x65: {  	s1 =	simm.s32 $0x80;
	s7 =	simm.s32 $0x100;
	[sflag:s18] =	ssyncset.done $0x0  }
.LBB2_2:
0x66: {  	s6 =	sadd.s32 s1, s10  }
0x67: {  	[sflag:s18] =	ssyncadd.s32 $0xFFFFC000;
	s11 =	smov.u32 s7;
	s8 =	sadd.s32 $0x80, s7  }
0x68: {  	[tilespmem:s4], [sflag:$0x3] =	stream.linear.gather [hbm4b:s6+s4], $0x400, $0x38;
	[tilespmem:$0x1C400] =	vst v63  }
0x69: {  	p0 =	sne.s32 s7, $0x480;
	_ =	swait.ge [sflag:s12], $0x400  }
0x6a: {  	[sflag:s12] =	ssyncset.done $0x0  }
0x6b: {  	s6 =	sadd.s32 s1, s9;
	s1 =	smov.u32 s11;
	[sflag:s12] =	ssyncadd.s32 $0xFFFFFC00  }
0x6c: {  	[tilespmem:s13], [sflag:$0x3] =	stream.linear.gather [hbm4b:s6+s4], $0x400, $0x38;
	[tilespmem:$0x1C400] =	vst v63  }
0x6d: {  	_ =	swait.ge [sflag:s12], $0x400  }
0x6e: {  	[sflag:s12] =	ssyncset.done $0x0  }
0x6f: {  	[sflag:s12] =	ssyncadd.s32 $0xFFFFFC00  }
0x70: {  	[tilespmem:s15], [sflag:$0x1] =	stream.indirect.gather [hbm4b:s5+s14], $0x80, s4, s14, $0xb8;
	[tilespmem:$0x1C400] =	vst v63  }
0x71: {  	_ = 	snop  }
0x72: {  	[tilespmem:s16], [sflag:$0x1] =	stream.indirect.gather [hbm4b:s5+s14], $0x80, s14, s14, $0xb8;
	[tilespmem:$0x1C400] =	vst v63  }
0x73: {  	_ =	swait.ge [sflag:s17], $0x4000  }
0x74: {  	[sflag:s17] =	ssyncset.done $0x0  }
0x75: {  	[sflag:s17] =	ssyncadd.s32 $0xFFFFC000  }
0x76: {  	[spmem:s2] =	stream.indirect.scatter.add.f32 [tilespmem:s15], [sflag:$0x2], $0x80, s13, s14, $0xb8;
	[tilespmem:$0x1C400] =	vst v63  }
0x77: {  	_ =	swait.ge [sflag:s17], $0x4000  }
0x78: {  	[sflag:s17] =	ssyncset.done $0x0  }
0x79: {  	[sflag:s17] =	ssyncadd.s32 $0xFFFFC000  }
0x7a: {  	_ =	swait.ge [sflag:s18], $0x4000  }
0x7b: {  	[sflag:s18] =	ssyncset.done $0x0  }
0x7c: {  	[sflag:s18] =	ssyncadd.s32 $0xFFFFC000  }
0x7d: {  	[spmem:s2] =	stream.indirect.scatter.add.f32 [tilespmem:s16], [sflag:$0x2], $0x80, s19, s14, $0xb8;
	[tilespmem:$0x1C400] =	vst v63  }
0x7e: {  	_ =	swait.ge [sflag:s18], $0x4000  }
0x7f: {  	[sflag:s18] =	ssyncset.done $0x0  }
0x80: {  	[sflag:s18] =	ssyncadd.s32 $0xFFFFC000  }
0x81: {  	[tilespmem:s15], [sflag:$0x1] =	stream.indirect.gather [hbm4b:s5+s14], $0x80, s20, s14, $0xb8;
	[tilespmem:$0x1C400] =	vst v63  }
0x82: {  	_ = 	snop  }
0x83: {  	[tilespmem:s16], [sflag:$0x1] =	stream.indirect.gather [hbm4b:s5+s14], $0x80, s21, s14, $0xb8;
	[tilespmem:$0x1C400] =	vst v63  }
0x84: {  	_ =	swait.ge [sflag:s17], $0x4000  }
0x85: {  	[sflag:s17] =	ssyncset.done $0x0  }
0x86: {  	[sflag:s17] =	ssyncadd.s32 $0xFFFFC000  }
0x87: {  	[spmem:s2] =	stream.indirect.scatter.add.f32 [tilespmem:s15], [sflag:$0x2], $0x80, s22, s14, $0xb8;
	[tilespmem:$0x1C400] =	vst v63  }
0x88: {  	_ =	swait.ge [sflag:s17], $0x4000  }
0x89: {  	[sflag:s17] =	ssyncset.done $0x0  }
0x8a: {  	[sflag:s17] =	ssyncadd.s32 $0xFFFFC000  }
0x8b: {  	_ =	swait.ge [sflag:s18], $0x4000  }
0x8c: {  	[sflag:s18] =	ssyncset.done $0x0  }
0x8d: {  	[sflag:s18] =	ssyncadd.s32 $0xFFFFC000  }
0x8e: {  	[spmem:s2] =	stream.indirect.scatter.add.f32 [tilespmem:s16], [sflag:$0x2], $0x80, s23, s14, $0xb8;
	[tilespmem:$0x1C400] =	vst v63  }
0x8f: {  	_ =	swait.ge [sflag:s18], $0x4000  }
0x90: {  	[sflag:s18] =	ssyncset.done $0x0  }
0x91: {  	[sflag:s18] =	ssyncadd.s32 $0xFFFFC000  }
0x92: {  	[tilespmem:s15], [sflag:$0x1] =	stream.indirect.gather [hbm4b:s5+s14], $0x80, s24, s14, $0xb8;
	[tilespmem:$0x1C400] =	vst v63  }
0x93: {  	_ = 	snop  }
0x94: {  	[tilespmem:s16], [sflag:$0x1] =	stream.indirect.gather [hbm4b:s5+s14], $0x80, s25, s14, $0xb8;
	[tilespmem:$0x1C400] =	vst v63  }
0x95: {  	_ =	swait.ge [sflag:s17], $0x4000  }
0x96: {  	[sflag:s17] =	ssyncset.done $0x0  }
0x97: {  	[sflag:s17] =	ssyncadd.s32 $0xFFFFC000  }
0x98: {  	[spmem:s2] =	stream.indirect.scatter.add.f32 [tilespmem:s15], [sflag:$0x2], $0x80, s26, s14, $0xb8;
	[tilespmem:$0x1C400] =	vst v63  }
0x99: {  	_ =	swait.ge [sflag:s17], $0x4000  }
0x9a: {  	[sflag:s17] =	ssyncset.done $0x0  }
0x9b: {  	[sflag:s17] =	ssyncadd.s32 $0xFFFFC000  }
0x9c: {  	_ =	swait.ge [sflag:s18], $0x4000  }
0x9d: {  	[sflag:s18] =	ssyncset.done $0x0  }
0x9e: {  	[sflag:s18] =	ssyncadd.s32 $0xFFFFC000  }
0x9f: {  	[spmem:s2] =	stream.indirect.scatter.add.f32 [tilespmem:s16], [sflag:$0x2], $0x80, s28, s14, $0xb8;
	[tilespmem:$0x1C400] =	vst v63  }
0xa0: {  	_ =	swait.ge [sflag:s18], $0x4000  }
0xa1: {  	[sflag:s18] =	ssyncset.done $0x0  }
0xa2: {  	[sflag:s18] =	ssyncadd.s32 $0xFFFFC000  }
0xa3: {  	[tilespmem:s15], [sflag:$0x1] =	stream.indirect.gather [hbm4b:s5+s14], $0x80, s29, s14, $0xb8;
	[tilespmem:$0x1C400] =	vst v63  }
0xa4: {  	_ = 	snop  }
0xa5: {  	[tilespmem:s16], [sflag:$0x1] =	stream.indirect.gather [hbm4b:s5+s14], $0x80, s30, s14, $0xb8;
	[tilespmem:$0x1C400] =	vst v63  }
0xa6: {  	_ =	swait.ge [sflag:s17], $0x4000  }
0xa7: {  	[sflag:s17] =	ssyncset.done $0x0  }
0xa8: {  	[sflag:s17] =	ssyncadd.s32 $0xFFFFC000  }
0xa9: {  	[spmem:s2] =	stream.indirect.scatter.add.f32 [tilespmem:s15], [sflag:$0x2], $0x80, s31, s14, $0xb8;
	[tilespmem:$0x1C400] =	vst v63  }
0xaa: {  	_ =	swait.ge [sflag:s17], $0x4000  }
0xab: {  	[sflag:s17] =	ssyncset.done $0x0  }
0xac: {  	[sflag:s17] =	ssyncadd.s32 $0xFFFFC000  }
0xad: {  	_ =	swait.ge [sflag:s18], $0x4000  }
.Ltmp0:
0xae: {  	[sflag:s18] =	ssyncset.done $0x0;
	(pc) =	sbr.rel @p0 .LBB2_2-.Ltmp0, $4  }
0xaf: {  	[sflag:s18] =	ssyncadd.s32 $0xFFFFC000  }
0xb0: {  	[spmem:s2] =	stream.indirect.scatter.add.f32 [tilespmem:s16], [sflag:$0x2], $0x80, s0, s14, $0xb8;
	[tilespmem:$0x1C400] =	vst v63  }
0xb1: {  	_ =	swait.ge [sflag:s18], $0x4000  }
0xb2: {  	s7 =	smov.u32 s8;
	[sflag:s18] =	ssyncset.done $0x0  }
0xb3: {  	s6 =	sadd.s32 s1, s10;
	[sflag:s18] =	ssyncadd.s32 $0xFFFFC000  }
0xb4: {  	[tilespmem:s4], [sflag:$0x3] =	stream.linear.gather [hbm4b:s6+s4], $0x400, $0x38;
	[tilespmem:$0x1C400] =	vst v63  }
0xb5: {  	_ =	swait.ge [sflag:s12], $0x400  }
0xb6: {  	[sflag:s12] =	ssyncset.done $0x0  }
0xb7: {  	s7 =	sadd.s32 s1, s9;
	[sflag:s12] =	ssyncadd.s32 $0xFFFFFC00  }
0xb8: {  	[tilespmem:s13], [sflag:$0x3] =	stream.linear.gather [hbm4b:s7+s4], $0x400, $0x38;
	[tilespmem:$0x1C400] =	vst v63  }
0xb9: {  	_ =	swait.ge [sflag:s12], $0x400  }
0xba: {  	[sflag:s12] =	ssyncset.done $0x0  }
0xbb: {  	[sflag:s12] =	ssyncadd.s32 $0xFFFFFC00  }
0xbc: {  	[tilespmem:s15], [sflag:$0x1] =	stream.indirect.gather [hbm4b:s5+s14], $0x80, s4, s14, $0xb8;
	[tilespmem:$0x1C400] =	vst v63  }
0xbd: {  	_ = 	snop  }
0xbe: {  	[tilespmem:s16], [sflag:$0x1] =	stream.indirect.gather [hbm4b:s5+s14], $0x80, s14, s14, $0xb8;
	[tilespmem:$0x1C400] =	vst v63  }
0xbf: {  	_ =	swait.ge [sflag:s17], $0x4000  }
0xc0: {  	[sflag:s17] =	ssyncset.done $0x0  }
0xc1: {  	[sflag:s17] =	ssyncadd.s32 $0xFFFFC000  }
0xc2: {  	[spmem:s2] =	stream.indirect.scatter.add.f32 [tilespmem:s15], [sflag:$0x2], $0x80, s13, s14, $0xb8;
	[tilespmem:$0x1C400] =	vst v63  }
0xc3: {  	_ =	swait.ge [sflag:s17], $0x4000  }
0xc4: {  	[sflag:s17] =	ssyncset.done $0x0  }
0xc5: {  	[sflag:s17] =	ssyncadd.s32 $0xFFFFC000  }
0xc6: {  	_ =	swait.ge [sflag:s18], $0x4000  }
0xc7: {  	[sflag:s18] =	ssyncset.done $0x0  }
0xc8: {  	[sflag:s18] =	ssyncadd.s32 $0xFFFFC000  }
0xc9: {  	[spmem:s2] =	stream.indirect.scatter.add.f32 [tilespmem:s16], [sflag:$0x2], $0x80, s19, s14, $0xb8;
	[tilespmem:$0x1C400] =	vst v63  }
0xca: {  	_ =	swait.ge [sflag:s18], $0x4000  }
0xcb: {  	[sflag:s18] =	ssyncset.done $0x0  }
0xcc: {  	[sflag:s18] =	ssyncadd.s32 $0xFFFFC000  }
0xcd: {  	[tilespmem:s15], [sflag:$0x1] =	stream.indirect.gather [hbm4b:s5+s14], $0x80, s20, s14, $0xb8;
	[tilespmem:$0x1C400] =	vst v63  }
0xce: {  	_ = 	snop  }
0xcf: {  	[tilespmem:s16], [sflag:$0x1] =	stream.indirect.gather [hbm4b:s5+s14], $0x80, s21, s14, $0xb8;
	[tilespmem:$0x1C400] =	vst v63  }
0xd0: {  	_ =	swait.ge [sflag:s17], $0x4000  }
0xd1: {  	[sflag:s17] =	ssyncset.done $0x0  }
0xd2: {  	[sflag:s17] =	ssyncadd.s32 $0xFFFFC000  }
0xd3: {  	[spmem:s2] =	stream.indirect.scatter.add.f32 [tilespmem:s15], [sflag:$0x2], $0x80, s22, s14, $0xb8;
	[tilespmem:$0x1C400] =	vst v63  }
0xd4: {  	_ =	swait.ge [sflag:s17], $0x4000  }
0xd5: {  	[sflag:s17] =	ssyncset.done $0x0  }
0xd6: {  	[sflag:s17] =	ssyncadd.s32 $0xFFFFC000  }
0xd7: {  	_ =	swait.ge [sflag:s18], $0x4000  }
0xd8: {  	[sflag:s18] =	ssyncset.done $0x0  }
0xd9: {  	[sflag:s18] =	ssyncadd.s32 $0xFFFFC000  }
0xda: {  	[spmem:s2] =	stream.indirect.scatter.add.f32 [tilespmem:s16], [sflag:$0x2], $0x80, s23, s14, $0xb8;
	[tilespmem:$0x1C400] =	vst v63  }
0xdb: {  	_ =	swait.ge [sflag:s18], $0x4000  }
0xdc: {  	[sflag:s18] =	ssyncset.done $0x0  }
0xdd: {  	[sflag:s18] =	ssyncadd.s32 $0xFFFFC000  }
0xde: {  	[tilespmem:s15], [sflag:$0x1] =	stream.indirect.gather [hbm4b:s5+s14], $0x80, s24, s14, $0xb8;
	[tilespmem:$0x1C400] =	vst v63  }
0xdf: {  	_ = 	snop  }
0xe0: {  	[tilespmem:s16], [sflag:$0x1] =	stream.indirect.gather [hbm4b:s5+s14], $0x80, s25, s14, $0xb8;
	[tilespmem:$0x1C400] =	vst v63  }
0xe1: {  	_ =	swait.ge [sflag:s17], $0x4000  }
0xe2: {  	[sflag:s17] =	ssyncset.done $0x0  }
0xe3: {  	[sflag:s17] =	ssyncadd.s32 $0xFFFFC000  }
0xe4: {  	[spmem:s2] =	stream.indirect.scatter.add.f32 [tilespmem:s15], [sflag:$0x2], $0x80, s26, s14, $0xb8;
	[tilespmem:$0x1C400] =	vst v63  }
0xe5: {  	_ =	swait.ge [sflag:s17], $0x4000  }
0xe6: {  	[sflag:s17] =	ssyncset.done $0x0  }
0xe7: {  	[sflag:s17] =	ssyncadd.s32 $0xFFFFC000  }
0xe8: {  	_ =	swait.ge [sflag:s18], $0x4000  }
0xe9: {  	[sflag:s18] =	ssyncset.done $0x0  }
0xea: {  	[sflag:s18] =	ssyncadd.s32 $0xFFFFC000  }
0xeb: {  	[spmem:s2] =	stream.indirect.scatter.add.f32 [tilespmem:s16], [sflag:$0x2], $0x80, s28, s14, $0xb8;
	[tilespmem:$0x1C400] =	vst v63  }
0xec: {  	_ =	swait.ge [sflag:s18], $0x4000  }
0xed: {  	[sflag:s18] =	ssyncset.done $0x0  }
0xee: {  	[sflag:s18] =	ssyncadd.s32 $0xFFFFC000  }
0xef: {  	[tilespmem:s15], [sflag:$0x1] =	stream.indirect.gather [hbm4b:s5+s14], $0x80, s29, s14, $0xb8;
	[tilespmem:$0x1C400] =	vst v63  }
0xf0: {  	_ = 	snop  }
0xf1: {  	[tilespmem:s16], [sflag:$0x1] =	stream.indirect.gather [hbm4b:s5+s14], $0x80, s30, s14, $0xb8;
	[tilespmem:$0x1C400] =	vst v63  }
0xf2: {  	_ =	swait.ge [sflag:s17], $0x4000  }
0xf3: {  	[sflag:s17] =	ssyncset.done $0x0  }
0xf4: {  	[sflag:s17] =	ssyncadd.s32 $0xFFFFC000  }
0xf5: {  	[spmem:s2] =	stream.indirect.scatter.add.f32 [tilespmem:s15], [sflag:$0x2], $0x80, s31, s14, $0xb8;
	[tilespmem:$0x1C400] =	vst v63  }
0xf6: {  	_ =	swait.ge [sflag:s17], $0x4000  }
0xf7: {  	[sflag:s17] =	ssyncset.done $0x0  }
0xf8: {  	[sflag:s17] =	ssyncadd.s32 $0xFFFFC000  }
0xf9: {  	_ =	swait.ge [sflag:s18], $0x4000  }
0xfa: {  	[sflag:s18] =	ssyncset.done $0x0  }
0xfb: {  	[sflag:s18] =	ssyncadd.s32 $0xFFFFC000  }
0xfc: {  	[spmem:s2] =	stream.indirect.scatter.add.f32 [tilespmem:s16], [sflag:$0x2], $0x80, s0, s14, $0xb8;
	[tilespmem:$0x1C400] =	vst v63  }
0xfd: {  	_ =	swait.ge [sflag:s18], $0x4000  }
0xfe: {  	[sflag:s18] =	ssyncset.done $0x0  }
0xff: {  	[sflag:s18] =	ssyncadd.s32 $0xFFFFC000  }
0x100: {  	[bflag:$0x0] =	sbarrier.arrive $0xFFFF  }
0x101: {  	s6 =	rddreg [dreg:$0x4]  }
0x102: {  	s8 =	rddreg [dreg:$0x5]  }
0x103: {  	s7 =	rddreg [dreg:$0x7]  }
0x104: {  	[hbm:s8], [sflag:s6] =	dma.local [spmem:s7], $0x2780  }
0x105: {  	_ =	swait.ge [sflag:s12], $0x2780  }
0x106: {  	s3 =	sadd.s32 $0x1, s3;
	s11 =	rddreg [dreg:$0x6]  }
0x107: {  	p0 =	sne.s32 s3, s11  }
.Ltmp1:
0x108: {  	_ = 	snop;
	(pc) =	sbr.rel @p0 .LBB2_1-.Ltmp1, $3  }
0x109: {  	_ =	sdelay $0x1  }
0x10a: {  	[sflag:s12] =	ssyncset.done $0x0  }
0x10b: {  	[sflag:s12] =	ssyncadd.s32 $0xFFFFD880  }
0x10c: {  	_ =	sfence.sel $0x180000  }
0x10d: {  	[bflag:$0x0] =	sbarrier.arrive $0xFFFF  }
0x10e: {  	_ =	strace $0x90000053  }
0x10f: {  	s0 =	stileid.u32;
	[bflag:$0x2] =	sbarrier.arrive $0xFFFF  }
0x110: {  	p0 =	sne.s32 s0, $0x0;
	s0 =	rddreg [dreg:$0x3]  }
0x111: {  	s0 =	sadd.s32 @!p0 $0x100000, s0  }
0x112: {  	[sflag:s0] =	ssyncadd.tile.s32 @!p0 $0x1;
	_ =	shalt  }
.Lfunc_end2:
_tile_overlayer_lowered:
.L_overlay_start_2:
0x113: {  	(tag) =	ssettag $0x2  }
0x114: {  	s0 =	rddreg [dreg:$0x0];
	s2 =	stileid.u32  }
0x115: {  	s1 =	rddreg [dreg:$0x1];
	p0 =	sne.s32 s2, $0x0  }
0x116: {  	s3 =	rddreg [dreg:$0x2];
	[bflag:$0x3] =	sbarrier.arrive $0xFFFF;
	s2 =	simm.s32 @!p0 $0x1C03  }
0x117: {  	[timem:s3], [sflag:s2] =	dma.local @!p0 [hbm:s0], s1  }
0x118: {  	s0 =	simm.s32 @!p0 $0x3  }
0x119: {  	_ =	swait.ge @!p0 [sflag:s0], s1  }
0x11a: {  	s1 =	ssub.s32 @!p0 $0x0, s1;
	[sflag:s0] =	ssyncset.done @!p0 $0x0  }
0x11b: {  	[sflag:s0] =	ssyncadd.s32 @!p0 s1  }
0x11c: {  	[bflag:$0x3] =	sbarrier.arrive $0xFFFF  }
0x11d: {  	_ =	shalt  }

// kernel: kernel.19.cloned.1.call-start
scs
__scs_entry_jumppad:
0x0: {  	(pc) =	sbr.rel $0x88, $3  }
0x1: {  	(tag) =	ssettag $0x0;
	lr =	simm.s32 $0x1  }
0x2: {  	[smem:$0x3F96] =	sst lr;
	_ =	strace $0xD0000000  }
0x3: {  	_ = 	snop  }
0x4: {  	_ = 	snop  }
0x5: {  	_ = 	snop  }
0x6: {  	_ = 	snop  }
0x7: {  	_ = 	snop  }
__scs_overlays_trampoline_lowered:
0x8: {  	[smem:$0x3FA5] =	sst s0  }
0x9: {  	[smem:$0x3FA6] =	sst s1  }
0xa: {  	[smem:$0x3FA7] =	sst s2  }
0xb: {  	[smem:$0x3FA8] =	sst s3  }
0xc: {  	[smem:$0x3FA9] =	sst s4  }
0xd: {  	[smem:$0x3FAA] =	sst s5  }
0xe: {  	[smem:$0x3FAB] =	sst s6  }
0xf: {  	[smem:$0x3FAC] =	sst s7  }
0x10: {  	[smem:$0x3FAD] =	sst s8  }
0x11: {  	[smem:$0x3FAE] =	sst s9;
	s0 =	simm.s32 @!p0 $0x0  }
0x12: {  	s1 =	sld [smem:$0x3F94];
	s0 =	simm.s32 @p0 $0x1  }
0x13: {  	[smem:$0x3FAF] =	sst s0;
	s0 =	simm.s32 @!p1 $0x0  }
0x14: {  	s2 =	sld [smem:$0x3F93];
	s0 =	simm.s32 @p1 $0x1  }
0x15: {  	[smem:$0x3FB0] =	sst s0;
	s0 =	simm.s32 @!p2 $0x0  }
0x16: {  	s3 =	sld [smem:$0x3FDB];
	s0 =	simm.s32 @p2 $0x1  }
0x17: {  	s4 =	simm.s32 $0x1BF5;
	[smem:$0x3FB2] =	sst s0  }
0x18: {  	s0 =	sld [smem:$0x3F95];
	_ =	swait.ge [sflag:s4], $0x0  }
0x19: {  	s7 =	sld [smem:$0x3F96]  }
0x1a: {  	s8 =	sadd.s32 $0xFFFFE003, lr  }
0x1b: {  	s9 =	sadd.s32 $0xFFFFFEF7, lr;
	s5 =	simm.s32 $0xFFFFFFFF;
	p2 =	slt.u32 s8, $0xFFFFF086  }
0x1c: {  	p1 =	slt.u32 s9, $0xF7A;
	s5 =	simm.s32 @!p2 $0x0  }
0x1d: {  	s5 =	simm.s32 @p1 $0x1;
	p0 =	seq.s32 s7, s2  }
0x1e: {  	s7 =	smul.u32 @!p0 $0xF7A, s2;
	p2 =	seq.s32 @!p0 s5, $0x0  }
0x1f: {  	s9 =	smul.u32 $0xF7A, s1;
	s8 =	simm.s32 @!p0 $0x1BF5;
	p2 =	por !p2, p0  }
0x20: {  	[sflag:s8] =	ssyncset.s32 @!p0 $0xFFFFF086;
	s6 =	sadd.s32 @!p0 s3, s7;
	s7 =	simm.s32 @!p0 $0x108  }
0x21: {  	s3 =	sadd.s32 s3, s9;
	s6 =	sadd.s32 @!p0 $0x88, s6;
	s7 =	simm.s32 @p2 $0x1082  }
0x22: {  	[simem:s7], [sflag:s8] =	dma.local @!p0 [hbm:s6], $0xF7A  }
0x23: {  	s9 =	sor.u32 $0xD0000000, s2;
	s6 =	simm.s32 $0x108;
	_ =	swait.ge @!p0 [sflag:s8], $0x0  }
0x24: {  	s3 =	sadd.s32 $0x88, s3;
	s6 =	simm.s32 @!p1 $0x1082;
	[sflag:s4] =	ssyncset.s32 $0xFFFFF086  }
0x25: {  	[simem:s6], [sflag:s4] =	dma.local [hbm:s3], $0xF7A  }
0x26: {  	[smem:$0x3F96] =	sst s1;
	(tag) =	ssettag s2;
	_ =	strace s9  }
0x27: {  	s1 =	sld [smem:$0x3FA6]  }
0x28: {  	s2 =	sld [smem:$0x3FA7]  }
0x29: {  	s4 =	sld [smem:$0x3FA9]  }
0x2a: {  	p0 =	seq.s32 s5, $0x0;
	s5 =	sld [smem:$0x3FAA]  }
0x2b: {  	s6 =	sld [smem:$0x3FAB]  }
0x2c: {  	s7 =	sld [smem:$0x3FAC]  }
0x2d: {  	s3 =	simm.s32 $0x108;
	s8 =	sld [smem:$0x3FAD]  }
0x2e: {  	s3 =	simm.s32 @!p0 $0x1082;
	s9 =	sld [smem:$0x3FAE]  }
0x2f: {  	lr =	sadd.s32 s0, s3;
	s0 =	sld [smem:$0x3FA5]  }
0x30: {  	s3 =	sld [smem:$0x3FA8]  }
0x31: {  	[smem:$0x3FB1] =	sst s10  }
0x32: {  	s10 =	sld [smem:$0x3FAF];
	_ =	sdelay $0x3  }
0x33: {  	p0 =	seq.s32 s10, $0x1;
	s10 =	sld [smem:$0x3FB1];
	_ =	sdelay $0x3  }
0x34: {  	[smem:$0x3FB1] =	sst s10  }
0x35: {  	s10 =	sld [smem:$0x3FB0];
	_ =	sdelay $0x3  }
0x36: {  	p1 =	seq.s32 s10, $0x1;
	s10 =	sld [smem:$0x3FB1];
	_ =	sdelay $0x3  }
0x37: {  	[smem:$0x3FB1] =	sst s10  }
0x38: {  	s10 =	sld [smem:$0x3FB2]  }
0x39: {  	_ = 	snop;
	(pc) =	sbr.ind lr, $3  }
0x3a: {  	_ = 	snop  }
0x3b: {  	_ = 	snop  }
0x3c: {  	p2 =	seq.s32 s10, $0x1;
	s10 =	sld [smem:$0x3FB1]  }
0x3d: {  	_ =	shalt  }
0x3e: {  	_ =	shalt  }
0x3f: {  	_ =	shalt  }
0x40: {  	_ =	shalt  }
0x41: {  	_ =	shalt  }
0x42: {  	_ =	shalt  }
0x43: {  	_ =	shalt  }
0x44: {  	_ =	shalt  }
0x45: {  	_ =	shalt  }
0x46: {  	_ =	shalt  }
0x47: {  	_ =	shalt  }
0x48: {  	_ =	shalt  }
0x49: {  	_ =	shalt  }
0x4a: {  	_ =	shalt  }
0x4b: {  	_ =	shalt  }
0x4c: {  	_ =	shalt  }
0x4d: {  	_ =	shalt  }
0x4e: {  	_ =	shalt  }
0x4f: {  	_ =	shalt  }
0x50: {  	_ =	shalt  }
0x51: {  	_ =	shalt  }
0x52: {  	_ =	shalt  }
0x53: {  	_ =	shalt  }
0x54: {  	_ =	shalt  }
0x55: {  	_ =	shalt  }
0x56: {  	_ =	shalt  }
0x57: {  	_ =	shalt  }
0x58: {  	_ =	shalt  }
0x59: {  	_ =	shalt  }
0x5a: {  	_ =	shalt  }
0x5b: {  	_ =	shalt  }
0x5c: {  	_ =	shalt  }
0x5d: {  	_ =	shalt  }
0x5e: {  	_ =	shalt  }
0x5f: {  	_ =	shalt  }
0x60: {  	_ =	shalt  }
0x61: {  	_ =	shalt  }
0x62: {  	_ =	shalt  }
0x63: {  	_ =	shalt  }
0x64: {  	_ =	shalt  }
0x65: {  	_ =	shalt  }
0x66: {  	_ =	shalt  }
0x67: {  	_ =	shalt  }
0x68: {  	_ =	shalt  }
0x69: {  	_ =	shalt  }
0x6a: {  	_ =	shalt  }
0x6b: {  	_ =	shalt  }
0x6c: {  	_ =	shalt  }
0x6d: {  	_ =	shalt  }
0x6e: {  	_ =	shalt  }
0x6f: {  	_ =	shalt  }
0x70: {  	_ =	shalt  }
0x71: {  	_ =	shalt  }
0x72: {  	_ =	shalt  }
0x73: {  	_ =	shalt  }
0x74: {  	_ =	shalt  }
0x75: {  	_ =	shalt  }
0x76: {  	_ =	shalt  }
0x77: {  	_ =	shalt  }
0x78: {  	_ =	shalt  }
0x79: {  	_ =	shalt  }
0x7a: {  	_ =	shalt  }
0x7b: {  	_ =	shalt  }
0x7c: {  	_ =	shalt  }
0x7d: {  	_ =	shalt  }
0x7e: {  	_ =	shalt  }
0x7f: {  	_ =	shalt  }
0x80: {  	_ =	shalt  }
0x81: {  	_ =	shalt  }
0x82: {  	_ =	shalt  }
0x83: {  	_ =	shalt  }
0x84: {  	_ =	shalt  }
0x85: {  	_ =	shalt  }
0x86: {  	_ =	shalt  }
0x87: {  	_ =	shalt  }
.Lfunc_end0:
.L_simem_size_0:
called_computation.5_lowered:
.L_overlay_start_0:
0x88: {  	s2 =	sld [smem:$0x3FD9]  }
0x89: {  	s3 =	sld [smem:$0x3FFE];
	_ =	sdelay $0x1  }
0x8a: {  	s1 =	srdreg.scid  }
0x8b: {  	s0 =	sand.u32 $0x1, s1  }
0x8c: {  	s17 =	sshll.u32 s0, $0xA;
	s2 =	sadd.s32 s3, s2  }
0x8d: {  	s2 =	sadd.s32 s2, s17  }
0x8e: {  	[smem:$0x3FBD] =	sst s2  }
0x8f: {  	_ = 	snop  }
0x90: {  	s2 =	sld [smem:$0x3FC3];
	(tm) =	ssettm $0x1  }
0x91: {  	s18 =	sld [smem:$0x3FFB];
	_ =	sdelay $0x3  }
0x92: {  	_ =	strace s18  }
0x93: {  	s3 =	sld [smem:$0x3FFC];
	_ =	sdelay $0x3  }
0x94: {  	_ =	strace s3  }
0x95: {  	s3 =	sld [smem:$0x3FFD];
	_ =	sdelay $0x3  }
0x96: {  	_ =	strace s3  }
0x97: {  	_ =	strace $0x8FFFFFFF  }
0x98: {  	s19 =	sld [smem:$0x3FDB];
	_ =	sdelay $0x1  }
0x99: {  	s4 =	simm.s32 $_scs_section_size  }
0x9a: {  	s5 =	simm.s32 $_size__tile_overlayer_lowered;
	s6 =	simm.s32 $_tile_overlayer_lowered  }
0x9b: {  	s22 =	simm.s32 $0x1BFF;
	s21 =	sshll.u32 s6, $0x1;
	s3 =	sadd.s32 s4, s19  }
0x9c: {  	s7 =	simm.s32 $0x0;
	s20 =	sshll.u32 s5, $0x1;
	s5 =	sadd.s32 s21, s3  }
0x9d: {  	[timem:s7], [sflag:s22] =	dma.local [hbm:s5], s20  }
0x9e: {  	_ =	swait.ge [sflag:s22], s20  }
0x9f: {  	s4 =	ssub.s32 $0x0, s20;
	[sflag:s22] =	ssyncset.done $0x0  }
0xa0: {  	[sflag:s22] =	ssyncadd.s32 s4;
	_ =	sdelay $0x1  }
0xa1: {  	s23 =	simm.s32 $0x1B8B  }
0xa2: {  	_ =	swait.ge [sflag:s23], $0x1  }
0xa3: {  	[sflag:s23] =	ssyncset.done $0x0  }
0xa4: {  	s25 =	simm.s32 $0x1B8E;
	s24 =	sld [smem:$0x3FFE];
	[sflag:s23] =	ssyncadd.s32 $0xFFFFFFFF  }
0xa5: {  	s26 =	simm.s32 $execute0_lowered;
	[smem:$0x3FD2] =	sst s25  }
0xa6: {  	s5 =	sshll.u32 s26, $0x1;
	_ =	strace $0x80000055;
	[dreg:$0x1] =	wrdreg $0xFFFFFFFF  }
0xa7: {  	s28 =	simm.s32 $_size_execute0_lowered;
	s3 =	sadd.s32 s3, s5;
	[dreg:$0x0] =	wrdreg $0x0  }
0xa8: {  	s5 =	sshll.u32 s28, $0x1;
	[dreg:$0x2] =	wrdreg s3  }
0xa9: {  	[dreg:$0x3] =	wrdreg s5  }
0xaa: {  	[dreg:$0x4] =	wrdreg $0xC0  }
0xab: {  	_ =	task [dreg:s7], $0x5FFFF  }
0xac: {  	[dreg:$0x1] =	wrdreg $0xFFFFFFFF  }
0xad: {  	[dreg:$0x0] =	wrdreg $0x60  }
0xae: {  	[dreg:$0x2] =	wrdreg s24  }
0xaf: {  	[dreg:$0x3] =	wrdreg s2  }
0xb0: {  	[dreg:$0x4] =	wrdreg $0x9  }
0xb1: {  	_ =	task.clear_ibuf [dreg:s7], $0x5FFFF;
	_ =	strace $0x90000055  }
0xb2: {  	s29 =	simm.s32 $0x9;
	_ =	strace $0x80000057  }
0xb3: {  	_ =	swait.ge [sflag:s29], $0x1  }
0xb4: {  	[sflag:s29] =	ssyncadd.s32 $0xFFFFFFFF  }
0xb5: {  	_ =	strace $0x90000057  }
0xb6: {  	_ =	sfence  }
0xb7: {  	s30 =	sld [smem:$0x0];
	_ =	sdelay $0x2  }
0xb8: {  	s31 =	sshll.u32 s1, $0xD;
	s1 =	sshrl.u32 s1, $0x2  }
0xb9: {  	s3 =	sand.u32 $0x4000, s31;
	s1 =	sadd.s32 s1, s30  }
0xba: {  	s0 =	sor.u32 s3, s0;
	s1 =	sshll.u32 s1, $0x11  }
0xbb: {  	s0 =	sor.u32 s1, s0  }
0xbc: {  	s0 =	sadd.s32 $0x8F2B, s0  }
0xbd: {  	[sflag:s0] =	ssyncadd.remote.s32 $0x1  }
0xbe: {  	_ =	sfence.sel $0xFFFF  }
0xbf: {  	[dreg:$0x0] =	wrdreg $0xFFFFFFFF;
	(pc) =	sbr.abs _section_cstart, $3  }
0xc0: {  	[dreg:$0x1] =	wrdreg $0xFFFFFFFF  }
0xc1: {  	_ =	task.clear_ibuf [dreg:s7], $0x2FFFF;
	_ =	strace $0x9FFFFFFF  }
0xc2: {  	(tm) =	ssettm $0x7FFFFFFF  }
0xc3: {  	_ =	shalt  }
tec
execute0_lowered:
.L_overlay_start_1:
0x0: {  	(tag) =	ssettag $0x1  }
0x1: {  	s9 =	rddreg [dreg:$0x0]  }
0x2: {  	s1 =	rddreg [dreg:$0x1]  }
0x3: {  	s0 =	rddreg [dreg:$0x2]  }
0x4: {  	s2 =	simm.s32 $0x0;
	s3 =	srdreg.scid;
	s13 =	simm.s32 $0x100  }
0x5: {  	s14 =	simm.s32 $0x80;
	s15 =	simm.s32 $0x200;
	s16 =	simm.s32 $0x4200  }
0x6: {  	s17 =	simm.s32 $0x8200;
	s18 =	simm.s32 $0x180;
	s19 =	simm.s32 $0xC200  }
0x7: {  	s20 =	simm.s32 $0x1;
	s21 =	simm.s32 $0x2;
	s22 =	simm.s32 $0x10200  }
0x8: {  	s23 =	simm.s32 $0x14200;
	s24 =	simm.s32 $0x3;
	s25 =	simm.s32 $0x0  }
0x9: {  	[smem:$0x7FF] =	sst s2;
	s4 =	sadd.s32 $0x9200, s9;
	s8 =	sand.u32 $0x1, s3  }
0xa: {  	s5 =	sadd.s32 $0x2A00, s9;
	s3 =	stileid.u32;
	s6 =	sadd.s32 $0x5E00, s9  }
0xb: {  	s7 =	sadd.s32 $0x30400, s9;
	s9 =	sadd.s32 $0x30C00, s9;
	s10 =	ssub.s32 $0x2, s8  }
0xc: {  	_ =	strace $0x80000056;
	s12 =	sshll.u32 s3, $0x1;
	s11 =	sshrl.u32 s10, $0x1  }
0xd: {  	s8 =	sor.u32 s8, s12;
	s12 =	simm.s32 $0x4;
	s10 =	ssub.s32 s10, s11  }
0xe: {  	s8 =	smul.u32 $0x1A, s8;
	s11 =	simm.s32 $0x18200;
	s10 =	smax.u32 s10, $0x1  }
.LBB2_1:
0xf: {  	[tilespmem:s11], [sflag:$0x4] =	stream.linear.gather [hbm4b:s1+s2], $0x80, $0x38;
	[tilespmem:$0x18280] =	vst v63  }
0x10: {  	_ =	swait.ge [sflag:s12], $0x80  }
0x11: {  	[sflag:s12] =	ssyncset.done $0x0  }
0x12: {  	[sflag:s12] =	ssyncadd.s32 $0xFFFFFF80  }
0x13: {  	v0 =	vld [tilespmem:$0x18200]  }
0x14: {  	v1 =	vld [tilespmem:$0x18210]  }
0x15: {  	v2 =	vld [tilespmem:$0x18220]  }
0x16: {  	v3 =	vld [tilespmem:$0x18230]  }
0x17: {  	v7 =	vld [tilespmem:$0x18270]  }
0x18: {  	v4 =	vld [tilespmem:$0x18240]  }
0x19: {  	v5 =	vld [tilespmem:$0x18250]  }
0x1a: {  	s26 =	simm.s32 $0x0;
	v6 =	vld [tilespmem:$0x18260]  }
.LBB2_2:
0x1b: {  	s28 =	sshll.u32 s26, $0x1  }
0x1c: {  	s28 =	sadd.s32 s8, s28  }
0x1d: {  	s29 =	sshll.u32 s28, $0x4  }
0x1e: {  	s31 =	simm.s32 $0x0;
	s30 =	sadd.s32 s5, s29  }
0x1f: {  	[tilespmem:s31], [sflag:$0x4] =	stream.linear.gather [hbm4b:s30+s31], $0x100, $0x38;
	[tilespmem:$0x18280] =	vst v63  }
0x20: {  	_ =	swait.ge [sflag:s12], $0x100  }
0x21: {  	[sflag:s12] =	ssyncset.done $0x0  }
0x22: {  	s29 =	sadd.s32 s6, s29;
	[sflag:s12] =	ssyncadd.s32 $0xFFFFFF00  }
0x23: {  	[tilespmem:s13], [sflag:$0x4] =	stream.linear.gather [hbm4b:s29+s31], $0x100, $0x38;
	[tilespmem:$0x18280] =	vst v63  }
0x24: {  	_ =	swait.ge [sflag:s12], $0x100  }
0x25: {  	[sflag:s12] =	ssyncset.done $0x0  }
0x26: {  	[sflag:s12] =	ssyncadd.s32 $0xFFFFFF00  }
0x27: {  	[tilespmem:s15], [sflag:$0x1] =	stream.indirect.gather [hbm4b:s4+s14], $0x80, s31, s14, $0xb8;
	[tilespmem:$0x18280] =	vst v63  }
0x28: {  	_ = 	snop  }
0x29: {  	[tilespmem:s16], [sflag:$0x1] =	stream.indirect.gather [hbm4b:s4+s14], $0x80, s14, s14, $0xb8;
	[tilespmem:$0x18280] =	vst v63  }
0x2a: {  	_ = 	snop  }
0x2b: {  	[tilespmem:s17], [sflag:$0x2] =	stream.indirect.gather [hbm4b:s4+s14], $0x80, s13, s14, $0xb8;
	[tilespmem:$0x18280] =	vst v63  }
0x2c: {  	_ = 	snop  }
0x2d: {  	[tilespmem:s19], [sflag:$0x2] =	stream.indirect.gather [hbm4b:s4+s14], $0x80, s18, s14, $0xb8;
	[tilespmem:$0x18280] =	vst v63  }
0x2e: {  	_ =	swait.ge [sflag:s20], $0x4000  }
0x2f: {  	[sflag:s20] =	ssyncset.done $0x0  }
0x30: {  	[sflag:s20] =	ssyncadd.s32 $0xFFFFC000  }
0x31: {  	_ =	swait.ge [sflag:s21], $0x4000  }
0x32: {  	[sflag:s21] =	ssyncset.done $0x0  }
0x33: {  	s29 =	simm.s32 $0x0;
	[sflag:s21] =	ssyncadd.s32 $0xFFFFC000  }
0x34: {  	v8 =	vld [tilespmem:s29+$0x8200]  }
0x35: {  	v9 =	vld [tilespmem:s29+$0x200]  }
0x36: {  	v10 =	vld [tilespmem:s29+$0x210]  }
0x37: {  	v11 =	vld [tilespmem:s29+$0x220]  }
0x38: {  	v12 =	vld [tilespmem:s29+$0x8210]  }
0x39: {  	v13 =	vld [tilespmem:s29+$0x8220]  }
0x3a: {  	v14 =	vld [tilespmem:s29+$0x230]  }
0x3b: {  	v15 =	vld [tilespmem:s29+$0x8230];
	v9 =	vmul.f32 v9, v0;
	v10 =	vmul.f32 v10, v1  }
0x3c: {  	v16 =	vld [tilespmem:s29+$0x240];
	v11 =	vmul.f32 v11, v2  }
0x3d: {  	v17 =	vld [tilespmem:s29+$0x250];
	v8 =	vmul.f32 v8, v9;
	v9 =	vmul.f32 v12, v10  }
0x3e: {  	v12 =	vld [tilespmem:s29+$0x8240]  }
0x3f: {  	v18 =	vld [tilespmem:s29+$0x260];
	v10 =	vmul.f32 v14, v3;
	v8 =	vadd.f32 v9, v8;
	v9 =	vmul.f32 v13, v11  }
0x40: {  	v14 =	vld [tilespmem:s29+$0x8250]  }
0x41: {  	v11 =	vmul.f32 v15, v10;
	v13 =	vmul.f32 v16, v4;
	v10 =	vld [tilespmem:s29+$0x270];
	v8 =	vadd.f32 v9, v8  }
0x42: {  	s30 =	simm.s32 $0x80;
	v9 =	vld [tilespmem:s29+$0x8260]  }
0x43: {  	v16 =	vmul.f32 v17, v5;
	v13 =	vmul.f32 v12, v13;
	v12 =	vld [tilespmem:s30+$0x200];
	v15 =	vadd.f32 v11, v8  }
0x44: {  	v11 =	vld [tilespmem:s29+$0x8270]  }
0x45: {  	s31 =	simm.s32 $0x400;
	v14 =	vmul.f32 v14, v16;
	v8 =	vld [tilespmem:s30+$0x8200];
	v13 =	vadd.f32 v13, v15;
	v15 =	vmul.f32 v18, v6  }
.LBB2_3:
0x46: {  	p0 =	sne.s32 s31, $0xFE00;
	v16 =	vld [tilespmem:s30+$0x210]  }
0x47: {  	v17 =	vld [tilespmem:s30+$0x220];
	v13 =	vadd.f32 v14, v13;
	v9 =	vmul.f32 v9, v15;
	v10 =	vmul.f32 v10, v7  }
0x48: {  	v14 =	vld [tilespmem:s30+$0x8210]  }
0x49: {  	v15 =	vld [tilespmem:s30+$0x8220];
	v9 =	vadd.f32 v9, v13;
	v10 =	vmul.f32 v11, v10  }
0x4a: {  	v11 =	vld [tilespmem:s30+$0x230]  }
0x4b: {  	v12 =	vmul.f32 v12, v0;
	v13 =	vmul.f32 v16, v1;
	v16 =	vld [tilespmem:s30+$0x8230];
	v9 =	vadd.f32 v10, v9  }
0x4c: {  	v10 =	vmul.f32 v17, v2;
	v17 =	vld [tilespmem:s30+$0x240]  }
0x4d: {  	v8 =	vmul.f32 v8, v12;
	v12 =	vmul.f32 v14, v13;
	v13 =	vld [tilespmem:s30+$0x8240];
	[tilespmem:s29+$0x10200] =	vst v9;
	s29 =	smov.u32 s30  }
0x4e: {  	v14 =	vld [tilespmem:s29+$0x250]  }
0x4f: {  	v9 =	vmul.f32 v15, v10;
	v8 =	vadd.f32 v12, v8;
	v10 =	vmul.f32 v11, v3;
	v15 =	vld [tilespmem:s29+$0x8250]  }
0x50: {  	v18 =	vld [tilespmem:s29+$0x260]  }
.Ltmp0:
0x51: {  	v8 =	vadd.f32 v9, v8;
	v11 =	vmul.f32 v16, v10;
	v12 =	vmul.f32 v17, v4;
	v9 =	vld [tilespmem:s29+$0x8260];
	(pc) =	sbr.rel @p0 .LBB2_3-.Ltmp0, $4  }
0x52: {  	v10 =	vld [tilespmem:s29+$0x270]  }
0x53: {  	s30 =	sshra.s32 s31, $0x2;
	v16 =	vadd.f32 v11, v8;
	v13 =	vmul.f32 v13, v12;
	v14 =	vmul.f32 v14, v5;
	v11 =	vld [tilespmem:s29+$0x8270]  }
0x54: {  	v8 =	vld [tilespmem:s30+$0x8200]  }
0x55: {  	s31 =	sadd.s32 $0x200, s31;
	v12 =	vld [tilespmem:s30+$0x200];
	v13 =	vadd.f32 v13, v16;
	v14 =	vmul.f32 v15, v14;
	v15 =	vmul.f32 v18, v6  }
0x56: {  	v16 =	vld [tilespmem:s30+$0x210]  }
0x57: {  	v17 =	vld [tilespmem:s30+$0x220];
	v13 =	vadd.f32 v14, v13;
	v9 =	vmul.f32 v9, v15;
	v10 =	vmul.f32 v10, v7  }
0x58: {  	v14 =	vld [tilespmem:s30+$0x8210]  }
0x59: {  	v15 =	vld [tilespmem:s30+$0x8220];
	v9 =	vadd.f32 v9, v13;
	v10 =	vmul.f32 v11, v10  }
0x5a: {  	v11 =	vld [tilespmem:s30+$0x230]  }
0x5b: {  	v13 =	vld [tilespmem:s30+$0x8230];
	v12 =	vmul.f32 v12, v0;
	v16 =	vmul.f32 v16, v1;
	v9 =	vadd.f32 v10, v9  }
0x5c: {  	v10 =	vld [tilespmem:s30+$0x240];
	v17 =	vmul.f32 v17, v2  }
0x5d: {  	v8 =	vmul.f32 v8, v12;
	v12 =	vld [tilespmem:s30+$0x8240];
	v14 =	vmul.f32 v14, v16;
	[tilespmem:s29+$0x10200] =	vst v9  }
0x5e: {  	v9 =	vld [tilespmem:s30+$0x250]  }
0x5f: {  	v11 =	vmul.f32 v11, v3;
	v16 =	vld [tilespmem:s30+$0x260];
	v8 =	vadd.f32 v14, v8;
	v14 =	vmul.f32 v15, v17  }
0x60: {  	v15 =	vld [tilespmem:s30+$0x8250]  }
0x61: {  	v11 =	vmul.f32 v13, v11;
	v10 =	vmul.f32 v10, v4;
	v13 =	vld [tilespmem:s30+$0x8260];
	v8 =	vadd.f32 v14, v8  }
0x62: {  	v14 =	vld [tilespmem:s30+$0x270]  }
0x63: {  	v10 =	vmul.f32 v12, v10;
	v8 =	vadd.f32 v11, v8;
	v9 =	vmul.f32 v9, v5  }
0x64: {  	v11 =	vld [tilespmem:s30+$0x8270]  }
0x65: {  	v8 =	vadd.f32 v10, v8;
	v9 =	vmul.f32 v15, v9;
	v10 =	vmul.f32 v16, v6;
	_ =	sdelay $0x1  }
0x66: {  	v8 =	vadd.f32 v9, v8;
	v9 =	vmul.f32 v13, v10;
	v10 =	vmul.f32 v14, v7;
	_ =	sdelay $0x1  }
0x67: {  	v8 =	vadd.f32 v9, v8;
	v9 =	vmul.f32 v11, v10;
	_ =	sdelay $0x1  }
0x68: {  	v8 =	vadd.f32 v9, v8  }
0x69: {  	s28 =	sshll.u32 s28, $0xB  }
0x6a: {  	s29 =	sadd.s32 s7, s28;
	[tilespmem:s30+$0x10200] =	vst v8;
	s30 =	simm.s32 $0x0  }
0x6b: {  	[hbm4b:s29+s30] =	stream.linear.scatter [tilespmem:s22], [sflag:$0x3], $0x4000, $0x38;
	[tilespmem:$0x18280] =	vst v63  }
0x6c: {  	_ =	swait.ge [sflag:s20], $0x4000  }
0x6d: {  	[sflag:s20] =	ssyncset.done $0x0  }
0x6e: {  	[sflag:s20] =	ssyncadd.s32 $0xFFFFC000  }
0x6f: {  	_ =	swait.ge [sflag:s21], $0x4000  }
0x70: {  	[sflag:s21] =	ssyncset.done $0x0  }
0x71: {  	s29 =	simm.s32 $0x0;
	[sflag:s21] =	ssyncadd.s32 $0xFFFFC000  }
0x72: {  	v8 =	vld [tilespmem:s29+$0xC200]  }
0x73: {  	v9 =	vld [tilespmem:s29+$0x4200]  }
0x74: {  	v10 =	vld [tilespmem:s29+$0x4210]  }
0x75: {  	v11 =	vld [tilespmem:s29+$0x4220]  }
0x76: {  	v12 =	vld [tilespmem:s29+$0xC210]  }
0x77: {  	v13 =	vld [tilespmem:s29+$0xC220]  }
0x78: {  	v14 =	vld [tilespmem:s29+$0x4230]  }
0x79: {  	v15 =	vld [tilespmem:s29+$0xC230];
	v9 =	vmul.f32 v9, v0;
	v10 =	vmul.f32 v10, v1  }
0x7a: {  	v16 =	vld [tilespmem:s29+$0x4240];
	v11 =	vmul.f32 v11, v2  }
0x7b: {  	v17 =	vld [tilespmem:s29+$0x4250];
	v8 =	vmul.f32 v8, v9;
	v9 =	vmul.f32 v12, v10  }
0x7c: {  	v12 =	vld [tilespmem:s29+$0xC240]  }
0x7d: {  	v18 =	vld [tilespmem:s29+$0x4260];
	v10 =	vmul.f32 v14, v3;
	v8 =	vadd.f32 v9, v8;
	v9 =	vmul.f32 v13, v11  }
0x7e: {  	v14 =	vld [tilespmem:s29+$0xC250]  }
0x7f: {  	v11 =	vmul.f32 v15, v10;
	v13 =	vmul.f32 v16, v4;
	v10 =	vld [tilespmem:s29+$0x4270];
	v8 =	vadd.f32 v9, v8  }
0x80: {  	s30 =	simm.s32 $0x80;
	v9 =	vld [tilespmem:s29+$0xC260]  }
0x81: {  	v16 =	vmul.f32 v17, v5;
	v13 =	vmul.f32 v12, v13;
	v12 =	vld [tilespmem:s30+$0x4200];
	v15 =	vadd.f32 v11, v8  }
0x82: {  	v11 =	vld [tilespmem:s29+$0xC270]  }
0x83: {  	s31 =	simm.s32 $0x400;
	v14 =	vmul.f32 v14, v16;
	v8 =	vld [tilespmem:s30+$0xC200];
	v13 =	vadd.f32 v13, v15;
	v15 =	vmul.f32 v18, v6  }
.LBB2_5:
0x84: {  	p0 =	sne.s32 s31, $0xFE00;
	v16 =	vld [tilespmem:s30+$0x4210]  }
0x85: {  	v17 =	vld [tilespmem:s30+$0x4220];
	v13 =	vadd.f32 v14, v13;
	v9 =	vmul.f32 v9, v15;
	v10 =	vmul.f32 v10, v7  }
0x86: {  	v14 =	vld [tilespmem:s30+$0xC210]  }
0x87: {  	v15 =	vld [tilespmem:s30+$0xC220];
	v9 =	vadd.f32 v9, v13;
	v10 =	vmul.f32 v11, v10  }
0x88: {  	v11 =	vld [tilespmem:s30+$0x4230]  }
0x89: {  	v12 =	vmul.f32 v12, v0;
	v13 =	vmul.f32 v16, v1;
	v16 =	vld [tilespmem:s30+$0xC230];
	v9 =	vadd.f32 v10, v9  }
0x8a: {  	v10 =	vmul.f32 v17, v2;
	v17 =	vld [tilespmem:s30+$0x4240]  }
0x8b: {  	v8 =	vmul.f32 v8, v12;
	v12 =	vmul.f32 v14, v13;
	v13 =	vld [tilespmem:s30+$0xC240];
	[tilespmem:s29+$0x14200] =	vst v9;
	s29 =	smov.u32 s30  }
0x8c: {  	v14 =	vld [tilespmem:s29+$0x4250]  }
0x8d: {  	v9 =	vmul.f32 v15, v10;
	v8 =	vadd.f32 v12, v8;
	v10 =	vmul.f32 v11, v3;
	v15 =	vld [tilespmem:s29+$0xC250]  }
0x8e: {  	v18 =	vld [tilespmem:s29+$0x4260]  }
.Ltmp1:
0x8f: {  	v8 =	vadd.f32 v9, v8;
	v11 =	vmul.f32 v16, v10;
	v12 =	vmul.f32 v17, v4;
	v9 =	vld [tilespmem:s29+$0xC260];
	(pc) =	sbr.rel @p0 .LBB2_5-.Ltmp1, $4  }
0x90: {  	v10 =	vld [tilespmem:s29+$0x4270]  }
0x91: {  	s30 =	sshra.s32 s31, $0x2;
	v16 =	vadd.f32 v11, v8;
	v13 =	vmul.f32 v13, v12;
	v14 =	vmul.f32 v14, v5;
	v11 =	vld [tilespmem:s29+$0xC270]  }
0x92: {  	v8 =	vld [tilespmem:s30+$0xC200]  }
0x93: {  	s31 =	sadd.s32 $0x200, s31;
	v12 =	vld [tilespmem:s30+$0x4200];
	v13 =	vadd.f32 v13, v16;
	v14 =	vmul.f32 v15, v14;
	v15 =	vmul.f32 v18, v6  }
0x94: {  	v16 =	vld [tilespmem:s30+$0x4210]  }
0x95: {  	v17 =	vld [tilespmem:s30+$0x4220];
	v13 =	vadd.f32 v14, v13;
	v9 =	vmul.f32 v9, v15;
	v10 =	vmul.f32 v10, v7  }
0x96: {  	v48 =	vld [tilespmem:s30+$0xC210]  }
0x97: {  	v49 =	vld [tilespmem:s30+$0xC220];
	v9 =	vadd.f32 v9, v13;
	v10 =	vmul.f32 v11, v10  }
0x98: {  	v50 =	vld [tilespmem:s30+$0x4230]  }
0x99: {  	v51 =	vld [tilespmem:s30+$0xC230];
	v12 =	vmul.f32 v12, v0;
	v16 =	vmul.f32 v16, v1;
	v9 =	vadd.f32 v10, v9  }
0x9a: {  	v52 =	vld [tilespmem:s30+$0x4240];
	v17 =	vmul.f32 v17, v2  }
0x9b: {  	v53 =	vld [tilespmem:s30+$0xC240];
	v8 =	vmul.f32 v8, v12;
	v14 =	vmul.f32 v48, v16;
	[tilespmem:s29+$0x14200] =	vst v9  }
0x9c: {  	v9 =	vld [tilespmem:s30+$0x4250]  }
0x9d: {  	v11 =	vmul.f32 v50, v3;
	v54 =	vmul.f32 v49, v17;
	v55 =	vld [tilespmem:s30+$0xC250];
	v8 =	vadd.f32 v14, v8  }
0x9e: {  	v56 =	vld [tilespmem:s30+$0x4260]  }
0x9f: {  	v10 =	vmul.f32 v52, v4;
	v11 =	vmul.f32 v51, v11;
	v57 =	vld [tilespmem:s30+$0xC260];
	v8 =	vadd.f32 v54, v8  }
0xa0: {  	v58 =	vld [tilespmem:s30+$0x4270]  }
0xa1: {  	v10 =	vmul.f32 v53, v10;
	v8 =	vadd.f32 v11, v8;
	v9 =	vmul.f32 v9, v5  }
0xa2: {  	v59 =	vld [tilespmem:s30+$0xC270]  }
0xa3: {  	v60 =	vmul.f32 v56, v6;
	v8 =	vadd.f32 v10, v8;
	v9 =	vmul.f32 v55, v9;
	_ =	sdelay $0x1  }
0xa4: {  	v62 =	vmul.f32 v58, v7;
	v61 =	vmul.f32 v57, v60;
	v8 =	vadd.f32 v9, v8;
	_ =	sdelay $0x1  }
0xa5: {  	v63 =	vmul.f32 v59, v62;
	v8 =	vadd.f32 v61, v8;
	_ =	sdelay $0x1  }
0xa6: {  	v8 =	vadd.f32 v63, v8;
	_ =	sdelay $0x1  }
0xa7: {  	s28 =	sadd.s32 s28, s9;
	s26 =	sadd.s32 $0x1, s26;
	[tilespmem:s30+$0x14200] =	vst v8  }
0xa8: {  	[hbm4b:s28+s2] =	stream.linear.scatter [tilespmem:s23], [sflag:$0x3], $0x4000, $0x38;
	[tilespmem:$0x18280] =	vst v63  }
0xa9: {  	p0 =	sne.s32 s26, $0xD;
	_ =	swait.ge [sflag:s24], $0x4000  }
.Ltmp2:
0xaa: {  	[sflag:s24] =	ssyncset.done $0x0;
	(pc) =	sbr.rel @p0 .LBB2_2-.Ltmp2, $4  }
0xab: {  	[sflag:s24] =	ssyncadd.s32 $0xFFFFC000  }
0xac: {  	_ =	swait.ge [sflag:s24], $0x4000  }
0xad: {  	[sflag:s24] =	ssyncset.done $0x0  }
0xae: {  	[sflag:s24] =	ssyncadd.s32 $0xFFFFC000  }
0xaf: {  	s25 =	sadd.s32 $0x1, s25  }
0xb0: {  	p0 =	sne.s32 s25, s10  }
.Ltmp3:
0xb1: {  	_ = 	snop;
	(pc) =	sbr.rel @p0 .LBB2_1-.Ltmp3, $1  }
0xb2: {  	_ =	sdelay $0x3  }
0xb3: {  	_ =	sfence.sel $0x180000  }
0xb4: {  	[bflag:$0x0] =	sbarrier.arrive $0xFFFF  }
0xb5: {  	p0 =	sne.s32 s3, $0x0;
	_ =	strace $0x90000056  }
0xb6: {  	s0 =	sadd.s32 @!p0 $0x100000, s0;
	[bflag:$0x2] =	sbarrier.arrive $0xFFFF  }
0xb7: {  	[sflag:s0] =	ssyncadd.tile.s32 @!p0 $0x1;
	_ =	shalt  }
.Lfunc_end2:
_tile_overlayer_lowered:
.L_overlay_start_2:
0xb8: {  	(tag) =	ssettag $0x2  }
0xb9: {  	s0 =	rddreg [dreg:$0x0];
	s2 =	stileid.u32  }
0xba: {  	s1 =	rddreg [dreg:$0x1];
	p0 =	sne.s32 s2, $0x0  }
0xbb: {  	s3 =	rddreg [dreg:$0x2];
	[bflag:$0x3] =	sbarrier.arrive $0xFFFF;
	s2 =	simm.s32 @!p0 $0x1C04  }
0xbc: {  	[timem:s3], [sflag:s2] =	dma.local @!p0 [hbm:s0], s1  }
0xbd: {  	s0 =	simm.s32 @!p0 $0x4  }
0xbe: {  	_ =	swait.ge @!p0 [sflag:s0], s1  }
0xbf: {  	s1 =	ssub.s32 @!p0 $0x0, s1;
	[sflag:s0] =	ssyncset.done @!p0 $0x0  }
0xc0: {  	[sflag:s0] =	ssyncadd.s32 @!p0 s1  }
0xc1: {  	[bflag:$0x3] =	sbarrier.arrive $0xFFFF  }
0xc2: {  	_ =	shalt  }

</sc_bundles>
